<compile_context>
chip_gen: v7x
topology: tpu7x:2x2x1
jax: 0.10.2.dev20260603
libtpu: 0.0.44.dev20260713+nightly
codegen_flags: <defaults>
</compile_context>

<pallas_src>
import functools

import jax
import jax.numpy as jnp
from jax import lax
from jax.experimental import pallas as pl
from jax.experimental.pallas import tpu as pltpu
from jax.experimental.pallas import tpu_sc as plsc

N = 50000
NPAD = 51200
E = 800000
IN_CH = 6
HID = 64
HALF = HID // 2
G = 64
NB = 5120
NBP = NB // 4
GRID = NPAD // NB
NPK = NPAD // 4

NCORE = 2
NSUB = 16
ROWS_PER_TILE = NPAD // NSUB
CH = 128
NCHUNK = E // CH
MP_BASE = NCHUNK // NSUB
MP_EXTRA = NCHUNK % NSUB
DG_BASE = NCHUNK // (NCORE * NSUB)
DG_EXTRA = NCHUNK % (NCORE * NSUB)
STAGE_ROWS = 80
STAGE_ITERS = ROWS_PER_TILE // STAGE_ROWS
GLA = 4
NROWS = GLA + 1
NIDX = GLA + 3

_F32 = jnp.float32
_PREC = jax.lax.Precision.HIGHEST


def _sc_mesh():
    return plsc.VectorSubcoreMesh(core_axis_name="c", subcore_axis_name="s")



def _deg_body(dstd_hbm, zrow_hbm, deg_out, idxd, ones_v, stage_v, acc,
              sem_i, sem_s):
    c = lax.axis_index("c")
    s = lax.axis_index("s")
    for k in range(CH // 16):
        ones_v[pl.ds(k * 16, 16)] = jnp.ones((16,), _F32)
    nbase = s * ROWS_PER_TILE
    pltpu.sync_copy(zrow_hbm, stage_v)
    pltpu.sync_copy(stage_v, acc.at[pl.ds(nbase, ROWS_PER_TILE)])
    plsc.subcore_barrier()
    t = c * NSUB + s
    rbase = DG_BASE * t + jnp.minimum(t, DG_EXTRA)
    nch = DG_BASE + jnp.where(t < DG_EXTRA, 1, 0)

    def idx_copy(i):
        return pltpu.make_async_copy(dstd_hbm.at[rbase + i],
                                     idxd.at[lax.rem(i, 3)], sem_i)

    def sc_start(i):
        pltpu.async_copy(ones_v, acc.at[idxd.at[lax.rem(i, 3)]], sem_s,
                         add=True)

    def sc_wait(i):
        pltpu.make_async_copy(ones_v, acc.at[idxd.at[lax.rem(i, 3)]],
                              sem_s).wait()

    idx_copy(0).start()
    idx_copy(1).start()

    def step(i, carry):
        idx_copy(i).wait()

        @pl.when(i > 0)
        def _():
            sc_wait(i - 1)

        @pl.when(i + 2 < nch)
        def _():
            idx_copy(i + 2).start()

        sc_start(i)
        return carry

    lax.fori_loop(0, nch, step, 0)
    sc_wait(nch - 1)
    plsc.subcore_barrier()
    pltpu.sync_copy(acc.at[pl.ds(nbase, ROWS_PER_TILE)], stage_v)
    pltpu.sync_copy(stage_v,
                    deg_out.at[pl.ds(c * NPAD + nbase, ROWS_PER_TILE)])


def _deg_call(dstd, zrow1d):
    return pl.kernel(
        _deg_body,
        out_type=jax.ShapeDtypeStruct((NCORE * NPAD,), _F32),
        mesh=_sc_mesh(),
        scratch_types=[
            pltpu.VMEM((3, CH), jnp.int32),
            pltpu.VMEM((CH,), _F32),
            pltpu.VMEM((ROWS_PER_TILE,), _F32),
            pltpu.VMEM_SHARED((NPAD,), _F32),
            pltpu.SemaphoreType.DMA,
            pltpu.SemaphoreType.DMA,
        ],
        compiler_params=pltpu.CompilerParams(use_tc_tiling_on_sc=False),
    )(dstd, zrow1d)



def _mp_body(y0_hbm, y1_hbm, pidx_hbm, zrows_hbm, s0_out, s1_out,
             pidxv, rows_v, stage_v, acc, sem_i, sem_g, sem_s):
    c = lax.axis_index("c")
    s = lax.axis_index("s")
    nbase = s * ROWS_PER_TILE
    pltpu.sync_copy(zrows_hbm, stage_v)

    def zinit(k, carry):
        pltpu.sync_copy(stage_v, acc.at[pl.ds(nbase + k * STAGE_ROWS,
                                              STAGE_ROWS)])
        return carry

    lax.fori_loop(0, STAGE_ITERS, zinit, 0)
    plsc.subcore_barrier()
    rbase = MP_BASE * s + jnp.minimum(s, MP_EXTRA)
    nch = MP_BASE + jnp.where(s < MP_EXTRA, 1, 0)

    def run(y32, s_out):
        def idx_copy(i):
            return pltpu.make_async_copy(
                pidx_hbm.at[pl.ds(2 * (rbase + i), 2)],
                pidxv.at[lax.rem(i, NIDX)], sem_i)

        def g_copy(i):
            return pltpu.make_async_copy(
                y32.at[pidxv.at[lax.rem(i, NIDX), 0]],
                rows_v.at[lax.rem(i, NROWS)], sem_g)

        def s_start(i):
            pltpu.async_copy(rows_v.at[lax.rem(i, NROWS)],
                             acc.at[pidxv.at[lax.rem(i, NIDX), 1]], sem_s,
                             add=True)

        def s_wait(i):
            pltpu.make_async_copy(rows_v.at[lax.rem(i, NROWS)],
                                  acc.at[pidxv.at[lax.rem(i, NIDX), 1]],
                                  sem_s).wait()

        for j in range(GLA + 2):
            idx_copy(j).start()
        for j in range(GLA):
            idx_copy(j).wait()
            g_copy(j).start()

        def step(i, carry):
            @pl.when(i + GLA < nch)
            def _():
                idx_copy(i + GLA).wait()

            @pl.when(i > 0)
            def _():
                s_wait(i - 1)

            @pl.when(i + GLA + 2 < nch)
            def _():
                idx_copy(i + GLA + 2).start()

            g_copy(i).wait()

            @pl.when(i + GLA < nch)
            def _():
                g_copy(i + GLA).start()

            s_start(i)
            return carry

        lax.fori_loop(0, nch, step, 0)
        s_wait(nch - 1)
        plsc.subcore_barrier()
        out32 = s_out

        def copyout(k, carry):
            rb = nbase + k * STAGE_ROWS
            pltpu.sync_copy(acc.at[pl.ds(rb, STAGE_ROWS)], stage_v)
            pltpu.sync_copy(stage_v, out32.at[pl.ds(rb, STAGE_ROWS)])
            return carry

        lax.fori_loop(0, STAGE_ITERS, copyout, 0)

    pl.when(c == 0)(lambda: run(y0_hbm, s0_out))
    pl.when(c == 1)(lambda: run(y1_hbm, s1_out))


def _mp_call(y0, y1, pidx, zrows):
    return pl.kernel(
        _mp_body,
        out_type=[jax.ShapeDtypeStruct((NPAD, HALF), _F32),
                  jax.ShapeDtypeStruct((NPAD, HALF), _F32)],
        mesh=_sc_mesh(),
        scratch_types=[
            pltpu.VMEM((NIDX, 2, CH), jnp.int32),
            pltpu.VMEM((NROWS, CH, HALF), _F32),
            pltpu.VMEM((STAGE_ROWS, HALF), _F32),
            pltpu.VMEM_SHARED((NPAD, HALF), _F32),
            pltpu.SemaphoreType.DMA,
            pltpu.SemaphoreType.DMA,
            pltpu.SemaphoreType.DMA,
        ],
        compiler_params=pltpu.CompilerParams(use_tc_tiling_on_sc=False),
    )(y0, y1, pidx, zrows)



def _bdiag(q, nrep=4):
    r, c = q.shape
    z = jnp.zeros((r, c), _F32)
    rows = [jnp.concatenate([q if j == i else z for j in range(nrep)], axis=1)
            for i in range(nrep)]
    return jnp.concatenate(rows, axis=0)


def _rep4():
    return (lax.broadcasted_iota(jnp.int32, (4, 128), 1) // HALF ==
            lax.broadcasted_iota(jnp.int32, (4, 128), 0)).astype(_F32)


def _bias_pack(b_ref, half):
    row = b_ref[...][:, half * HALF:(half + 1) * HALF]
    return jnp.concatenate([row] * 4, axis=1)


def _dot(a, b):
    return jnp.dot(a, b, preferred_element_type=_F32, precision=_PREC)


def _prep1_body(deg4_ref, x4_ref, w1_ref, y0_ref, y1_ref, dinvp_ref):
    deg4 = deg4_ref[0] + deg4_ref[1] + 1.0
    dinvp = _dot(lax.rsqrt(deg4), _rep4())
    w1 = w1_ref[...]
    xw0p = _dot(x4_ref[...], _bdiag(w1[:, :HALF]))
    xw1p = _dot(x4_ref[...], _bdiag(w1[:, HALF:]))
    y0_ref[...] = xw0p * dinvp
    y1_ref[...] = xw1p * dinvp
    dinvp_ref[...] = dinvp


def _prep1_call(deg4, x4, w1):
    return pl.pallas_call(
        _prep1_body,
        grid=(GRID,),
        in_specs=[
            pl.BlockSpec((NCORE, NBP, 4), lambda i: (0, i, 0)),
            pl.BlockSpec((NBP, 4 * IN_CH), lambda i: (i, 0)),
            pl.BlockSpec((IN_CH, HID), lambda i: (0, 0)),
        ],
        out_specs=[
            pl.BlockSpec((NBP, 128), lambda i: (i, 0)),
            pl.BlockSpec((NBP, 128), lambda i: (i, 0)),
            pl.BlockSpec((NBP, 128), lambda i: (i, 0)),
        ],
        out_shape=[
            jax.ShapeDtypeStruct((NPK, 128), _F32),
            jax.ShapeDtypeStruct((NPK, 128), _F32),
            jax.ShapeDtypeStruct((NPK, 128), _F32),
        ],
    )(deg4, x4, w1)


def _prep2_body(s0_ref, s1_ref, y0_ref, y1_ref, dinvp_ref, w2_ref, b1_ref,
                y20_ref, y21_ref):
    dinvp = dinvp_ref[...]
    h0p = jnp.maximum((s0_ref[...] + y0_ref[...]) * dinvp
                      + _bias_pack(b1_ref, 0), 0.0)
    h1p = jnp.maximum((s1_ref[...] + y1_ref[...]) * dinvp
                      + _bias_pack(b1_ref, 1), 0.0)
    w2 = w2_ref[...]
    y20_ref[...] = (_dot(h0p, _bdiag(w2[:HALF, :HALF])) +
                    _dot(h1p, _bdiag(w2[HALF:, :HALF]))) * dinvp
    y21_ref[...] = (_dot(h0p, _bdiag(w2[:HALF, HALF:])) +
                    _dot(h1p, _bdiag(w2[HALF:, HALF:]))) * dinvp


def _prep2_call(s0, s1, y0, y1, dinvp, w2, b1):
    blk = pl.BlockSpec((NBP, 128), lambda i: (i, 0))
    return pl.pallas_call(
        _prep2_body,
        grid=(GRID,),
        in_specs=[blk, blk, blk, blk, blk,
                  pl.BlockSpec((HID, HID), lambda i: (0, 0)),
                  pl.BlockSpec((1, HID), lambda i: (0, 0))],
        out_specs=[blk, blk],
        out_shape=[
            jax.ShapeDtypeStruct((NPK, 128), _F32),
            jax.ShapeDtypeStruct((NPK, 128), _F32),
        ],
    )(s0, s1, y0, y1, dinvp, w2, b1)


def _pool_body(s0_ref, s1_ref, y20_ref, y21_ref, dinvp_ref, b2_ref,
               batch_ref, out_ref, acc_ref):
    i = pl.program_id(0)
    dinvp = dinvp_ref[...]
    h0p = (s0_ref[...] + y20_ref[...]) * dinvp + _bias_pack(b2_ref, 0)
    h1p = (s1_ref[...] + y21_ref[...]) * dinvp + _bias_pack(b2_ref, 1)
    seg0 = jnp.zeros((G, HALF), _F32)
    seg1 = jnp.zeros((G, HALF), _F32)
    counts = jnp.zeros((G, 1), _F32)
    giota = lax.broadcasted_iota(jnp.int32, (G, NBP), 0)
    b4 = batch_ref[0]
    for a in range(4):
        ohp = (giota == b4[a:a + 1, :]).astype(_F32)
        seg0 = seg0 + _dot(ohp, h0p[:, a * HALF:(a + 1) * HALF])
        seg1 = seg1 + _dot(ohp, h1p[:, a * HALF:(a + 1) * HALF])
        counts = counts + _dot(ohp, jnp.ones((NBP, 1), _F32))
    p = jnp.concatenate([seg0, seg1, counts,
                         jnp.zeros((G, HID - 1), _F32)], axis=1)

    @pl.when(i == 0)
    def _():
        acc_ref[...] = p

    @pl.when(i > 0)
    def _():
        acc_ref[...] += p

    @pl.when(i == GRID - 1)
    def _():
        a_ = acc_ref[...]
        cnt = a_[:, HID:HID + 1]
        out_ref[...] = a_[:, :HID] / jnp.maximum(cnt, 1.0)


def _pool_call(s0, s1, y20, y21, dinvp, b2, batch4):
    blk = pl.BlockSpec((NBP, 128), lambda i: (i, 0))
    return pl.pallas_call(
        _pool_body,
        grid=(GRID,),
        in_specs=[blk, blk, blk, blk, blk,
                  pl.BlockSpec((1, HID), lambda i: (0, 0)),
                  pl.BlockSpec((1, 4, NBP), lambda i: (i, 0, 0))],
        out_specs=pl.BlockSpec((G, HID), lambda i: (0, 0)),
        out_shape=jax.ShapeDtypeStruct((G, HID), _F32),
        scratch_shapes=[pltpu.VMEM((G, 2 * HID), _F32)],
    )(s0, s1, y20, y21, dinvp, b2, batch4)



@functools.partial(jax.jit)
def kernel(x, edge_index, edge_attr, batch, W1, b1, W2, b2):
    del edge_attr
    src = edge_index[0].astype(jnp.int32)
    dst = edge_index[1].astype(jnp.int32)
    x4 = jnp.pad(x, ((0, NPAD - N), (0, 0))).reshape(NPK, 4 * IN_CH)
    batch4 = jnp.pad(batch.astype(jnp.int32), (0, NPAD - N),
                     constant_values=G
                     ).reshape(GRID, NBP, 4).transpose(0, 2, 1)
    zrow1d = jnp.zeros((ROWS_PER_TILE,), _F32)
    zrows = jnp.zeros((STAGE_ROWS, HALF), _F32)
    b1r = b1.reshape(1, HID)
    b2r = b2.reshape(1, HID)
    pidx = jnp.stack([src.reshape(NCHUNK, CH), dst.reshape(NCHUNK, CH)],
                     axis=1).reshape(2 * NCHUNK, CH)
    dstd = dst.reshape(NCHUNK, CH)

    degp = _deg_call(dstd, zrow1d)
    y0, y1, dinvp = _prep1_call(degp.reshape(NCORE, NPK, 4), x4, W1)
    s0, s1 = _mp_call(y0.reshape(NPAD, HALF), y1.reshape(NPAD, HALF),
                      pidx, zrows)
    y20, y21 = _prep2_call(s0.reshape(NPK, 128), s1.reshape(NPK, 128),
                           y0, y1, dinvp, W2, b1r)
    t0, t1 = _mp_call(y20.reshape(NPAD, HALF), y21.reshape(NPAD, HALF),
                      pidx, zrows)
    return _pool_call(t0.reshape(NPK, 128), t1.reshape(NPK, 128),
                      y20, y21, dinvp, b2r, batch4)

# --- scband reference (transcript-rebuilt; emitter-appended) ---
"""Pipeline reference for scband-gnnencoder-84000970375718 (READ-ONLY COPY).

The authoritative reference and input builder live on the scoring server;
editing this copy changes nothing except your own understanding.
"""

import jax, jax.numpy as jnp
import numpy as np

NUM_NODES = 50000
NUM_EDGES = 800000
IN_CH = 6
HID = 64
NUM_GRAPHS = 64


def setup_inputs(seed: int = 0) -> dict:
    key = jax.random.key(seed)
    k1, k2, k3, k4, k5, k6 = jax.random.split(key, 6)
    x = jax.random.normal(k1, (NUM_NODES, IN_CH), dtype=jnp.float32)
    edge_index = jax.random.randint(k2, (2, NUM_EDGES), 0, NUM_NODES, dtype=jnp.int64)
    edge_attr = jax.random.normal(k3, (NUM_EDGES, 4), dtype=jnp.float32)
    batch = jnp.sort(jax.random.randint(k4, (NUM_NODES,), 0, NUM_GRAPHS, dtype=jnp.int64))
    # GCNConv parameters (glorot-style init)
    W1 = jax.random.normal(k5, (IN_CH, HID), dtype=jnp.float32) * (1.0 / np.sqrt(IN_CH))
    b1 = jnp.zeros((HID,), dtype=jnp.float32)
    W2 = jax.random.normal(k6, (HID, HID), dtype=jnp.float32) * (1.0 / np.sqrt(HID))
    b2 = jnp.zeros((HID,), dtype=jnp.float32)
    return {"x": x, "edge_index": edge_index, "edge_attr": edge_attr, "batch": batch,
            "W1": W1, "b1": b1, "W2": W2, "b2": b2}


def _gcn_conv(x, src, dst, norm, W, b, num_nodes):
    xw = x @ W
    msg = xw[src] * norm[:, None]
    out = jnp.zeros((num_nodes, W.shape[1]), dtype=x.dtype).at[dst].add(msg)
    return out + b


def reference(x, edge_index, edge_attr, batch, W1, b1, W2, b2):
    num_nodes = NUM_NODES
    # add self-loops (shared by both GCN layers)
    sl = jnp.arange(num_nodes, dtype=edge_index.dtype)
    src = jnp.concatenate([edge_index[0], sl])
    dst = jnp.concatenate([edge_index[1], sl])
    deg = jnp.zeros((num_nodes,), dtype=jnp.float32).at[dst].add(1.0)
    dinv = jax.lax.rsqrt(jnp.maximum(deg, 1.0))
    norm = dinv[src] * dinv[dst]
    h = _gcn_conv(x, src, dst, norm, W1, b1, num_nodes)
    h = jax.nn.relu(h)
    h = _gcn_conv(h, src, dst, norm, W2, b2, num_nodes)
    # global mean pool over graphs
    seg_sum = jax.ops.segment_sum(h, batch, num_segments=NUM_GRAPHS)
    counts = jax.ops.segment_sum(jnp.ones((num_nodes,), dtype=jnp.float32), batch, num_segments=NUM_GRAPHS)
    return seg_sum / jnp.maximum(counts, 1.0)[:, None]

if __name__ == "__main__":
    import jax
    _d = setup_inputs()
    print(jax.jit(kernel)(*tuple(_d.values())))

</pallas_src>

<mosaic_0001>
#map = affine_map<(d0, d1) -> (0, 0)>
#map1 = affine_map<(d0, d1) -> (0)>
module attributes {stable_mosaic.version = 14 : i64} {
  func.func @_deg_body(%arg0: i32, %arg1: i32, %arg2: memref<6250x128xi32, #tpu.memory_space<hbm>>, %arg3: memref<3200xf32, #tpu.memory_space<hbm>>, %arg4: memref<102400xf32, #tpu.memory_space<hbm>>, %arg5: memref<3x128xi32, #tpu.memory_space<vmem>>, %arg6: memref<128xf32, #tpu.memory_space<vmem>>, %arg7: memref<3200xf32, #tpu.memory_space<vmem>>, %arg8: memref<51200xf32, #tpu.memory_space<vmem_shared>>, %arg9: memref<!tpu.dma_semaphore, #tpu.memory_space<semaphore_mem>>, %arg10: memref<!tpu.dma_semaphore, #tpu.memory_space<semaphore_mem>>) attributes {dimension_semantics = [#tpu.dimension_semantics<core_parallel>, #tpu.dimension_semantics<subcore_parallel>], iteration_bounds = array<i64: 2, 16>, scalar_prefetch = 0 : i64, scratch_operands = 6 : i64, tpu.core_type = #tpu.core_type<sc_vector_subcore>, window_params = [{transform_indices = #map}, {transform_indices = #map1}, {transform_indices = #map1}]} {
    %broadcast_in_dim3A = arith.constant 1.000000e+00 : f32
    %broadcast_in_dim3A_0 = vector.broadcast %broadcast_in_dim3A : f32 to vector<16xf32>
    %swap3A = arith.constant 0 : index
    %swap3A_1 = tpu.vector_load %arg6[%swap3A] {strides = array<i32>} : memref<128xf32, #tpu.memory_space<vmem>>, vector<16xf32>,
    %swap3A_2 = vector.shape_cast %swap3A_1 : vector<16xf32> to vector<16xf32>
    %swap3A_3 = vector.shape_cast %broadcast_in_dim3A_0 : vector<16xf32> to vector<16xf32>
    tpu.vector_store %arg6[%swap3A], %swap3A_3 {strides = array<i32>} : memref<128xf32, #tpu.memory_space<vmem>>, vector<16xf32>,
    %broadcast_in_dim3A_4 = arith.constant 1.000000e+00 : f32
    %broadcast_in_dim3A_5 = vector.broadcast %broadcast_in_dim3A_4 : f32 to vector<16xf32>
    %swap3A_6 = arith.constant 16 : index
    %swap3A_7 = tpu.vector_load %arg6[%swap3A_6] {strides = array<i32>} : memref<128xf32, #tpu.memory_space<vmem>>, vector<16xf32>,
    %swap3A_8 = vector.shape_cast %swap3A_7 : vector<16xf32> to vector<16xf32>
    %swap3A_9 = vector.shape_cast %broadcast_in_dim3A_5 : vector<16xf32> to vector<16xf32>
    tpu.vector_store %arg6[%swap3A_6], %swap3A_9 {strides = array<i32>} : memref<128xf32, #tpu.memory_space<vmem>>, vector<16xf32>,
    %broadcast_in_dim3A_10 = arith.constant 1.000000e+00 : f32
    %broadcast_in_dim3A_11 = vector.broadcast %broadcast_in_dim3A_10 : f32 to vector<16xf32>
    %swap3A_12 = arith.constant 32 : index
    %swap3A_13 = tpu.vector_load %arg6[%swap3A_12] {strides = array<i32>} : memref<128xf32, #tpu.memory_space<vmem>>, vector<16xf32>,
    %swap3A_14 = vector.shape_cast %swap3A_13 : vector<16xf32> to vector<16xf32>
    %swap3A_15 = vector.shape_cast %broadcast_in_dim3A_11 : vector<16xf32> to vector<16xf32>
    tpu.vector_store %arg6[%swap3A_12], %swap3A_15 {strides = array<i32>} : memref<128xf32, #tpu.memory_space<vmem>>, vector<16xf32>,
    %broadcast_in_dim3A_16 = arith.constant 1.000000e+00 : f32
    %broadcast_in_dim3A_17 = vector.broadcast %broadcast_in_dim3A_16 : f32 to vector<16xf32>
    %swap3A_18 = arith.constant 48 : index
    %swap3A_19 = tpu.vector_load %arg6[%swap3A_18] {strides = array<i32>} : memref<128xf32, #tpu.memory_space<vmem>>, vector<16xf32>,
    %swap3A_20 = vector.shape_cast %swap3A_19 : vector<16xf32> to vector<16xf32>
    %swap3A_21 = vector.shape_cast %broadcast_in_dim3A_17 : vector<16xf32> to vector<16xf32>
    tpu.vector_store %arg6[%swap3A_18], %swap3A_21 {strides = array<i32>} : memref<128xf32, #tpu.memory_space<vmem>>, vector<16xf32>,
    %broadcast_in_dim3A_22 = arith.constant 1.000000e+00 : f32
    %broadcast_in_dim3A_23 = vector.broadcast %broadcast_in_dim3A_22 : f32 to vector<16xf32>
    %swap3A_24 = arith.constant 64 : index
    %swap3A_25 = tpu.vector_load %arg6[%swap3A_24] {strides = array<i32>} : memref<128xf32, #tpu.memory_space<vmem>>, vector<16xf32>,
    %swap3A_26 = vector.shape_cast %swap3A_25 : vector<16xf32> to vector<16xf32>
    %swap3A_27 = vector.shape_cast %broadcast_in_dim3A_23 : vector<16xf32> to vector<16xf32>
    tpu.vector_store %arg6[%swap3A_24], %swap3A_27 {strides = array<i32>} : memref<128xf32, #tpu.memory_space<vmem>>, vector<16xf32>,
    %broadcast_in_dim3A_28 = arith.constant 1.000000e+00 : f32
    %broadcast_in_dim3A_29 = vector.broadcast %broadcast_in_dim3A_28 : f32 to vector<16xf32>
    %swap3A_30 = arith.constant 80 : index
    %swap3A_31 = tpu.vector_load %arg6[%swap3A_30] {strides = array<i32>} : memref<128xf32, #tpu.memory_space<vmem>>, vector<16xf32>,
    %swap3A_32 = vector.shape_cast %swap3A_31 : vector<16xf32> to vector<16xf32>
    %swap3A_33 = vector.shape_cast %broadcast_in_dim3A_29 : vector<16xf32> to vector<16xf32>
    tpu.vector_store %arg6[%swap3A_30], %swap3A_33 {strides = array<i32>} : memref<128xf32, #tpu.memory_space<vmem>>, vector<16xf32>,
    %broadcast_in_dim3A_34 = arith.constant 1.000000e+00 : f32
    %broadcast_in_dim3A_35 = vector.broadcast %broadcast_in_dim3A_34 : f32 to vector<16xf32>
    %swap3A_36 = arith.constant 96 : index
    %swap3A_37 = tpu.vector_load %arg6[%swap3A_36] {strides = array<i32>} : memref<128xf32, #tpu.memory_space<vmem>>, vector<16xf32>,
    %swap3A_38 = vector.shape_cast %swap3A_37 : vector<16xf32> to vector<16xf32>
    %swap3A_39 = vector.shape_cast %broadcast_in_dim3A_35 : vector<16xf32> to vector<16xf32>
    tpu.vector_store %arg6[%swap3A_36], %swap3A_39 {strides = array<i32>} : memref<128xf32, #tpu.memory_space<vmem>>, vector<16xf32>,
    %broadcast_in_dim3A_40 = arith.constant 1.000000e+00 : f32
    %broadcast_in_dim3A_41 = vector.broadcast %broadcast_in_dim3A_40 : f32 to vector<16xf32>
    %swap3A_42 = arith.constant 112 : index
    %swap3A_43 = tpu.vector_load %arg6[%swap3A_42] {strides = array<i32>} : memref<128xf32, #tpu.memory_space<vmem>>, vector<16xf32>,
    %swap3A_44 = vector.shape_cast %swap3A_43 : vector<16xf32> to vector<16xf32>
    %swap3A_45 = vector.shape_cast %broadcast_in_dim3A_41 : vector<16xf32> to vector<16xf32>
    tpu.vector_store %arg6[%swap3A_42], %swap3A_45 {strides = array<i32>} : memref<128xf32, #tpu.memory_space<vmem>>, vector<16xf32>,
    %mul3A = arith.constant 3200 : i32
    %mul3A_46 = arith.muli %arg1, %mul3A : i32
    "tpu.region"() ({
      %run_scoped3A = tpu.sem_alloc : memref<!tpu.dma_semaphore, #tpu.memory_space<semaphore_mem>>
      tpu.enqueue_dma source(%arg3 : memref<3200xf32, #tpu.memory_space<hbm>>) target(%arg7 : memref<3200xf32, #tpu.memory_space<vmem>>) target_semaphore(%run_scoped3A : memref<!tpu.dma_semaphore, #tpu.memory_space<semaphore_mem>>)
      tpu.wait_dma2 semaphore(%run_scoped3A : memref<!tpu.dma_semaphore, #tpu.memory_space<semaphore_mem>>) src(%arg3 : memref<3200xf32, #tpu.memory_space<hbm>>) dst(%arg7 : memref<3200xf32, #tpu.memory_space<vmem>>)
      tpu.yield
    }) : () -> ()
    "tpu.region"() ({
      %run_scoped3A = tpu.sem_alloc : memref<!tpu.dma_semaphore, #tpu.memory_space<semaphore_mem>>
      %dma_start3A_109 = tpu.memref_slice %arg8[%mul3A_46] : memref<51200xf32, #tpu.memory_space<vmem_shared>> -> memref<3200xf32, #tpu.memory_space<vmem_shared>>
      %dma_start3A_110 = tpu.memref_slice %arg8[%mul3A_46] : memref<51200xf32, #tpu.memory_space<vmem_shared>> -> memref<3200xf32, #tpu.memory_space<vmem_shared>>
      tpu.enqueue_dma source(%arg7 : memref<3200xf32, #tpu.memory_space<vmem>>) target(%dma_start3A_110 : memref<3200xf32, #tpu.memory_space<vmem_shared>>) target_semaphore(%run_scoped3A : memref<!tpu.dma_semaphore, #tpu.memory_space<semaphore_mem>>)
      %dma_wait3A_111 = tpu.memref_slice %arg8[%mul3A_46] : memref<51200xf32, #tpu.memory_space<vmem_shared>> -> memref<3200xf32, #tpu.memory_space<vmem_shared>>
      %dma_wait3A_112 = tpu.memref_slice %arg8[%mul3A_46] : memref<51200xf32, #tpu.memory_space<vmem_shared>> -> memref<3200xf32, #tpu.memory_space<vmem_shared>>
      tpu.wait_dma2 semaphore(%run_scoped3A : memref<!tpu.dma_semaphore, #tpu.memory_space<semaphore_mem>>) src(%arg7 : memref<3200xf32, #tpu.memory_space<vmem>>) dst(%dma_wait3A_112 : memref<3200xf32, #tpu.memory_space<vmem_shared>>)
      tpu.yield
    }) : () -> ()
    %barrier3A = arith.constant 0 : index
    tpu.barrier barrier_id(%barrier3A)
    %mul3A_47 = arith.constant 16 : i32
    %mul3A_48 = arith.muli %arg0, %mul3A_47 : i32
    %add3A = arith.addi %mul3A_48, %arg1 : i32
    %mul3A_49 = arith.constant 195 : i32
    %mul3A_50 = arith.muli %mul3A_49, %add3A : i32
    %min3A = arith.constant 10 : i32
    %min3A_51 = arith.minsi %add3A, %min3A : i32
    %add3A_52 = arith.addi %mul3A_50, %min3A_51 : i32
    %lt3A = arith.constant 10 : i32
    %lt3A_53 = arith.cmpi slt, %add3A, %lt3A : i32
    %jit3A = arith.constant 1 : i32
    %jit3A_54 = arith.constant 0 : i32
    %select_n3A = arith.select %lt3A_53, %jit3A, %jit3A_54 : i32
    %add3A_55 = arith.constant 195 : i32
    %add3A_56 = arith.addi %add3A_55, %select_n3A : i32
    %add3A_57 = arith.constant 0 : i32
    %add3A_58 = arith.addi %add3A_52, %add3A_57 : i32
    %rem3A = arith.constant 0 : i32
    %rem3A_59 = arith.constant 3 : i32
    %rem3A_60 = arith.remsi %rem3A, %rem3A_59 : i32
    %dma_start3A = arith.constant 0 : i32
    %dma_start3A_61 = tpu.memref_slice %arg5[%rem3A_60, %dma_start3A] : memref<3x128xi32, #tpu.memory_space<vmem>> -> memref<1x128xi32, #tpu.memory_space<vmem>>
    %dma_start3A_62 = tpu.memref_squeeze %dma_start3A_61 : memref<1x128xi32, #tpu.memory_space<vmem>> -> memref<128xi32, #tpu.memory_space<vmem>>
    %dma_start3A_63 = arith.constant 0 : i32
    %dma_start3A_64 = tpu.memref_slice %arg2[%add3A_58, %dma_start3A_63] : memref<6250x128xi32, #tpu.memory_space<hbm>> -> memref<1x128xi32, #tpu.memory_space<hbm>>
    %dma_start3A_65 = tpu.memref_squeeze %dma_start3A_64 : memref<1x128xi32, #tpu.memory_space<hbm>> -> memref<128xi32, #tpu.memory_space<hbm>>
    %dma_start3A_66 = arith.constant 0 : i32
    %dma_start3A_67 = tpu.memref_slice %arg5[%rem3A_60, %dma_start3A_66] : memref<3x128xi32, #tpu.memory_space<vmem>> -> memref<1x128xi32, #tpu.memory_space<vmem>>
    %dma_start3A_68 = tpu.memref_squeeze %dma_start3A_67 : memref<1x128xi32, #tpu.memory_space<vmem>> -> memref<128xi32, #tpu.memory_space<vmem>>
    %dma_start3A_69 = arith.constant 0 : i32
    %dma_start3A_70 = tpu.memref_slice %arg2[%add3A_58, %dma_start3A_69] : memref<6250x128xi32, #tpu.memory_space<hbm>> -> memref<1x128xi32, #tpu.memory_space<hbm>>
    %dma_start3A_71 = tpu.memref_squeeze %dma_start3A_70 : memref<1x128xi32, #tpu.memory_space<hbm>> -> memref<128xi32, #tpu.memory_space<hbm>>
    tpu.enqueue_dma source(%dma_start3A_71 : memref<128xi32, #tpu.memory_space<hbm>>) target(%dma_start3A_68 : memref<128xi32, #tpu.memory_space<vmem>>) target_semaphore(%arg9 : memref<!tpu.dma_semaphore, #tpu.memory_space<semaphore_mem>>)
    %add3A_72 = arith.constant 1 : i32
    %add3A_73 = arith.addi %add3A_52, %add3A_72 : i32
    %rem3A_74 = arith.constant 1 : i32
    %rem3A_75 = arith.constant 3 : i32
    %rem3A_76 = arith.remsi %rem3A_74, %rem3A_75 : i32
    %dma_start3A_77 = arith.constant 0 : i32
    %dma_start3A_78 = tpu.memref_slice %arg5[%rem3A_76, %dma_start3A_77] : memref<3x128xi32, #tpu.memory_space<vmem>> -> memref<1x128xi32, #tpu.memory_space<vmem>>
    %dma_start3A_79 = tpu.memref_squeeze %dma_start3A_78 : memref<1x128xi32, #tpu.memory_space<vmem>> -> memref<128xi32, #tpu.memory_space<vmem>>
    %dma_start3A_80 = arith.constant 0 : i32
    %dma_start3A_81 = tpu.memref_slice %arg2[%add3A_73, %dma_start3A_80] : memref<6250x128xi32, #tpu.memory_space<hbm>> -> memref<1x128xi32, #tpu.memory_space<hbm>>
    %dma_start3A_82 = tpu.memref_squeeze %dma_start3A_81 : memref<1x128xi32, #tpu.memory_space<hbm>> -> memref<128xi32, #tpu.memory_space<hbm>>
    %dma_start3A_83 = arith.constant 0 : i32
    %dma_start3A_84 = tpu.memref_slice %arg5[%rem3A_76, %dma_start3A_83] : memref<3x128xi32, #tpu.memory_space<vmem>> -> memref<1x128xi32, #tpu.memory_space<vmem>>
    %dma_start3A_85 = tpu.memref_squeeze %dma_start3A_84 : memref<1x128xi32, #tpu.memory_space<vmem>> -> memref<128xi32, #tpu.memory_space<vmem>>
    %dma_start3A_86 = arith.constant 0 : i32
    %dma_start3A_87 = tpu.memref_slice %arg2[%add3A_73, %dma_start3A_86] : memref<6250x128xi32, #tpu.memory_space<hbm>> -> memref<1x128xi32, #tpu.memory_space<hbm>>
    %dma_start3A_88 = tpu.memref_squeeze %dma_start3A_87 : memref<1x128xi32, #tpu.memory_space<hbm>> -> memref<128xi32, #tpu.memory_space<hbm>>
    tpu.enqueue_dma source(%dma_start3A_88 : memref<128xi32, #tpu.memory_space<hbm>>) target(%dma_start3A_85 : memref<128xi32, #tpu.memory_space<vmem>>) target_semaphore(%arg9 : memref<!tpu.dma_semaphore, #tpu.memory_space<semaphore_mem>>)
    %while3A = arith.constant 0 : i32
    %while3A_89 = arith.constant 0 : i32
    %while3A_90 = arith.subi %add3A_56, %while3A_89 : i32
    %while3A_91 = arith.addi %while3A_89, %while3A_90 : i32
    %while3A_92 = arith.constant 1 : i32
    %while3A_93 = arith.divsi %while3A_90, %while3A_92 : i32
    %while3A_94 = arith.muli %while3A_93, %while3A_92 : i32
    %while3A_95 = arith.addi %while3A_89, %while3A_94 : i32
    %while3A_96 = arith.constant 1 : i32
    scf.for %while3A_109 = %while3A_89 to %while3A_95 step %while3A_96  : i32 {
      %add3A_110 = arith.addi %add3A_52, %while3A_109 : i32
      %rem3A_111 = arith.constant 3 : i32
      %rem3A_112 = arith.remsi %while3A_109, %rem3A_111 : i32
      %dma_wait3A_113 = arith.constant 0 : i32
      %dma_wait3A_114 = tpu.memref_slice %arg5[%rem3A_112, %dma_wait3A_113] : memref<3x128xi32, #tpu.memory_space<vmem>> -> memref<1x128xi32, #tpu.memory_space<vmem>>
      %dma_wait3A_115 = tpu.memref_squeeze %dma_wait3A_114 : memref<1x128xi32, #tpu.memory_space<vmem>> -> memref<128xi32, #tpu.memory_space<vmem>>
      %dma_wait3A_116 = arith.constant 0 : i32
      %dma_wait3A_117 = tpu.memref_slice %arg2[%add3A_110, %dma_wait3A_116] : memref<6250x128xi32, #tpu.memory_space<hbm>> -> memref<1x128xi32, #tpu.memory_space<hbm>>
      %dma_wait3A_118 = tpu.memref_squeeze %dma_wait3A_117 : memref<1x128xi32, #tpu.memory_space<hbm>> -> memref<128xi32, #tpu.memory_space<hbm>>
      %dma_wait3A_119 = arith.constant 0 : i32
      %dma_wait3A_120 = tpu.memref_slice %arg5[%rem3A_112, %dma_wait3A_119] : memref<3x128xi32, #tpu.memory_space<vmem>> -> memref<1x128xi32, #tpu.memory_space<vmem>>
      %dma_wait3A_121 = tpu.memref_squeeze %dma_wait3A_120 : memref<1x128xi32, #tpu.memory_space<vmem>> -> memref<128xi32, #tpu.memory_space<vmem>>
      %dma_wait3A_122 = arith.constant 0 : i32
      %dma_wait3A_123 = tpu.memref_slice %arg2[%add3A_110, %dma_wait3A_122] : memref<6250x128xi32, #tpu.memory_space<hbm>> -> memref<1x128xi32, #tpu.memory_space<hbm>>
      %dma_wait3A_124 = tpu.memref_squeeze %dma_wait3A_123 : memref<1x128xi32, #tpu.memory_space<hbm>> -> memref<128xi32, #tpu.memory_space<hbm>>
      tpu.wait_dma2 semaphore(%arg9 : memref<!tpu.dma_semaphore, #tpu.memory_space<semaphore_mem>>) src(%dma_wait3A_124 : memref<128xi32, #tpu.memory_space<hbm>>) dst(%dma_wait3A_121 : memref<128xi32, #tpu.memory_space<vmem>>)
      %gt3A = arith.constant 0 : i32
      %gt3A_125 = arith.cmpi sgt, %while3A_109, %gt3A : i32
      %convert_element_type3A = arith.extui %gt3A_125 : i1 to i32
      %cond3A = arith.constant 0 : i32
      %cond3A_126 = arith.cmpi ne, %convert_element_type3A, %cond3A : i32
      scf.if %cond3A_126 {
        %sub3A_140 = arith.constant 1 : i32
        %sub3A_141 = arith.subi %while3A_109, %sub3A_140 : i32
        %rem3A_142 = arith.constant 3 : i32
        %rem3A_143 = arith.remsi %sub3A_141, %rem3A_142 : i32
        %dma_wait3A_144 = arith.constant 0 : i32
        %dma_wait3A_145 = tpu.memref_slice %arg5[%rem3A_143, %dma_wait3A_144] : memref<3x128xi32, #tpu.memory_space<vmem>> -> memref<1x128xi32, #tpu.memory_space<vmem>>
        %dma_wait3A_146 = tpu.memref_squeeze %dma_wait3A_145 : memref<1x128xi32, #tpu.memory_space<vmem>> -> memref<128xi32, #tpu.memory_space<vmem>>
        %dma_wait3A_147 = arith.constant 0 : i32
        %dma_wait3A_148 = tpu.memref_slice %arg8[%dma_wait3A_147] : memref<51200xf32, #tpu.memory_space<vmem_shared>> -> memref<51200xf32, #tpu.memory_space<vmem_shared>>
        tpu.wait_indirect_dma semaphore(%arg10 : memref<!tpu.dma_semaphore, #tpu.memory_space<semaphore_mem>>) src(%arg6 : memref<128xf32, #tpu.memory_space<vmem>>) dst(%dma_wait3A_148 : memref<51200xf32, #tpu.memory_space<vmem_shared>>)
      } else {
      }
      %add3A_127 = arith.constant 2 : i32
      %add3A_128 = arith.addi %while3A_109, %add3A_127 : i32
      %lt3A_129 = arith.cmpi slt, %add3A_128, %add3A_56 : i32
      %convert_element_type3A_130 = arith.extui %lt3A_129 : i1 to i32
      %cond3A_131 = arith.constant 0 : i32
      %cond3A_132 = arith.cmpi ne, %convert_element_type3A_130, %cond3A_131 : i32
      scf.if %cond3A_132 {
        %add3A_140 = arith.constant 2 : i32
        %add3A_141 = arith.addi %while3A_109, %add3A_140 : i32
        %add3A_142 = arith.addi %add3A_52, %add3A_141 : i32
        %rem3A_143 = arith.constant 3 : i32
        %rem3A_144 = arith.remsi %add3A_141, %rem3A_143 : i32
        %dma_start3A_145 = arith.constant 0 : i32
        %dma_start3A_146 = tpu.memref_slice %arg5[%rem3A_144, %dma_start3A_145] : memref<3x128xi32, #tpu.memory_space<vmem>> -> memref<1x128xi32, #tpu.memory_space<vmem>>
        %dma_start3A_147 = tpu.memref_squeeze %dma_start3A_146 : memref<1x128xi32, #tpu.memory_space<vmem>> -> memref<128xi32, #tpu.memory_space<vmem>>
        %dma_start3A_148 = arith.constant 0 : i32
        %dma_start3A_149 = tpu.memref_slice %arg2[%add3A_142, %dma_start3A_148] : memref<6250x128xi32, #tpu.memory_space<hbm>> -> memref<1x128xi32, #tpu.memory_space<hbm>>
        %dma_start3A_150 = tpu.memref_squeeze %dma_start3A_149 : memref<1x128xi32, #tpu.memory_space<hbm>> -> memref<128xi32, #tpu.memory_space<hbm>>
        %dma_start3A_151 = arith.constant 0 : i32
        %dma_start3A_152 = tpu.memref_slice %arg5[%rem3A_144, %dma_start3A_151] : memref<3x128xi32, #tpu.memory_space<vmem>> -> memref<1x128xi32, #tpu.memory_space<vmem>>
        %dma_start3A_153 = tpu.memref_squeeze %dma_start3A_152 : memref<1x128xi32, #tpu.memory_space<vmem>> -> memref<128xi32, #tpu.memory_space<vmem>>
        %dma_start3A_154 = arith.constant 0 : i32
        %dma_start3A_155 = tpu.memref_slice %arg2[%add3A_142, %dma_start3A_154] : memref<6250x128xi32, #tpu.memory_space<hbm>> -> memref<1x128xi32, #tpu.memory_space<hbm>>
        %dma_start3A_156 = tpu.memref_squeeze %dma_start3A_155 : memref<1x128xi32, #tpu.memory_space<hbm>> -> memref<128xi32, #tpu.memory_space<hbm>>
        tpu.enqueue_dma source(%dma_start3A_156 : memref<128xi32, #tpu.memory_space<hbm>>) target(%dma_start3A_153 : memref<128xi32, #tpu.memory_space<vmem>>) target_semaphore(%arg9 : memref<!tpu.dma_semaphore, #tpu.memory_space<semaphore_mem>>)
      } else {
      }
      %rem3A_133 = arith.constant 3 : i32
      %rem3A_134 = arith.remsi %while3A_109, %rem3A_133 : i32
      %dma_start3A_135 = arith.constant 0 : i32
      %dma_start3A_136 = tpu.memref_slice %arg5[%rem3A_134, %dma_start3A_135] : memref<3x128xi32, #tpu.memory_space<vmem>> -> memref<1x128xi32, #tpu.memory_space<vmem>>
      %dma_start3A_137 = tpu.memref_squeeze %dma_start3A_136 : memref<1x128xi32, #tpu.memory_space<vmem>> -> memref<128xi32, #tpu.memory_space<vmem>>
      %dma_start3A_138 = arith.constant 0 : i32
      %dma_start3A_139 = tpu.memref_slice %arg8[%dma_start3A_138] : memref<51200xf32, #tpu.memory_space<vmem_shared>> -> memref<51200xf32, #tpu.memory_space<vmem_shared>>
      tpu.enqueue_indirect_dma source(%arg6 : memref<128xf32, #tpu.memory_space<vmem>>) target(%dma_start3A_139 : memref<51200xf32, #tpu.memory_space<vmem_shared>>) offsets(%dma_start3A_137 : memref<128xi32, #tpu.memory_space<vmem>>) semaphore(%arg10 : memref<!tpu.dma_semaphore, #tpu.memory_space<semaphore_mem>>) {add = true}
    }
    %while3A_97 = arith.constant 1 : i32
    scf.for %while3A_109 = %while3A_95 to %while3A_91 step %while3A_97  : i32 {
      %add3A_110 = arith.addi %add3A_52, %while3A_109 : i32
      %rem3A_111 = arith.constant 3 : i32
      %rem3A_112 = arith.remsi %while3A_109, %rem3A_111 : i32
      %dma_wait3A_113 = arith.constant 0 : i32
      %dma_wait3A_114 = tpu.memref_slice %arg5[%rem3A_112, %dma_wait3A_113] : memref<3x128xi32, #tpu.memory_space<vmem>> -> memref<1x128xi32, #tpu.memory_space<vmem>>
      %dma_wait3A_115 = tpu.memref_squeeze %dma_wait3A_114 : memref<1x128xi32, #tpu.memory_space<vmem>> -> memref<128xi32, #tpu.memory_space<vmem>>
      %dma_wait3A_116 = arith.constant 0 : i32
      %dma_wait3A_117 = tpu.memref_slice %arg2[%add3A_110, %dma_wait3A_116] : memref<6250x128xi32, #tpu.memory_space<hbm>> -> memref<1x128xi32, #tpu.memory_space<hbm>>
      %dma_wait3A_118 = tpu.memref_squeeze %dma_wait3A_117 : memref<1x128xi32, #tpu.memory_space<hbm>> -> memref<128xi32, #tpu.memory_space<hbm>>
      %dma_wait3A_119 = arith.constant 0 : i32
      %dma_wait3A_120 = tpu.memref_slice %arg5[%rem3A_112, %dma_wait3A_119] : memref<3x128xi32, #tpu.memory_space<vmem>> -> memref<1x128xi32, #tpu.memory_space<vmem>>
      %dma_wait3A_121 = tpu.memref_squeeze %dma_wait3A_120 : memref<1x128xi32, #tpu.memory_space<vmem>> -> memref<128xi32, #tpu.memory_space<vmem>>
      %dma_wait3A_122 = arith.constant 0 : i32
      %dma_wait3A_123 = tpu.memref_slice %arg2[%add3A_110, %dma_wait3A_122] : memref<6250x128xi32, #tpu.memory_space<hbm>> -> memref<1x128xi32, #tpu.memory_space<hbm>>
      %dma_wait3A_124 = tpu.memref_squeeze %dma_wait3A_123 : memref<1x128xi32, #tpu.memory_space<hbm>> -> memref<128xi32, #tpu.memory_space<hbm>>
      tpu.wait_dma2 semaphore(%arg9 : memref<!tpu.dma_semaphore, #tpu.memory_space<semaphore_mem>>) src(%dma_wait3A_124 : memref<128xi32, #tpu.memory_space<hbm>>) dst(%dma_wait3A_121 : memref<128xi32, #tpu.memory_space<vmem>>)
      %gt3A = arith.constant 0 : i32
      %gt3A_125 = arith.cmpi sgt, %while3A_109, %gt3A : i32
      %convert_element_type3A = arith.extui %gt3A_125 : i1 to i32
      %cond3A = arith.constant 0 : i32
      %cond3A_126 = arith.cmpi ne, %convert_element_type3A, %cond3A : i32
      scf.if %cond3A_126 {
        %sub3A_140 = arith.constant 1 : i32
        %sub3A_141 = arith.subi %while3A_109, %sub3A_140 : i32
        %rem3A_142 = arith.constant 3 : i32
        %rem3A_143 = arith.remsi %sub3A_141, %rem3A_142 : i32
        %dma_wait3A_144 = arith.constant 0 : i32
        %dma_wait3A_145 = tpu.memref_slice %arg5[%rem3A_143, %dma_wait3A_144] : memref<3x128xi32, #tpu.memory_space<vmem>> -> memref<1x128xi32, #tpu.memory_space<vmem>>
        %dma_wait3A_146 = tpu.memref_squeeze %dma_wait3A_145 : memref<1x128xi32, #tpu.memory_space<vmem>> -> memref<128xi32, #tpu.memory_space<vmem>>
        %dma_wait3A_147 = arith.constant 0 : i32
        %dma_wait3A_148 = tpu.memref_slice %arg8[%dma_wait3A_147] : memref<51200xf32, #tpu.memory_space<vmem_shared>> -> memref<51200xf32, #tpu.memory_space<vmem_shared>>
        tpu.wait_indirect_dma semaphore(%arg10 : memref<!tpu.dma_semaphore, #tpu.memory_space<semaphore_mem>>) src(%arg6 : memref<128xf32, #tpu.memory_space<vmem>>) dst(%dma_wait3A_148 : memref<51200xf32, #tpu.memory_space<vmem_shared>>)
      } else {
      }
      %add3A_127 = arith.constant 2 : i32
      %add3A_128 = arith.addi %while3A_109, %add3A_127 : i32
      %lt3A_129 = arith.cmpi slt, %add3A_128, %add3A_56 : i32
      %convert_element_type3A_130 = arith.extui %lt3A_129 : i1 to i32
      %cond3A_131 = arith.constant 0 : i32
      %cond3A_132 = arith.cmpi ne, %convert_element_type3A_130, %cond3A_131 : i32
      scf.if %cond3A_132 {
        %add3A_140 = arith.constant 2 : i32
        %add3A_141 = arith.addi %while3A_109, %add3A_140 : i32
        %add3A_142 = arith.addi %add3A_52, %add3A_141 : i32
        %rem3A_143 = arith.constant 3 : i32
        %rem3A_144 = arith.remsi %add3A_141, %rem3A_143 : i32
        %dma_start3A_145 = arith.constant 0 : i32
        %dma_start3A_146 = tpu.memref_slice %arg5[%rem3A_144, %dma_start3A_145] : memref<3x128xi32, #tpu.memory_space<vmem>> -> memref<1x128xi32, #tpu.memory_space<vmem>>
        %dma_start3A_147 = tpu.memref_squeeze %dma_start3A_146 : memref<1x128xi32, #tpu.memory_space<vmem>> -> memref<128xi32, #tpu.memory_space<vmem>>
        %dma_start3A_148 = arith.constant 0 : i32
        %dma_start3A_149 = tpu.memref_slice %arg2[%add3A_142, %dma_start3A_148] : memref<6250x128xi32, #tpu.memory_space<hbm>> -> memref<1x128xi32, #tpu.memory_space<hbm>>
        %dma_start3A_150 = tpu.memref_squeeze %dma_start3A_149 : memref<1x128xi32, #tpu.memory_space<hbm>> -> memref<128xi32, #tpu.memory_space<hbm>>
        %dma_start3A_151 = arith.constant 0 : i32
        %dma_start3A_152 = tpu.memref_slice %arg5[%rem3A_144, %dma_start3A_151] : memref<3x128xi32, #tpu.memory_space<vmem>> -> memref<1x128xi32, #tpu.memory_space<vmem>>
        %dma_start3A_153 = tpu.memref_squeeze %dma_start3A_152 : memref<1x128xi32, #tpu.memory_space<vmem>> -> memref<128xi32, #tpu.memory_space<vmem>>
        %dma_start3A_154 = arith.constant 0 : i32
        %dma_start3A_155 = tpu.memref_slice %arg2[%add3A_142, %dma_start3A_154] : memref<6250x128xi32, #tpu.memory_space<hbm>> -> memref<1x128xi32, #tpu.memory_space<hbm>>
        %dma_start3A_156 = tpu.memref_squeeze %dma_start3A_155 : memref<1x128xi32, #tpu.memory_space<hbm>> -> memref<128xi32, #tpu.memory_space<hbm>>
        tpu.enqueue_dma source(%dma_start3A_156 : memref<128xi32, #tpu.memory_space<hbm>>) target(%dma_start3A_153 : memref<128xi32, #tpu.memory_space<vmem>>) target_semaphore(%arg9 : memref<!tpu.dma_semaphore, #tpu.memory_space<semaphore_mem>>)
      } else {
      }
      %rem3A_133 = arith.constant 3 : i32
      %rem3A_134 = arith.remsi %while3A_109, %rem3A_133 : i32
      %dma_start3A_135 = arith.constant 0 : i32
      %dma_start3A_136 = tpu.memref_slice %arg5[%rem3A_134, %dma_start3A_135] : memref<3x128xi32, #tpu.memory_space<vmem>> -> memref<1x128xi32, #tpu.memory_space<vmem>>
      %dma_start3A_137 = tpu.memref_squeeze %dma_start3A_136 : memref<1x128xi32, #tpu.memory_space<vmem>> -> memref<128xi32, #tpu.memory_space<vmem>>
      %dma_start3A_138 = arith.constant 0 : i32
      %dma_start3A_139 = tpu.memref_slice %arg8[%dma_start3A_138] : memref<51200xf32, #tpu.memory_space<vmem_shared>> -> memref<51200xf32, #tpu.memory_space<vmem_shared>>
      tpu.enqueue_indirect_dma source(%arg6 : memref<128xf32, #tpu.memory_space<vmem>>) target(%dma_start3A_139 : memref<51200xf32, #tpu.memory_space<vmem_shared>>) offsets(%dma_start3A_137 : memref<128xi32, #tpu.memory_space<vmem>>) semaphore(%arg10 : memref<!tpu.dma_semaphore, #tpu.memory_space<semaphore_mem>>) {add = true}
    }
    %sub3A = arith.constant 1 : i32
    %sub3A_98 = arith.subi %add3A_56, %sub3A : i32
    %rem3A_99 = arith.constant 3 : i32
    %rem3A_100 = arith.remsi %sub3A_98, %rem3A_99 : i32
    %dma_wait3A = arith.constant 0 : i32
    %dma_wait3A_101 = tpu.memref_slice %arg5[%rem3A_100, %dma_wait3A] : memref<3x128xi32, #tpu.memory_space<vmem>> -> memref<1x128xi32, #tpu.memory_space<vmem>>
    %dma_wait3A_102 = tpu.memref_squeeze %dma_wait3A_101 : memref<1x128xi32, #tpu.memory_space<vmem>> -> memref<128xi32, #tpu.memory_space<vmem>>
    %dma_wait3A_103 = arith.constant 0 : i32
    %dma_wait3A_104 = tpu.memref_slice %arg8[%dma_wait3A_103] : memref<51200xf32, #tpu.memory_space<vmem_shared>> -> memref<51200xf32, #tpu.memory_space<vmem_shared>>
    tpu.wait_indirect_dma semaphore(%arg10 : memref<!tpu.dma_semaphore, #tpu.memory_space<semaphore_mem>>) src(%arg6 : memref<128xf32, #tpu.memory_space<vmem>>) dst(%dma_wait3A_104 : memref<51200xf32, #tpu.memory_space<vmem_shared>>)
    %barrier3A_105 = arith.constant 0 : index
    tpu.barrier barrier_id(%barrier3A_105)
    "tpu.region"() ({
      %run_scoped3A = tpu.sem_alloc : memref<!tpu.dma_semaphore, #tpu.memory_space<semaphore_mem>>
      %dma_start3A_109 = tpu.memref_slice %arg8[%mul3A_46] : memref<51200xf32, #tpu.memory_space<vmem_shared>> -> memref<3200xf32, #tpu.memory_space<vmem_shared>>
      %dma_start3A_110 = tpu.memref_slice %arg8[%mul3A_46] : memref<51200xf32, #tpu.memory_space<vmem_shared>> -> memref<3200xf32, #tpu.memory_space<vmem_shared>>
      tpu.enqueue_dma source(%dma_start3A_110 : memref<3200xf32, #tpu.memory_space<vmem_shared>>) target(%arg7 : memref<3200xf32, #tpu.memory_space<vmem>>) target_semaphore(%run_scoped3A : memref<!tpu.dma_semaphore, #tpu.memory_space<semaphore_mem>>)
      %dma_wait3A_111 = tpu.memref_slice %arg8[%mul3A_46] : memref<51200xf32, #tpu.memory_space<vmem_shared>> -> memref<3200xf32, #tpu.memory_space<vmem_shared>>
      %dma_wait3A_112 = tpu.memref_slice %arg8[%mul3A_46] : memref<51200xf32, #tpu.memory_space<vmem_shared>> -> memref<3200xf32, #tpu.memory_space<vmem_shared>>
      tpu.wait_dma2 semaphore(%run_scoped3A : memref<!tpu.dma_semaphore, #tpu.memory_space<semaphore_mem>>) src(%dma_wait3A_112 : memref<3200xf32, #tpu.memory_space<vmem_shared>>) dst(%arg7 : memref<3200xf32, #tpu.memory_space<vmem>>)
      tpu.yield
    }) : () -> ()
    %mul3A_106 = arith.constant 51200 : i32
    %mul3A_107 = arith.muli %arg0, %mul3A_106 : i32
    %add3A_108 = arith.addi %mul3A_107, %mul3A_46 : i32
    "tpu.region"() ({
      %run_scoped3A = tpu.sem_alloc : memref<!tpu.dma_semaphore, #tpu.memory_space<semaphore_mem>>
      %dma_start3A_109 = tpu.memref_slice %arg4[%add3A_108] : memref<102400xf32, #tpu.memory_space<hbm>> -> memref<3200xf32, #tpu.memory_space<hbm>>
      %dma_start3A_110 = tpu.memref_slice %arg4[%add3A_108] : memref<102400xf32, #tpu.memory_space<hbm>> -> memref<3200xf32, #tpu.memory_space<hbm>>
      tpu.enqueue_dma source(%arg7 : memref<3200xf32, #tpu.memory_space<vmem>>) target(%dma_start3A_110 : memref<3200xf32, #tpu.memory_space<hbm>>) target_semaphore(%run_scoped3A : memref<!tpu.dma_semaphore, #tpu.memory_space<semaphore_mem>>)
      %dma_wait3A_111 = tpu.memref_slice %arg4[%add3A_108] : memref<102400xf32, #tpu.memory_space<hbm>> -> memref<3200xf32, #tpu.memory_space<hbm>>
      %dma_wait3A_112 = tpu.memref_slice %arg4[%add3A_108] : memref<102400xf32, #tpu.memory_space<hbm>> -> memref<3200xf32, #tpu.memory_space<hbm>>
      tpu.wait_dma2 semaphore(%run_scoped3A : memref<!tpu.dma_semaphore, #tpu.memory_space<semaphore_mem>>) src(%arg7 : memref<3200xf32, #tpu.memory_space<vmem>>) dst(%dma_wait3A_112 : memref<3200xf32, #tpu.memory_space<hbm>>)
      tpu.yield
    }) : () -> ()
    return
  }
}

#map = affine_map<(d0, d1) -> (0, 0)>
module attributes {stable_mosaic.version = 14 : i64} {
  func.func @_mp_body(%arg0: i32, %arg1: i32, %arg2: memref<51200x32xf32, #tpu.memory_space<hbm>>, %arg3: memref<51200x32xf32, #tpu.memory_space<hbm>>, %arg4: memref<12500x128xi32, #tpu.memory_space<hbm>>, %arg5: memref<80x32xf32, #tpu.memory_space<hbm>>, %arg6: memref<51200x32xf32, #tpu.memory_space<hbm>>, %arg7: memref<51200x32xf32, #tpu.memory_space<hbm>>, %arg8: memref<7x2x128xi32, #tpu.memory_space<vmem>>, %arg9: memref<5x128x32xf32, #tpu.memory_space<vmem>>, %arg10: memref<80x32xf32, #tpu.memory_space<vmem>>, %arg11: memref<51200x32xf32, #tpu.memory_space<vmem_shared>>, %arg12: memref<!tpu.dma_semaphore, #tpu.memory_space<semaphore_mem>>, %arg13: memref<!tpu.dma_semaphore, #tpu.memory_space<semaphore_mem>>, %arg14: memref<!tpu.dma_semaphore, #tpu.memory_space<semaphore_mem>>) attributes {dimension_semantics = [#tpu.dimension_semantics<core_parallel>, #tpu.dimension_semantics<subcore_parallel>], iteration_bounds = array<i64: 2, 16>, scalar_prefetch = 0 : i64, scratch_operands = 7 : i64, tpu.core_type = #tpu.core_type<sc_vector_subcore>, window_params = [{transform_indices = #map}, {transform_indices = #map}, {transform_indices = #map}, {transform_indices = #map}, {transform_indices = #map}, {transform_indices = #map}]} {
    %mul3A = arith.constant 3200 : i32
    %mul3A_0 = arith.muli %arg1, %mul3A : i32
    "tpu.region"() ({
      %run_scoped3A = tpu.sem_alloc : memref<!tpu.dma_semaphore, #tpu.memory_space<semaphore_mem>>
      tpu.enqueue_dma source(%arg5 : memref<80x32xf32, #tpu.memory_space<hbm>>) target(%arg10 : memref<80x32xf32, #tpu.memory_space<vmem>>) target_semaphore(%run_scoped3A : memref<!tpu.dma_semaphore, #tpu.memory_space<semaphore_mem>>)
      tpu.wait_dma2 semaphore(%run_scoped3A : memref<!tpu.dma_semaphore, #tpu.memory_space<semaphore_mem>>) src(%arg5 : memref<80x32xf32, #tpu.memory_space<hbm>>) dst(%arg10 : memref<80x32xf32, #tpu.memory_space<vmem>>)
      tpu.yield
    }) : () -> ()
    %scan3A = arith.constant 0 : i32
    %scan3A_1 = arith.constant 0 : i32
    %scan3A_2 = arith.constant 40 : i32
    %scan3A_3 = arith.addi %scan3A_1, %scan3A_2 : i32
    %scan3A_4 = arith.constant 1 : i32
    scf.for %scan3A_20 = %scan3A_1 to %scan3A_3 step %scan3A_4  : i32 {
      %mul3A_21 = arith.constant 80 : i32
      %mul3A_22 = arith.muli %scan3A_20, %mul3A_21 : i32
      %add3A_23 = arith.addi %mul3A_0, %mul3A_22 : i32
      "tpu.region"() ({
        %run_scoped3A = tpu.sem_alloc : memref<!tpu.dma_semaphore, #tpu.memory_space<semaphore_mem>>
        %dma_start3A = arith.constant 0 : i32
        %dma_start3A_24 = tpu.memref_slice %arg11[%add3A_23, %dma_start3A] : memref<51200x32xf32, #tpu.memory_space<vmem_shared>> -> memref<80x32xf32, #tpu.memory_space<vmem_shared>>
        %dma_start3A_25 = arith.constant 0 : i32
        %dma_start3A_26 = tpu.memref_slice %arg11[%add3A_23, %dma_start3A_25] : memref<51200x32xf32, #tpu.memory_space<vmem_shared>> -> memref<80x32xf32, #tpu.memory_space<vmem_shared>>
        tpu.enqueue_dma source(%arg10 : memref<80x32xf32, #tpu.memory_space<vmem>>) target(%dma_start3A_26 : memref<80x32xf32, #tpu.memory_space<vmem_shared>>) target_semaphore(%run_scoped3A : memref<!tpu.dma_semaphore, #tpu.memory_space<semaphore_mem>>)
        %dma_wait3A = arith.constant 0 : i32
        %dma_wait3A_27 = tpu.memref_slice %arg11[%add3A_23, %dma_wait3A] : memref<51200x32xf32, #tpu.memory_space<vmem_shared>> -> memref<80x32xf32, #tpu.memory_space<vmem_shared>>
        %dma_wait3A_28 = arith.constant 0 : i32
        %dma_wait3A_29 = tpu.memref_slice %arg11[%add3A_23, %dma_wait3A_28] : memref<51200x32xf32, #tpu.memory_space<vmem_shared>> -> memref<80x32xf32, #tpu.memory_space<vmem_shared>>
        tpu.wait_dma2 semaphore(%run_scoped3A : memref<!tpu.dma_semaphore, #tpu.memory_space<semaphore_mem>>) src(%arg10 : memref<80x32xf32, #tpu.memory_space<vmem>>) dst(%dma_wait3A_29 : memref<80x32xf32, #tpu.memory_space<vmem_shared>>)
        tpu.yield
      }) : () -> ()
    }
    %scan3A_5 = arith.constant 40 : i32
    %barrier3A = arith.constant 0 : index
    tpu.barrier barrier_id(%barrier3A)
    %mul3A_6 = arith.constant 390 : i32
    %mul3A_7 = arith.muli %mul3A_6, %arg1 : i32
    %min3A = arith.constant 10 : i32
    %min3A_8 = arith.minsi %arg1, %min3A : i32
    %add3A = arith.addi %mul3A_7, %min3A_8 : i32
    %lt3A = arith.constant 10 : i32
    %lt3A_9 = arith.cmpi slt, %arg1, %lt3A : i32
    %jit3A = arith.constant 1 : i32
    %jit3A_10 = arith.constant 0 : i32
    %select_n3A = arith.select %lt3A_9, %jit3A, %jit3A_10 : i32
    %add3A_11 = arith.constant 390 : i32
    %add3A_12 = arith.addi %add3A_11, %select_n3A : i32
    %eq3A = arith.constant 0 : i32
    %eq3A_13 = arith.cmpi eq, %arg0, %eq3A : i32
    %convert_element_type3A = arith.extui %eq3A_13 : i1 to i32
    %cond3A = arith.constant 0 : i32
    %cond3A_14 = arith.cmpi ne, %convert_element_type3A, %cond3A : i32
    scf.if %cond3A_14 {
      %add3A_20 = arith.constant 0 : i32
      %add3A_21 = arith.addi %add3A, %add3A_20 : i32
      %mul3A_22 = arith.constant 2 : i32
      %mul3A_23 = arith.muli %mul3A_22, %add3A_21 : i32
      %rem3A = arith.constant 0 : i32
      %rem3A_24 = arith.constant 7 : i32
      %rem3A_25 = arith.remsi %rem3A, %rem3A_24 : i32
      %dma_start3A = arith.constant 0 : i32
      %dma_start3A_26 = arith.constant 0 : i32
      %dma_start3A_27 = tpu.memref_slice %arg8[%rem3A_25, %dma_start3A, %dma_start3A_26] : memref<7x2x128xi32, #tpu.memory_space<vmem>> -> memref<1x2x128xi32, #tpu.memory_space<vmem>>
      %dma_start3A_28 = tpu.memref_squeeze %dma_start3A_27 : memref<1x2x128xi32, #tpu.memory_space<vmem>> -> memref<2x128xi32, #tpu.memory_space<vmem>>
      %dma_start3A_29 = arith.constant 0 : i32
      %dma_start3A_30 = tpu.memref_slice %arg4[%mul3A_23, %dma_start3A_29] : memref<12500x128xi32, #tpu.memory_space<hbm>> -> memref<2x128xi32, #tpu.memory_space<hbm>>
      %dma_start3A_31 = arith.constant 0 : i32
      %dma_start3A_32 = arith.constant 0 : i32
      %dma_start3A_33 = tpu.memref_slice %arg8[%rem3A_25, %dma_start3A_31, %dma_start3A_32] : memref<7x2x128xi32, #tpu.memory_space<vmem>> -> memref<1x2x128xi32, #tpu.memory_space<vmem>>
      %dma_start3A_34 = tpu.memref_squeeze %dma_start3A_33 : memref<1x2x128xi32, #tpu.memory_space<vmem>> -> memref<2x128xi32, #tpu.memory_space<vmem>>
      %dma_start3A_35 = arith.constant 0 : i32
      %dma_start3A_36 = tpu.memref_slice %arg4[%mul3A_23, %dma_start3A_35] : memref<12500x128xi32, #tpu.memory_space<hbm>> -> memref<2x128xi32, #tpu.memory_space<hbm>>
      tpu.enqueue_dma source(%dma_start3A_36 : memref<2x128xi32, #tpu.memory_space<hbm>>) target(%dma_start3A_34 : memref<2x128xi32, #tpu.memory_space<vmem>>) target_semaphore(%arg12 : memref<!tpu.dma_semaphore, #tpu.memory_space<semaphore_mem>>)
      %add3A_37 = arith.constant 1 : i32
      %add3A_38 = arith.addi %add3A, %add3A_37 : i32
      %mul3A_39 = arith.constant 2 : i32
      %mul3A_40 = arith.muli %mul3A_39, %add3A_38 : i32
      %rem3A_41 = arith.constant 1 : i32
      %rem3A_42 = arith.constant 7 : i32
      %rem3A_43 = arith.remsi %rem3A_41, %rem3A_42 : i32
      %dma_start3A_44 = arith.constant 0 : i32
      %dma_start3A_45 = arith.constant 0 : i32
      %dma_start3A_46 = tpu.memref_slice %arg8[%rem3A_43, %dma_start3A_44, %dma_start3A_45] : memref<7x2x128xi32, #tpu.memory_space<vmem>> -> memref<1x2x128xi32, #tpu.memory_space<vmem>>
      %dma_start3A_47 = tpu.memref_squeeze %dma_start3A_46 : memref<1x2x128xi32, #tpu.memory_space<vmem>> -> memref<2x128xi32, #tpu.memory_space<vmem>>
      %dma_start3A_48 = arith.constant 0 : i32
      %dma_start3A_49 = tpu.memref_slice %arg4[%mul3A_40, %dma_start3A_48] : memref<12500x128xi32, #tpu.memory_space<hbm>> -> memref<2x128xi32, #tpu.memory_space<hbm>>
      %dma_start3A_50 = arith.constant 0 : i32
      %dma_start3A_51 = arith.constant 0 : i32
      %dma_start3A_52 = tpu.memref_slice %arg8[%rem3A_43, %dma_start3A_50, %dma_start3A_51] : memref<7x2x128xi32, #tpu.memory_space<vmem>> -> memref<1x2x128xi32, #tpu.memory_space<vmem>>
      %dma_start3A_53 = tpu.memref_squeeze %dma_start3A_52 : memref<1x2x128xi32, #tpu.memory_space<vmem>> -> memref<2x128xi32, #tpu.memory_space<vmem>>
      %dma_start3A_54 = arith.constant 0 : i32
      %dma_start3A_55 = tpu.memref_slice %arg4[%mul3A_40, %dma_start3A_54] : memref<12500x128xi32, #tpu.memory_space<hbm>> -> memref<2x128xi32, #tpu.memory_space<hbm>>
      tpu.enqueue_dma source(%dma_start3A_55 : memref<2x128xi32, #tpu.memory_space<hbm>>) target(%dma_start3A_53 : memref<2x128xi32, #tpu.memory_space<vmem>>) target_semaphore(%arg12 : memref<!tpu.dma_semaphore, #tpu.memory_space<semaphore_mem>>)
      %add3A_56 = arith.constant 2 : i32
      %add3A_57 = arith.addi %add3A, %add3A_56 : i32
      %mul3A_58 = arith.constant 2 : i32
      %mul3A_59 = arith.muli %mul3A_58, %add3A_57 : i32
      %rem3A_60 = arith.constant 2 : i32
      %rem3A_61 = arith.constant 7 : i32
      %rem3A_62 = arith.remsi %rem3A_60, %rem3A_61 : i32
      %dma_start3A_63 = arith.constant 0 : i32
      %dma_start3A_64 = arith.constant 0 : i32
      %dma_start3A_65 = tpu.memref_slice %arg8[%rem3A_62, %dma_start3A_63, %dma_start3A_64] : memref<7x2x128xi32, #tpu.memory_space<vmem>> -> memref<1x2x128xi32, #tpu.memory_space<vmem>>
      %dma_start3A_66 = tpu.memref_squeeze %dma_start3A_65 : memref<1x2x128xi32, #tpu.memory_space<vmem>> -> memref<2x128xi32, #tpu.memory_space<vmem>>
      %dma_start3A_67 = arith.constant 0 : i32
      %dma_start3A_68 = tpu.memref_slice %arg4[%mul3A_59, %dma_start3A_67] : memref<12500x128xi32, #tpu.memory_space<hbm>> -> memref<2x128xi32, #tpu.memory_space<hbm>>
      %dma_start3A_69 = arith.constant 0 : i32
      %dma_start3A_70 = arith.constant 0 : i32
      %dma_start3A_71 = tpu.memref_slice %arg8[%rem3A_62, %dma_start3A_69, %dma_start3A_70] : memref<7x2x128xi32, #tpu.memory_space<vmem>> -> memref<1x2x128xi32, #tpu.memory_space<vmem>>
      %dma_start3A_72 = tpu.memref_squeeze %dma_start3A_71 : memref<1x2x128xi32, #tpu.memory_space<vmem>> -> memref<2x128xi32, #tpu.memory_space<vmem>>
      %dma_start3A_73 = arith.constant 0 : i32
      %dma_start3A_74 = tpu.memref_slice %arg4[%mul3A_59, %dma_start3A_73] : memref<12500x128xi32, #tpu.memory_space<hbm>> -> memref<2x128xi32, #tpu.memory_space<hbm>>
      tpu.enqueue_dma source(%dma_start3A_74 : memref<2x128xi32, #tpu.memory_space<hbm>>) target(%dma_start3A_72 : memref<2x128xi32, #tpu.memory_space<vmem>>) target_semaphore(%arg12 : memref<!tpu.dma_semaphore, #tpu.memory_space<semaphore_mem>>)
      %add3A_75 = arith.constant 3 : i32
      %add3A_76 = arith.addi %add3A, %add3A_75 : i32
      %mul3A_77 = arith.constant 2 : i32
      %mul3A_78 = arith.muli %mul3A_77, %add3A_76 : i32
      %rem3A_79 = arith.constant 3 : i32
      %rem3A_80 = arith.constant 7 : i32
      %rem3A_81 = arith.remsi %rem3A_79, %rem3A_80 : i32
      %dma_start3A_82 = arith.constant 0 : i32
      %dma_start3A_83 = arith.constant 0 : i32
      %dma_start3A_84 = tpu.memref_slice %arg8[%rem3A_81, %dma_start3A_82, %dma_start3A_83] : memref<7x2x128xi32, #tpu.memory_space<vmem>> -> memref<1x2x128xi32, #tpu.memory_space<vmem>>
      %dma_start3A_85 = tpu.memref_squeeze %dma_start3A_84 : memref<1x2x128xi32, #tpu.memory_space<vmem>> -> memref<2x128xi32, #tpu.memory_space<vmem>>
      %dma_start3A_86 = arith.constant 0 : i32
      %dma_start3A_87 = tpu.memref_slice %arg4[%mul3A_78, %dma_start3A_86] : memref<12500x128xi32, #tpu.memory_space<hbm>> -> memref<2x128xi32, #tpu.memory_space<hbm>>
      %dma_start3A_88 = arith.constant 0 : i32
      %dma_start3A_89 = arith.constant 0 : i32
      %dma_start3A_90 = tpu.memref_slice %arg8[%rem3A_81, %dma_start3A_88, %dma_start3A_89] : memref<7x2x128xi32, #tpu.memory_space<vmem>> -> memref<1x2x128xi32, #tpu.memory_space<vmem>>
      %dma_start3A_91 = tpu.memref_squeeze %dma_start3A_90 : memref<1x2x128xi32, #tpu.memory_space<vmem>> -> memref<2x128xi32, #tpu.memory_space<vmem>>
      %dma_start3A_92 = arith.constant 0 : i32
      %dma_start3A_93 = tpu.memref_slice %arg4[%mul3A_78, %dma_start3A_92] : memref<12500x128xi32, #tpu.memory_space<hbm>> -> memref<2x128xi32, #tpu.memory_space<hbm>>
      tpu.enqueue_dma source(%dma_start3A_93 : memref<2x128xi32, #tpu.memory_space<hbm>>) target(%dma_start3A_91 : memref<2x128xi32, #tpu.memory_space<vmem>>) target_semaphore(%arg12 : memref<!tpu.dma_semaphore, #tpu.memory_space<semaphore_mem>>)
      %add3A_94 = arith.constant 4 : i32
      %add3A_95 = arith.addi %add3A, %add3A_94 : i32
      %mul3A_96 = arith.constant 2 : i32
      %mul3A_97 = arith.muli %mul3A_96, %add3A_95 : i32
      %rem3A_98 = arith.constant 4 : i32
      %rem3A_99 = arith.constant 7 : i32
      %rem3A_100 = arith.remsi %rem3A_98, %rem3A_99 : i32
      %dma_start3A_101 = arith.constant 0 : i32
      %dma_start3A_102 = arith.constant 0 : i32
      %dma_start3A_103 = tpu.memref_slice %arg8[%rem3A_100, %dma_start3A_101, %dma_start3A_102] : memref<7x2x128xi32, #tpu.memory_space<vmem>> -> memref<1x2x128xi32, #tpu.memory_space<vmem>>
      %dma_start3A_104 = tpu.memref_squeeze %dma_start3A_103 : memref<1x2x128xi32, #tpu.memory_space<vmem>> -> memref<2x128xi32, #tpu.memory_space<vmem>>
      %dma_start3A_105 = arith.constant 0 : i32
      %dma_start3A_106 = tpu.memref_slice %arg4[%mul3A_97, %dma_start3A_105] : memref<12500x128xi32, #tpu.memory_space<hbm>> -> memref<2x128xi32, #tpu.memory_space<hbm>>
      %dma_start3A_107 = arith.constant 0 : i32
      %dma_start3A_108 = arith.constant 0 : i32
      %dma_start3A_109 = tpu.memref_slice %arg8[%rem3A_100, %dma_start3A_107, %dma_start3A_108] : memref<7x2x128xi32, #tpu.memory_space<vmem>> -> memref<1x2x128xi32, #tpu.memory_space<vmem>>
      %dma_start3A_110 = tpu.memref_squeeze %dma_start3A_109 : memref<1x2x128xi32, #tpu.memory_space<vmem>> -> memref<2x128xi32, #tpu.memory_space<vmem>>
      %dma_start3A_111 = arith.constant 0 : i32
      %dma_start3A_112 = tpu.memref_slice %arg4[%mul3A_97, %dma_start3A_111] : memref<12500x128xi32, #tpu.memory_space<hbm>> -> memref<2x128xi32, #tpu.memory_space<hbm>>
      tpu.enqueue_dma source(%dma_start3A_112 : memref<2x128xi32, #tpu.memory_space<hbm>>) target(%dma_start3A_110 : memref<2x128xi32, #tpu.memory_space<vmem>>) target_semaphore(%arg12 : memref<!tpu.dma_semaphore, #tpu.memory_space<semaphore_mem>>)
      %add3A_113 = arith.constant 5 : i32
      %add3A_114 = arith.addi %add3A, %add3A_113 : i32
      %mul3A_115 = arith.constant 2 : i32
      %mul3A_116 = arith.muli %mul3A_115, %add3A_114 : i32
      %rem3A_117 = arith.constant 5 : i32
      %rem3A_118 = arith.constant 7 : i32
      %rem3A_119 = arith.remsi %rem3A_117, %rem3A_118 : i32
      %dma_start3A_120 = arith.constant 0 : i32
      %dma_start3A_121 = arith.constant 0 : i32
      %dma_start3A_122 = tpu.memref_slice %arg8[%rem3A_119, %dma_start3A_120, %dma_start3A_121] : memref<7x2x128xi32, #tpu.memory_space<vmem>> -> memref<1x2x128xi32, #tpu.memory_space<vmem>>
      %dma_start3A_123 = tpu.memref_squeeze %dma_start3A_122 : memref<1x2x128xi32, #tpu.memory_space<vmem>> -> memref<2x128xi32, #tpu.memory_space<vmem>>
      %dma_start3A_124 = arith.constant 0 : i32
      %dma_start3A_125 = tpu.memref_slice %arg4[%mul3A_116, %dma_start3A_124] : memref<12500x128xi32, #tpu.memory_space<hbm>> -> memref<2x128xi32, #tpu.memory_space<hbm>>
      %dma_start3A_126 = arith.constant 0 : i32
      %dma_start3A_127 = arith.constant 0 : i32
      %dma_start3A_128 = tpu.memref_slice %arg8[%rem3A_119, %dma_start3A_126, %dma_start3A_127] : memref<7x2x128xi32, #tpu.memory_space<vmem>> -> memref<1x2x128xi32, #tpu.memory_space<vmem>>
      %dma_start3A_129 = tpu.memref_squeeze %dma_start3A_128 : memref<1x2x128xi32, #tpu.memory_space<vmem>> -> memref<2x128xi32, #tpu.memory_space<vmem>>
      %dma_start3A_130 = arith.constant 0 : i32
      %dma_start3A_131 = tpu.memref_slice %arg4[%mul3A_116, %dma_start3A_130] : memref<12500x128xi32, #tpu.memory_space<hbm>> -> memref<2x128xi32, #tpu.memory_space<hbm>>
      tpu.enqueue_dma source(%dma_start3A_131 : memref<2x128xi32, #tpu.memory_space<hbm>>) target(%dma_start3A_129 : memref<2x128xi32, #tpu.memory_space<vmem>>) target_semaphore(%arg12 : memref<!tpu.dma_semaphore, #tpu.memory_space<semaphore_mem>>)
      %add3A_132 = arith.constant 0 : i32
      %add3A_133 = arith.addi %add3A, %add3A_132 : i32
      %mul3A_134 = arith.constant 2 : i32
      %mul3A_135 = arith.muli %mul3A_134, %add3A_133 : i32
      %rem3A_136 = arith.constant 0 : i32
      %rem3A_137 = arith.constant 7 : i32
      %rem3A_138 = arith.remsi %rem3A_136, %rem3A_137 : i32
      %dma_wait3A = arith.constant 0 : i32
      %dma_wait3A_139 = arith.constant 0 : i32
      %dma_wait3A_140 = tpu.memref_slice %arg8[%rem3A_138, %dma_wait3A, %dma_wait3A_139] : memref<7x2x128xi32, #tpu.memory_space<vmem>> -> memref<1x2x128xi32, #tpu.memory_space<vmem>>
      %dma_wait3A_141 = tpu.memref_squeeze %dma_wait3A_140 : memref<1x2x128xi32, #tpu.memory_space<vmem>> -> memref<2x128xi32, #tpu.memory_space<vmem>>
      %dma_wait3A_142 = arith.constant 0 : i32
      %dma_wait3A_143 = tpu.memref_slice %arg4[%mul3A_135, %dma_wait3A_142] : memref<12500x128xi32, #tpu.memory_space<hbm>> -> memref<2x128xi32, #tpu.memory_space<hbm>>
      %dma_wait3A_144 = arith.constant 0 : i32
      %dma_wait3A_145 = arith.constant 0 : i32
      %dma_wait3A_146 = tpu.memref_slice %arg8[%rem3A_138, %dma_wait3A_144, %dma_wait3A_145] : memref<7x2x128xi32, #tpu.memory_space<vmem>> -> memref<1x2x128xi32, #tpu.memory_space<vmem>>
      %dma_wait3A_147 = tpu.memref_squeeze %dma_wait3A_146 : memref<1x2x128xi32, #tpu.memory_space<vmem>> -> memref<2x128xi32, #tpu.memory_space<vmem>>
      %dma_wait3A_148 = arith.constant 0 : i32
      %dma_wait3A_149 = tpu.memref_slice %arg4[%mul3A_135, %dma_wait3A_148] : memref<12500x128xi32, #tpu.memory_space<hbm>> -> memref<2x128xi32, #tpu.memory_space<hbm>>
      tpu.wait_dma2 semaphore(%arg12 : memref<!tpu.dma_semaphore, #tpu.memory_space<semaphore_mem>>) src(%dma_wait3A_149 : memref<2x128xi32, #tpu.memory_space<hbm>>) dst(%dma_wait3A_147 : memref<2x128xi32, #tpu.memory_space<vmem>>)
      %rem3A_150 = arith.constant 0 : i32
      %rem3A_151 = arith.constant 7 : i32
      %rem3A_152 = arith.remsi %rem3A_150, %rem3A_151 : i32
      %rem3A_153 = arith.constant 0 : i32
      %rem3A_154 = arith.constant 5 : i32
      %rem3A_155 = arith.remsi %rem3A_153, %rem3A_154 : i32
      %dma_start3A_156 = arith.constant 0 : i32
      %dma_start3A_157 = arith.constant 0 : i32
      %dma_start3A_158 = arith.constant 0 : i32
      %dma_start3A_159 = tpu.memref_slice %arg9[%rem3A_155, %dma_start3A_157, %dma_start3A_158] : memref<5x128x32xf32, #tpu.memory_space<vmem>> -> memref<1x128x32xf32, #tpu.memory_space<vmem>>
      %dma_start3A_160 = tpu.memref_squeeze %dma_start3A_159 : memref<1x128x32xf32, #tpu.memory_space<vmem>> -> memref<128x32xf32, #tpu.memory_space<vmem>>
      %dma_start3A_161 = arith.constant 0 : i32
      %dma_start3A_162 = tpu.memref_slice %arg8[%rem3A_152, %dma_start3A_156, %dma_start3A_161] : memref<7x2x128xi32, #tpu.memory_space<vmem>> -> memref<1x1x128xi32, #tpu.memory_space<vmem>>
      %dma_start3A_163 = tpu.memref_squeeze %dma_start3A_162 : memref<1x1x128xi32, #tpu.memory_space<vmem>> -> memref<128xi32, #tpu.memory_space<vmem>>
      %dma_start3A_164 = arith.constant 0 : i32
      %dma_start3A_165 = arith.constant 0 : i32
      %dma_start3A_166 = tpu.memref_slice %arg2[%dma_start3A_164, %dma_start3A_165] : memref<51200x32xf32, #tpu.memory_space<hbm>> -> memref<51200x32xf32, #tpu.memory_space<hbm>>
      tpu.enqueue_indirect_dma source(%dma_start3A_166 : memref<51200x32xf32, #tpu.memory_space<hbm>>) target(%dma_start3A_160 : memref<128x32xf32, #tpu.memory_space<vmem>>) offsets(%dma_start3A_163 : memref<128xi32, #tpu.memory_space<vmem>>) semaphore(%arg13 : memref<!tpu.dma_semaphore, #tpu.memory_space<semaphore_mem>>)
      %add3A_167 = arith.constant 1 : i32
      %add3A_168 = arith.addi %add3A, %add3A_167 : i32
      %mul3A_169 = arith.constant 2 : i32
      %mul3A_170 = arith.muli %mul3A_169, %add3A_168 : i32
      %rem3A_171 = arith.constant 1 : i32
      %rem3A_172 = arith.constant 7 : i32
      %rem3A_173 = arith.remsi %rem3A_171, %rem3A_172 : i32
      %dma_wait3A_174 = arith.constant 0 : i32
      %dma_wait3A_175 = arith.constant 0 : i32
      %dma_wait3A_176 = tpu.memref_slice %arg8[%rem3A_173, %dma_wait3A_174, %dma_wait3A_175] : memref<7x2x128xi32, #tpu.memory_space<vmem>> -> memref<1x2x128xi32, #tpu.memory_space<vmem>>
      %dma_wait3A_177 = tpu.memref_squeeze %dma_wait3A_176 : memref<1x2x128xi32, #tpu.memory_space<vmem>> -> memref<2x128xi32, #tpu.memory_space<vmem>>
      %dma_wait3A_178 = arith.constant 0 : i32
      %dma_wait3A_179 = tpu.memref_slice %arg4[%mul3A_170, %dma_wait3A_178] : memref<12500x128xi32, #tpu.memory_space<hbm>> -> memref<2x128xi32, #tpu.memory_space<hbm>>
      %dma_wait3A_180 = arith.constant 0 : i32
      %dma_wait3A_181 = arith.constant 0 : i32
      %dma_wait3A_182 = tpu.memref_slice %arg8[%rem3A_173, %dma_wait3A_180, %dma_wait3A_181] : memref<7x2x128xi32, #tpu.memory_space<vmem>> -> memref<1x2x128xi32, #tpu.memory_space<vmem>>
      %dma_wait3A_183 = tpu.memref_squeeze %dma_wait3A_182 : memref<1x2x128xi32, #tpu.memory_space<vmem>> -> memref<2x128xi32, #tpu.memory_space<vmem>>
      %dma_wait3A_184 = arith.constant 0 : i32
      %dma_wait3A_185 = tpu.memref_slice %arg4[%mul3A_170, %dma_wait3A_184] : memref<12500x128xi32, #tpu.memory_space<hbm>> -> memref<2x128xi32, #tpu.memory_space<hbm>>
      tpu.wait_dma2 semaphore(%arg12 : memref<!tpu.dma_semaphore, #tpu.memory_space<semaphore_mem>>) src(%dma_wait3A_185 : memref<2x128xi32, #tpu.memory_space<hbm>>) dst(%dma_wait3A_183 : memref<2x128xi32, #tpu.memory_space<vmem>>)
      %rem3A_186 = arith.constant 1 : i32
      %rem3A_187 = arith.constant 7 : i32
      %rem3A_188 = arith.remsi %rem3A_186, %rem3A_187 : i32
      %rem3A_189 = arith.constant 1 : i32
      %rem3A_190 = arith.constant 5 : i32
      %rem3A_191 = arith.remsi %rem3A_189, %rem3A_190 : i32
      %dma_start3A_192 = arith.constant 0 : i32
      %dma_start3A_193 = arith.constant 0 : i32
      %dma_start3A_194 = arith.constant 0 : i32
      %dma_start3A_195 = tpu.memref_slice %arg9[%rem3A_191, %dma_start3A_193, %dma_start3A_194] : memref<5x128x32xf32, #tpu.memory_space<vmem>> -> memref<1x128x32xf32, #tpu.memory_space<vmem>>
      %dma_start3A_196 = tpu.memref_squeeze %dma_start3A_195 : memref<1x128x32xf32, #tpu.memory_space<vmem>> -> memref<128x32xf32, #tpu.memory_space<vmem>>
      %dma_start3A_197 = arith.constant 0 : i32
      %dma_start3A_198 = tpu.memref_slice %arg8[%rem3A_188, %dma_start3A_192, %dma_start3A_197] : memref<7x2x128xi32, #tpu.memory_space<vmem>> -> memref<1x1x128xi32, #tpu.memory_space<vmem>>
      %dma_start3A_199 = tpu.memref_squeeze %dma_start3A_198 : memref<1x1x128xi32, #tpu.memory_space<vmem>> -> memref<128xi32, #tpu.memory_space<vmem>>
      %dma_start3A_200 = arith.constant 0 : i32
      %dma_start3A_201 = arith.constant 0 : i32
      %dma_start3A_202 = tpu.memref_slice %arg2[%dma_start3A_200, %dma_start3A_201] : memref<51200x32xf32, #tpu.memory_space<hbm>> -> memref<51200x32xf32, #tpu.memory_space<hbm>>
      tpu.enqueue_indirect_dma source(%dma_start3A_202 : memref<51200x32xf32, #tpu.memory_space<hbm>>) target(%dma_start3A_196 : memref<128x32xf32, #tpu.memory_space<vmem>>) offsets(%dma_start3A_199 : memref<128xi32, #tpu.memory_space<vmem>>) semaphore(%arg13 : memref<!tpu.dma_semaphore, #tpu.memory_space<semaphore_mem>>)
      %add3A_203 = arith.constant 2 : i32
      %add3A_204 = arith.addi %add3A, %add3A_203 : i32
      %mul3A_205 = arith.constant 2 : i32
      %mul3A_206 = arith.muli %mul3A_205, %add3A_204 : i32
      %rem3A_207 = arith.constant 2 : i32
      %rem3A_208 = arith.constant 7 : i32
      %rem3A_209 = arith.remsi %rem3A_207, %rem3A_208 : i32
      %dma_wait3A_210 = arith.constant 0 : i32
      %dma_wait3A_211 = arith.constant 0 : i32
      %dma_wait3A_212 = tpu.memref_slice %arg8[%rem3A_209, %dma_wait3A_210, %dma_wait3A_211] : memref<7x2x128xi32, #tpu.memory_space<vmem>> -> memref<1x2x128xi32, #tpu.memory_space<vmem>>
      %dma_wait3A_213 = tpu.memref_squeeze %dma_wait3A_212 : memref<1x2x128xi32, #tpu.memory_space<vmem>> -> memref<2x128xi32, #tpu.memory_space<vmem>>
      %dma_wait3A_214 = arith.constant 0 : i32
      %dma_wait3A_215 = tpu.memref_slice %arg4[%mul3A_206, %dma_wait3A_214] : memref<12500x128xi32, #tpu.memory_space<hbm>> -> memref<2x128xi32, #tpu.memory_space<hbm>>
      %dma_wait3A_216 = arith.constant 0 : i32
      %dma_wait3A_217 = arith.constant 0 : i32
      %dma_wait3A_218 = tpu.memref_slice %arg8[%rem3A_209, %dma_wait3A_216, %dma_wait3A_217] : memref<7x2x128xi32, #tpu.memory_space<vmem>> -> memref<1x2x128xi32, #tpu.memory_space<vmem>>
      %dma_wait3A_219 = tpu.memref_squeeze %dma_wait3A_218 : memref<1x2x128xi32, #tpu.memory_space<vmem>> -> memref<2x128xi32, #tpu.memory_space<vmem>>
      %dma_wait3A_220 = arith.constant 0 : i32
      %dma_wait3A_221 = tpu.memref_slice %arg4[%mul3A_206, %dma_wait3A_220] : memref<12500x128xi32, #tpu.memory_space<hbm>> -> memref<2x128xi32, #tpu.memory_space<hbm>>
      tpu.wait_dma2 semaphore(%arg12 : memref<!tpu.dma_semaphore, #tpu.memory_space<semaphore_mem>>) src(%dma_wait3A_221 : memref<2x128xi32, #tpu.memory_space<hbm>>) dst(%dma_wait3A_219 : memref<2x128xi32, #tpu.memory_space<vmem>>)
      %rem3A_222 = arith.constant 2 : i32
      %rem3A_223 = arith.constant 7 : i32
      %rem3A_224 = arith.remsi %rem3A_222, %rem3A_223 : i32
      %rem3A_225 = arith.constant 2 : i32
      %rem3A_226 = arith.constant 5 : i32
      %rem3A_227 = arith.remsi %rem3A_225, %rem3A_226 : i32
      %dma_start3A_228 = arith.constant 0 : i32
      %dma_start3A_229 = arith.constant 0 : i32
      %dma_start3A_230 = arith.constant 0 : i32
      %dma_start3A_231 = tpu.memref_slice %arg9[%rem3A_227, %dma_start3A_229, %dma_start3A_230] : memref<5x128x32xf32, #tpu.memory_space<vmem>> -> memref<1x128x32xf32, #tpu.memory_space<vmem>>
      %dma_start3A_232 = tpu.memref_squeeze %dma_start3A_231 : memref<1x128x32xf32, #tpu.memory_space<vmem>> -> memref<128x32xf32, #tpu.memory_space<vmem>>
      %dma_start3A_233 = arith.constant 0 : i32
      %dma_start3A_234 = tpu.memref_slice %arg8[%rem3A_224, %dma_start3A_228, %dma_start3A_233] : memref<7x2x128xi32, #tpu.memory_space<vmem>> -> memref<1x1x128xi32, #tpu.memory_space<vmem>>
      %dma_start3A_235 = tpu.memref_squeeze %dma_start3A_234 : memref<1x1x128xi32, #tpu.memory_space<vmem>> -> memref<128xi32, #tpu.memory_space<vmem>>
      %dma_start3A_236 = arith.constant 0 : i32
      %dma_start3A_237 = arith.constant 0 : i32
      %dma_start3A_238 = tpu.memref_slice %arg2[%dma_start3A_236, %dma_start3A_237] : memref<51200x32xf32, #tpu.memory_space<hbm>> -> memref<51200x32xf32, #tpu.memory_space<hbm>>
      tpu.enqueue_indirect_dma source(%dma_start3A_238 : memref<51200x32xf32, #tpu.memory_space<hbm>>) target(%dma_start3A_232 : memref<128x32xf32, #tpu.memory_space<vmem>>) offsets(%dma_start3A_235 : memref<128xi32, #tpu.memory_space<vmem>>) semaphore(%arg13 : memref<!tpu.dma_semaphore, #tpu.memory_space<semaphore_mem>>)
      %add3A_239 = arith.constant 3 : i32
      %add3A_240 = arith.addi %add3A, %add3A_239 : i32
      %mul3A_241 = arith.constant 2 : i32
      %mul3A_242 = arith.muli %mul3A_241, %add3A_240 : i32
      %rem3A_243 = arith.constant 3 : i32
      %rem3A_244 = arith.constant 7 : i32
      %rem3A_245 = arith.remsi %rem3A_243, %rem3A_244 : i32
      %dma_wait3A_246 = arith.constant 0 : i32
      %dma_wait3A_247 = arith.constant 0 : i32
      %dma_wait3A_248 = tpu.memref_slice %arg8[%rem3A_245, %dma_wait3A_246, %dma_wait3A_247] : memref<7x2x128xi32, #tpu.memory_space<vmem>> -> memref<1x2x128xi32, #tpu.memory_space<vmem>>
      %dma_wait3A_249 = tpu.memref_squeeze %dma_wait3A_248 : memref<1x2x128xi32, #tpu.memory_space<vmem>> -> memref<2x128xi32, #tpu.memory_space<vmem>>
      %dma_wait3A_250 = arith.constant 0 : i32
      %dma_wait3A_251 = tpu.memref_slice %arg4[%mul3A_242, %dma_wait3A_250] : memref<12500x128xi32, #tpu.memory_space<hbm>> -> memref<2x128xi32, #tpu.memory_space<hbm>>
      %dma_wait3A_252 = arith.constant 0 : i32
      %dma_wait3A_253 = arith.constant 0 : i32
      %dma_wait3A_254 = tpu.memref_slice %arg8[%rem3A_245, %dma_wait3A_252, %dma_wait3A_253] : memref<7x2x128xi32, #tpu.memory_space<vmem>> -> memref<1x2x128xi32, #tpu.memory_space<vmem>>
      %dma_wait3A_255 = tpu.memref_squeeze %dma_wait3A_254 : memref<1x2x128xi32, #tpu.memory_space<vmem>> -> memref<2x128xi32, #tpu.memory_space<vmem>>
      %dma_wait3A_256 = arith.constant 0 : i32
      %dma_wait3A_257 = tpu.memref_slice %arg4[%mul3A_242, %dma_wait3A_256] : memref<12500x128xi32, #tpu.memory_space<hbm>> -> memref<2x128xi32, #tpu.memory_space<hbm>>
      tpu.wait_dma2 semaphore(%arg12 : memref<!tpu.dma_semaphore, #tpu.memory_space<semaphore_mem>>) src(%dma_wait3A_257 : memref<2x128xi32, #tpu.memory_space<hbm>>) dst(%dma_wait3A_255 : memref<2x128xi32, #tpu.memory_space<vmem>>)
      %rem3A_258 = arith.constant 3 : i32
      %rem3A_259 = arith.constant 7 : i32
      %rem3A_260 = arith.remsi %rem3A_258, %rem3A_259 : i32
      %rem3A_261 = arith.constant 3 : i32
      %rem3A_262 = arith.constant 5 : i32
      %rem3A_263 = arith.remsi %rem3A_261, %rem3A_262 : i32
      %dma_start3A_264 = arith.constant 0 : i32
      %dma_start3A_265 = arith.constant 0 : i32
      %dma_start3A_266 = arith.constant 0 : i32
      %dma_start3A_267 = tpu.memref_slice %arg9[%rem3A_263, %dma_start3A_265, %dma_start3A_266] : memref<5x128x32xf32, #tpu.memory_space<vmem>> -> memref<1x128x32xf32, #tpu.memory_space<vmem>>
      %dma_start3A_268 = tpu.memref_squeeze %dma_start3A_267 : memref<1x128x32xf32, #tpu.memory_space<vmem>> -> memref<128x32xf32, #tpu.memory_space<vmem>>
      %dma_start3A_269 = arith.constant 0 : i32
      %dma_start3A_270 = tpu.memref_slice %arg8[%rem3A_260, %dma_start3A_264, %dma_start3A_269] : memref<7x2x128xi32, #tpu.memory_space<vmem>> -> memref<1x1x128xi32, #tpu.memory_space<vmem>>
      %dma_start3A_271 = tpu.memref_squeeze %dma_start3A_270 : memref<1x1x128xi32, #tpu.memory_space<vmem>> -> memref<128xi32, #tpu.memory_space<vmem>>
      %dma_start3A_272 = arith.constant 0 : i32
      %dma_start3A_273 = arith.constant 0 : i32
      %dma_start3A_274 = tpu.memref_slice %arg2[%dma_start3A_272, %dma_start3A_273] : memref<51200x32xf32, #tpu.memory_space<hbm>> -> memref<51200x32xf32, #tpu.memory_space<hbm>>
      tpu.enqueue_indirect_dma source(%dma_start3A_274 : memref<51200x32xf32, #tpu.memory_space<hbm>>) target(%dma_start3A_268 : memref<128x32xf32, #tpu.memory_space<vmem>>) offsets(%dma_start3A_271 : memref<128xi32, #tpu.memory_space<vmem>>) semaphore(%arg13 : memref<!tpu.dma_semaphore, #tpu.memory_space<semaphore_mem>>)
      %while3A = arith.constant 0 : i32
      %while3A_275 = arith.constant 0 : i32
      %while3A_276 = arith.subi %add3A_12, %while3A_275 : i32
      %while3A_277 = arith.addi %while3A_275, %while3A_276 : i32
      %while3A_278 = arith.constant 1 : i32
      %while3A_279 = arith.divsi %while3A_276, %while3A_278 : i32
      %while3A_280 = arith.muli %while3A_279, %while3A_278 : i32
      %while3A_281 = arith.addi %while3A_275, %while3A_280 : i32
      %while3A_282 = arith.constant 1 : i32
      scf.for %while3A_307 = %while3A_275 to %while3A_281 step %while3A_282  : i32 {
        %add3A_308 = arith.constant 4 : i32
        %add3A_309 = arith.addi %while3A_307, %add3A_308 : i32
        %lt3A_310 = arith.cmpi slt, %add3A_309, %add3A_12 : i32
        %convert_element_type3A_311 = arith.extui %lt3A_310 : i1 to i32
        %cond3A_312 = arith.constant 0 : i32
        %cond3A_313 = arith.cmpi ne, %convert_element_type3A_311, %cond3A_312 : i32
        scf.if %cond3A_313 {
          %add3A_362 = arith.constant 4 : i32
          %add3A_363 = arith.addi %while3A_307, %add3A_362 : i32
          %add3A_364 = arith.addi %add3A, %add3A_363 : i32
          %mul3A_365 = arith.constant 2 : i32
          %mul3A_366 = arith.muli %mul3A_365, %add3A_364 : i32
          %rem3A_367 = arith.constant 7 : i32
          %rem3A_368 = arith.remsi %add3A_363, %rem3A_367 : i32
          %dma_wait3A_369 = arith.constant 0 : i32
          %dma_wait3A_370 = arith.constant 0 : i32
          %dma_wait3A_371 = tpu.memref_slice %arg8[%rem3A_368, %dma_wait3A_369, %dma_wait3A_370] : memref<7x2x128xi32, #tpu.memory_space<vmem>> -> memref<1x2x128xi32, #tpu.memory_space<vmem>>
          %dma_wait3A_372 = tpu.memref_squeeze %dma_wait3A_371 : memref<1x2x128xi32, #tpu.memory_space<vmem>> -> memref<2x128xi32, #tpu.memory_space<vmem>>
          %dma_wait3A_373 = arith.constant 0 : i32
          %dma_wait3A_374 = tpu.memref_slice %arg4[%mul3A_366, %dma_wait3A_373] : memref<12500x128xi32, #tpu.memory_space<hbm>> -> memref<2x128xi32, #tpu.memory_space<hbm>>
          %dma_wait3A_375 = arith.constant 0 : i32
          %dma_wait3A_376 = arith.constant 0 : i32
          %dma_wait3A_377 = tpu.memref_slice %arg8[%rem3A_368, %dma_wait3A_375, %dma_wait3A_376] : memref<7x2x128xi32, #tpu.memory_space<vmem>> -> memref<1x2x128xi32, #tpu.memory_space<vmem>>
          %dma_wait3A_378 = tpu.memref_squeeze %dma_wait3A_377 : memref<1x2x128xi32, #tpu.memory_space<vmem>> -> memref<2x128xi32, #tpu.memory_space<vmem>>
          %dma_wait3A_379 = arith.constant 0 : i32
          %dma_wait3A_380 = tpu.memref_slice %arg4[%mul3A_366, %dma_wait3A_379] : memref<12500x128xi32, #tpu.memory_space<hbm>> -> memref<2x128xi32, #tpu.memory_space<hbm>>
          tpu.wait_dma2 semaphore(%arg12 : memref<!tpu.dma_semaphore, #tpu.memory_space<semaphore_mem>>) src(%dma_wait3A_380 : memref<2x128xi32, #tpu.memory_space<hbm>>) dst(%dma_wait3A_378 : memref<2x128xi32, #tpu.memory_space<vmem>>)
        } else {
        }
        %gt3A = arith.constant 0 : i32
        %gt3A_314 = arith.cmpi sgt, %while3A_307, %gt3A : i32
        %convert_element_type3A_315 = arith.extui %gt3A_314 : i1 to i32
        %cond3A_316 = arith.constant 0 : i32
        %cond3A_317 = arith.cmpi ne, %convert_element_type3A_315, %cond3A_316 : i32
        scf.if %cond3A_317 {
          %sub3A_362 = arith.constant 1 : i32
          %sub3A_363 = arith.subi %while3A_307, %sub3A_362 : i32
          %rem3A_364 = arith.constant 5 : i32
          %rem3A_365 = arith.remsi %sub3A_363, %rem3A_364 : i32
          %rem3A_366 = arith.constant 7 : i32
          %rem3A_367 = arith.remsi %sub3A_363, %rem3A_366 : i32
          %dma_wait3A_368 = arith.constant 1 : i32
          %dma_wait3A_369 = arith.constant 0 : i32
          %dma_wait3A_370 = arith.constant 0 : i32
          %dma_wait3A_371 = tpu.memref_slice %arg9[%rem3A_365, %dma_wait3A_369, %dma_wait3A_370] : memref<5x128x32xf32, #tpu.memory_space<vmem>> -> memref<1x128x32xf32, #tpu.memory_space<vmem>>
          %dma_wait3A_372 = tpu.memref_squeeze %dma_wait3A_371 : memref<1x128x32xf32, #tpu.memory_space<vmem>> -> memref<128x32xf32, #tpu.memory_space<vmem>>
          %dma_wait3A_373 = arith.constant 0 : i32
          %dma_wait3A_374 = tpu.memref_slice %arg8[%rem3A_367, %dma_wait3A_368, %dma_wait3A_373] : memref<7x2x128xi32, #tpu.memory_space<vmem>> -> memref<1x1x128xi32, #tpu.memory_space<vmem>>
          %dma_wait3A_375 = tpu.memref_squeeze %dma_wait3A_374 : memref<1x1x128xi32, #tpu.memory_space<vmem>> -> memref<128xi32, #tpu.memory_space<vmem>>
          %dma_wait3A_376 = arith.constant 0 : i32
          %dma_wait3A_377 = arith.constant 0 : i32
          %dma_wait3A_378 = tpu.memref_slice %arg11[%dma_wait3A_376, %dma_wait3A_377] : memref<51200x32xf32, #tpu.memory_space<vmem_shared>> -> memref<51200x32xf32, #tpu.memory_space<vmem_shared>>
          tpu.wait_indirect_dma semaphore(%arg14 : memref<!tpu.dma_semaphore, #tpu.memory_space<semaphore_mem>>) src(%dma_wait3A_372 : memref<128x32xf32, #tpu.memory_space<vmem>>) dst(%dma_wait3A_378 : memref<51200x32xf32, #tpu.memory_space<vmem_shared>>)
        } else {
        }
        %add3A_318 = arith.constant 4 : i32
        %add3A_319 = arith.addi %while3A_307, %add3A_318 : i32
        %add3A_320 = arith.constant 2 : i32
        %add3A_321 = arith.addi %add3A_319, %add3A_320 : i32
        %lt3A_322 = arith.cmpi slt, %add3A_321, %add3A_12 : i32
        %convert_element_type3A_323 = arith.extui %lt3A_322 : i1 to i32
        %cond3A_324 = arith.constant 0 : i32
        %cond3A_325 = arith.cmpi ne, %convert_element_type3A_323, %cond3A_324 : i32
        scf.if %cond3A_325 {
          %add3A_362 = arith.constant 4 : i32
          %add3A_363 = arith.addi %while3A_307, %add3A_362 : i32
          %add3A_364 = arith.constant 2 : i32
          %add3A_365 = arith.addi %add3A_363, %add3A_364 : i32
          %add3A_366 = arith.addi %add3A, %add3A_365 : i32
          %mul3A_367 = arith.constant 2 : i32
          %mul3A_368 = arith.muli %mul3A_367, %add3A_366 : i32
          %rem3A_369 = arith.constant 7 : i32
          %rem3A_370 = arith.remsi %add3A_365, %rem3A_369 : i32
          %dma_start3A_371 = arith.constant 0 : i32
          %dma_start3A_372 = arith.constant 0 : i32
          %dma_start3A_373 = tpu.memref_slice %arg8[%rem3A_370, %dma_start3A_371, %dma_start3A_372] : memref<7x2x128xi32, #tpu.memory_space<vmem>> -> memref<1x2x128xi32, #tpu.memory_space<vmem>>
          %dma_start3A_374 = tpu.memref_squeeze %dma_start3A_373 : memref<1x2x128xi32, #tpu.memory_space<vmem>> -> memref<2x128xi32, #tpu.memory_space<vmem>>
          %dma_start3A_375 = arith.constant 0 : i32
          %dma_start3A_376 = tpu.memref_slice %arg4[%mul3A_368, %dma_start3A_375] : memref<12500x128xi32, #tpu.memory_space<hbm>> -> memref<2x128xi32, #tpu.memory_space<hbm>>
          %dma_start3A_377 = arith.constant 0 : i32
          %dma_start3A_378 = arith.constant 0 : i32
          %dma_start3A_379 = tpu.memref_slice %arg8[%rem3A_370, %dma_start3A_377, %dma_start3A_378] : memref<7x2x128xi32, #tpu.memory_space<vmem>> -> memref<1x2x128xi32, #tpu.memory_space<vmem>>
          %dma_start3A_380 = tpu.memref_squeeze %dma_start3A_379 : memref<1x2x128xi32, #tpu.memory_space<vmem>> -> memref<2x128xi32, #tpu.memory_space<vmem>>
          %dma_start3A_381 = arith.constant 0 : i32
          %dma_start3A_382 = tpu.memref_slice %arg4[%mul3A_368, %dma_start3A_381] : memref<12500x128xi32, #tpu.memory_space<hbm>> -> memref<2x128xi32, #tpu.memory_space<hbm>>
          tpu.enqueue_dma source(%dma_start3A_382 : memref<2x128xi32, #tpu.memory_space<hbm>>) target(%dma_start3A_380 : memref<2x128xi32, #tpu.memory_space<vmem>>) target_semaphore(%arg12 : memref<!tpu.dma_semaphore, #tpu.memory_space<semaphore_mem>>)
        } else {
        }
        %rem3A_326 = arith.constant 7 : i32
        %rem3A_327 = arith.remsi %while3A_307, %rem3A_326 : i32
        %rem3A_328 = arith.constant 5 : i32
        %rem3A_329 = arith.remsi %while3A_307, %rem3A_328 : i32
        %dma_wait3A_330 = arith.constant 0 : i32
        %dma_wait3A_331 = arith.constant 0 : i32
        %dma_wait3A_332 = arith.constant 0 : i32
        %dma_wait3A_333 = tpu.memref_slice %arg9[%rem3A_329, %dma_wait3A_331, %dma_wait3A_332] : memref<5x128x32xf32, #tpu.memory_space<vmem>> -> memref<1x128x32xf32, #tpu.memory_space<vmem>>
        %dma_wait3A_334 = tpu.memref_squeeze %dma_wait3A_333 : memref<1x128x32xf32, #tpu.memory_space<vmem>> -> memref<128x32xf32, #tpu.memory_space<vmem>>
        %dma_wait3A_335 = arith.constant 0 : i32
        %dma_wait3A_336 = tpu.memref_slice %arg8[%rem3A_327, %dma_wait3A_330, %dma_wait3A_335] : memref<7x2x128xi32, #tpu.memory_space<vmem>> -> memref<1x1x128xi32, #tpu.memory_space<vmem>>
        %dma_wait3A_337 = tpu.memref_squeeze %dma_wait3A_336 : memref<1x1x128xi32, #tpu.memory_space<vmem>> -> memref<128xi32, #tpu.memory_space<vmem>>
        %dma_wait3A_338 = arith.constant 0 : i32
        %dma_wait3A_339 = arith.constant 0 : i32
        %dma_wait3A_340 = tpu.memref_slice %arg2[%dma_wait3A_338, %dma_wait3A_339] : memref<51200x32xf32, #tpu.memory_space<hbm>> -> memref<51200x32xf32, #tpu.memory_space<hbm>>
        tpu.wait_indirect_dma semaphore(%arg13 : memref<!tpu.dma_semaphore, #tpu.memory_space<semaphore_mem>>) src(%dma_wait3A_340 : memref<51200x32xf32, #tpu.memory_space<hbm>>) dst(%dma_wait3A_334 : memref<128x32xf32, #tpu.memory_space<vmem>>)
        %add3A_341 = arith.constant 4 : i32
        %add3A_342 = arith.addi %while3A_307, %add3A_341 : i32
        %lt3A_343 = arith.cmpi slt, %add3A_342, %add3A_12 : i32
        %convert_element_type3A_344 = arith.extui %lt3A_343 : i1 to i32
        %cond3A_345 = arith.constant 0 : i32
        %cond3A_346 = arith.cmpi ne, %convert_element_type3A_344, %cond3A_345 : i32
        scf.if %cond3A_346 {
          %add3A_362 = arith.constant 4 : i32
          %add3A_363 = arith.addi %while3A_307, %add3A_362 : i32
          %rem3A_364 = arith.constant 7 : i32
          %rem3A_365 = arith.remsi %add3A_363, %rem3A_364 : i32
          %rem3A_366 = arith.constant 5 : i32
          %rem3A_367 = arith.remsi %add3A_363, %rem3A_366 : i32
          %dma_start3A_368 = arith.constant 0 : i32
          %dma_start3A_369 = arith.constant 0 : i32
          %dma_start3A_370 = arith.constant 0 : i32
          %dma_start3A_371 = tpu.memref_slice %arg9[%rem3A_367, %dma_start3A_369, %dma_start3A_370] : memref<5x128x32xf32, #tpu.memory_space<vmem>> -> memref<1x128x32xf32, #tpu.memory_space<vmem>>
          %dma_start3A_372 = tpu.memref_squeeze %dma_start3A_371 : memref<1x128x32xf32, #tpu.memory_space<vmem>> -> memref<128x32xf32, #tpu.memory_space<vmem>>
          %dma_start3A_373 = arith.constant 0 : i32
          %dma_start3A_374 = tpu.memref_slice %arg8[%rem3A_365, %dma_start3A_368, %dma_start3A_373] : memref<7x2x128xi32, #tpu.memory_space<vmem>> -> memref<1x1x128xi32, #tpu.memory_space<vmem>>
          %dma_start3A_375 = tpu.memref_squeeze %dma_start3A_374 : memref<1x1x128xi32, #tpu.memory_space<vmem>> -> memref<128xi32, #tpu.memory_space<vmem>>
          %dma_start3A_376 = arith.constant 0 : i32
          %dma_start3A_377 = arith.constant 0 : i32
          %dma_start3A_378 = tpu.memref_slice %arg2[%dma_start3A_376, %dma_start3A_377] : memref<51200x32xf32, #tpu.memory_space<hbm>> -> memref<51200x32xf32, #tpu.memory_space<hbm>>
          tpu.enqueue_indirect_dma source(%dma_start3A_378 : memref<51200x32xf32, #tpu.memory_space<hbm>>) target(%dma_start3A_372 : memref<128x32xf32, #tpu.memory_space<vmem>>) offsets(%dma_start3A_375 : memref<128xi32, #tpu.memory_space<vmem>>) semaphore(%arg13 : memref<!tpu.dma_semaphore, #tpu.memory_space<semaphore_mem>>)
        } else {
        }
        %rem3A_347 = arith.constant 5 : i32
        %rem3A_348 = arith.remsi %while3A_307, %rem3A_347 : i32
        %rem3A_349 = arith.constant 7 : i32
        %rem3A_350 = arith.remsi %while3A_307, %rem3A_349 : i32
        %dma_start3A_351 = arith.constant 1 : i32
        %dma_start3A_352 = arith.constant 0 : i32
        %dma_start3A_353 = arith.constant 0 : i32
        %dma_start3A_354 = tpu.memref_slice %arg9[%rem3A_348, %dma_start3A_352, %dma_start3A_353] : memref<5x128x32xf32, #tpu.memory_space<vmem>> -> memref<1x128x32xf32, #tpu.memory_space<vmem>>
        %dma_start3A_355 = tpu.memref_squeeze %dma_start3A_354 : memref<1x128x32xf32, #tpu.memory_space<vmem>> -> memref<128x32xf32, #tpu.memory_space<vmem>>
        %dma_start3A_356 = arith.constant 0 : i32
        %dma_start3A_357 = tpu.memref_slice %arg8[%rem3A_350, %dma_start3A_351, %dma_start3A_356] : memref<7x2x128xi32, #tpu.memory_space<vmem>> -> memref<1x1x128xi32, #tpu.memory_space<vmem>>
        %dma_start3A_358 = tpu.memref_squeeze %dma_start3A_357 : memref<1x1x128xi32, #tpu.memory_space<vmem>> -> memref<128xi32, #tpu.memory_space<vmem>>
        %dma_start3A_359 = arith.constant 0 : i32
        %dma_start3A_360 = arith.constant 0 : i32
        %dma_start3A_361 = tpu.memref_slice %arg11[%dma_start3A_359, %dma_start3A_360] : memref<51200x32xf32, #tpu.memory_space<vmem_shared>> -> memref<51200x32xf32, #tpu.memory_space<vmem_shared>>
        tpu.enqueue_indirect_dma source(%dma_start3A_355 : memref<128x32xf32, #tpu.memory_space<vmem>>) target(%dma_start3A_361 : memref<51200x32xf32, #tpu.memory_space<vmem_shared>>) offsets(%dma_start3A_358 : memref<128xi32, #tpu.memory_space<vmem>>) semaphore(%arg14 : memref<!tpu.dma_semaphore, #tpu.memory_space<semaphore_mem>>) {add = true}
      }
      %while3A_283 = arith.constant 1 : i32
      scf.for %while3A_307 = %while3A_281 to %while3A_277 step %while3A_283  : i32 {
        %add3A_308 = arith.constant 4 : i32
        %add3A_309 = arith.addi %while3A_307, %add3A_308 : i32
        %lt3A_310 = arith.cmpi slt, %add3A_309, %add3A_12 : i32
        %convert_element_type3A_311 = arith.extui %lt3A_310 : i1 to i32
        %cond3A_312 = arith.constant 0 : i32
        %cond3A_313 = arith.cmpi ne, %convert_element_type3A_311, %cond3A_312 : i32
        scf.if %cond3A_313 {
          %add3A_362 = arith.constant 4 : i32
          %add3A_363 = arith.addi %while3A_307, %add3A_362 : i32
          %add3A_364 = arith.addi %add3A, %add3A_363 : i32
          %mul3A_365 = arith.constant 2 : i32
          %mul3A_366 = arith.muli %mul3A_365, %add3A_364 : i32
          %rem3A_367 = arith.constant 7 : i32
          %rem3A_368 = arith.remsi %add3A_363, %rem3A_367 : i32
          %dma_wait3A_369 = arith.constant 0 : i32
          %dma_wait3A_370 = arith.constant 0 : i32
          %dma_wait3A_371 = tpu.memref_slice %arg8[%rem3A_368, %dma_wait3A_369, %dma_wait3A_370] : memref<7x2x128xi32, #tpu.memory_space<vmem>> -> memref<1x2x128xi32, #tpu.memory_space<vmem>>
          %dma_wait3A_372 = tpu.memref_squeeze %dma_wait3A_371 : memref<1x2x128xi32, #tpu.memory_space<vmem>> -> memref<2x128xi32, #tpu.memory_space<vmem>>
          %dma_wait3A_373 = arith.constant 0 : i32
          %dma_wait3A_374 = tpu.memref_slice %arg4[%mul3A_366, %dma_wait3A_373] : memref<12500x128xi32, #tpu.memory_space<hbm>> -> memref<2x128xi32, #tpu.memory_space<hbm>>
          %dma_wait3A_375 = arith.constant 0 : i32
          %dma_wait3A_376 = arith.constant 0 : i32
          %dma_wait3A_377 = tpu.memref_slice %arg8[%rem3A_368, %dma_wait3A_375, %dma_wait3A_376] : memref<7x2x128xi32, #tpu.memory_space<vmem>> -> memref<1x2x128xi32, #tpu.memory_space<vmem>>
          %dma_wait3A_378 = tpu.memref_squeeze %dma_wait3A_377 : memref<1x2x128xi32, #tpu.memory_space<vmem>> -> memref<2x128xi32, #tpu.memory_space<vmem>>
          %dma_wait3A_379 = arith.constant 0 : i32
          %dma_wait3A_380 = tpu.memref_slice %arg4[%mul3A_366, %dma_wait3A_379] : memref<12500x128xi32, #tpu.memory_space<hbm>> -> memref<2x128xi32, #tpu.memory_space<hbm>>
          tpu.wait_dma2 semaphore(%arg12 : memref<!tpu.dma_semaphore, #tpu.memory_space<semaphore_mem>>) src(%dma_wait3A_380 : memref<2x128xi32, #tpu.memory_space<hbm>>) dst(%dma_wait3A_378 : memref<2x128xi32, #tpu.memory_space<vmem>>)
        } else {
        }
        %gt3A = arith.constant 0 : i32
        %gt3A_314 = arith.cmpi sgt, %while3A_307, %gt3A : i32
        %convert_element_type3A_315 = arith.extui %gt3A_314 : i1 to i32
        %cond3A_316 = arith.constant 0 : i32
        %cond3A_317 = arith.cmpi ne, %convert_element_type3A_315, %cond3A_316 : i32
        scf.if %cond3A_317 {
          %sub3A_362 = arith.constant 1 : i32
          %sub3A_363 = arith.subi %while3A_307, %sub3A_362 : i32
          %rem3A_364 = arith.constant 5 : i32
          %rem3A_365 = arith.remsi %sub3A_363, %rem3A_364 : i32
          %rem3A_366 = arith.constant 7 : i32
          %rem3A_367 = arith.remsi %sub3A_363, %rem3A_366 : i32
          %dma_wait3A_368 = arith.constant 1 : i32
          %dma_wait3A_369 = arith.constant 0 : i32
          %dma_wait3A_370 = arith.constant 0 : i32
          %dma_wait3A_371 = tpu.memref_slice %arg9[%rem3A_365, %dma_wait3A_369, %dma_wait3A_370] : memref<5x128x32xf32, #tpu.memory_space<vmem>> -> memref<1x128x32xf32, #tpu.memory_space<vmem>>
          %dma_wait3A_372 = tpu.memref_squeeze %dma_wait3A_371 : memref<1x128x32xf32, #tpu.memory_space<vmem>> -> memref<128x32xf32, #tpu.memory_space<vmem>>
          %dma_wait3A_373 = arith.constant 0 : i32
          %dma_wait3A_374 = tpu.memref_slice %arg8[%rem3A_367, %dma_wait3A_368, %dma_wait3A_373] : memref<7x2x128xi32, #tpu.memory_space<vmem>> -> memref<1x1x128xi32, #tpu.memory_space<vmem>>
          %dma_wait3A_375 = tpu.memref_squeeze %dma_wait3A_374 : memref<1x1x128xi32, #tpu.memory_space<vmem>> -> memref<128xi32, #tpu.memory_space<vmem>>
          %dma_wait3A_376 = arith.constant 0 : i32
          %dma_wait3A_377 = arith.constant 0 : i32
          %dma_wait3A_378 = tpu.memref_slice %arg11[%dma_wait3A_376, %dma_wait3A_377] : memref<51200x32xf32, #tpu.memory_space<vmem_shared>> -> memref<51200x32xf32, #tpu.memory_space<vmem_shared>>
          tpu.wait_indirect_dma semaphore(%arg14 : memref<!tpu.dma_semaphore, #tpu.memory_space<semaphore_mem>>) src(%dma_wait3A_372 : memref<128x32xf32, #tpu.memory_space<vmem>>) dst(%dma_wait3A_378 : memref<51200x32xf32, #tpu.memory_space<vmem_shared>>)
        } else {
        }
        %add3A_318 = arith.constant 4 : i32
        %add3A_319 = arith.addi %while3A_307, %add3A_318 : i32
        %add3A_320 = arith.constant 2 : i32
        %add3A_321 = arith.addi %add3A_319, %add3A_320 : i32
        %lt3A_322 = arith.cmpi slt, %add3A_321, %add3A_12 : i32
        %convert_element_type3A_323 = arith.extui %lt3A_322 : i1 to i32
        %cond3A_324 = arith.constant 0 : i32
        %cond3A_325 = arith.cmpi ne, %convert_element_type3A_323, %cond3A_324 : i32
        scf.if %cond3A_325 {
          %add3A_362 = arith.constant 4 : i32
          %add3A_363 = arith.addi %while3A_307, %add3A_362 : i32
          %add3A_364 = arith.constant 2 : i32
          %add3A_365 = arith.addi %add3A_363, %add3A_364 : i32
          %add3A_366 = arith.addi %add3A, %add3A_365 : i32
          %mul3A_367 = arith.constant 2 : i32
          %mul3A_368 = arith.muli %mul3A_367, %add3A_366 : i32
          %rem3A_369 = arith.constant 7 : i32
          %rem3A_370 = arith.remsi %add3A_365, %rem3A_369 : i32
          %dma_start3A_371 = arith.constant 0 : i32
          %dma_start3A_372 = arith.constant 0 : i32
          %dma_start3A_373 = tpu.memref_slice %arg8[%rem3A_370, %dma_start3A_371, %dma_start3A_372] : memref<7x2x128xi32, #tpu.memory_space<vmem>> -> memref<1x2x128xi32, #tpu.memory_space<vmem>>
          %dma_start3A_374 = tpu.memref_squeeze %dma_start3A_373 : memref<1x2x128xi32, #tpu.memory_space<vmem>> -> memref<2x128xi32, #tpu.memory_space<vmem>>
          %dma_start3A_375 = arith.constant 0 : i32
          %dma_start3A_376 = tpu.memref_slice %arg4[%mul3A_368, %dma_start3A_375] : memref<12500x128xi32, #tpu.memory_space<hbm>> -> memref<2x128xi32, #tpu.memory_space<hbm>>
          %dma_start3A_377 = arith.constant 0 : i32
          %dma_start3A_378 = arith.constant 0 : i32
          %dma_start3A_379 = tpu.memref_slice %arg8[%rem3A_370, %dma_start3A_377, %dma_start3A_378] : memref<7x2x128xi32, #tpu.memory_space<vmem>> -> memref<1x2x128xi32, #tpu.memory_space<vmem>>
          %dma_start3A_380 = tpu.memref_squeeze %dma_start3A_379 : memref<1x2x128xi32, #tpu.memory_space<vmem>> -> memref<2x128xi32, #tpu.memory_space<vmem>>
          %dma_start3A_381 = arith.constant 0 : i32
          %dma_start3A_382 = tpu.memref_slice %arg4[%mul3A_368, %dma_start3A_381] : memref<12500x128xi32, #tpu.memory_space<hbm>> -> memref<2x128xi32, #tpu.memory_space<hbm>>
          tpu.enqueue_dma source(%dma_start3A_382 : memref<2x128xi32, #tpu.memory_space<hbm>>) target(%dma_start3A_380 : memref<2x128xi32, #tpu.memory_space<vmem>>) target_semaphore(%arg12 : memref<!tpu.dma_semaphore, #tpu.memory_space<semaphore_mem>>)
        } else {
        }
        %rem3A_326 = arith.constant 7 : i32
        %rem3A_327 = arith.remsi %while3A_307, %rem3A_326 : i32
        %rem3A_328 = arith.constant 5 : i32
        %rem3A_329 = arith.remsi %while3A_307, %rem3A_328 : i32
        %dma_wait3A_330 = arith.constant 0 : i32
        %dma_wait3A_331 = arith.constant 0 : i32
        %dma_wait3A_332 = arith.constant 0 : i32
        %dma_wait3A_333 = tpu.memref_slice %arg9[%rem3A_329, %dma_wait3A_331, %dma_wait3A_332] : memref<5x128x32xf32, #tpu.memory_space<vmem>> -> memref<1x128x32xf32, #tpu.memory_space<vmem>>
        %dma_wait3A_334 = tpu.memref_squeeze %dma_wait3A_333 : memref<1x128x32xf32, #tpu.memory_space<vmem>> -> memref<128x32xf32, #tpu.memory_space<vmem>>
        %dma_wait3A_335 = arith.constant 0 : i32
        %dma_wait3A_336 = tpu.memref_slice %arg8[%rem3A_327, %dma_wait3A_330, %dma_wait3A_335] : memref<7x2x128xi32, #tpu.memory_space<vmem>> -> memref<1x1x128xi32, #tpu.memory_space<vmem>>
        %dma_wait3A_337 = tpu.memref_squeeze %dma_wait3A_336 : memref<1x1x128xi32, #tpu.memory_space<vmem>> -> memref<128xi32, #tpu.memory_space<vmem>>
        %dma_wait3A_338 = arith.constant 0 : i32
        %dma_wait3A_339 = arith.constant 0 : i32
        %dma_wait3A_340 = tpu.memref_slice %arg2[%dma_wait3A_338, %dma_wait3A_339] : memref<51200x32xf32, #tpu.memory_space<hbm>> -> memref<51200x32xf32, #tpu.memory_space<hbm>>
        tpu.wait_indirect_dma semaphore(%arg13 : memref<!tpu.dma_semaphore, #tpu.memory_space<semaphore_mem>>) src(%dma_wait3A_340 : memref<51200x32xf32, #tpu.memory_space<hbm>>) dst(%dma_wait3A_334 : memref<128x32xf32, #tpu.memory_space<vmem>>)
        %add3A_341 = arith.constant 4 : i32
        %add3A_342 = arith.addi %while3A_307, %add3A_341 : i32
        %lt3A_343 = arith.cmpi slt, %add3A_342, %add3A_12 : i32
        %convert_element_type3A_344 = arith.extui %lt3A_343 : i1 to i32
        %cond3A_345 = arith.constant 0 : i32
        %cond3A_346 = arith.cmpi ne, %convert_element_type3A_344, %cond3A_345 : i32
        scf.if %cond3A_346 {
          %add3A_362 = arith.constant 4 : i32
          %add3A_363 = arith.addi %while3A_307, %add3A_362 : i32
          %rem3A_364 = arith.constant 7 : i32
          %rem3A_365 = arith.remsi %add3A_363, %rem3A_364 : i32
          %rem3A_366 = arith.constant 5 : i32
          %rem3A_367 = arith.remsi %add3A_363, %rem3A_366 : i32
          %dma_start3A_368 = arith.constant 0 : i32
          %dma_start3A_369 = arith.constant 0 : i32
          %dma_start3A_370 = arith.constant 0 : i32
          %dma_start3A_371 = tpu.memref_slice %arg9[%rem3A_367, %dma_start3A_369, %dma_start3A_370] : memref<5x128x32xf32, #tpu.memory_space<vmem>> -> memref<1x128x32xf32, #tpu.memory_space<vmem>>
          %dma_start3A_372 = tpu.memref_squeeze %dma_start3A_371 : memref<1x128x32xf32, #tpu.memory_space<vmem>> -> memref<128x32xf32, #tpu.memory_space<vmem>>
          %dma_start3A_373 = arith.constant 0 : i32
          %dma_start3A_374 = tpu.memref_slice %arg8[%rem3A_365, %dma_start3A_368, %dma_start3A_373] : memref<7x2x128xi32, #tpu.memory_space<vmem>> -> memref<1x1x128xi32, #tpu.memory_space<vmem>>
          %dma_start3A_375 = tpu.memref_squeeze %dma_start3A_374 : memref<1x1x128xi32, #tpu.memory_space<vmem>> -> memref<128xi32, #tpu.memory_space<vmem>>
          %dma_start3A_376 = arith.constant 0 : i32
          %dma_start3A_377 = arith.constant 0 : i32
          %dma_start3A_378 = tpu.memref_slice %arg2[%dma_start3A_376, %dma_start3A_377] : memref<51200x32xf32, #tpu.memory_space<hbm>> -> memref<51200x32xf32, #tpu.memory_space<hbm>>
          tpu.enqueue_indirect_dma source(%dma_start3A_378 : memref<51200x32xf32, #tpu.memory_space<hbm>>) target(%dma_start3A_372 : memref<128x32xf32, #tpu.memory_space<vmem>>) offsets(%dma_start3A_375 : memref<128xi32, #tpu.memory_space<vmem>>) semaphore(%arg13 : memref<!tpu.dma_semaphore, #tpu.memory_space<semaphore_mem>>)
        } else {
        }
        %rem3A_347 = arith.constant 5 : i32
        %rem3A_348 = arith.remsi %while3A_307, %rem3A_347 : i32
        %rem3A_349 = arith.constant 7 : i32
        %rem3A_350 = arith.remsi %while3A_307, %rem3A_349 : i32
        %dma_start3A_351 = arith.constant 1 : i32
        %dma_start3A_352 = arith.constant 0 : i32
        %dma_start3A_353 = arith.constant 0 : i32
        %dma_start3A_354 = tpu.memref_slice %arg9[%rem3A_348, %dma_start3A_352, %dma_start3A_353] : memref<5x128x32xf32, #tpu.memory_space<vmem>> -> memref<1x128x32xf32, #tpu.memory_space<vmem>>
        %dma_start3A_355 = tpu.memref_squeeze %dma_start3A_354 : memref<1x128x32xf32, #tpu.memory_space<vmem>> -> memref<128x32xf32, #tpu.memory_space<vmem>>
        %dma_start3A_356 = arith.constant 0 : i32
        %dma_start3A_357 = tpu.memref_slice %arg8[%rem3A_350, %dma_start3A_351, %dma_start3A_356] : memref<7x2x128xi32, #tpu.memory_space<vmem>> -> memref<1x1x128xi32, #tpu.memory_space<vmem>>
        %dma_start3A_358 = tpu.memref_squeeze %dma_start3A_357 : memref<1x1x128xi32, #tpu.memory_space<vmem>> -> memref<128xi32, #tpu.memory_space<vmem>>
        %dma_start3A_359 = arith.constant 0 : i32
        %dma_start3A_360 = arith.constant 0 : i32
        %dma_start3A_361 = tpu.memref_slice %arg11[%dma_start3A_359, %dma_start3A_360] : memref<51200x32xf32, #tpu.memory_space<vmem_shared>> -> memref<51200x32xf32, #tpu.memory_space<vmem_shared>>
        tpu.enqueue_indirect_dma source(%dma_start3A_355 : memref<128x32xf32, #tpu.memory_space<vmem>>) target(%dma_start3A_361 : memref<51200x32xf32, #tpu.memory_space<vmem_shared>>) offsets(%dma_start3A_358 : memref<128xi32, #tpu.memory_space<vmem>>) semaphore(%arg14 : memref<!tpu.dma_semaphore, #tpu.memory_space<semaphore_mem>>) {add = true}
      }
      %sub3A = arith.constant 1 : i32
      %sub3A_284 = arith.subi %add3A_12, %sub3A : i32
      %rem3A_285 = arith.constant 5 : i32
      %rem3A_286 = arith.remsi %sub3A_284, %rem3A_285 : i32
      %rem3A_287 = arith.constant 7 : i32
      %rem3A_288 = arith.remsi %sub3A_284, %rem3A_287 : i32
      %dma_wait3A_289 = arith.constant 1 : i32
      %dma_wait3A_290 = arith.constant 0 : i32
      %dma_wait3A_291 = arith.constant 0 : i32
      %dma_wait3A_292 = tpu.memref_slice %arg9[%rem3A_286, %dma_wait3A_290, %dma_wait3A_291] : memref<5x128x32xf32, #tpu.memory_space<vmem>> -> memref<1x128x32xf32, #tpu.memory_space<vmem>>
      %dma_wait3A_293 = tpu.memref_squeeze %dma_wait3A_292 : memref<1x128x32xf32, #tpu.memory_space<vmem>> -> memref<128x32xf32, #tpu.memory_space<vmem>>
      %dma_wait3A_294 = arith.constant 0 : i32
      %dma_wait3A_295 = tpu.memref_slice %arg8[%rem3A_288, %dma_wait3A_289, %dma_wait3A_294] : memref<7x2x128xi32, #tpu.memory_space<vmem>> -> memref<1x1x128xi32, #tpu.memory_space<vmem>>
      %dma_wait3A_296 = tpu.memref_squeeze %dma_wait3A_295 : memref<1x1x128xi32, #tpu.memory_space<vmem>> -> memref<128xi32, #tpu.memory_space<vmem>>
      %dma_wait3A_297 = arith.constant 0 : i32
      %dma_wait3A_298 = arith.constant 0 : i32
      %dma_wait3A_299 = tpu.memref_slice %arg11[%dma_wait3A_297, %dma_wait3A_298] : memref<51200x32xf32, #tpu.memory_space<vmem_shared>> -> memref<51200x32xf32, #tpu.memory_space<vmem_shared>>
      tpu.wait_indirect_dma semaphore(%arg14 : memref<!tpu.dma_semaphore, #tpu.memory_space<semaphore_mem>>) src(%dma_wait3A_293 : memref<128x32xf32, #tpu.memory_space<vmem>>) dst(%dma_wait3A_299 : memref<51200x32xf32, #tpu.memory_space<vmem_shared>>)
      %barrier3A_300 = arith.constant 0 : index
      tpu.barrier barrier_id(%barrier3A_300)
      %scan3A_301 = arith.constant 0 : i32
      %scan3A_302 = arith.constant 0 : i32
      %scan3A_303 = arith.constant 40 : i32
      %scan3A_304 = arith.addi %scan3A_302, %scan3A_303 : i32
      %scan3A_305 = arith.constant 1 : i32
      scf.for %scan3A_307 = %scan3A_302 to %scan3A_304 step %scan3A_305  : i32 {
        %mul3A_308 = arith.constant 80 : i32
        %mul3A_309 = arith.muli %scan3A_307, %mul3A_308 : i32
        %add3A_310 = arith.addi %mul3A_0, %mul3A_309 : i32
        "tpu.region"() ({
          %run_scoped3A = tpu.sem_alloc : memref<!tpu.dma_semaphore, #tpu.memory_space<semaphore_mem>>
          %dma_start3A_311 = arith.constant 0 : i32
          %dma_start3A_312 = tpu.memref_slice %arg11[%add3A_310, %dma_start3A_311] : memref<51200x32xf32, #tpu.memory_space<vmem_shared>> -> memref<80x32xf32, #tpu.memory_space<vmem_shared>>
          %dma_start3A_313 = arith.constant 0 : i32
          %dma_start3A_314 = tpu.memref_slice %arg11[%add3A_310, %dma_start3A_313] : memref<51200x32xf32, #tpu.memory_space<vmem_shared>> -> memref<80x32xf32, #tpu.memory_space<vmem_shared>>
          tpu.enqueue_dma source(%dma_start3A_314 : memref<80x32xf32, #tpu.memory_space<vmem_shared>>) target(%arg10 : memref<80x32xf32, #tpu.memory_space<vmem>>) target_semaphore(%run_scoped3A : memref<!tpu.dma_semaphore, #tpu.memory_space<semaphore_mem>>)
          %dma_wait3A_315 = arith.constant 0 : i32
          %dma_wait3A_316 = tpu.memref_slice %arg11[%add3A_310, %dma_wait3A_315] : memref<51200x32xf32, #tpu.memory_space<vmem_shared>> -> memref<80x32xf32, #tpu.memory_space<vmem_shared>>
          %dma_wait3A_317 = arith.constant 0 : i32
          %dma_wait3A_318 = tpu.memref_slice %arg11[%add3A_310, %dma_wait3A_317] : memref<51200x32xf32, #tpu.memory_space<vmem_shared>> -> memref<80x32xf32, #tpu.memory_space<vmem_shared>>
          tpu.wait_dma2 semaphore(%run_scoped3A : memref<!tpu.dma_semaphore, #tpu.memory_space<semaphore_mem>>) src(%dma_wait3A_318 : memref<80x32xf32, #tpu.memory_space<vmem_shared>>) dst(%arg10 : memref<80x32xf32, #tpu.memory_space<vmem>>)
          tpu.yield
        }) : () -> ()
        "tpu.region"() ({
          %run_scoped3A = tpu.sem_alloc : memref<!tpu.dma_semaphore, #tpu.memory_space<semaphore_mem>>
          %dma_start3A_311 = arith.constant 0 : i32
          %dma_start3A_312 = tpu.memref_slice %arg6[%add3A_310, %dma_start3A_311] : memref<51200x32xf32, #tpu.memory_space<hbm>> -> memref<80x32xf32, #tpu.memory_space<hbm>>
          %dma_start3A_313 = arith.constant 0 : i32
          %dma_start3A_314 = tpu.memref_slice %arg6[%add3A_310, %dma_start3A_313] : memref<51200x32xf32, #tpu.memory_space<hbm>> -> memref<80x32xf32, #tpu.memory_space<hbm>>
          tpu.enqueue_dma source(%arg10 : memref<80x32xf32, #tpu.memory_space<vmem>>) target(%dma_start3A_314 : memref<80x32xf32, #tpu.memory_space<hbm>>) target_semaphore(%run_scoped3A : memref<!tpu.dma_semaphore, #tpu.memory_space<semaphore_mem>>)
          %dma_wait3A_315 = arith.constant 0 : i32
          %dma_wait3A_316 = tpu.memref_slice %arg6[%add3A_310, %dma_wait3A_315] : memref<51200x32xf32, #tpu.memory_space<hbm>> -> memref<80x32xf32, #tpu.memory_space<hbm>>
          %dma_wait3A_317 = arith.constant 0 : i32
          %dma_wait3A_318 = tpu.memref_slice %arg6[%add3A_310, %dma_wait3A_317] : memref<51200x32xf32, #tpu.memory_space<hbm>> -> memref<80x32xf32, #tpu.memory_space<hbm>>
          tpu.wait_dma2 semaphore(%run_scoped3A : memref<!tpu.dma_semaphore, #tpu.memory_space<semaphore_mem>>) src(%arg10 : memref<80x32xf32, #tpu.memory_space<vmem>>) dst(%dma_wait3A_318 : memref<80x32xf32, #tpu.memory_space<hbm>>)
          tpu.yield
        }) : () -> ()
      }
      %scan3A_306 = arith.constant 40 : i32
    } else {
    }
    %eq3A_15 = arith.constant 1 : i32
    %eq3A_16 = arith.cmpi eq, %arg0, %eq3A_15 : i32
    %convert_element_type3A_17 = arith.extui %eq3A_16 : i1 to i32
    %cond3A_18 = arith.constant 0 : i32
    %cond3A_19 = arith.cmpi ne, %convert_element_type3A_17, %cond3A_18 : i32
    scf.if %cond3A_19 {
      %add3A_20 = arith.constant 0 : i32
      %add3A_21 = arith.addi %add3A, %add3A_20 : i32
      %mul3A_22 = arith.constant 2 : i32
      %mul3A_23 = arith.muli %mul3A_22, %add3A_21 : i32
      %rem3A = arith.constant 0 : i32
      %rem3A_24 = arith.constant 7 : i32
      %rem3A_25 = arith.remsi %rem3A, %rem3A_24 : i32
      %dma_start3A = arith.constant 0 : i32
      %dma_start3A_26 = arith.constant 0 : i32
      %dma_start3A_27 = tpu.memref_slice %arg8[%rem3A_25, %dma_start3A, %dma_start3A_26] : memref<7x2x128xi32, #tpu.memory_space<vmem>> -> memref<1x2x128xi32, #tpu.memory_space<vmem>>
      %dma_start3A_28 = tpu.memref_squeeze %dma_start3A_27 : memref<1x2x128xi32, #tpu.memory_space<vmem>> -> memref<2x128xi32, #tpu.memory_space<vmem>>
      %dma_start3A_29 = arith.constant 0 : i32
      %dma_start3A_30 = tpu.memref_slice %arg4[%mul3A_23, %dma_start3A_29] : memref<12500x128xi32, #tpu.memory_space<hbm>> -> memref<2x128xi32, #tpu.memory_space<hbm>>
      %dma_start3A_31 = arith.constant 0 : i32
      %dma_start3A_32 = arith.constant 0 : i32
      %dma_start3A_33 = tpu.memref_slice %arg8[%rem3A_25, %dma_start3A_31, %dma_start3A_32] : memref<7x2x128xi32, #tpu.memory_space<vmem>> -> memref<1x2x128xi32, #tpu.memory_space<vmem>>
      %dma_start3A_34 = tpu.memref_squeeze %dma_start3A_33 : memref<1x2x128xi32, #tpu.memory_space<vmem>> -> memref<2x128xi32, #tpu.memory_space<vmem>>
      %dma_start3A_35 = arith.constant 0 : i32
      %dma_start3A_36 = tpu.memref_slice %arg4[%mul3A_23, %dma_start3A_35] : memref<12500x128xi32, #tpu.memory_space<hbm>> -> memref<2x128xi32, #tpu.memory_space<hbm>>
      tpu.enqueue_dma source(%dma_start3A_36 : memref<2x128xi32, #tpu.memory_space<hbm>>) target(%dma_start3A_34 : memref<2x128xi32, #tpu.memory_space<vmem>>) target_semaphore(%arg12 : memref<!tpu.dma_semaphore, #tpu.memory_space<semaphore_mem>>)
      %add3A_37 = arith.constant 1 : i32
      %add3A_38 = arith.addi %add3A, %add3A_37 : i32
      %mul3A_39 = arith.constant 2 : i32
      %mul3A_40 = arith.muli %mul3A_39, %add3A_38 : i32
      %rem3A_41 = arith.constant 1 : i32
      %rem3A_42 = arith.constant 7 : i32
      %rem3A_43 = arith.remsi %rem3A_41, %rem3A_42 : i32
      %dma_start3A_44 = arith.constant 0 : i32
      %dma_start3A_45 = arith.constant 0 : i32
      %dma_start3A_46 = tpu.memref_slice %arg8[%rem3A_43, %dma_start3A_44, %dma_start3A_45] : memref<7x2x128xi32, #tpu.memory_space<vmem>> -> memref<1x2x128xi32, #tpu.memory_space<vmem>>
      %dma_start3A_47 = tpu.memref_squeeze %dma_start3A_46 : memref<1x2x128xi32, #tpu.memory_space<vmem>> -> memref<2x128xi32, #tpu.memory_space<vmem>>
      %dma_start3A_48 = arith.constant 0 : i32
      %dma_start3A_49 = tpu.memref_slice %arg4[%mul3A_40, %dma_start3A_48] : memref<12500x128xi32, #tpu.memory_space<hbm>> -> memref<2x128xi32, #tpu.memory_space<hbm>>
      %dma_start3A_50 = arith.constant 0 : i32
      %dma_start3A_51 = arith.constant 0 : i32
      %dma_start3A_52 = tpu.memref_slice %arg8[%rem3A_43, %dma_start3A_50, %dma_start3A_51] : memref<7x2x128xi32, #tpu.memory_space<vmem>> -> memref<1x2x128xi32, #tpu.memory_space<vmem>>
      %dma_start3A_53 = tpu.memref_squeeze %dma_start3A_52 : memref<1x2x128xi32, #tpu.memory_space<vmem>> -> memref<2x128xi32, #tpu.memory_space<vmem>>
      %dma_start3A_54 = arith.constant 0 : i32
      %dma_start3A_55 = tpu.memref_slice %arg4[%mul3A_40, %dma_start3A_54] : memref<12500x128xi32, #tpu.memory_space<hbm>> -> memref<2x128xi32, #tpu.memory_space<hbm>>
      tpu.enqueue_dma source(%dma_start3A_55 : memref<2x128xi32, #tpu.memory_space<hbm>>) target(%dma_start3A_53 : memref<2x128xi32, #tpu.memory_space<vmem>>) target_semaphore(%arg12 : memref<!tpu.dma_semaphore, #tpu.memory_space<semaphore_mem>>)
      %add3A_56 = arith.constant 2 : i32
      %add3A_57 = arith.addi %add3A, %add3A_56 : i32
      %mul3A_58 = arith.constant 2 : i32
      %mul3A_59 = arith.muli %mul3A_58, %add3A_57 : i32
      %rem3A_60 = arith.constant 2 : i32
      %rem3A_61 = arith.constant 7 : i32
      %rem3A_62 = arith.remsi %rem3A_60, %rem3A_61 : i32
      %dma_start3A_63 = arith.constant 0 : i32
      %dma_start3A_64 = arith.constant 0 : i32
      %dma_start3A_65 = tpu.memref_slice %arg8[%rem3A_62, %dma_start3A_63, %dma_start3A_64] : memref<7x2x128xi32, #tpu.memory_space<vmem>> -> memref<1x2x128xi32, #tpu.memory_space<vmem>>
      %dma_start3A_66 = tpu.memref_squeeze %dma_start3A_65 : memref<1x2x128xi32, #tpu.memory_space<vmem>> -> memref<2x128xi32, #tpu.memory_space<vmem>>
      %dma_start3A_67 = arith.constant 0 : i32
      %dma_start3A_68 = tpu.memref_slice %arg4[%mul3A_59, %dma_start3A_67] : memref<12500x128xi32, #tpu.memory_space<hbm>> -> memref<2x128xi32, #tpu.memory_space<hbm>>
      %dma_start3A_69 = arith.constant 0 : i32
      %dma_start3A_70 = arith.constant 0 : i32
      %dma_start3A_71 = tpu.memref_slice %arg8[%rem3A_62, %dma_start3A_69, %dma_start3A_70] : memref<7x2x128xi32, #tpu.memory_space<vmem>> -> memref<1x2x128xi32, #tpu.memory_space<vmem>>
      %dma_start3A_72 = tpu.memref_squeeze %dma_start3A_71 : memref<1x2x128xi32, #tpu.memory_space<vmem>> -> memref<2x128xi32, #tpu.memory_space<vmem>>
      %dma_start3A_73 = arith.constant 0 : i32
      %dma_start3A_74 = tpu.memref_slice %arg4[%mul3A_59, %dma_start3A_73] : memref<12500x128xi32, #tpu.memory_space<hbm>> -> memref<2x128xi32, #tpu.memory_space<hbm>>
      tpu.enqueue_dma source(%dma_start3A_74 : memref<2x128xi32, #tpu.memory_space<hbm>>) target(%dma_start3A_72 : memref<2x128xi32, #tpu.memory_space<vmem>>) target_semaphore(%arg12 : memref<!tpu.dma_semaphore, #tpu.memory_space<semaphore_mem>>)
      %add3A_75 = arith.constant 3 : i32
      %add3A_76 = arith.addi %add3A, %add3A_75 : i32
      %mul3A_77 = arith.constant 2 : i32
      %mul3A_78 = arith.muli %mul3A_77, %add3A_76 : i32
      %rem3A_79 = arith.constant 3 : i32
      %rem3A_80 = arith.constant 7 : i32
      %rem3A_81 = arith.remsi %rem3A_79, %rem3A_80 : i32
      %dma_start3A_82 = arith.constant 0 : i32
      %dma_start3A_83 = arith.constant 0 : i32
      %dma_start3A_84 = tpu.memref_slice %arg8[%rem3A_81, %dma_start3A_82, %dma_start3A_83] : memref<7x2x128xi32, #tpu.memory_space<vmem>> -> memref<1x2x128xi32, #tpu.memory_space<vmem>>
      %dma_start3A_85 = tpu.memref_squeeze %dma_start3A_84 : memref<1x2x128xi32, #tpu.memory_space<vmem>> -> memref<2x128xi32, #tpu.memory_space<vmem>>
      %dma_start3A_86 = arith.constant 0 : i32
      %dma_start3A_87 = tpu.memref_slice %arg4[%mul3A_78, %dma_start3A_86] : memref<12500x128xi32, #tpu.memory_space<hbm>> -> memref<2x128xi32, #tpu.memory_space<hbm>>
      %dma_start3A_88 = arith.constant 0 : i32
      %dma_start3A_89 = arith.constant 0 : i32
      %dma_start3A_90 = tpu.memref_slice %arg8[%rem3A_81, %dma_start3A_88, %dma_start3A_89] : memref<7x2x128xi32, #tpu.memory_space<vmem>> -> memref<1x2x128xi32, #tpu.memory_space<vmem>>
      %dma_start3A_91 = tpu.memref_squeeze %dma_start3A_90 : memref<1x2x128xi32, #tpu.memory_space<vmem>> -> memref<2x128xi32, #tpu.memory_space<vmem>>
      %dma_start3A_92 = arith.constant 0 : i32
      %dma_start3A_93 = tpu.memref_slice %arg4[%mul3A_78, %dma_start3A_92] : memref<12500x128xi32, #tpu.memory_space<hbm>> -> memref<2x128xi32, #tpu.memory_space<hbm>>
      tpu.enqueue_dma source(%dma_start3A_93 : memref<2x128xi32, #tpu.memory_space<hbm>>) target(%dma_start3A_91 : memref<2x128xi32, #tpu.memory_space<vmem>>) target_semaphore(%arg12 : memref<!tpu.dma_semaphore, #tpu.memory_space<semaphore_mem>>)
      %add3A_94 = arith.constant 4 : i32
      %add3A_95 = arith.addi %add3A, %add3A_94 : i32
      %mul3A_96 = arith.constant 2 : i32
      %mul3A_97 = arith.muli %mul3A_96, %add3A_95 : i32
      %rem3A_98 = arith.constant 4 : i32
      %rem3A_99 = arith.constant 7 : i32
      %rem3A_100 = arith.remsi %rem3A_98, %rem3A_99 : i32
      %dma_start3A_101 = arith.constant 0 : i32
      %dma_start3A_102 = arith.constant 0 : i32
      %dma_start3A_103 = tpu.memref_slice %arg8[%rem3A_100, %dma_start3A_101, %dma_start3A_102] : memref<7x2x128xi32, #tpu.memory_space<vmem>> -> memref<1x2x128xi32, #tpu.memory_space<vmem>>
      %dma_start3A_104 = tpu.memref_squeeze %dma_start3A_103 : memref<1x2x128xi32, #tpu.memory_space<vmem>> -> memref<2x128xi32, #tpu.memory_space<vmem>>
      %dma_start3A_105 = arith.constant 0 : i32
      %dma_start3A_106 = tpu.memref_slice %arg4[%mul3A_97, %dma_start3A_105] : memref<12500x128xi32, #tpu.memory_space<hbm>> -> memref<2x128xi32, #tpu.memory_space<hbm>>
      %dma_start3A_107 = arith.constant 0 : i32
      %dma_start3A_108 = arith.constant 0 : i32
      %dma_start3A_109 = tpu.memref_slice %arg8[%rem3A_100, %dma_start3A_107, %dma_start3A_108] : memref<7x2x128xi32, #tpu.memory_space<vmem>> -> memref<1x2x128xi32, #tpu.memory_space<vmem>>
      %dma_start3A_110 = tpu.memref_squeeze %dma_start3A_109 : memref<1x2x128xi32, #tpu.memory_space<vmem>> -> memref<2x128xi32, #tpu.memory_space<vmem>>
      %dma_start3A_111 = arith.constant 0 : i32
      %dma_start3A_112 = tpu.memref_slice %arg4[%mul3A_97, %dma_start3A_111] : memref<12500x128xi32, #tpu.memory_space<hbm>> -> memref<2x128xi32, #tpu.memory_space<hbm>>
      tpu.enqueue_dma source(%dma_start3A_112 : memref<2x128xi32, #tpu.memory_space<hbm>>) target(%dma_start3A_110 : memref<2x128xi32, #tpu.memory_space<vmem>>) target_semaphore(%arg12 : memref<!tpu.dma_semaphore, #tpu.memory_space<semaphore_mem>>)
      %add3A_113 = arith.constant 5 : i32
      %add3A_114 = arith.addi %add3A, %add3A_113 : i32
      %mul3A_115 = arith.constant 2 : i32
      %mul3A_116 = arith.muli %mul3A_115, %add3A_114 : i32
      %rem3A_117 = arith.constant 5 : i32
      %rem3A_118 = arith.constant 7 : i32
      %rem3A_119 = arith.remsi %rem3A_117, %rem3A_118 : i32
      %dma_start3A_120 = arith.constant 0 : i32
      %dma_start3A_121 = arith.constant 0 : i32
      %dma_start3A_122 = tpu.memref_slice %arg8[%rem3A_119, %dma_start3A_120, %dma_start3A_121] : memref<7x2x128xi32, #tpu.memory_space<vmem>> -> memref<1x2x128xi32, #tpu.memory_space<vmem>>
      %dma_start3A_123 = tpu.memref_squeeze %dma_start3A_122 : memref<1x2x128xi32, #tpu.memory_space<vmem>> -> memref<2x128xi32, #tpu.memory_space<vmem>>
      %dma_start3A_124 = arith.constant 0 : i32
      %dma_start3A_125 = tpu.memref_slice %arg4[%mul3A_116, %dma_start3A_124] : memref<12500x128xi32, #tpu.memory_space<hbm>> -> memref<2x128xi32, #tpu.memory_space<hbm>>
      %dma_start3A_126 = arith.constant 0 : i32
      %dma_start3A_127 = arith.constant 0 : i32
      %dma_start3A_128 = tpu.memref_slice %arg8[%rem3A_119, %dma_start3A_126, %dma_start3A_127] : memref<7x2x128xi32, #tpu.memory_space<vmem>> -> memref<1x2x128xi32, #tpu.memory_space<vmem>>
      %dma_start3A_129 = tpu.memref_squeeze %dma_start3A_128 : memref<1x2x128xi32, #tpu.memory_space<vmem>> -> memref<2x128xi32, #tpu.memory_space<vmem>>
      %dma_start3A_130 = arith.constant 0 : i32
      %dma_start3A_131 = tpu.memref_slice %arg4[%mul3A_116, %dma_start3A_130] : memref<12500x128xi32, #tpu.memory_space<hbm>> -> memref<2x128xi32, #tpu.memory_space<hbm>>
      tpu.enqueue_dma source(%dma_start3A_131 : memref<2x128xi32, #tpu.memory_space<hbm>>) target(%dma_start3A_129 : memref<2x128xi32, #tpu.memory_space<vmem>>) target_semaphore(%arg12 : memref<!tpu.dma_semaphore, #tpu.memory_space<semaphore_mem>>)
      %add3A_132 = arith.constant 0 : i32
      %add3A_133 = arith.addi %add3A, %add3A_132 : i32
      %mul3A_134 = arith.constant 2 : i32
      %mul3A_135 = arith.muli %mul3A_134, %add3A_133 : i32
      %rem3A_136 = arith.constant 0 : i32
      %rem3A_137 = arith.constant 7 : i32
      %rem3A_138 = arith.remsi %rem3A_136, %rem3A_137 : i32
      %dma_wait3A = arith.constant 0 : i32
      %dma_wait3A_139 = arith.constant 0 : i32
      %dma_wait3A_140 = tpu.memref_slice %arg8[%rem3A_138, %dma_wait3A, %dma_wait3A_139] : memref<7x2x128xi32, #tpu.memory_space<vmem>> -> memref<1x2x128xi32, #tpu.memory_space<vmem>>
      %dma_wait3A_141 = tpu.memref_squeeze %dma_wait3A_140 : memref<1x2x128xi32, #tpu.memory_space<vmem>> -> memref<2x128xi32, #tpu.memory_space<vmem>>
      %dma_wait3A_142 = arith.constant 0 : i32
      %dma_wait3A_143 = tpu.memref_slice %arg4[%mul3A_135, %dma_wait3A_142] : memref<12500x128xi32, #tpu.memory_space<hbm>> -> memref<2x128xi32, #tpu.memory_space<hbm>>
      %dma_wait3A_144 = arith.constant 0 : i32
      %dma_wait3A_145 = arith.constant 0 : i32
      %dma_wait3A_146 = tpu.memref_slice %arg8[%rem3A_138, %dma_wait3A_144, %dma_wait3A_145] : memref<7x2x128xi32, #tpu.memory_space<vmem>> -> memref<1x2x128xi32, #tpu.memory_space<vmem>>
      %dma_wait3A_147 = tpu.memref_squeeze %dma_wait3A_146 : memref<1x2x128xi32, #tpu.memory_space<vmem>> -> memref<2x128xi32, #tpu.memory_space<vmem>>
      %dma_wait3A_148 = arith.constant 0 : i32
      %dma_wait3A_149 = tpu.memref_slice %arg4[%mul3A_135, %dma_wait3A_148] : memref<12500x128xi32, #tpu.memory_space<hbm>> -> memref<2x128xi32, #tpu.memory_space<hbm>>
      tpu.wait_dma2 semaphore(%arg12 : memref<!tpu.dma_semaphore, #tpu.memory_space<semaphore_mem>>) src(%dma_wait3A_149 : memref<2x128xi32, #tpu.memory_space<hbm>>) dst(%dma_wait3A_147 : memref<2x128xi32, #tpu.memory_space<vmem>>)
      %rem3A_150 = arith.constant 0 : i32
      %rem3A_151 = arith.constant 7 : i32
      %rem3A_152 = arith.remsi %rem3A_150, %rem3A_151 : i32
      %rem3A_153 = arith.constant 0 : i32
      %rem3A_154 = arith.constant 5 : i32
      %rem3A_155 = arith.remsi %rem3A_153, %rem3A_154 : i32
      %dma_start3A_156 = arith.constant 0 : i32
      %dma_start3A_157 = arith.constant 0 : i32
      %dma_start3A_158 = arith.constant 0 : i32
      %dma_start3A_159 = tpu.memref_slice %arg9[%rem3A_155, %dma_start3A_157, %dma_start3A_158] : memref<5x128x32xf32, #tpu.memory_space<vmem>> -> memref<1x128x32xf32, #tpu.memory_space<vmem>>
      %dma_start3A_160 = tpu.memref_squeeze %dma_start3A_159 : memref<1x128x32xf32, #tpu.memory_space<vmem>> -> memref<128x32xf32, #tpu.memory_space<vmem>>
      %dma_start3A_161 = arith.constant 0 : i32
      %dma_start3A_162 = tpu.memref_slice %arg8[%rem3A_152, %dma_start3A_156, %dma_start3A_161] : memref<7x2x128xi32, #tpu.memory_space<vmem>> -> memref<1x1x128xi32, #tpu.memory_space<vmem>>
      %dma_start3A_163 = tpu.memref_squeeze %dma_start3A_162 : memref<1x1x128xi32, #tpu.memory_space<vmem>> -> memref<128xi32, #tpu.memory_space<vmem>>
      %dma_start3A_164 = arith.constant 0 : i32
      %dma_start3A_165 = arith.constant 0 : i32
      %dma_start3A_166 = tpu.memref_slice %arg3[%dma_start3A_164, %dma_start3A_165] : memref<51200x32xf32, #tpu.memory_space<hbm>> -> memref<51200x32xf32, #tpu.memory_space<hbm>>
      tpu.enqueue_indirect_dma source(%dma_start3A_166 : memref<51200x32xf32, #tpu.memory_space<hbm>>) target(%dma_start3A_160 : memref<128x32xf32, #tpu.memory_space<vmem>>) offsets(%dma_start3A_163 : memref<128xi32, #tpu.memory_space<vmem>>) semaphore(%arg13 : memref<!tpu.dma_semaphore, #tpu.memory_space<semaphore_mem>>)
      %add3A_167 = arith.constant 1 : i32
      %add3A_168 = arith.addi %add3A, %add3A_167 : i32
      %mul3A_169 = arith.constant 2 : i32
      %mul3A_170 = arith.muli %mul3A_169, %add3A_168 : i32
      %rem3A_171 = arith.constant 1 : i32
      %rem3A_172 = arith.constant 7 : i32
      %rem3A_173 = arith.remsi %rem3A_171, %rem3A_172 : i32
      %dma_wait3A_174 = arith.constant 0 : i32
      %dma_wait3A_175 = arith.constant 0 : i32
      %dma_wait3A_176 = tpu.memref_slice %arg8[%rem3A_173, %dma_wait3A_174, %dma_wait3A_175] : memref<7x2x128xi32, #tpu.memory_space<vmem>> -> memref<1x2x128xi32, #tpu.memory_space<vmem>>
      %dma_wait3A_177 = tpu.memref_squeeze %dma_wait3A_176 : memref<1x2x128xi32, #tpu.memory_space<vmem>> -> memref<2x128xi32, #tpu.memory_space<vmem>>
      %dma_wait3A_178 = arith.constant 0 : i32
      %dma_wait3A_179 = tpu.memref_slice %arg4[%mul3A_170, %dma_wait3A_178] : memref<12500x128xi32, #tpu.memory_space<hbm>> -> memref<2x128xi32, #tpu.memory_space<hbm>>
      %dma_wait3A_180 = arith.constant 0 : i32
      %dma_wait3A_181 = arith.constant 0 : i32
      %dma_wait3A_182 = tpu.memref_slice %arg8[%rem3A_173, %dma_wait3A_180, %dma_wait3A_181] : memref<7x2x128xi32, #tpu.memory_space<vmem>> -> memref<1x2x128xi32, #tpu.memory_space<vmem>>
      %dma_wait3A_183 = tpu.memref_squeeze %dma_wait3A_182 : memref<1x2x128xi32, #tpu.memory_space<vmem>> -> memref<2x128xi32, #tpu.memory_space<vmem>>
      %dma_wait3A_184 = arith.constant 0 : i32
      %dma_wait3A_185 = tpu.memref_slice %arg4[%mul3A_170, %dma_wait3A_184] : memref<12500x128xi32, #tpu.memory_space<hbm>> -> memref<2x128xi32, #tpu.memory_space<hbm>>
      tpu.wait_dma2 semaphore(%arg12 : memref<!tpu.dma_semaphore, #tpu.memory_space<semaphore_mem>>) src(%dma_wait3A_185 : memref<2x128xi32, #tpu.memory_space<hbm>>) dst(%dma_wait3A_183 : memref<2x128xi32, #tpu.memory_space<vmem>>)
      %rem3A_186 = arith.constant 1 : i32
      %rem3A_187 = arith.constant 7 : i32
      %rem3A_188 = arith.remsi %rem3A_186, %rem3A_187 : i32
      %rem3A_189 = arith.constant 1 : i32
      %rem3A_190 = arith.constant 5 : i32
      %rem3A_191 = arith.remsi %rem3A_189, %rem3A_190 : i32
      %dma_start3A_192 = arith.constant 0 : i32
      %dma_start3A_193 = arith.constant 0 : i32
      %dma_start3A_194 = arith.constant 0 : i32
      %dma_start3A_195 = tpu.memref_slice %arg9[%rem3A_191, %dma_start3A_193, %dma_start3A_194] : memref<5x128x32xf32, #tpu.memory_space<vmem>> -> memref<1x128x32xf32, #tpu.memory_space<vmem>>
      %dma_start3A_196 = tpu.memref_squeeze %dma_start3A_195 : memref<1x128x32xf32, #tpu.memory_space<vmem>> -> memref<128x32xf32, #tpu.memory_space<vmem>>
      %dma_start3A_197 = arith.constant 0 : i32
      %dma_start3A_198 = tpu.memref_slice %arg8[%rem3A_188, %dma_start3A_192, %dma_start3A_197] : memref<7x2x128xi32, #tpu.memory_space<vmem>> -> memref<1x1x128xi32, #tpu.memory_space<vmem>>
      %dma_start3A_199 = tpu.memref_squeeze %dma_start3A_198 : memref<1x1x128xi32, #tpu.memory_space<vmem>> -> memref<128xi32, #tpu.memory_space<vmem>>
      %dma_start3A_200 = arith.constant 0 : i32
      %dma_start3A_201 = arith.constant 0 : i32
      %dma_start3A_202 = tpu.memref_slice %arg3[%dma_start3A_200, %dma_start3A_201] : memref<51200x32xf32, #tpu.memory_space<hbm>> -> memref<51200x32xf32, #tpu.memory_space<hbm>>
      tpu.enqueue_indirect_dma source(%dma_start3A_202 : memref<51200x32xf32, #tpu.memory_space<hbm>>) target(%dma_start3A_196 : memref<128x32xf32, #tpu.memory_space<vmem>>) offsets(%dma_start3A_199 : memref<128xi32, #tpu.memory_space<vmem>>) semaphore(%arg13 : memref<!tpu.dma_semaphore, #tpu.memory_space<semaphore_mem>>)
      %add3A_203 = arith.constant 2 : i32
      %add3A_204 = arith.addi %add3A, %add3A_203 : i32
      %mul3A_205 = arith.constant 2 : i32
      %mul3A_206 = arith.muli %mul3A_205, %add3A_204 : i32
      %rem3A_207 = arith.constant 2 : i32
      %rem3A_208 = arith.constant 7 : i32
      %rem3A_209 = arith.remsi %rem3A_207, %rem3A_208 : i32
      %dma_wait3A_210 = arith.constant 0 : i32
      %dma_wait3A_211 = arith.constant 0 : i32
      %dma_wait3A_212 = tpu.memref_slice %arg8[%rem3A_209, %dma_wait3A_210, %dma_wait3A_211] : memref<7x2x128xi32, #tpu.memory_space<vmem>> -> memref<1x2x128xi32, #tpu.memory_space<vmem>>
      %dma_wait3A_213 = tpu.memref_squeeze %dma_wait3A_212 : memref<1x2x128xi32, #tpu.memory_space<vmem>> -> memref<2x128xi32, #tpu.memory_space<vmem>>
      %dma_wait3A_214 = arith.constant 0 : i32
      %dma_wait3A_215 = tpu.memref_slice %arg4[%mul3A_206, %dma_wait3A_214] : memref<12500x128xi32, #tpu.memory_space<hbm>> -> memref<2x128xi32, #tpu.memory_space<hbm>>
      %dma_wait3A_216 = arith.constant 0 : i32
      %dma_wait3A_217 = arith.constant 0 : i32
      %dma_wait3A_218 = tpu.memref_slice %arg8[%rem3A_209, %dma_wait3A_216, %dma_wait3A_217] : memref<7x2x128xi32, #tpu.memory_space<vmem>> -> memref<1x2x128xi32, #tpu.memory_space<vmem>>
      %dma_wait3A_219 = tpu.memref_squeeze %dma_wait3A_218 : memref<1x2x128xi32, #tpu.memory_space<vmem>> -> memref<2x128xi32, #tpu.memory_space<vmem>>
      %dma_wait3A_220 = arith.constant 0 : i32
      %dma_wait3A_221 = tpu.memref_slice %arg4[%mul3A_206, %dma_wait3A_220] : memref<12500x128xi32, #tpu.memory_space<hbm>> -> memref<2x128xi32, #tpu.memory_space<hbm>>
      tpu.wait_dma2 semaphore(%arg12 : memref<!tpu.dma_semaphore, #tpu.memory_space<semaphore_mem>>) src(%dma_wait3A_221 : memref<2x128xi32, #tpu.memory_space<hbm>>) dst(%dma_wait3A_219 : memref<2x128xi32, #tpu.memory_space<vmem>>)
      %rem3A_222 = arith.constant 2 : i32
      %rem3A_223 = arith.constant 7 : i32
      %rem3A_224 = arith.remsi %rem3A_222, %rem3A_223 : i32
      %rem3A_225 = arith.constant 2 : i32
      %rem3A_226 = arith.constant 5 : i32
      %rem3A_227 = arith.remsi %rem3A_225, %rem3A_226 : i32
      %dma_start3A_228 = arith.constant 0 : i32
      %dma_start3A_229 = arith.constant 0 : i32
      %dma_start3A_230 = arith.constant 0 : i32
      %dma_start3A_231 = tpu.memref_slice %arg9[%rem3A_227, %dma_start3A_229, %dma_start3A_230] : memref<5x128x32xf32, #tpu.memory_space<vmem>> -> memref<1x128x32xf32, #tpu.memory_space<vmem>>
      %dma_start3A_232 = tpu.memref_squeeze %dma_start3A_231 : memref<1x128x32xf32, #tpu.memory_space<vmem>> -> memref<128x32xf32, #tpu.memory_space<vmem>>
      %dma_start3A_233 = arith.constant 0 : i32
      %dma_start3A_234 = tpu.memref_slice %arg8[%rem3A_224, %dma_start3A_228, %dma_start3A_233] : memref<7x2x128xi32, #tpu.memory_space<vmem>> -> memref<1x1x128xi32, #tpu.memory_space<vmem>>
      %dma_start3A_235 = tpu.memref_squeeze %dma_start3A_234 : memref<1x1x128xi32, #tpu.memory_space<vmem>> -> memref<128xi32, #tpu.memory_space<vmem>>
      %dma_start3A_236 = arith.constant 0 : i32
      %dma_start3A_237 = arith.constant 0 : i32
      %dma_start3A_238 = tpu.memref_slice %arg3[%dma_start3A_236, %dma_start3A_237] : memref<51200x32xf32, #tpu.memory_space<hbm>> -> memref<51200x32xf32, #tpu.memory_space<hbm>>
      tpu.enqueue_indirect_dma source(%dma_start3A_238 : memref<51200x32xf32, #tpu.memory_space<hbm>>) target(%dma_start3A_232 : memref<128x32xf32, #tpu.memory_space<vmem>>) offsets(%dma_start3A_235 : memref<128xi32, #tpu.memory_space<vmem>>) semaphore(%arg13 : memref<!tpu.dma_semaphore, #tpu.memory_space<semaphore_mem>>)
      %add3A_239 = arith.constant 3 : i32
      %add3A_240 = arith.addi %add3A, %add3A_239 : i32
      %mul3A_241 = arith.constant 2 : i32
      %mul3A_242 = arith.muli %mul3A_241, %add3A_240 : i32
      %rem3A_243 = arith.constant 3 : i32
      %rem3A_244 = arith.constant 7 : i32
      %rem3A_245 = arith.remsi %rem3A_243, %rem3A_244 : i32
      %dma_wait3A_246 = arith.constant 0 : i32
      %dma_wait3A_247 = arith.constant 0 : i32
      %dma_wait3A_248 = tpu.memref_slice %arg8[%rem3A_245, %dma_wait3A_246, %dma_wait3A_247] : memref<7x2x128xi32, #tpu.memory_space<vmem>> -> memref<1x2x128xi32, #tpu.memory_space<vmem>>
      %dma_wait3A_249 = tpu.memref_squeeze %dma_wait3A_248 : memref<1x2x128xi32, #tpu.memory_space<vmem>> -> memref<2x128xi32, #tpu.memory_space<vmem>>
      %dma_wait3A_250 = arith.constant 0 : i32
      %dma_wait3A_251 = tpu.memref_slice %arg4[%mul3A_242, %dma_wait3A_250] : memref<12500x128xi32, #tpu.memory_space<hbm>> -> memref<2x128xi32, #tpu.memory_space<hbm>>
      %dma_wait3A_252 = arith.constant 0 : i32
      %dma_wait3A_253 = arith.constant 0 : i32
      %dma_wait3A_254 = tpu.memref_slice %arg8[%rem3A_245, %dma_wait3A_252, %dma_wait3A_253] : memref<7x2x128xi32, #tpu.memory_space<vmem>> -> memref<1x2x128xi32, #tpu.memory_space<vmem>>
      %dma_wait3A_255 = tpu.memref_squeeze %dma_wait3A_254 : memref<1x2x128xi32, #tpu.memory_space<vmem>> -> memref<2x128xi32, #tpu.memory_space<vmem>>
      %dma_wait3A_256 = arith.constant 0 : i32
      %dma_wait3A_257 = tpu.memref_slice %arg4[%mul3A_242, %dma_wait3A_256] : memref<12500x128xi32, #tpu.memory_space<hbm>> -> memref<2x128xi32, #tpu.memory_space<hbm>>
      tpu.wait_dma2 semaphore(%arg12 : memref<!tpu.dma_semaphore, #tpu.memory_space<semaphore_mem>>) src(%dma_wait3A_257 : memref<2x128xi32, #tpu.memory_space<hbm>>) dst(%dma_wait3A_255 : memref<2x128xi32, #tpu.memory_space<vmem>>)
      %rem3A_258 = arith.constant 3 : i32
      %rem3A_259 = arith.constant 7 : i32
      %rem3A_260 = arith.remsi %rem3A_258, %rem3A_259 : i32
      %rem3A_261 = arith.constant 3 : i32
      %rem3A_262 = arith.constant 5 : i32
      %rem3A_263 = arith.remsi %rem3A_261, %rem3A_262 : i32
      %dma_start3A_264 = arith.constant 0 : i32
      %dma_start3A_265 = arith.constant 0 : i32
      %dma_start3A_266 = arith.constant 0 : i32
      %dma_start3A_267 = tpu.memref_slice %arg9[%rem3A_263, %dma_start3A_265, %dma_start3A_266] : memref<5x128x32xf32, #tpu.memory_space<vmem>> -> memref<1x128x32xf32, #tpu.memory_space<vmem>>
      %dma_start3A_268 = tpu.memref_squeeze %dma_start3A_267 : memref<1x128x32xf32, #tpu.memory_space<vmem>> -> memref<128x32xf32, #tpu.memory_space<vmem>>
      %dma_start3A_269 = arith.constant 0 : i32
      %dma_start3A_270 = tpu.memref_slice %arg8[%rem3A_260, %dma_start3A_264, %dma_start3A_269] : memref<7x2x128xi32, #tpu.memory_space<vmem>> -> memref<1x1x128xi32, #tpu.memory_space<vmem>>
      %dma_start3A_271 = tpu.memref_squeeze %dma_start3A_270 : memref<1x1x128xi32, #tpu.memory_space<vmem>> -> memref<128xi32, #tpu.memory_space<vmem>>
      %dma_start3A_272 = arith.constant 0 : i32
      %dma_start3A_273 = arith.constant 0 : i32
      %dma_start3A_274 = tpu.memref_slice %arg3[%dma_start3A_272, %dma_start3A_273] : memref<51200x32xf32, #tpu.memory_space<hbm>> -> memref<51200x32xf32, #tpu.memory_space<hbm>>
      tpu.enqueue_indirect_dma source(%dma_start3A_274 : memref<51200x32xf32, #tpu.memory_space<hbm>>) target(%dma_start3A_268 : memref<128x32xf32, #tpu.memory_space<vmem>>) offsets(%dma_start3A_271 : memref<128xi32, #tpu.memory_space<vmem>>) semaphore(%arg13 : memref<!tpu.dma_semaphore, #tpu.memory_space<semaphore_mem>>)
      %while3A = arith.constant 0 : i32
      %while3A_275 = arith.constant 0 : i32
      %while3A_276 = arith.subi %add3A_12, %while3A_275 : i32
      %while3A_277 = arith.addi %while3A_275, %while3A_276 : i32
      %while3A_278 = arith.constant 1 : i32
      %while3A_279 = arith.divsi %while3A_276, %while3A_278 : i32
      %while3A_280 = arith.muli %while3A_279, %while3A_278 : i32
      %while3A_281 = arith.addi %while3A_275, %while3A_280 : i32
      %while3A_282 = arith.constant 1 : i32
      scf.for %while3A_307 = %while3A_275 to %while3A_281 step %while3A_282  : i32 {
        %add3A_308 = arith.constant 4 : i32
        %add3A_309 = arith.addi %while3A_307, %add3A_308 : i32
        %lt3A_310 = arith.cmpi slt, %add3A_309, %add3A_12 : i32
        %convert_element_type3A_311 = arith.extui %lt3A_310 : i1 to i32
        %cond3A_312 = arith.constant 0 : i32
        %cond3A_313 = arith.cmpi ne, %convert_element_type3A_311, %cond3A_312 : i32
        scf.if %cond3A_313 {
          %add3A_362 = arith.constant 4 : i32
          %add3A_363 = arith.addi %while3A_307, %add3A_362 : i32
          %add3A_364 = arith.addi %add3A, %add3A_363 : i32
          %mul3A_365 = arith.constant 2 : i32
          %mul3A_366 = arith.muli %mul3A_365, %add3A_364 : i32
          %rem3A_367 = arith.constant 7 : i32
          %rem3A_368 = arith.remsi %add3A_363, %rem3A_367 : i32
          %dma_wait3A_369 = arith.constant 0 : i32
          %dma_wait3A_370 = arith.constant 0 : i32
          %dma_wait3A_371 = tpu.memref_slice %arg8[%rem3A_368, %dma_wait3A_369, %dma_wait3A_370] : memref<7x2x128xi32, #tpu.memory_space<vmem>> -> memref<1x2x128xi32, #tpu.memory_space<vmem>>
          %dma_wait3A_372 = tpu.memref_squeeze %dma_wait3A_371 : memref<1x2x128xi32, #tpu.memory_space<vmem>> -> memref<2x128xi32, #tpu.memory_space<vmem>>
          %dma_wait3A_373 = arith.constant 0 : i32
          %dma_wait3A_374 = tpu.memref_slice %arg4[%mul3A_366, %dma_wait3A_373] : memref<12500x128xi32, #tpu.memory_space<hbm>> -> memref<2x128xi32, #tpu.memory_space<hbm>>
          %dma_wait3A_375 = arith.constant 0 : i32
          %dma_wait3A_376 = arith.constant 0 : i32
          %dma_wait3A_377 = tpu.memref_slice %arg8[%rem3A_368, %dma_wait3A_375, %dma_wait3A_376] : memref<7x2x128xi32, #tpu.memory_space<vmem>> -> memref<1x2x128xi32, #tpu.memory_space<vmem>>
          %dma_wait3A_378 = tpu.memref_squeeze %dma_wait3A_377 : memref<1x2x128xi32, #tpu.memory_space<vmem>> -> memref<2x128xi32, #tpu.memory_space<vmem>>
          %dma_wait3A_379 = arith.constant 0 : i32
          %dma_wait3A_380 = tpu.memref_slice %arg4[%mul3A_366, %dma_wait3A_379] : memref<12500x128xi32, #tpu.memory_space<hbm>> -> memref<2x128xi32, #tpu.memory_space<hbm>>
          tpu.wait_dma2 semaphore(%arg12 : memref<!tpu.dma_semaphore, #tpu.memory_space<semaphore_mem>>) src(%dma_wait3A_380 : memref<2x128xi32, #tpu.memory_space<hbm>>) dst(%dma_wait3A_378 : memref<2x128xi32, #tpu.memory_space<vmem>>)
        } else {
        }
        %gt3A = arith.constant 0 : i32
        %gt3A_314 = arith.cmpi sgt, %while3A_307, %gt3A : i32
        %convert_element_type3A_315 = arith.extui %gt3A_314 : i1 to i32
        %cond3A_316 = arith.constant 0 : i32
        %cond3A_317 = arith.cmpi ne, %convert_element_type3A_315, %cond3A_316 : i32
        scf.if %cond3A_317 {
          %sub3A_362 = arith.constant 1 : i32
          %sub3A_363 = arith.subi %while3A_307, %sub3A_362 : i32
          %rem3A_364 = arith.constant 5 : i32
          %rem3A_365 = arith.remsi %sub3A_363, %rem3A_364 : i32
          %rem3A_366 = arith.constant 7 : i32
          %rem3A_367 = arith.remsi %sub3A_363, %rem3A_366 : i32
          %dma_wait3A_368 = arith.constant 1 : i32
          %dma_wait3A_369 = arith.constant 0 : i32
          %dma_wait3A_370 = arith.constant 0 : i32
          %dma_wait3A_371 = tpu.memref_slice %arg9[%rem3A_365, %dma_wait3A_369, %dma_wait3A_370] : memref<5x128x32xf32, #tpu.memory_space<vmem>> -> memref<1x128x32xf32, #tpu.memory_space<vmem>>
          %dma_wait3A_372 = tpu.memref_squeeze %dma_wait3A_371 : memref<1x128x32xf32, #tpu.memory_space<vmem>> -> memref<128x32xf32, #tpu.memory_space<vmem>>
          %dma_wait3A_373 = arith.constant 0 : i32
          %dma_wait3A_374 = tpu.memref_slice %arg8[%rem3A_367, %dma_wait3A_368, %dma_wait3A_373] : memref<7x2x128xi32, #tpu.memory_space<vmem>> -> memref<1x1x128xi32, #tpu.memory_space<vmem>>
          %dma_wait3A_375 = tpu.memref_squeeze %dma_wait3A_374 : memref<1x1x128xi32, #tpu.memory_space<vmem>> -> memref<128xi32, #tpu.memory_space<vmem>>
          %dma_wait3A_376 = arith.constant 0 : i32
          %dma_wait3A_377 = arith.constant 0 : i32
          %dma_wait3A_378 = tpu.memref_slice %arg11[%dma_wait3A_376, %dma_wait3A_377] : memref<51200x32xf32, #tpu.memory_space<vmem_shared>> -> memref<51200x32xf32, #tpu.memory_space<vmem_shared>>
          tpu.wait_indirect_dma semaphore(%arg14 : memref<!tpu.dma_semaphore, #tpu.memory_space<semaphore_mem>>) src(%dma_wait3A_372 : memref<128x32xf32, #tpu.memory_space<vmem>>) dst(%dma_wait3A_378 : memref<51200x32xf32, #tpu.memory_space<vmem_shared>>)
        } else {
        }
        %add3A_318 = arith.constant 4 : i32
        %add3A_319 = arith.addi %while3A_307, %add3A_318 : i32
        %add3A_320 = arith.constant 2 : i32
        %add3A_321 = arith.addi %add3A_319, %add3A_320 : i32
        %lt3A_322 = arith.cmpi slt, %add3A_321, %add3A_12 : i32
        %convert_element_type3A_323 = arith.extui %lt3A_322 : i1 to i32
        %cond3A_324 = arith.constant 0 : i32
        %cond3A_325 = arith.cmpi ne, %convert_element_type3A_323, %cond3A_324 : i32
        scf.if %cond3A_325 {
          %add3A_362 = arith.constant 4 : i32
          %add3A_363 = arith.addi %while3A_307, %add3A_362 : i32
          %add3A_364 = arith.constant 2 : i32
          %add3A_365 = arith.addi %add3A_363, %add3A_364 : i32
          %add3A_366 = arith.addi %add3A, %add3A_365 : i32
          %mul3A_367 = arith.constant 2 : i32
          %mul3A_368 = arith.muli %mul3A_367, %add3A_366 : i32
          %rem3A_369 = arith.constant 7 : i32
          %rem3A_370 = arith.remsi %add3A_365, %rem3A_369 : i32
          %dma_start3A_371 = arith.constant 0 : i32
          %dma_start3A_372 = arith.constant 0 : i32
          %dma_start3A_373 = tpu.memref_slice %arg8[%rem3A_370, %dma_start3A_371, %dma_start3A_372] : memref<7x2x128xi32, #tpu.memory_space<vmem>> -> memref<1x2x128xi32, #tpu.memory_space<vmem>>
          %dma_start3A_374 = tpu.memref_squeeze %dma_start3A_373 : memref<1x2x128xi32, #tpu.memory_space<vmem>> -> memref<2x128xi32, #tpu.memory_space<vmem>>
          %dma_start3A_375 = arith.constant 0 : i32
          %dma_start3A_376 = tpu.memref_slice %arg4[%mul3A_368, %dma_start3A_375] : memref<12500x128xi32, #tpu.memory_space<hbm>> -> memref<2x128xi32, #tpu.memory_space<hbm>>
          %dma_start3A_377 = arith.constant 0 : i32
          %dma_start3A_378 = arith.constant 0 : i32
          %dma_start3A_379 = tpu.memref_slice %arg8[%rem3A_370, %dma_start3A_377, %dma_start3A_378] : memref<7x2x128xi32, #tpu.memory_space<vmem>> -> memref<1x2x128xi32, #tpu.memory_space<vmem>>
          %dma_start3A_380 = tpu.memref_squeeze %dma_start3A_379 : memref<1x2x128xi32, #tpu.memory_space<vmem>> -> memref<2x128xi32, #tpu.memory_space<vmem>>
          %dma_start3A_381 = arith.constant 0 : i32
          %dma_start3A_382 = tpu.memref_slice %arg4[%mul3A_368, %dma_start3A_381] : memref<12500x128xi32, #tpu.memory_space<hbm>> -> memref<2x128xi32, #tpu.memory_space<hbm>>
          tpu.enqueue_dma source(%dma_start3A_382 : memref<2x128xi32, #tpu.memory_space<hbm>>) target(%dma_start3A_380 : memref<2x128xi32, #tpu.memory_space<vmem>>) target_semaphore(%arg12 : memref<!tpu.dma_semaphore, #tpu.memory_space<semaphore_mem>>)
        } else {
        }
        %rem3A_326 = arith.constant 7 : i32
        %rem3A_327 = arith.remsi %while3A_307, %rem3A_326 : i32
        %rem3A_328 = arith.constant 5 : i32
        %rem3A_329 = arith.remsi %while3A_307, %rem3A_328 : i32
        %dma_wait3A_330 = arith.constant 0 : i32
        %dma_wait3A_331 = arith.constant 0 : i32
        %dma_wait3A_332 = arith.constant 0 : i32
        %dma_wait3A_333 = tpu.memref_slice %arg9[%rem3A_329, %dma_wait3A_331, %dma_wait3A_332] : memref<5x128x32xf32, #tpu.memory_space<vmem>> -> memref<1x128x32xf32, #tpu.memory_space<vmem>>
        %dma_wait3A_334 = tpu.memref_squeeze %dma_wait3A_333 : memref<1x128x32xf32, #tpu.memory_space<vmem>> -> memref<128x32xf32, #tpu.memory_space<vmem>>
        %dma_wait3A_335 = arith.constant 0 : i32
        %dma_wait3A_336 = tpu.memref_slice %arg8[%rem3A_327, %dma_wait3A_330, %dma_wait3A_335] : memref<7x2x128xi32, #tpu.memory_space<vmem>> -> memref<1x1x128xi32, #tpu.memory_space<vmem>>
        %dma_wait3A_337 = tpu.memref_squeeze %dma_wait3A_336 : memref<1x1x128xi32, #tpu.memory_space<vmem>> -> memref<128xi32, #tpu.memory_space<vmem>>
        %dma_wait3A_338 = arith.constant 0 : i32
        %dma_wait3A_339 = arith.constant 0 : i32
        %dma_wait3A_340 = tpu.memref_slice %arg3[%dma_wait3A_338, %dma_wait3A_339] : memref<51200x32xf32, #tpu.memory_space<hbm>> -> memref<51200x32xf32, #tpu.memory_space<hbm>>
        tpu.wait_indirect_dma semaphore(%arg13 : memref<!tpu.dma_semaphore, #tpu.memory_space<semaphore_mem>>) src(%dma_wait3A_340 : memref<51200x32xf32, #tpu.memory_space<hbm>>) dst(%dma_wait3A_334 : memref<128x32xf32, #tpu.memory_space<vmem>>)
        %add3A_341 = arith.constant 4 : i32
        %add3A_342 = arith.addi %while3A_307, %add3A_341 : i32
        %lt3A_343 = arith.cmpi slt, %add3A_342, %add3A_12 : i32
        %convert_element_type3A_344 = arith.extui %lt3A_343 : i1 to i32
        %cond3A_345 = arith.constant 0 : i32
        %cond3A_346 = arith.cmpi ne, %convert_element_type3A_344, %cond3A_345 : i32
        scf.if %cond3A_346 {
          %add3A_362 = arith.constant 4 : i32
          %add3A_363 = arith.addi %while3A_307, %add3A_362 : i32
          %rem3A_364 = arith.constant 7 : i32
          %rem3A_365 = arith.remsi %add3A_363, %rem3A_364 : i32
          %rem3A_366 = arith.constant 5 : i32
          %rem3A_367 = arith.remsi %add3A_363, %rem3A_366 : i32
          %dma_start3A_368 = arith.constant 0 : i32
          %dma_start3A_369 = arith.constant 0 : i32
          %dma_start3A_370 = arith.constant 0 : i32
          %dma_start3A_371 = tpu.memref_slice %arg9[%rem3A_367, %dma_start3A_369, %dma_start3A_370] : memref<5x128x32xf32, #tpu.memory_space<vmem>> -> memref<1x128x32xf32, #tpu.memory_space<vmem>>
          %dma_start3A_372 = tpu.memref_squeeze %dma_start3A_371 : memref<1x128x32xf32, #tpu.memory_space<vmem>> -> memref<128x32xf32, #tpu.memory_space<vmem>>
          %dma_start3A_373 = arith.constant 0 : i32
          %dma_start3A_374 = tpu.memref_slice %arg8[%rem3A_365, %dma_start3A_368, %dma_start3A_373] : memref<7x2x128xi32, #tpu.memory_space<vmem>> -> memref<1x1x128xi32, #tpu.memory_space<vmem>>
          %dma_start3A_375 = tpu.memref_squeeze %dma_start3A_374 : memref<1x1x128xi32, #tpu.memory_space<vmem>> -> memref<128xi32, #tpu.memory_space<vmem>>
          %dma_start3A_376 = arith.constant 0 : i32
          %dma_start3A_377 = arith.constant 0 : i32
          %dma_start3A_378 = tpu.memref_slice %arg3[%dma_start3A_376, %dma_start3A_377] : memref<51200x32xf32, #tpu.memory_space<hbm>> -> memref<51200x32xf32, #tpu.memory_space<hbm>>
          tpu.enqueue_indirect_dma source(%dma_start3A_378 : memref<51200x32xf32, #tpu.memory_space<hbm>>) target(%dma_start3A_372 : memref<128x32xf32, #tpu.memory_space<vmem>>) offsets(%dma_start3A_375 : memref<128xi32, #tpu.memory_space<vmem>>) semaphore(%arg13 : memref<!tpu.dma_semaphore, #tpu.memory_space<semaphore_mem>>)
        } else {
        }
        %rem3A_347 = arith.constant 5 : i32
        %rem3A_348 = arith.remsi %while3A_307, %rem3A_347 : i32
        %rem3A_349 = arith.constant 7 : i32
        %rem3A_350 = arith.remsi %while3A_307, %rem3A_349 : i32
        %dma_start3A_351 = arith.constant 1 : i32
        %dma_start3A_352 = arith.constant 0 : i32
        %dma_start3A_353 = arith.constant 0 : i32
        %dma_start3A_354 = tpu.memref_slice %arg9[%rem3A_348, %dma_start3A_352, %dma_start3A_353] : memref<5x128x32xf32, #tpu.memory_space<vmem>> -> memref<1x128x32xf32, #tpu.memory_space<vmem>>
        %dma_start3A_355 = tpu.memref_squeeze %dma_start3A_354 : memref<1x128x32xf32, #tpu.memory_space<vmem>> -> memref<128x32xf32, #tpu.memory_space<vmem>>
        %dma_start3A_356 = arith.constant 0 : i32
        %dma_start3A_357 = tpu.memref_slice %arg8[%rem3A_350, %dma_start3A_351, %dma_start3A_356] : memref<7x2x128xi32, #tpu.memory_space<vmem>> -> memref<1x1x128xi32, #tpu.memory_space<vmem>>
        %dma_start3A_358 = tpu.memref_squeeze %dma_start3A_357 : memref<1x1x128xi32, #tpu.memory_space<vmem>> -> memref<128xi32, #tpu.memory_space<vmem>>
        %dma_start3A_359 = arith.constant 0 : i32
        %dma_start3A_360 = arith.constant 0 : i32
        %dma_start3A_361 = tpu.memref_slice %arg11[%dma_start3A_359, %dma_start3A_360] : memref<51200x32xf32, #tpu.memory_space<vmem_shared>> -> memref<51200x32xf32, #tpu.memory_space<vmem_shared>>
        tpu.enqueue_indirect_dma source(%dma_start3A_355 : memref<128x32xf32, #tpu.memory_space<vmem>>) target(%dma_start3A_361 : memref<51200x32xf32, #tpu.memory_space<vmem_shared>>) offsets(%dma_start3A_358 : memref<128xi32, #tpu.memory_space<vmem>>) semaphore(%arg14 : memref<!tpu.dma_semaphore, #tpu.memory_space<semaphore_mem>>) {add = true}
      }
      %while3A_283 = arith.constant 1 : i32
      scf.for %while3A_307 = %while3A_281 to %while3A_277 step %while3A_283  : i32 {
        %add3A_308 = arith.constant 4 : i32
        %add3A_309 = arith.addi %while3A_307, %add3A_308 : i32
        %lt3A_310 = arith.cmpi slt, %add3A_309, %add3A_12 : i32
        %convert_element_type3A_311 = arith.extui %lt3A_310 : i1 to i32
        %cond3A_312 = arith.constant 0 : i32
        %cond3A_313 = arith.cmpi ne, %convert_element_type3A_311, %cond3A_312 : i32
        scf.if %cond3A_313 {
          %add3A_362 = arith.constant 4 : i32
          %add3A_363 = arith.addi %while3A_307, %add3A_362 : i32
          %add3A_364 = arith.addi %add3A, %add3A_363 : i32
          %mul3A_365 = arith.constant 2 : i32
          %mul3A_366 = arith.muli %mul3A_365, %add3A_364 : i32
          %rem3A_367 = arith.constant 7 : i32
          %rem3A_368 = arith.remsi %add3A_363, %rem3A_367 : i32
          %dma_wait3A_369 = arith.constant 0 : i32
          %dma_wait3A_370 = arith.constant 0 : i32
          %dma_wait3A_371 = tpu.memref_slice %arg8[%rem3A_368, %dma_wait3A_369, %dma_wait3A_370] : memref<7x2x128xi32, #tpu.memory_space<vmem>> -> memref<1x2x128xi32, #tpu.memory_space<vmem>>
          %dma_wait3A_372 = tpu.memref_squeeze %dma_wait3A_371 : memref<1x2x128xi32, #tpu.memory_space<vmem>> -> memref<2x128xi32, #tpu.memory_space<vmem>>
          %dma_wait3A_373 = arith.constant 0 : i32
          %dma_wait3A_374 = tpu.memref_slice %arg4[%mul3A_366, %dma_wait3A_373] : memref<12500x128xi32, #tpu.memory_space<hbm>> -> memref<2x128xi32, #tpu.memory_space<hbm>>
          %dma_wait3A_375 = arith.constant 0 : i32
          %dma_wait3A_376 = arith.constant 0 : i32
          %dma_wait3A_377 = tpu.memref_slice %arg8[%rem3A_368, %dma_wait3A_375, %dma_wait3A_376] : memref<7x2x128xi32, #tpu.memory_space<vmem>> -> memref<1x2x128xi32, #tpu.memory_space<vmem>>
          %dma_wait3A_378 = tpu.memref_squeeze %dma_wait3A_377 : memref<1x2x128xi32, #tpu.memory_space<vmem>> -> memref<2x128xi32, #tpu.memory_space<vmem>>
          %dma_wait3A_379 = arith.constant 0 : i32
          %dma_wait3A_380 = tpu.memref_slice %arg4[%mul3A_366, %dma_wait3A_379] : memref<12500x128xi32, #tpu.memory_space<hbm>> -> memref<2x128xi32, #tpu.memory_space<hbm>>
          tpu.wait_dma2 semaphore(%arg12 : memref<!tpu.dma_semaphore, #tpu.memory_space<semaphore_mem>>) src(%dma_wait3A_380 : memref<2x128xi32, #tpu.memory_space<hbm>>) dst(%dma_wait3A_378 : memref<2x128xi32, #tpu.memory_space<vmem>>)
        } else {
        }
        %gt3A = arith.constant 0 : i32
        %gt3A_314 = arith.cmpi sgt, %while3A_307, %gt3A : i32
        %convert_element_type3A_315 = arith.extui %gt3A_314 : i1 to i32
        %cond3A_316 = arith.constant 0 : i32
        %cond3A_317 = arith.cmpi ne, %convert_element_type3A_315, %cond3A_316 : i32
        scf.if %cond3A_317 {
          %sub3A_362 = arith.constant 1 : i32
          %sub3A_363 = arith.subi %while3A_307, %sub3A_362 : i32
          %rem3A_364 = arith.constant 5 : i32
          %rem3A_365 = arith.remsi %sub3A_363, %rem3A_364 : i32
          %rem3A_366 = arith.constant 7 : i32
          %rem3A_367 = arith.remsi %sub3A_363, %rem3A_366 : i32
          %dma_wait3A_368 = arith.constant 1 : i32
          %dma_wait3A_369 = arith.constant 0 : i32
          %dma_wait3A_370 = arith.constant 0 : i32
          %dma_wait3A_371 = tpu.memref_slice %arg9[%rem3A_365, %dma_wait3A_369, %dma_wait3A_370] : memref<5x128x32xf32, #tpu.memory_space<vmem>> -> memref<1x128x32xf32, #tpu.memory_space<vmem>>
          %dma_wait3A_372 = tpu.memref_squeeze %dma_wait3A_371 : memref<1x128x32xf32, #tpu.memory_space<vmem>> -> memref<128x32xf32, #tpu.memory_space<vmem>>
          %dma_wait3A_373 = arith.constant 0 : i32
          %dma_wait3A_374 = tpu.memref_slice %arg8[%rem3A_367, %dma_wait3A_368, %dma_wait3A_373] : memref<7x2x128xi32, #tpu.memory_space<vmem>> -> memref<1x1x128xi32, #tpu.memory_space<vmem>>
          %dma_wait3A_375 = tpu.memref_squeeze %dma_wait3A_374 : memref<1x1x128xi32, #tpu.memory_space<vmem>> -> memref<128xi32, #tpu.memory_space<vmem>>
          %dma_wait3A_376 = arith.constant 0 : i32
          %dma_wait3A_377 = arith.constant 0 : i32
          %dma_wait3A_378 = tpu.memref_slice %arg11[%dma_wait3A_376, %dma_wait3A_377] : memref<51200x32xf32, #tpu.memory_space<vmem_shared>> -> memref<51200x32xf32, #tpu.memory_space<vmem_shared>>
          tpu.wait_indirect_dma semaphore(%arg14 : memref<!tpu.dma_semaphore, #tpu.memory_space<semaphore_mem>>) src(%dma_wait3A_372 : memref<128x32xf32, #tpu.memory_space<vmem>>) dst(%dma_wait3A_378 : memref<51200x32xf32, #tpu.memory_space<vmem_shared>>)
        } else {
        }
        %add3A_318 = arith.constant 4 : i32
        %add3A_319 = arith.addi %while3A_307, %add3A_318 : i32
        %add3A_320 = arith.constant 2 : i32
        %add3A_321 = arith.addi %add3A_319, %add3A_320 : i32
        %lt3A_322 = arith.cmpi slt, %add3A_321, %add3A_12 : i32
        %convert_element_type3A_323 = arith.extui %lt3A_322 : i1 to i32
        %cond3A_324 = arith.constant 0 : i32
        %cond3A_325 = arith.cmpi ne, %convert_element_type3A_323, %cond3A_324 : i32
        scf.if %cond3A_325 {
          %add3A_362 = arith.constant 4 : i32
          %add3A_363 = arith.addi %while3A_307, %add3A_362 : i32
          %add3A_364 = arith.constant 2 : i32
          %add3A_365 = arith.addi %add3A_363, %add3A_364 : i32
          %add3A_366 = arith.addi %add3A, %add3A_365 : i32
          %mul3A_367 = arith.constant 2 : i32
          %mul3A_368 = arith.muli %mul3A_367, %add3A_366 : i32
          %rem3A_369 = arith.constant 7 : i32
          %rem3A_370 = arith.remsi %add3A_365, %rem3A_369 : i32
          %dma_start3A_371 = arith.constant 0 : i32
          %dma_start3A_372 = arith.constant 0 : i32
          %dma_start3A_373 = tpu.memref_slice %arg8[%rem3A_370, %dma_start3A_371, %dma_start3A_372] : memref<7x2x128xi32, #tpu.memory_space<vmem>> -> memref<1x2x128xi32, #tpu.memory_space<vmem>>
          %dma_start3A_374 = tpu.memref_squeeze %dma_start3A_373 : memref<1x2x128xi32, #tpu.memory_space<vmem>> -> memref<2x128xi32, #tpu.memory_space<vmem>>
          %dma_start3A_375 = arith.constant 0 : i32
          %dma_start3A_376 = tpu.memref_slice %arg4[%mul3A_368, %dma_start3A_375] : memref<12500x128xi32, #tpu.memory_space<hbm>> -> memref<2x128xi32, #tpu.memory_space<hbm>>
          %dma_start3A_377 = arith.constant 0 : i32
          %dma_start3A_378 = arith.constant 0 : i32
          %dma_start3A_379 = tpu.memref_slice %arg8[%rem3A_370, %dma_start3A_377, %dma_start3A_378] : memref<7x2x128xi32, #tpu.memory_space<vmem>> -> memref<1x2x128xi32, #tpu.memory_space<vmem>>
          %dma_start3A_380 = tpu.memref_squeeze %dma_start3A_379 : memref<1x2x128xi32, #tpu.memory_space<vmem>> -> memref<2x128xi32, #tpu.memory_space<vmem>>
          %dma_start3A_381 = arith.constant 0 : i32
          %dma_start3A_382 = tpu.memref_slice %arg4[%mul3A_368, %dma_start3A_381] : memref<12500x128xi32, #tpu.memory_space<hbm>> -> memref<2x128xi32, #tpu.memory_space<hbm>>
          tpu.enqueue_dma source(%dma_start3A_382 : memref<2x128xi32, #tpu.memory_space<hbm>>) target(%dma_start3A_380 : memref<2x128xi32, #tpu.memory_space<vmem>>) target_semaphore(%arg12 : memref<!tpu.dma_semaphore, #tpu.memory_space<semaphore_mem>>)
        } else {
        }
        %rem3A_326 = arith.constant 7 : i32
        %rem3A_327 = arith.remsi %while3A_307, %rem3A_326 : i32
        %rem3A_328 = arith.constant 5 : i32
        %rem3A_329 = arith.remsi %while3A_307, %rem3A_328 : i32
        %dma_wait3A_330 = arith.constant 0 : i32
        %dma_wait3A_331 = arith.constant 0 : i32
        %dma_wait3A_332 = arith.constant 0 : i32
        %dma_wait3A_333 = tpu.memref_slice %arg9[%rem3A_329, %dma_wait3A_331, %dma_wait3A_332] : memref<5x128x32xf32, #tpu.memory_space<vmem>> -> memref<1x128x32xf32, #tpu.memory_space<vmem>>
        %dma_wait3A_334 = tpu.memref_squeeze %dma_wait3A_333 : memref<1x128x32xf32, #tpu.memory_space<vmem>> -> memref<128x32xf32, #tpu.memory_space<vmem>>
        %dma_wait3A_335 = arith.constant 0 : i32
        %dma_wait3A_336 = tpu.memref_slice %arg8[%rem3A_327, %dma_wait3A_330, %dma_wait3A_335] : memref<7x2x128xi32, #tpu.memory_space<vmem>> -> memref<1x1x128xi32, #tpu.memory_space<vmem>>
        %dma_wait3A_337 = tpu.memref_squeeze %dma_wait3A_336 : memref<1x1x128xi32, #tpu.memory_space<vmem>> -> memref<128xi32, #tpu.memory_space<vmem>>
        %dma_wait3A_338 = arith.constant 0 : i32
        %dma_wait3A_339 = arith.constant 0 : i32
        %dma_wait3A_340 = tpu.memref_slice %arg3[%dma_wait3A_338, %dma_wait3A_339] : memref<51200x32xf32, #tpu.memory_space<hbm>> -> memref<51200x32xf32, #tpu.memory_space<hbm>>
        tpu.wait_indirect_dma semaphore(%arg13 : memref<!tpu.dma_semaphore, #tpu.memory_space<semaphore_mem>>) src(%dma_wait3A_340 : memref<51200x32xf32, #tpu.memory_space<hbm>>) dst(%dma_wait3A_334 : memref<128x32xf32, #tpu.memory_space<vmem>>)
        %add3A_341 = arith.constant 4 : i32
        %add3A_342 = arith.addi %while3A_307, %add3A_341 : i32
        %lt3A_343 = arith.cmpi slt, %add3A_342, %add3A_12 : i32
        %convert_element_type3A_344 = arith.extui %lt3A_343 : i1 to i32
        %cond3A_345 = arith.constant 0 : i32
        %cond3A_346 = arith.cmpi ne, %convert_element_type3A_344, %cond3A_345 : i32
        scf.if %cond3A_346 {
          %add3A_362 = arith.constant 4 : i32
          %add3A_363 = arith.addi %while3A_307, %add3A_362 : i32
          %rem3A_364 = arith.constant 7 : i32
          %rem3A_365 = arith.remsi %add3A_363, %rem3A_364 : i32
          %rem3A_366 = arith.constant 5 : i32
          %rem3A_367 = arith.remsi %add3A_363, %rem3A_366 : i32
          %dma_start3A_368 = arith.constant 0 : i32
          %dma_start3A_369 = arith.constant 0 : i32
          %dma_start3A_370 = arith.constant 0 : i32
          %dma_start3A_371 = tpu.memref_slice %arg9[%rem3A_367, %dma_start3A_369, %dma_start3A_370] : memref<5x128x32xf32, #tpu.memory_space<vmem>> -> memref<1x128x32xf32, #tpu.memory_space<vmem>>
          %dma_start3A_372 = tpu.memref_squeeze %dma_start3A_371 : memref<1x128x32xf32, #tpu.memory_space<vmem>> -> memref<128x32xf32, #tpu.memory_space<vmem>>
          %dma_start3A_373 = arith.constant 0 : i32
          %dma_start3A_374 = tpu.memref_slice %arg8[%rem3A_365, %dma_start3A_368, %dma_start3A_373] : memref<7x2x128xi32, #tpu.memory_space<vmem>> -> memref<1x1x128xi32, #tpu.memory_space<vmem>>
          %dma_start3A_375 = tpu.memref_squeeze %dma_start3A_374 : memref<1x1x128xi32, #tpu.memory_space<vmem>> -> memref<128xi32, #tpu.memory_space<vmem>>
          %dma_start3A_376 = arith.constant 0 : i32
          %dma_start3A_377 = arith.constant 0 : i32
          %dma_start3A_378 = tpu.memref_slice %arg3[%dma_start3A_376, %dma_start3A_377] : memref<51200x32xf32, #tpu.memory_space<hbm>> -> memref<51200x32xf32, #tpu.memory_space<hbm>>
          tpu.enqueue_indirect_dma source(%dma_start3A_378 : memref<51200x32xf32, #tpu.memory_space<hbm>>) target(%dma_start3A_372 : memref<128x32xf32, #tpu.memory_space<vmem>>) offsets(%dma_start3A_375 : memref<128xi32, #tpu.memory_space<vmem>>) semaphore(%arg13 : memref<!tpu.dma_semaphore, #tpu.memory_space<semaphore_mem>>)
        } else {
        }
        %rem3A_347 = arith.constant 5 : i32
        %rem3A_348 = arith.remsi %while3A_307, %rem3A_347 : i32
        %rem3A_349 = arith.constant 7 : i32
        %rem3A_350 = arith.remsi %while3A_307, %rem3A_349 : i32
        %dma_start3A_351 = arith.constant 1 : i32
        %dma_start3A_352 = arith.constant 0 : i32
        %dma_start3A_353 = arith.constant 0 : i32
        %dma_start3A_354 = tpu.memref_slice %arg9[%rem3A_348, %dma_start3A_352, %dma_start3A_353] : memref<5x128x32xf32, #tpu.memory_space<vmem>> -> memref<1x128x32xf32, #tpu.memory_space<vmem>>
        %dma_start3A_355 = tpu.memref_squeeze %dma_start3A_354 : memref<1x128x32xf32, #tpu.memory_space<vmem>> -> memref<128x32xf32, #tpu.memory_space<vmem>>
        %dma_start3A_356 = arith.constant 0 : i32
        %dma_start3A_357 = tpu.memref_slice %arg8[%rem3A_350, %dma_start3A_351, %dma_start3A_356] : memref<7x2x128xi32, #tpu.memory_space<vmem>> -> memref<1x1x128xi32, #tpu.memory_space<vmem>>
        %dma_start3A_358 = tpu.memref_squeeze %dma_start3A_357 : memref<1x1x128xi32, #tpu.memory_space<vmem>> -> memref<128xi32, #tpu.memory_space<vmem>>
        %dma_start3A_359 = arith.constant 0 : i32
        %dma_start3A_360 = arith.constant 0 : i32
        %dma_start3A_361 = tpu.memref_slice %arg11[%dma_start3A_359, %dma_start3A_360] : memref<51200x32xf32, #tpu.memory_space<vmem_shared>> -> memref<51200x32xf32, #tpu.memory_space<vmem_shared>>
        tpu.enqueue_indirect_dma source(%dma_start3A_355 : memref<128x32xf32, #tpu.memory_space<vmem>>) target(%dma_start3A_361 : memref<51200x32xf32, #tpu.memory_space<vmem_shared>>) offsets(%dma_start3A_358 : memref<128xi32, #tpu.memory_space<vmem>>) semaphore(%arg14 : memref<!tpu.dma_semaphore, #tpu.memory_space<semaphore_mem>>) {add = true}
      }
      %sub3A = arith.constant 1 : i32
      %sub3A_284 = arith.subi %add3A_12, %sub3A : i32
      %rem3A_285 = arith.constant 5 : i32
      %rem3A_286 = arith.remsi %sub3A_284, %rem3A_285 : i32
      %rem3A_287 = arith.constant 7 : i32
      %rem3A_288 = arith.remsi %sub3A_284, %rem3A_287 : i32
      %dma_wait3A_289 = arith.constant 1 : i32
      %dma_wait3A_290 = arith.constant 0 : i32
      %dma_wait3A_291 = arith.constant 0 : i32
      %dma_wait3A_292 = tpu.memref_slice %arg9[%rem3A_286, %dma_wait3A_290, %dma_wait3A_291] : memref<5x128x32xf32, #tpu.memory_space<vmem>> -> memref<1x128x32xf32, #tpu.memory_space<vmem>>
      %dma_wait3A_293 = tpu.memref_squeeze %dma_wait3A_292 : memref<1x128x32xf32, #tpu.memory_space<vmem>> -> memref<128x32xf32, #tpu.memory_space<vmem>>
      %dma_wait3A_294 = arith.constant 0 : i32
      %dma_wait3A_295 = tpu.memref_slice %arg8[%rem3A_288, %dma_wait3A_289, %dma_wait3A_294] : memref<7x2x128xi32, #tpu.memory_space<vmem>> -> memref<1x1x128xi32, #tpu.memory_space<vmem>>
      %dma_wait3A_296 = tpu.memref_squeeze %dma_wait3A_295 : memref<1x1x128xi32, #tpu.memory_space<vmem>> -> memref<128xi32, #tpu.memory_space<vmem>>
      %dma_wait3A_297 = arith.constant 0 : i32
      %dma_wait3A_298 = arith.constant 0 : i32
      %dma_wait3A_299 = tpu.memref_slice %arg11[%dma_wait3A_297, %dma_wait3A_298] : memref<51200x32xf32, #tpu.memory_space<vmem_shared>> -> memref<51200x32xf32, #tpu.memory_space<vmem_shared>>
      tpu.wait_indirect_dma semaphore(%arg14 : memref<!tpu.dma_semaphore, #tpu.memory_space<semaphore_mem>>) src(%dma_wait3A_293 : memref<128x32xf32, #tpu.memory_space<vmem>>) dst(%dma_wait3A_299 : memref<51200x32xf32, #tpu.memory_space<vmem_shared>>)
      %barrier3A_300 = arith.constant 0 : index
      tpu.barrier barrier_id(%barrier3A_300)
      %scan3A_301 = arith.constant 0 : i32
      %scan3A_302 = arith.constant 0 : i32
      %scan3A_303 = arith.constant 40 : i32
      %scan3A_304 = arith.addi %scan3A_302, %scan3A_303 : i32
      %scan3A_305 = arith.constant 1 : i32
      scf.for %scan3A_307 = %scan3A_302 to %scan3A_304 step %scan3A_305  : i32 {
        %mul3A_308 = arith.constant 80 : i32
        %mul3A_309 = arith.muli %scan3A_307, %mul3A_308 : i32
        %add3A_310 = arith.addi %mul3A_0, %mul3A_309 : i32
        "tpu.region"() ({
          %run_scoped3A = tpu.sem_alloc : memref<!tpu.dma_semaphore, #tpu.memory_space<semaphore_mem>>
          %dma_start3A_311 = arith.constant 0 : i32
          %dma_start3A_312 = tpu.memref_slice %arg11[%add3A_310, %dma_start3A_311] : memref<51200x32xf32, #tpu.memory_space<vmem_shared>> -> memref<80x32xf32, #tpu.memory_space<vmem_shared>>
          %dma_start3A_313 = arith.constant 0 : i32
          %dma_start3A_314 = tpu.memref_slice %arg11[%add3A_310, %dma_start3A_313] : memref<51200x32xf32, #tpu.memory_space<vmem_shared>> -> memref<80x32xf32, #tpu.memory_space<vmem_shared>>
          tpu.enqueue_dma source(%dma_start3A_314 : memref<80x32xf32, #tpu.memory_space<vmem_shared>>) target(%arg10 : memref<80x32xf32, #tpu.memory_space<vmem>>) target_semaphore(%run_scoped3A : memref<!tpu.dma_semaphore, #tpu.memory_space<semaphore_mem>>)
          %dma_wait3A_315 = arith.constant 0 : i32
          %dma_wait3A_316 = tpu.memref_slice %arg11[%add3A_310, %dma_wait3A_315] : memref<51200x32xf32, #tpu.memory_space<vmem_shared>> -> memref<80x32xf32, #tpu.memory_space<vmem_shared>>
          %dma_wait3A_317 = arith.constant 0 : i32
          %dma_wait3A_318 = tpu.memref_slice %arg11[%add3A_310, %dma_wait3A_317] : memref<51200x32xf32, #tpu.memory_space<vmem_shared>> -> memref<80x32xf32, #tpu.memory_space<vmem_shared>>
          tpu.wait_dma2 semaphore(%run_scoped3A : memref<!tpu.dma_semaphore, #tpu.memory_space<semaphore_mem>>) src(%dma_wait3A_318 : memref<80x32xf32, #tpu.memory_space<vmem_shared>>) dst(%arg10 : memref<80x32xf32, #tpu.memory_space<vmem>>)
          tpu.yield
        }) : () -> ()
        "tpu.region"() ({
          %run_scoped3A = tpu.sem_alloc : memref<!tpu.dma_semaphore, #tpu.memory_space<semaphore_mem>>
          %dma_start3A_311 = arith.constant 0 : i32
          %dma_start3A_312 = tpu.memref_slice %arg7[%add3A_310, %dma_start3A_311] : memref<51200x32xf32, #tpu.memory_space<hbm>> -> memref<80x32xf32, #tpu.memory_space<hbm>>
          %dma_start3A_313 = arith.constant 0 : i32
          %dma_start3A_314 = tpu.memref_slice %arg7[%add3A_310, %dma_start3A_313] : memref<51200x32xf32, #tpu.memory_space<hbm>> -> memref<80x32xf32, #tpu.memory_space<hbm>>
          tpu.enqueue_dma source(%arg10 : memref<80x32xf32, #tpu.memory_space<vmem>>) target(%dma_start3A_314 : memref<80x32xf32, #tpu.memory_space<hbm>>) target_semaphore(%run_scoped3A : memref<!tpu.dma_semaphore, #tpu.memory_space<semaphore_mem>>)
          %dma_wait3A_315 = arith.constant 0 : i32
          %dma_wait3A_316 = tpu.memref_slice %arg7[%add3A_310, %dma_wait3A_315] : memref<51200x32xf32, #tpu.memory_space<hbm>> -> memref<80x32xf32, #tpu.memory_space<hbm>>
          %dma_wait3A_317 = arith.constant 0 : i32
          %dma_wait3A_318 = tpu.memref_slice %arg7[%add3A_310, %dma_wait3A_317] : memref<51200x32xf32, #tpu.memory_space<hbm>> -> memref<80x32xf32, #tpu.memory_space<hbm>>
          tpu.wait_dma2 semaphore(%run_scoped3A : memref<!tpu.dma_semaphore, #tpu.memory_space<semaphore_mem>>) src(%arg10 : memref<80x32xf32, #tpu.memory_space<vmem>>) dst(%dma_wait3A_318 : memref<80x32xf32, #tpu.memory_space<hbm>>)
          tpu.yield
        }) : () -> ()
      }
      %scan3A_306 = arith.constant 40 : i32
    } else {
    }
    return
  }
}

#map = affine_map<(d0, d1) -> (0, 0)>
module attributes {stable_mosaic.version = 14 : i64} {
  func.func @_mp_body(%arg0: i32, %arg1: i32, %arg2: memref<51200x32xf32, #tpu.memory_space<hbm>>, %arg3: memref<51200x32xf32, #tpu.memory_space<hbm>>, %arg4: memref<12500x128xi32, #tpu.memory_space<hbm>>, %arg5: memref<80x32xf32, #tpu.memory_space<hbm>>, %arg6: memref<51200x32xf32, #tpu.memory_space<hbm>>, %arg7: memref<51200x32xf32, #tpu.memory_space<hbm>>, %arg8: memref<7x2x128xi32, #tpu.memory_space<vmem>>, %arg9: memref<5x128x32xf32, #tpu.memory_space<vmem>>, %arg10: memref<80x32xf32, #tpu.memory_space<vmem>>, %arg11: memref<51200x32xf32, #tpu.memory_space<vmem_shared>>, %arg12: memref<!tpu.dma_semaphore, #tpu.memory_space<semaphore_mem>>, %arg13: memref<!tpu.dma_semaphore, #tpu.memory_space<semaphore_mem>>, %arg14: memref<!tpu.dma_semaphore, #tpu.memory_space<semaphore_mem>>) attributes {dimension_semantics = [#tpu.dimension_semantics<core_parallel>, #tpu.dimension_semantics<subcore_parallel>], iteration_bounds = array<i64: 2, 16>, scalar_prefetch = 0 : i64, scratch_operands = 7 : i64, tpu.core_type = #tpu.core_type<sc_vector_subcore>, window_params = [{transform_indices = #map}, {transform_indices = #map}, {transform_indices = #map}, {transform_indices = #map}, {transform_indices = #map}, {transform_indices = #map}]} {
    %mul3A = arith.constant 3200 : i32
    %mul3A_0 = arith.muli %arg1, %mul3A : i32
    "tpu.region"() ({
      %run_scoped3A = tpu.sem_alloc : memref<!tpu.dma_semaphore, #tpu.memory_space<semaphore_mem>>
      tpu.enqueue_dma source(%arg5 : memref<80x32xf32, #tpu.memory_space<hbm>>) target(%arg10 : memref<80x32xf32, #tpu.memory_space<vmem>>) target_semaphore(%run_scoped3A : memref<!tpu.dma_semaphore, #tpu.memory_space<semaphore_mem>>)
      tpu.wait_dma2 semaphore(%run_scoped3A : memref<!tpu.dma_semaphore, #tpu.memory_space<semaphore_mem>>) src(%arg5 : memref<80x32xf32, #tpu.memory_space<hbm>>) dst(%arg10 : memref<80x32xf32, #tpu.memory_space<vmem>>)
      tpu.yield
    }) : () -> ()
    %scan3A = arith.constant 0 : i32
    %scan3A_1 = arith.constant 0 : i32
    %scan3A_2 = arith.constant 40 : i32
    %scan3A_3 = arith.addi %scan3A_1, %scan3A_2 : i32
    %scan3A_4 = arith.constant 1 : i32
    scf.for %scan3A_20 = %scan3A_1 to %scan3A_3 step %scan3A_4  : i32 {
      %mul3A_21 = arith.constant 80 : i32
      %mul3A_22 = arith.muli %scan3A_20, %mul3A_21 : i32
      %add3A_23 = arith.addi %mul3A_0, %mul3A_22 : i32
      "tpu.region"() ({
        %run_scoped3A = tpu.sem_alloc : memref<!tpu.dma_semaphore, #tpu.memory_space<semaphore_mem>>
        %dma_start3A = arith.constant 0 : i32
        %dma_start3A_24 = tpu.memref_slice %arg11[%add3A_23, %dma_start3A] : memref<51200x32xf32, #tpu.memory_space<vmem_shared>> -> memref<80x32xf32, #tpu.memory_space<vmem_shared>>
        %dma_start3A_25 = arith.constant 0 : i32
        %dma_start3A_26 = tpu.memref_slice %arg11[%add3A_23, %dma_start3A_25] : memref<51200x32xf32, #tpu.memory_space<vmem_shared>> -> memref<80x32xf32, #tpu.memory_space<vmem_shared>>
        tpu.enqueue_dma source(%arg10 : memref<80x32xf32, #tpu.memory_space<vmem>>) target(%dma_start3A_26 : memref<80x32xf32, #tpu.memory_space<vmem_shared>>) target_semaphore(%run_scoped3A : memref<!tpu.dma_semaphore, #tpu.memory_space<semaphore_mem>>)
        %dma_wait3A = arith.constant 0 : i32
        %dma_wait3A_27 = tpu.memref_slice %arg11[%add3A_23, %dma_wait3A] : memref<51200x32xf32, #tpu.memory_space<vmem_shared>> -> memref<80x32xf32, #tpu.memory_space<vmem_shared>>
        %dma_wait3A_28 = arith.constant 0 : i32
        %dma_wait3A_29 = tpu.memref_slice %arg11[%add3A_23, %dma_wait3A_28] : memref<51200x32xf32, #tpu.memory_space<vmem_shared>> -> memref<80x32xf32, #tpu.memory_space<vmem_shared>>
        tpu.wait_dma2 semaphore(%run_scoped3A : memref<!tpu.dma_semaphore, #tpu.memory_space<semaphore_mem>>) src(%arg10 : memref<80x32xf32, #tpu.memory_space<vmem>>) dst(%dma_wait3A_29 : memref<80x32xf32, #tpu.memory_space<vmem_shared>>)
        tpu.yield
      }) : () -> ()
    }
    %scan3A_5 = arith.constant 40 : i32
    %barrier3A = arith.constant 0 : index
    tpu.barrier barrier_id(%barrier3A)
    %mul3A_6 = arith.constant 390 : i32
    %mul3A_7 = arith.muli %mul3A_6, %arg1 : i32
    %min3A = arith.constant 10 : i32
    %min3A_8 = arith.minsi %arg1, %min3A : i32
    %add3A = arith.addi %mul3A_7, %min3A_8 : i32
    %lt3A = arith.constant 10 : i32
    %lt3A_9 = arith.cmpi slt, %arg1, %lt3A : i32
    %jit3A = arith.constant 1 : i32
    %jit3A_10 = arith.constant 0 : i32
    %select_n3A = arith.select %lt3A_9, %jit3A, %jit3A_10 : i32
    %add3A_11 = arith.constant 390 : i32
    %add3A_12 = arith.addi %add3A_11, %select_n3A : i32
    %eq3A = arith.constant 0 : i32
    %eq3A_13 = arith.cmpi eq, %arg0, %eq3A : i32
    %convert_element_type3A = arith.extui %eq3A_13 : i1 to i32
    %cond3A = arith.constant 0 : i32
    %cond3A_14 = arith.cmpi ne, %convert_element_type3A, %cond3A : i32
    scf.if %cond3A_14 {
      %add3A_20 = arith.constant 0 : i32
      %add3A_21 = arith.addi %add3A, %add3A_20 : i32
      %mul3A_22 = arith.constant 2 : i32
      %mul3A_23 = arith.muli %mul3A_22, %add3A_21 : i32
      %rem3A = arith.constant 0 : i32
      %rem3A_24 = arith.constant 7 : i32
      %rem3A_25 = arith.remsi %rem3A, %rem3A_24 : i32
      %dma_start3A = arith.constant 0 : i32
      %dma_start3A_26 = arith.constant 0 : i32
      %dma_start3A_27 = tpu.memref_slice %arg8[%rem3A_25, %dma_start3A, %dma_start3A_26] : memref<7x2x128xi32, #tpu.memory_space<vmem>> -> memref<1x2x128xi32, #tpu.memory_space<vmem>>
      %dma_start3A_28 = tpu.memref_squeeze %dma_start3A_27 : memref<1x2x128xi32, #tpu.memory_space<vmem>> -> memref<2x128xi32, #tpu.memory_space<vmem>>
      %dma_start3A_29 = arith.constant 0 : i32
      %dma_start3A_30 = tpu.memref_slice %arg4[%mul3A_23, %dma_start3A_29] : memref<12500x128xi32, #tpu.memory_space<hbm>> -> memref<2x128xi32, #tpu.memory_space<hbm>>
      %dma_start3A_31 = arith.constant 0 : i32
      %dma_start3A_32 = arith.constant 0 : i32
      %dma_start3A_33 = tpu.memref_slice %arg8[%rem3A_25, %dma_start3A_31, %dma_start3A_32] : memref<7x2x128xi32, #tpu.memory_space<vmem>> -> memref<1x2x128xi32, #tpu.memory_space<vmem>>
      %dma_start3A_34 = tpu.memref_squeeze %dma_start3A_33 : memref<1x2x128xi32, #tpu.memory_space<vmem>> -> memref<2x128xi32, #tpu.memory_space<vmem>>
      %dma_start3A_35 = arith.constant 0 : i32
      %dma_start3A_36 = tpu.memref_slice %arg4[%mul3A_23, %dma_start3A_35] : memref<12500x128xi32, #tpu.memory_space<hbm>> -> memref<2x128xi32, #tpu.memory_space<hbm>>
      tpu.enqueue_dma source(%dma_start3A_36 : memref<2x128xi32, #tpu.memory_space<hbm>>) target(%dma_start3A_34 : memref<2x128xi32, #tpu.memory_space<vmem>>) target_semaphore(%arg12 : memref<!tpu.dma_semaphore, #tpu.memory_space<semaphore_mem>>)
      %add3A_37 = arith.constant 1 : i32
      %add3A_38 = arith.addi %add3A, %add3A_37 : i32
      %mul3A_39 = arith.constant 2 : i32
      %mul3A_40 = arith.muli %mul3A_39, %add3A_38 : i32
      %rem3A_41 = arith.constant 1 : i32
      %rem3A_42 = arith.constant 7 : i32
      %rem3A_43 = arith.remsi %rem3A_41, %rem3A_42 : i32
      %dma_start3A_44 = arith.constant 0 : i32
      %dma_start3A_45 = arith.constant 0 : i32
      %dma_start3A_46 = tpu.memref_slice %arg8[%rem3A_43, %dma_start3A_44, %dma_start3A_45] : memref<7x2x128xi32, #tpu.memory_space<vmem>> -> memref<1x2x128xi32, #tpu.memory_space<vmem>>
      %dma_start3A_47 = tpu.memref_squeeze %dma_start3A_46 : memref<1x2x128xi32, #tpu.memory_space<vmem>> -> memref<2x128xi32, #tpu.memory_space<vmem>>
      %dma_start3A_48 = arith.constant 0 : i32
      %dma_start3A_49 = tpu.memref_slice %arg4[%mul3A_40, %dma_start3A_48] : memref<12500x128xi32, #tpu.memory_space<hbm>> -> memref<2x128xi32, #tpu.memory_space<hbm>>
      %dma_start3A_50 = arith.constant 0 : i32
      %dma_start3A_51 = arith.constant 0 : i32
      %dma_start3A_52 = tpu.memref_slice %arg8[%rem3A_43, %dma_start3A_50, %dma_start3A_51] : memref<7x2x128xi32, #tpu.memory_space<vmem>> -> memref<1x2x128xi32, #tpu.memory_space<vmem>>
      %dma_start3A_53 = tpu.memref_squeeze %dma_start3A_52 : memref<1x2x128xi32, #tpu.memory_space<vmem>> -> memref<2x128xi32, #tpu.memory_space<vmem>>
      %dma_start3A_54 = arith.constant 0 : i32
      %dma_start3A_55 = tpu.memref_slice %arg4[%mul3A_40, %dma_start3A_54] : memref<12500x128xi32, #tpu.memory_space<hbm>> -> memref<2x128xi32, #tpu.memory_space<hbm>>
      tpu.enqueue_dma source(%dma_start3A_55 : memref<2x128xi32, #tpu.memory_space<hbm>>) target(%dma_start3A_53 : memref<2x128xi32, #tpu.memory_space<vmem>>) target_semaphore(%arg12 : memref<!tpu.dma_semaphore, #tpu.memory_space<semaphore_mem>>)
      %add3A_56 = arith.constant 2 : i32
      %add3A_57 = arith.addi %add3A, %add3A_56 : i32
      %mul3A_58 = arith.constant 2 : i32
      %mul3A_59 = arith.muli %mul3A_58, %add3A_57 : i32
      %rem3A_60 = arith.constant 2 : i32
      %rem3A_61 = arith.constant 7 : i32
      %rem3A_62 = arith.remsi %rem3A_60, %rem3A_61 : i32
      %dma_start3A_63 = arith.constant 0 : i32
      %dma_start3A_64 = arith.constant 0 : i32
      %dma_start3A_65 = tpu.memref_slice %arg8[%rem3A_62, %dma_start3A_63, %dma_start3A_64] : memref<7x2x128xi32, #tpu.memory_space<vmem>> -> memref<1x2x128xi32, #tpu.memory_space<vmem>>
      %dma_start3A_66 = tpu.memref_squeeze %dma_start3A_65 : memref<1x2x128xi32, #tpu.memory_space<vmem>> -> memref<2x128xi32, #tpu.memory_space<vmem>>
      %dma_start3A_67 = arith.constant 0 : i32
      %dma_start3A_68 = tpu.memref_slice %arg4[%mul3A_59, %dma_start3A_67] : memref<12500x128xi32, #tpu.memory_space<hbm>> -> memref<2x128xi32, #tpu.memory_space<hbm>>
      %dma_start3A_69 = arith.constant 0 : i32
      %dma_start3A_70 = arith.constant 0 : i32
      %dma_start3A_71 = tpu.memref_slice %arg8[%rem3A_62, %dma_start3A_69, %dma_start3A_70] : memref<7x2x128xi32, #tpu.memory_space<vmem>> -> memref<1x2x128xi32, #tpu.memory_space<vmem>>
      %dma_start3A_72 = tpu.memref_squeeze %dma_start3A_71 : memref<1x2x128xi32, #tpu.memory_space<vmem>> -> memref<2x128xi32, #tpu.memory_space<vmem>>
      %dma_start3A_73 = arith.constant 0 : i32
      %dma_start3A_74 = tpu.memref_slice %arg4[%mul3A_59, %dma_start3A_73] : memref<12500x128xi32, #tpu.memory_space<hbm>> -> memref<2x128xi32, #tpu.memory_space<hbm>>
      tpu.enqueue_dma source(%dma_start3A_74 : memref<2x128xi32, #tpu.memory_space<hbm>>) target(%dma_start3A_72 : memref<2x128xi32, #tpu.memory_space<vmem>>) target_semaphore(%arg12 : memref<!tpu.dma_semaphore, #tpu.memory_space<semaphore_mem>>)
      %add3A_75 = arith.constant 3 : i32
      %add3A_76 = arith.addi %add3A, %add3A_75 : i32
      %mul3A_77 = arith.constant 2 : i32
      %mul3A_78 = arith.muli %mul3A_77, %add3A_76 : i32
      %rem3A_79 = arith.constant 3 : i32
      %rem3A_80 = arith.constant 7 : i32
      %rem3A_81 = arith.remsi %rem3A_79, %rem3A_80 : i32
      %dma_start3A_82 = arith.constant 0 : i32
      %dma_start3A_83 = arith.constant 0 : i32
      %dma_start3A_84 = tpu.memref_slice %arg8[%rem3A_81, %dma_start3A_82, %dma_start3A_83] : memref<7x2x128xi32, #tpu.memory_space<vmem>> -> memref<1x2x128xi32, #tpu.memory_space<vmem>>
      %dma_start3A_85 = tpu.memref_squeeze %dma_start3A_84 : memref<1x2x128xi32, #tpu.memory_space<vmem>> -> memref<2x128xi32, #tpu.memory_space<vmem>>
      %dma_start3A_86 = arith.constant 0 : i32
      %dma_start3A_87 = tpu.memref_slice %arg4[%mul3A_78, %dma_start3A_86] : memref<12500x128xi32, #tpu.memory_space<hbm>> -> memref<2x128xi32, #tpu.memory_space<hbm>>
      %dma_start3A_88 = arith.constant 0 : i32
      %dma_start3A_89 = arith.constant 0 : i32
      %dma_start3A_90 = tpu.memref_slice %arg8[%rem3A_81, %dma_start3A_88, %dma_start3A_89] : memref<7x2x128xi32, #tpu.memory_space<vmem>> -> memref<1x2x128xi32, #tpu.memory_space<vmem>>
      %dma_start3A_91 = tpu.memref_squeeze %dma_start3A_90 : memref<1x2x128xi32, #tpu.memory_space<vmem>> -> memref<2x128xi32, #tpu.memory_space<vmem>>
      %dma_start3A_92 = arith.constant 0 : i32
      %dma_start3A_93 = tpu.memref_slice %arg4[%mul3A_78, %dma_start3A_92] : memref<12500x128xi32, #tpu.memory_space<hbm>> -> memref<2x128xi32, #tpu.memory_space<hbm>>
      tpu.enqueue_dma source(%dma_start3A_93 : memref<2x128xi32, #tpu.memory_space<hbm>>) target(%dma_start3A_91 : memref<2x128xi32, #tpu.memory_space<vmem>>) target_semaphore(%arg12 : memref<!tpu.dma_semaphore, #tpu.memory_space<semaphore_mem>>)
      %add3A_94 = arith.constant 4 : i32
      %add3A_95 = arith.addi %add3A, %add3A_94 : i32
      %mul3A_96 = arith.constant 2 : i32
      %mul3A_97 = arith.muli %mul3A_96, %add3A_95 : i32
      %rem3A_98 = arith.constant 4 : i32
      %rem3A_99 = arith.constant 7 : i32
      %rem3A_100 = arith.remsi %rem3A_98, %rem3A_99 : i32
      %dma_start3A_101 = arith.constant 0 : i32
      %dma_start3A_102 = arith.constant 0 : i32
      %dma_start3A_103 = tpu.memref_slice %arg8[%rem3A_100, %dma_start3A_101, %dma_start3A_102] : memref<7x2x128xi32, #tpu.memory_space<vmem>> -> memref<1x2x128xi32, #tpu.memory_space<vmem>>
      %dma_start3A_104 = tpu.memref_squeeze %dma_start3A_103 : memref<1x2x128xi32, #tpu.memory_space<vmem>> -> memref<2x128xi32, #tpu.memory_space<vmem>>
      %dma_start3A_105 = arith.constant 0 : i32
      %dma_start3A_106 = tpu.memref_slice %arg4[%mul3A_97, %dma_start3A_105] : memref<12500x128xi32, #tpu.memory_space<hbm>> -> memref<2x128xi32, #tpu.memory_space<hbm>>
      %dma_start3A_107 = arith.constant 0 : i32
      %dma_start3A_108 = arith.constant 0 : i32
      %dma_start3A_109 = tpu.memref_slice %arg8[%rem3A_100, %dma_start3A_107, %dma_start3A_108] : memref<7x2x128xi32, #tpu.memory_space<vmem>> -> memref<1x2x128xi32, #tpu.memory_space<vmem>>
      %dma_start3A_110 = tpu.memref_squeeze %dma_start3A_109 : memref<1x2x128xi32, #tpu.memory_space<vmem>> -> memref<2x128xi32, #tpu.memory_space<vmem>>
      %dma_start3A_111 = arith.constant 0 : i32
      %dma_start3A_112 = tpu.memref_slice %arg4[%mul3A_97, %dma_start3A_111] : memref<12500x128xi32, #tpu.memory_space<hbm>> -> memref<2x128xi32, #tpu.memory_space<hbm>>
      tpu.enqueue_dma source(%dma_start3A_112 : memref<2x128xi32, #tpu.memory_space<hbm>>) target(%dma_start3A_110 : memref<2x128xi32, #tpu.memory_space<vmem>>) target_semaphore(%arg12 : memref<!tpu.dma_semaphore, #tpu.memory_space<semaphore_mem>>)
      %add3A_113 = arith.constant 5 : i32
      %add3A_114 = arith.addi %add3A, %add3A_113 : i32
      %mul3A_115 = arith.constant 2 : i32
      %mul3A_116 = arith.muli %mul3A_115, %add3A_114 : i32
      %rem3A_117 = arith.constant 5 : i32
      %rem3A_118 = arith.constant 7 : i32
      %rem3A_119 = arith.remsi %rem3A_117, %rem3A_118 : i32
      %dma_start3A_120 = arith.constant 0 : i32
      %dma_start3A_121 = arith.constant 0 : i32
      %dma_start3A_122 = tpu.memref_slice %arg8[%rem3A_119, %dma_start3A_120, %dma_start3A_121] : memref<7x2x128xi32, #tpu.memory_space<vmem>> -> memref<1x2x128xi32, #tpu.memory_space<vmem>>
      %dma_start3A_123 = tpu.memref_squeeze %dma_start3A_122 : memref<1x2x128xi32, #tpu.memory_space<vmem>> -> memref<2x128xi32, #tpu.memory_space<vmem>>
      %dma_start3A_124 = arith.constant 0 : i32
      %dma_start3A_125 = tpu.memref_slice %arg4[%mul3A_116, %dma_start3A_124] : memref<12500x128xi32, #tpu.memory_space<hbm>> -> memref<2x128xi32, #tpu.memory_space<hbm>>
      %dma_start3A_126 = arith.constant 0 : i32
      %dma_start3A_127 = arith.constant 0 : i32
      %dma_start3A_128 = tpu.memref_slice %arg8[%rem3A_119, %dma_start3A_126, %dma_start3A_127] : memref<7x2x128xi32, #tpu.memory_space<vmem>> -> memref<1x2x128xi32, #tpu.memory_space<vmem>>
      %dma_start3A_129 = tpu.memref_squeeze %dma_start3A_128 : memref<1x2x128xi32, #tpu.memory_space<vmem>> -> memref<2x128xi32, #tpu.memory_space<vmem>>
      %dma_start3A_130 = arith.constant 0 : i32
      %dma_start3A_131 = tpu.memref_slice %arg4[%mul3A_116, %dma_start3A_130] : memref<12500x128xi32, #tpu.memory_space<hbm>> -> memref<2x128xi32, #tpu.memory_space<hbm>>
      tpu.enqueue_dma source(%dma_start3A_131 : memref<2x128xi32, #tpu.memory_space<hbm>>) target(%dma_start3A_129 : memref<2x128xi32, #tpu.memory_space<vmem>>) target_semaphore(%arg12 : memref<!tpu.dma_semaphore, #tpu.memory_space<semaphore_mem>>)
      %add3A_132 = arith.constant 0 : i32
      %add3A_133 = arith.addi %add3A, %add3A_132 : i32
      %mul3A_134 = arith.constant 2 : i32
      %mul3A_135 = arith.muli %mul3A_134, %add3A_133 : i32
      %rem3A_136 = arith.constant 0 : i32
      %rem3A_137 = arith.constant 7 : i32
      %rem3A_138 = arith.remsi %rem3A_136, %rem3A_137 : i32
      %dma_wait3A = arith.constant 0 : i32
      %dma_wait3A_139 = arith.constant 0 : i32
      %dma_wait3A_140 = tpu.memref_slice %arg8[%rem3A_138, %dma_wait3A, %dma_wait3A_139] : memref<7x2x128xi32, #tpu.memory_space<vmem>> -> memref<1x2x128xi32, #tpu.memory_space<vmem>>
      %dma_wait3A_141 = tpu.memref_squeeze %dma_wait3A_140 : memref<1x2x128xi32, #tpu.memory_space<vmem>> -> memref<2x128xi32, #tpu.memory_space<vmem>>
      %dma_wait3A_142 = arith.constant 0 : i32
      %dma_wait3A_143 = tpu.memref_slice %arg4[%mul3A_135, %dma_wait3A_142] : memref<12500x128xi32, #tpu.memory_space<hbm>> -> memref<2x128xi32, #tpu.memory_space<hbm>>
      %dma_wait3A_144 = arith.constant 0 : i32
      %dma_wait3A_145 = arith.constant 0 : i32
      %dma_wait3A_146 = tpu.memref_slice %arg8[%rem3A_138, %dma_wait3A_144, %dma_wait3A_145] : memref<7x2x128xi32, #tpu.memory_space<vmem>> -> memref<1x2x128xi32, #tpu.memory_space<vmem>>
      %dma_wait3A_147 = tpu.memref_squeeze %dma_wait3A_146 : memref<1x2x128xi32, #tpu.memory_space<vmem>> -> memref<2x128xi32, #tpu.memory_space<vmem>>
      %dma_wait3A_148 = arith.constant 0 : i32
      %dma_wait3A_149 = tpu.memref_slice %arg4[%mul3A_135, %dma_wait3A_148] : memref<12500x128xi32, #tpu.memory_space<hbm>> -> memref<2x128xi32, #tpu.memory_space<hbm>>
      tpu.wait_dma2 semaphore(%arg12 : memref<!tpu.dma_semaphore, #tpu.memory_space<semaphore_mem>>) src(%dma_wait3A_149 : memref<2x128xi32, #tpu.memory_space<hbm>>) dst(%dma_wait3A_147 : memref<2x128xi32, #tpu.memory_space<vmem>>)
      %rem3A_150 = arith.constant 0 : i32
      %rem3A_151 = arith.constant 7 : i32
      %rem3A_152 = arith.remsi %rem3A_150, %rem3A_151 : i32
      %rem3A_153 = arith.constant 0 : i32
      %rem3A_154 = arith.constant 5 : i32
      %rem3A_155 = arith.remsi %rem3A_153, %rem3A_154 : i32
      %dma_start3A_156 = arith.constant 0 : i32
      %dma_start3A_157 = arith.constant 0 : i32
      %dma_start3A_158 = arith.constant 0 : i32
      %dma_start3A_159 = tpu.memref_slice %arg9[%rem3A_155, %dma_start3A_157, %dma_start3A_158] : memref<5x128x32xf32, #tpu.memory_space<vmem>> -> memref<1x128x32xf32, #tpu.memory_space<vmem>>
      %dma_start3A_160 = tpu.memref_squeeze %dma_start3A_159 : memref<1x128x32xf32, #tpu.memory_space<vmem>> -> memref<128x32xf32, #tpu.memory_space<vmem>>
      %dma_start3A_161 = arith.constant 0 : i32
      %dma_start3A_162 = tpu.memref_slice %arg8[%rem3A_152, %dma_start3A_156, %dma_start3A_161] : memref<7x2x128xi32, #tpu.memory_space<vmem>> -> memref<1x1x128xi32, #tpu.memory_space<vmem>>
      %dma_start3A_163 = tpu.memref_squeeze %dma_start3A_162 : memref<1x1x128xi32, #tpu.memory_space<vmem>> -> memref<128xi32, #tpu.memory_space<vmem>>
      %dma_start3A_164 = arith.constant 0 : i32
      %dma_start3A_165 = arith.constant 0 : i32
      %dma_start3A_166 = tpu.memref_slice %arg2[%dma_start3A_164, %dma_start3A_165] : memref<51200x32xf32, #tpu.memory_space<hbm>> -> memref<51200x32xf32, #tpu.memory_space<hbm>>
      tpu.enqueue_indirect_dma source(%dma_start3A_166 : memref<51200x32xf32, #tpu.memory_space<hbm>>) target(%dma_start3A_160 : memref<128x32xf32, #tpu.memory_space<vmem>>) offsets(%dma_start3A_163 : memref<128xi32, #tpu.memory_space<vmem>>) semaphore(%arg13 : memref<!tpu.dma_semaphore, #tpu.memory_space<semaphore_mem>>)
      %add3A_167 = arith.constant 1 : i32
      %add3A_168 = arith.addi %add3A, %add3A_167 : i32
      %mul3A_169 = arith.constant 2 : i32
      %mul3A_170 = arith.muli %mul3A_169, %add3A_168 : i32
      %rem3A_171 = arith.constant 1 : i32
      %rem3A_172 = arith.constant 7 : i32
      %rem3A_173 = arith.remsi %rem3A_171, %rem3A_172 : i32
      %dma_wait3A_174 = arith.constant 0 : i32
      %dma_wait3A_175 = arith.constant 0 : i32
      %dma_wait3A_176 = tpu.memref_slice %arg8[%rem3A_173, %dma_wait3A_174, %dma_wait3A_175] : memref<7x2x128xi32, #tpu.memory_space<vmem>> -> memref<1x2x128xi32, #tpu.memory_space<vmem>>
      %dma_wait3A_177 = tpu.memref_squeeze %dma_wait3A_176 : memref<1x2x128xi32, #tpu.memory_space<vmem>> -> memref<2x128xi32, #tpu.memory_space<vmem>>
      %dma_wait3A_178 = arith.constant 0 : i32
      %dma_wait3A_179 = tpu.memref_slice %arg4[%mul3A_170, %dma_wait3A_178] : memref<12500x128xi32, #tpu.memory_space<hbm>> -> memref<2x128xi32, #tpu.memory_space<hbm>>
      %dma_wait3A_180 = arith.constant 0 : i32
      %dma_wait3A_181 = arith.constant 0 : i32
      %dma_wait3A_182 = tpu.memref_slice %arg8[%rem3A_173, %dma_wait3A_180, %dma_wait3A_181] : memref<7x2x128xi32, #tpu.memory_space<vmem>> -> memref<1x2x128xi32, #tpu.memory_space<vmem>>
      %dma_wait3A_183 = tpu.memref_squeeze %dma_wait3A_182 : memref<1x2x128xi32, #tpu.memory_space<vmem>> -> memref<2x128xi32, #tpu.memory_space<vmem>>
      %dma_wait3A_184 = arith.constant 0 : i32
      %dma_wait3A_185 = tpu.memref_slice %arg4[%mul3A_170, %dma_wait3A_184] : memref<12500x128xi32, #tpu.memory_space<hbm>> -> memref<2x128xi32, #tpu.memory_space<hbm>>
      tpu.wait_dma2 semaphore(%arg12 : memref<!tpu.dma_semaphore, #tpu.memory_space<semaphore_mem>>) src(%dma_wait3A_185 : memref<2x128xi32, #tpu.memory_space<hbm>>) dst(%dma_wait3A_183 : memref<2x128xi32, #tpu.memory_space<vmem>>)
      %rem3A_186 = arith.constant 1 : i32
      %rem3A_187 = arith.constant 7 : i32
      %rem3A_188 = arith.remsi %rem3A_186, %rem3A_187 : i32
      %rem3A_189 = arith.constant 1 : i32
      %rem3A_190 = arith.constant 5 : i32
      %rem3A_191 = arith.remsi %rem3A_189, %rem3A_190 : i32
      %dma_start3A_192 = arith.constant 0 : i32
      %dma_start3A_193 = arith.constant 0 : i32
      %dma_start3A_194 = arith.constant 0 : i32
      %dma_start3A_195 = tpu.memref_slice %arg9[%rem3A_191, %dma_start3A_193, %dma_start3A_194] : memref<5x128x32xf32, #tpu.memory_space<vmem>> -> memref<1x128x32xf32, #tpu.memory_space<vmem>>
      %dma_start3A_196 = tpu.memref_squeeze %dma_start3A_195 : memref<1x128x32xf32, #tpu.memory_space<vmem>> -> memref<128x32xf32, #tpu.memory_space<vmem>>
      %dma_start3A_197 = arith.constant 0 : i32
      %dma_start3A_198 = tpu.memref_slice %arg8[%rem3A_188, %dma_start3A_192, %dma_start3A_197] : memref<7x2x128xi32, #tpu.memory_space<vmem>> -> memref<1x1x128xi32, #tpu.memory_space<vmem>>
      %dma_start3A_199 = tpu.memref_squeeze %dma_start3A_198 : memref<1x1x128xi32, #tpu.memory_space<vmem>> -> memref<128xi32, #tpu.memory_space<vmem>>
      %dma_start3A_200 = arith.constant 0 : i32
      %dma_start3A_201 = arith.constant 0 : i32
      %dma_start3A_202 = tpu.memref_slice %arg2[%dma_start3A_200, %dma_start3A_201] : memref<51200x32xf32, #tpu.memory_space<hbm>> -> memref<51200x32xf32, #tpu.memory_space<hbm>>
      tpu.enqueue_indirect_dma source(%dma_start3A_202 : memref<51200x32xf32, #tpu.memory_space<hbm>>) target(%dma_start3A_196 : memref<128x32xf32, #tpu.memory_space<vmem>>) offsets(%dma_start3A_199 : memref<128xi32, #tpu.memory_space<vmem>>) semaphore(%arg13 : memref<!tpu.dma_semaphore, #tpu.memory_space<semaphore_mem>>)
      %add3A_203 = arith.constant 2 : i32
      %add3A_204 = arith.addi %add3A, %add3A_203 : i32
      %mul3A_205 = arith.constant 2 : i32
      %mul3A_206 = arith.muli %mul3A_205, %add3A_204 : i32
      %rem3A_207 = arith.constant 2 : i32
      %rem3A_208 = arith.constant 7 : i32
      %rem3A_209 = arith.remsi %rem3A_207, %rem3A_208 : i32
      %dma_wait3A_210 = arith.constant 0 : i32
      %dma_wait3A_211 = arith.constant 0 : i32
      %dma_wait3A_212 = tpu.memref_slice %arg8[%rem3A_209, %dma_wait3A_210, %dma_wait3A_211] : memref<7x2x128xi32, #tpu.memory_space<vmem>> -> memref<1x2x128xi32, #tpu.memory_space<vmem>>
      %dma_wait3A_213 = tpu.memref_squeeze %dma_wait3A_212 : memref<1x2x128xi32, #tpu.memory_space<vmem>> -> memref<2x128xi32, #tpu.memory_space<vmem>>
      %dma_wait3A_214 = arith.constant 0 : i32
      %dma_wait3A_215 = tpu.memref_slice %arg4[%mul3A_206, %dma_wait3A_214] : memref<12500x128xi32, #tpu.memory_space<hbm>> -> memref<2x128xi32, #tpu.memory_space<hbm>>
      %dma_wait3A_216 = arith.constant 0 : i32
      %dma_wait3A_217 = arith.constant 0 : i32
      %dma_wait3A_218 = tpu.memref_slice %arg8[%rem3A_209, %dma_wait3A_216, %dma_wait3A_217] : memref<7x2x128xi32, #tpu.memory_space<vmem>> -> memref<1x2x128xi32, #tpu.memory_space<vmem>>
      %dma_wait3A_219 = tpu.memref_squeeze %dma_wait3A_218 : memref<1x2x128xi32, #tpu.memory_space<vmem>> -> memref<2x128xi32, #tpu.memory_space<vmem>>
      %dma_wait3A_220 = arith.constant 0 : i32
      %dma_wait3A_221 = tpu.memref_slice %arg4[%mul3A_206, %dma_wait3A_220] : memref<12500x128xi32, #tpu.memory_space<hbm>> -> memref<2x128xi32, #tpu.memory_space<hbm>>
      tpu.wait_dma2 semaphore(%arg12 : memref<!tpu.dma_semaphore, #tpu.memory_space<semaphore_mem>>) src(%dma_wait3A_221 : memref<2x128xi32, #tpu.memory_space<hbm>>) dst(%dma_wait3A_219 : memref<2x128xi32, #tpu.memory_space<vmem>>)
      %rem3A_222 = arith.constant 2 : i32
      %rem3A_223 = arith.constant 7 : i32
      %rem3A_224 = arith.remsi %rem3A_222, %rem3A_223 : i32
      %rem3A_225 = arith.constant 2 : i32
      %rem3A_226 = arith.constant 5 : i32
      %rem3A_227 = arith.remsi %rem3A_225, %rem3A_226 : i32
      %dma_start3A_228 = arith.constant 0 : i32
      %dma_start3A_229 = arith.constant 0 : i32
      %dma_start3A_230 = arith.constant 0 : i32
      %dma_start3A_231 = tpu.memref_slice %arg9[%rem3A_227, %dma_start3A_229, %dma_start3A_230] : memref<5x128x32xf32, #tpu.memory_space<vmem>> -> memref<1x128x32xf32, #tpu.memory_space<vmem>>
      %dma_start3A_232 = tpu.memref_squeeze %dma_start3A_231 : memref<1x128x32xf32, #tpu.memory_space<vmem>> -> memref<128x32xf32, #tpu.memory_space<vmem>>
      %dma_start3A_233 = arith.constant 0 : i32
      %dma_start3A_234 = tpu.memref_slice %arg8[%rem3A_224, %dma_start3A_228, %dma_start3A_233] : memref<7x2x128xi32, #tpu.memory_space<vmem>> -> memref<1x1x128xi32, #tpu.memory_space<vmem>>
      %dma_start3A_235 = tpu.memref_squeeze %dma_start3A_234 : memref<1x1x128xi32, #tpu.memory_space<vmem>> -> memref<128xi32, #tpu.memory_space<vmem>>
      %dma_start3A_236 = arith.constant 0 : i32
      %dma_start3A_237 = arith.constant 0 : i32
      %dma_start3A_238 = tpu.memref_slice %arg2[%dma_start3A_236, %dma_start3A_237] : memref<51200x32xf32, #tpu.memory_space<hbm>> -> memref<51200x32xf32, #tpu.memory_space<hbm>>
      tpu.enqueue_indirect_dma source(%dma_start3A_238 : memref<51200x32xf32, #tpu.memory_space<hbm>>) target(%dma_start3A_232 : memref<128x32xf32, #tpu.memory_space<vmem>>) offsets(%dma_start3A_235 : memref<128xi32, #tpu.memory_space<vmem>>) semaphore(%arg13 : memref<!tpu.dma_semaphore, #tpu.memory_space<semaphore_mem>>)
      %add3A_239 = arith.constant 3 : i32
      %add3A_240 = arith.addi %add3A, %add3A_239 : i32
      %mul3A_241 = arith.constant 2 : i32
      %mul3A_242 = arith.muli %mul3A_241, %add3A_240 : i32
      %rem3A_243 = arith.constant 3 : i32
      %rem3A_244 = arith.constant 7 : i32
      %rem3A_245 = arith.remsi %rem3A_243, %rem3A_244 : i32
      %dma_wait3A_246 = arith.constant 0 : i32
      %dma_wait3A_247 = arith.constant 0 : i32
      %dma_wait3A_248 = tpu.memref_slice %arg8[%rem3A_245, %dma_wait3A_246, %dma_wait3A_247] : memref<7x2x128xi32, #tpu.memory_space<vmem>> -> memref<1x2x128xi32, #tpu.memory_space<vmem>>
      %dma_wait3A_249 = tpu.memref_squeeze %dma_wait3A_248 : memref<1x2x128xi32, #tpu.memory_space<vmem>> -> memref<2x128xi32, #tpu.memory_space<vmem>>
      %dma_wait3A_250 = arith.constant 0 : i32
      %dma_wait3A_251 = tpu.memref_slice %arg4[%mul3A_242, %dma_wait3A_250] : memref<12500x128xi32, #tpu.memory_space<hbm>> -> memref<2x128xi32, #tpu.memory_space<hbm>>
      %dma_wait3A_252 = arith.constant 0 : i32
      %dma_wait3A_253 = arith.constant 0 : i32
      %dma_wait3A_254 = tpu.memref_slice %arg8[%rem3A_245, %dma_wait3A_252, %dma_wait3A_253] : memref<7x2x128xi32, #tpu.memory_space<vmem>> -> memref<1x2x128xi32, #tpu.memory_space<vmem>>
      %dma_wait3A_255 = tpu.memref_squeeze %dma_wait3A_254 : memref<1x2x128xi32, #tpu.memory_space<vmem>> -> memref<2x128xi32, #tpu.memory_space<vmem>>
      %dma_wait3A_256 = arith.constant 0 : i32
      %dma_wait3A_257 = tpu.memref_slice %arg4[%mul3A_242, %dma_wait3A_256] : memref<12500x128xi32, #tpu.memory_space<hbm>> -> memref<2x128xi32, #tpu.memory_space<hbm>>
      tpu.wait_dma2 semaphore(%arg12 : memref<!tpu.dma_semaphore, #tpu.memory_space<semaphore_mem>>) src(%dma_wait3A_257 : memref<2x128xi32, #tpu.memory_space<hbm>>) dst(%dma_wait3A_255 : memref<2x128xi32, #tpu.memory_space<vmem>>)
      %rem3A_258 = arith.constant 3 : i32
      %rem3A_259 = arith.constant 7 : i32
      %rem3A_260 = arith.remsi %rem3A_258, %rem3A_259 : i32
      %rem3A_261 = arith.constant 3 : i32
      %rem3A_262 = arith.constant 5 : i32
      %rem3A_263 = arith.remsi %rem3A_261, %rem3A_262 : i32
      %dma_start3A_264 = arith.constant 0 : i32
      %dma_start3A_265 = arith.constant 0 : i32
      %dma_start3A_266 = arith.constant 0 : i32
      %dma_start3A_267 = tpu.memref_slice %arg9[%rem3A_263, %dma_start3A_265, %dma_start3A_266] : memref<5x128x32xf32, #tpu.memory_space<vmem>> -> memref<1x128x32xf32, #tpu.memory_space<vmem>>
      %dma_start3A_268 = tpu.memref_squeeze %dma_start3A_267 : memref<1x128x32xf32, #tpu.memory_space<vmem>> -> memref<128x32xf32, #tpu.memory_space<vmem>>
      %dma_start3A_269 = arith.constant 0 : i32
      %dma_start3A_270 = tpu.memref_slice %arg8[%rem3A_260, %dma_start3A_264, %dma_start3A_269] : memref<7x2x128xi32, #tpu.memory_space<vmem>> -> memref<1x1x128xi32, #tpu.memory_space<vmem>>
      %dma_start3A_271 = tpu.memref_squeeze %dma_start3A_270 : memref<1x1x128xi32, #tpu.memory_space<vmem>> -> memref<128xi32, #tpu.memory_space<vmem>>
      %dma_start3A_272 = arith.constant 0 : i32
      %dma_start3A_273 = arith.constant 0 : i32
      %dma_start3A_274 = tpu.memref_slice %arg2[%dma_start3A_272, %dma_start3A_273] : memref<51200x32xf32, #tpu.memory_space<hbm>> -> memref<51200x32xf32, #tpu.memory_space<hbm>>
      tpu.enqueue_indirect_dma source(%dma_start3A_274 : memref<51200x32xf32, #tpu.memory_space<hbm>>) target(%dma_start3A_268 : memref<128x32xf32, #tpu.memory_space<vmem>>) offsets(%dma_start3A_271 : memref<128xi32, #tpu.memory_space<vmem>>) semaphore(%arg13 : memref<!tpu.dma_semaphore, #tpu.memory_space<semaphore_mem>>)
      %while3A = arith.constant 0 : i32
      %while3A_275 = arith.constant 0 : i32
      %while3A_276 = arith.subi %add3A_12, %while3A_275 : i32
      %while3A_277 = arith.addi %while3A_275, %while3A_276 : i32
      %while3A_278 = arith.constant 1 : i32
      %while3A_279 = arith.divsi %while3A_276, %while3A_278 : i32
      %while3A_280 = arith.muli %while3A_279, %while3A_278 : i32
      %while3A_281 = arith.addi %while3A_275, %while3A_280 : i32
      %while3A_282 = arith.constant 1 : i32
      scf.for %while3A_307 = %while3A_275 to %while3A_281 step %while3A_282  : i32 {
        %add3A_308 = arith.constant 4 : i32
        %add3A_309 = arith.addi %while3A_307, %add3A_308 : i32
        %lt3A_310 = arith.cmpi slt, %add3A_309, %add3A_12 : i32
        %convert_element_type3A_311 = arith.extui %lt3A_310 : i1 to i32
        %cond3A_312 = arith.constant 0 : i32
        %cond3A_313 = arith.cmpi ne, %convert_element_type3A_311, %cond3A_312 : i32
        scf.if %cond3A_313 {
          %add3A_362 = arith.constant 4 : i32
          %add3A_363 = arith.addi %while3A_307, %add3A_362 : i32
          %add3A_364 = arith.addi %add3A, %add3A_363 : i32
          %mul3A_365 = arith.constant 2 : i32
          %mul3A_366 = arith.muli %mul3A_365, %add3A_364 : i32
          %rem3A_367 = arith.constant 7 : i32
          %rem3A_368 = arith.remsi %add3A_363, %rem3A_367 : i32
          %dma_wait3A_369 = arith.constant 0 : i32
          %dma_wait3A_370 = arith.constant 0 : i32
          %dma_wait3A_371 = tpu.memref_slice %arg8[%rem3A_368, %dma_wait3A_369, %dma_wait3A_370] : memref<7x2x128xi32, #tpu.memory_space<vmem>> -> memref<1x2x128xi32, #tpu.memory_space<vmem>>
          %dma_wait3A_372 = tpu.memref_squeeze %dma_wait3A_371 : memref<1x2x128xi32, #tpu.memory_space<vmem>> -> memref<2x128xi32, #tpu.memory_space<vmem>>
          %dma_wait3A_373 = arith.constant 0 : i32
          %dma_wait3A_374 = tpu.memref_slice %arg4[%mul3A_366, %dma_wait3A_373] : memref<12500x128xi32, #tpu.memory_space<hbm>> -> memref<2x128xi32, #tpu.memory_space<hbm>>
          %dma_wait3A_375 = arith.constant 0 : i32
          %dma_wait3A_376 = arith.constant 0 : i32
          %dma_wait3A_377 = tpu.memref_slice %arg8[%rem3A_368, %dma_wait3A_375, %dma_wait3A_376] : memref<7x2x128xi32, #tpu.memory_space<vmem>> -> memref<1x2x128xi32, #tpu.memory_space<vmem>>
          %dma_wait3A_378 = tpu.memref_squeeze %dma_wait3A_377 : memref<1x2x128xi32, #tpu.memory_space<vmem>> -> memref<2x128xi32, #tpu.memory_space<vmem>>
          %dma_wait3A_379 = arith.constant 0 : i32
          %dma_wait3A_380 = tpu.memref_slice %arg4[%mul3A_366, %dma_wait3A_379] : memref<12500x128xi32, #tpu.memory_space<hbm>> -> memref<2x128xi32, #tpu.memory_space<hbm>>
          tpu.wait_dma2 semaphore(%arg12 : memref<!tpu.dma_semaphore, #tpu.memory_space<semaphore_mem>>) src(%dma_wait3A_380 : memref<2x128xi32, #tpu.memory_space<hbm>>) dst(%dma_wait3A_378 : memref<2x128xi32, #tpu.memory_space<vmem>>)
        } else {
        }
        %gt3A = arith.constant 0 : i32
        %gt3A_314 = arith.cmpi sgt, %while3A_307, %gt3A : i32
        %convert_element_type3A_315 = arith.extui %gt3A_314 : i1 to i32
        %cond3A_316 = arith.constant 0 : i32
        %cond3A_317 = arith.cmpi ne, %convert_element_type3A_315, %cond3A_316 : i32
        scf.if %cond3A_317 {
          %sub3A_362 = arith.constant 1 : i32
          %sub3A_363 = arith.subi %while3A_307, %sub3A_362 : i32
          %rem3A_364 = arith.constant 5 : i32
          %rem3A_365 = arith.remsi %sub3A_363, %rem3A_364 : i32
          %rem3A_366 = arith.constant 7 : i32
          %rem3A_367 = arith.remsi %sub3A_363, %rem3A_366 : i32
          %dma_wait3A_368 = arith.constant 1 : i32
          %dma_wait3A_369 = arith.constant 0 : i32
          %dma_wait3A_370 = arith.constant 0 : i32
          %dma_wait3A_371 = tpu.memref_slice %arg9[%rem3A_365, %dma_wait3A_369, %dma_wait3A_370] : memref<5x128x32xf32, #tpu.memory_space<vmem>> -> memref<1x128x32xf32, #tpu.memory_space<vmem>>
          %dma_wait3A_372 = tpu.memref_squeeze %dma_wait3A_371 : memref<1x128x32xf32, #tpu.memory_space<vmem>> -> memref<128x32xf32, #tpu.memory_space<vmem>>
          %dma_wait3A_373 = arith.constant 0 : i32
          %dma_wait3A_374 = tpu.memref_slice %arg8[%rem3A_367, %dma_wait3A_368, %dma_wait3A_373] : memref<7x2x128xi32, #tpu.memory_space<vmem>> -> memref<1x1x128xi32, #tpu.memory_space<vmem>>
          %dma_wait3A_375 = tpu.memref_squeeze %dma_wait3A_374 : memref<1x1x128xi32, #tpu.memory_space<vmem>> -> memref<128xi32, #tpu.memory_space<vmem>>
          %dma_wait3A_376 = arith.constant 0 : i32
          %dma_wait3A_377 = arith.constant 0 : i32
          %dma_wait3A_378 = tpu.memref_slice %arg11[%dma_wait3A_376, %dma_wait3A_377] : memref<51200x32xf32, #tpu.memory_space<vmem_shared>> -> memref<51200x32xf32, #tpu.memory_space<vmem_shared>>
          tpu.wait_indirect_dma semaphore(%arg14 : memref<!tpu.dma_semaphore, #tpu.memory_space<semaphore_mem>>) src(%dma_wait3A_372 : memref<128x32xf32, #tpu.memory_space<vmem>>) dst(%dma_wait3A_378 : memref<51200x32xf32, #tpu.memory_space<vmem_shared>>)
        } else {
        }
        %add3A_318 = arith.constant 4 : i32
        %add3A_319 = arith.addi %while3A_307, %add3A_318 : i32
        %add3A_320 = arith.constant 2 : i32
        %add3A_321 = arith.addi %add3A_319, %add3A_320 : i32
        %lt3A_322 = arith.cmpi slt, %add3A_321, %add3A_12 : i32
        %convert_element_type3A_323 = arith.extui %lt3A_322 : i1 to i32
        %cond3A_324 = arith.constant 0 : i32
        %cond3A_325 = arith.cmpi ne, %convert_element_type3A_323, %cond3A_324 : i32
        scf.if %cond3A_325 {
          %add3A_362 = arith.constant 4 : i32
          %add3A_363 = arith.addi %while3A_307, %add3A_362 : i32
          %add3A_364 = arith.constant 2 : i32
          %add3A_365 = arith.addi %add3A_363, %add3A_364 : i32
          %add3A_366 = arith.addi %add3A, %add3A_365 : i32
          %mul3A_367 = arith.constant 2 : i32
          %mul3A_368 = arith.muli %mul3A_367, %add3A_366 : i32
          %rem3A_369 = arith.constant 7 : i32
          %rem3A_370 = arith.remsi %add3A_365, %rem3A_369 : i32
          %dma_start3A_371 = arith.constant 0 : i32
          %dma_start3A_372 = arith.constant 0 : i32
          %dma_start3A_373 = tpu.memref_slice %arg8[%rem3A_370, %dma_start3A_371, %dma_start3A_372] : memref<7x2x128xi32, #tpu.memory_space<vmem>> -> memref<1x2x128xi32, #tpu.memory_space<vmem>>
          %dma_start3A_374 = tpu.memref_squeeze %dma_start3A_373 : memref<1x2x128xi32, #tpu.memory_space<vmem>> -> memref<2x128xi32, #tpu.memory_space<vmem>>
          %dma_start3A_375 = arith.constant 0 : i32
          %dma_start3A_376 = tpu.memref_slice %arg4[%mul3A_368, %dma_start3A_375] : memref<12500x128xi32, #tpu.memory_space<hbm>> -> memref<2x128xi32, #tpu.memory_space<hbm>>
          %dma_start3A_377 = arith.constant 0 : i32
          %dma_start3A_378 = arith.constant 0 : i32
          %dma_start3A_379 = tpu.memref_slice %arg8[%rem3A_370, %dma_start3A_377, %dma_start3A_378] : memref<7x2x128xi32, #tpu.memory_space<vmem>> -> memref<1x2x128xi32, #tpu.memory_space<vmem>>
          %dma_start3A_380 = tpu.memref_squeeze %dma_start3A_379 : memref<1x2x128xi32, #tpu.memory_space<vmem>> -> memref<2x128xi32, #tpu.memory_space<vmem>>
          %dma_start3A_381 = arith.constant 0 : i32
          %dma_start3A_382 = tpu.memref_slice %arg4[%mul3A_368, %dma_start3A_381] : memref<12500x128xi32, #tpu.memory_space<hbm>> -> memref<2x128xi32, #tpu.memory_space<hbm>>
          tpu.enqueue_dma source(%dma_start3A_382 : memref<2x128xi32, #tpu.memory_space<hbm>>) target(%dma_start3A_380 : memref<2x128xi32, #tpu.memory_space<vmem>>) target_semaphore(%arg12 : memref<!tpu.dma_semaphore, #tpu.memory_space<semaphore_mem>>)
        } else {
        }
        %rem3A_326 = arith.constant 7 : i32
        %rem3A_327 = arith.remsi %while3A_307, %rem3A_326 : i32
        %rem3A_328 = arith.constant 5 : i32
        %rem3A_329 = arith.remsi %while3A_307, %rem3A_328 : i32
        %dma_wait3A_330 = arith.constant 0 : i32
        %dma_wait3A_331 = arith.constant 0 : i32
        %dma_wait3A_332 = arith.constant 0 : i32
        %dma_wait3A_333 = tpu.memref_slice %arg9[%rem3A_329, %dma_wait3A_331, %dma_wait3A_332] : memref<5x128x32xf32, #tpu.memory_space<vmem>> -> memref<1x128x32xf32, #tpu.memory_space<vmem>>
        %dma_wait3A_334 = tpu.memref_squeeze %dma_wait3A_333 : memref<1x128x32xf32, #tpu.memory_space<vmem>> -> memref<128x32xf32, #tpu.memory_space<vmem>>
        %dma_wait3A_335 = arith.constant 0 : i32
        %dma_wait3A_336 = tpu.memref_slice %arg8[%rem3A_327, %dma_wait3A_330, %dma_wait3A_335] : memref<7x2x128xi32, #tpu.memory_space<vmem>> -> memref<1x1x128xi32, #tpu.memory_space<vmem>>
        %dma_wait3A_337 = tpu.memref_squeeze %dma_wait3A_336 : memref<1x1x128xi32, #tpu.memory_space<vmem>> -> memref<128xi32, #tpu.memory_space<vmem>>
        %dma_wait3A_338 = arith.constant 0 : i32
        %dma_wait3A_339 = arith.constant 0 : i32
        %dma_wait3A_340 = tpu.memref_slice %arg2[%dma_wait3A_338, %dma_wait3A_339] : memref<51200x32xf32, #tpu.memory_space<hbm>> -> memref<51200x32xf32, #tpu.memory_space<hbm>>
        tpu.wait_indirect_dma semaphore(%arg13 : memref<!tpu.dma_semaphore, #tpu.memory_space<semaphore_mem>>) src(%dma_wait3A_340 : memref<51200x32xf32, #tpu.memory_space<hbm>>) dst(%dma_wait3A_334 : memref<128x32xf32, #tpu.memory_space<vmem>>)
        %add3A_341 = arith.constant 4 : i32
        %add3A_342 = arith.addi %while3A_307, %add3A_341 : i32
        %lt3A_343 = arith.cmpi slt, %add3A_342, %add3A_12 : i32
        %convert_element_type3A_344 = arith.extui %lt3A_343 : i1 to i32
        %cond3A_345 = arith.constant 0 : i32
        %cond3A_346 = arith.cmpi ne, %convert_element_type3A_344, %cond3A_345 : i32
        scf.if %cond3A_346 {
          %add3A_362 = arith.constant 4 : i32
          %add3A_363 = arith.addi %while3A_307, %add3A_362 : i32
          %rem3A_364 = arith.constant 7 : i32
          %rem3A_365 = arith.remsi %add3A_363, %rem3A_364 : i32
          %rem3A_366 = arith.constant 5 : i32
          %rem3A_367 = arith.remsi %add3A_363, %rem3A_366 : i32
          %dma_start3A_368 = arith.constant 0 : i32
          %dma_start3A_369 = arith.constant 0 : i32
          %dma_start3A_370 = arith.constant 0 : i32
          %dma_start3A_371 = tpu.memref_slice %arg9[%rem3A_367, %dma_start3A_369, %dma_start3A_370] : memref<5x128x32xf32, #tpu.memory_space<vmem>> -> memref<1x128x32xf32, #tpu.memory_space<vmem>>
          %dma_start3A_372 = tpu.memref_squeeze %dma_start3A_371 : memref<1x128x32xf32, #tpu.memory_space<vmem>> -> memref<128x32xf32, #tpu.memory_space<vmem>>
          %dma_start3A_373 = arith.constant 0 : i32
          %dma_start3A_374 = tpu.memref_slice %arg8[%rem3A_365, %dma_start3A_368, %dma_start3A_373] : memref<7x2x128xi32, #tpu.memory_space<vmem>> -> memref<1x1x128xi32, #tpu.memory_space<vmem>>
          %dma_start3A_375 = tpu.memref_squeeze %dma_start3A_374 : memref<1x1x128xi32, #tpu.memory_space<vmem>> -> memref<128xi32, #tpu.memory_space<vmem>>
          %dma_start3A_376 = arith.constant 0 : i32
          %dma_start3A_377 = arith.constant 0 : i32
          %dma_start3A_378 = tpu.memref_slice %arg2[%dma_start3A_376, %dma_start3A_377] : memref<51200x32xf32, #tpu.memory_space<hbm>> -> memref<51200x32xf32, #tpu.memory_space<hbm>>
          tpu.enqueue_indirect_dma source(%dma_start3A_378 : memref<51200x32xf32, #tpu.memory_space<hbm>>) target(%dma_start3A_372 : memref<128x32xf32, #tpu.memory_space<vmem>>) offsets(%dma_start3A_375 : memref<128xi32, #tpu.memory_space<vmem>>) semaphore(%arg13 : memref<!tpu.dma_semaphore, #tpu.memory_space<semaphore_mem>>)
        } else {
        }
        %rem3A_347 = arith.constant 5 : i32
        %rem3A_348 = arith.remsi %while3A_307, %rem3A_347 : i32
        %rem3A_349 = arith.constant 7 : i32
        %rem3A_350 = arith.remsi %while3A_307, %rem3A_349 : i32
        %dma_start3A_351 = arith.constant 1 : i32
        %dma_start3A_352 = arith.constant 0 : i32
        %dma_start3A_353 = arith.constant 0 : i32
        %dma_start3A_354 = tpu.memref_slice %arg9[%rem3A_348, %dma_start3A_352, %dma_start3A_353] : memref<5x128x32xf32, #tpu.memory_space<vmem>> -> memref<1x128x32xf32, #tpu.memory_space<vmem>>
        %dma_start3A_355 = tpu.memref_squeeze %dma_start3A_354 : memref<1x128x32xf32, #tpu.memory_space<vmem>> -> memref<128x32xf32, #tpu.memory_space<vmem>>
        %dma_start3A_356 = arith.constant 0 : i32
        %dma_start3A_357 = tpu.memref_slice %arg8[%rem3A_350, %dma_start3A_351, %dma_start3A_356] : memref<7x2x128xi32, #tpu.memory_space<vmem>> -> memref<1x1x128xi32, #tpu.memory_space<vmem>>
        %dma_start3A_358 = tpu.memref_squeeze %dma_start3A_357 : memref<1x1x128xi32, #tpu.memory_space<vmem>> -> memref<128xi32, #tpu.memory_space<vmem>>
        %dma_start3A_359 = arith.constant 0 : i32
        %dma_start3A_360 = arith.constant 0 : i32
        %dma_start3A_361 = tpu.memref_slice %arg11[%dma_start3A_359, %dma_start3A_360] : memref<51200x32xf32, #tpu.memory_space<vmem_shared>> -> memref<51200x32xf32, #tpu.memory_space<vmem_shared>>
        tpu.enqueue_indirect_dma source(%dma_start3A_355 : memref<128x32xf32, #tpu.memory_space<vmem>>) target(%dma_start3A_361 : memref<51200x32xf32, #tpu.memory_space<vmem_shared>>) offsets(%dma_start3A_358 : memref<128xi32, #tpu.memory_space<vmem>>) semaphore(%arg14 : memref<!tpu.dma_semaphore, #tpu.memory_space<semaphore_mem>>) {add = true}
      }
      %while3A_283 = arith.constant 1 : i32
      scf.for %while3A_307 = %while3A_281 to %while3A_277 step %while3A_283  : i32 {
        %add3A_308 = arith.constant 4 : i32
        %add3A_309 = arith.addi %while3A_307, %add3A_308 : i32
        %lt3A_310 = arith.cmpi slt, %add3A_309, %add3A_12 : i32
        %convert_element_type3A_311 = arith.extui %lt3A_310 : i1 to i32
        %cond3A_312 = arith.constant 0 : i32
        %cond3A_313 = arith.cmpi ne, %convert_element_type3A_311, %cond3A_312 : i32
        scf.if %cond3A_313 {
          %add3A_362 = arith.constant 4 : i32
          %add3A_363 = arith.addi %while3A_307, %add3A_362 : i32
          %add3A_364 = arith.addi %add3A, %add3A_363 : i32
          %mul3A_365 = arith.constant 2 : i32
          %mul3A_366 = arith.muli %mul3A_365, %add3A_364 : i32
          %rem3A_367 = arith.constant 7 : i32
          %rem3A_368 = arith.remsi %add3A_363, %rem3A_367 : i32
          %dma_wait3A_369 = arith.constant 0 : i32
          %dma_wait3A_370 = arith.constant 0 : i32
          %dma_wait3A_371 = tpu.memref_slice %arg8[%rem3A_368, %dma_wait3A_369, %dma_wait3A_370] : memref<7x2x128xi32, #tpu.memory_space<vmem>> -> memref<1x2x128xi32, #tpu.memory_space<vmem>>
          %dma_wait3A_372 = tpu.memref_squeeze %dma_wait3A_371 : memref<1x2x128xi32, #tpu.memory_space<vmem>> -> memref<2x128xi32, #tpu.memory_space<vmem>>
          %dma_wait3A_373 = arith.constant 0 : i32
          %dma_wait3A_374 = tpu.memref_slice %arg4[%mul3A_366, %dma_wait3A_373] : memref<12500x128xi32, #tpu.memory_space<hbm>> -> memref<2x128xi32, #tpu.memory_space<hbm>>
          %dma_wait3A_375 = arith.constant 0 : i32
          %dma_wait3A_376 = arith.constant 0 : i32
          %dma_wait3A_377 = tpu.memref_slice %arg8[%rem3A_368, %dma_wait3A_375, %dma_wait3A_376] : memref<7x2x128xi32, #tpu.memory_space<vmem>> -> memref<1x2x128xi32, #tpu.memory_space<vmem>>
          %dma_wait3A_378 = tpu.memref_squeeze %dma_wait3A_377 : memref<1x2x128xi32, #tpu.memory_space<vmem>> -> memref<2x128xi32, #tpu.memory_space<vmem>>
          %dma_wait3A_379 = arith.constant 0 : i32
          %dma_wait3A_380 = tpu.memref_slice %arg4[%mul3A_366, %dma_wait3A_379] : memref<12500x128xi32, #tpu.memory_space<hbm>> -> memref<2x128xi32, #tpu.memory_space<hbm>>
          tpu.wait_dma2 semaphore(%arg12 : memref<!tpu.dma_semaphore, #tpu.memory_space<semaphore_mem>>) src(%dma_wait3A_380 : memref<2x128xi32, #tpu.memory_space<hbm>>) dst(%dma_wait3A_378 : memref<2x128xi32, #tpu.memory_space<vmem>>)
        } else {
        }
        %gt3A = arith.constant 0 : i32
        %gt3A_314 = arith.cmpi sgt, %while3A_307, %gt3A : i32
        %convert_element_type3A_315 = arith.extui %gt3A_314 : i1 to i32
        %cond3A_316 = arith.constant 0 : i32
        %cond3A_317 = arith.cmpi ne, %convert_element_type3A_315, %cond3A_316 : i32
        scf.if %cond3A_317 {
          %sub3A_362 = arith.constant 1 : i32
          %sub3A_363 = arith.subi %while3A_307, %sub3A_362 : i32
          %rem3A_364 = arith.constant 5 : i32
          %rem3A_365 = arith.remsi %sub3A_363, %rem3A_364 : i32
          %rem3A_366 = arith.constant 7 : i32
          %rem3A_367 = arith.remsi %sub3A_363, %rem3A_366 : i32
          %dma_wait3A_368 = arith.constant 1 : i32
          %dma_wait3A_369 = arith.constant 0 : i32
          %dma_wait3A_370 = arith.constant 0 : i32
          %dma_wait3A_371 = tpu.memref_slice %arg9[%rem3A_365, %dma_wait3A_369, %dma_wait3A_370] : memref<5x128x32xf32, #tpu.memory_space<vmem>> -> memref<1x128x32xf32, #tpu.memory_space<vmem>>
          %dma_wait3A_372 = tpu.memref_squeeze %dma_wait3A_371 : memref<1x128x32xf32, #tpu.memory_space<vmem>> -> memref<128x32xf32, #tpu.memory_space<vmem>>
          %dma_wait3A_373 = arith.constant 0 : i32
          %dma_wait3A_374 = tpu.memref_slice %arg8[%rem3A_367, %dma_wait3A_368, %dma_wait3A_373] : memref<7x2x128xi32, #tpu.memory_space<vmem>> -> memref<1x1x128xi32, #tpu.memory_space<vmem>>
          %dma_wait3A_375 = tpu.memref_squeeze %dma_wait3A_374 : memref<1x1x128xi32, #tpu.memory_space<vmem>> -> memref<128xi32, #tpu.memory_space<vmem>>
          %dma_wait3A_376 = arith.constant 0 : i32
          %dma_wait3A_377 = arith.constant 0 : i32
          %dma_wait3A_378 = tpu.memref_slice %arg11[%dma_wait3A_376, %dma_wait3A_377] : memref<51200x32xf32, #tpu.memory_space<vmem_shared>> -> memref<51200x32xf32, #tpu.memory_space<vmem_shared>>
          tpu.wait_indirect_dma semaphore(%arg14 : memref<!tpu.dma_semaphore, #tpu.memory_space<semaphore_mem>>) src(%dma_wait3A_372 : memref<128x32xf32, #tpu.memory_space<vmem>>) dst(%dma_wait3A_378 : memref<51200x32xf32, #tpu.memory_space<vmem_shared>>)
        } else {
        }
        %add3A_318 = arith.constant 4 : i32
        %add3A_319 = arith.addi %while3A_307, %add3A_318 : i32
        %add3A_320 = arith.constant 2 : i32
        %add3A_321 = arith.addi %add3A_319, %add3A_320 : i32
        %lt3A_322 = arith.cmpi slt, %add3A_321, %add3A_12 : i32
        %convert_element_type3A_323 = arith.extui %lt3A_322 : i1 to i32
        %cond3A_324 = arith.constant 0 : i32
        %cond3A_325 = arith.cmpi ne, %convert_element_type3A_323, %cond3A_324 : i32
        scf.if %cond3A_325 {
          %add3A_362 = arith.constant 4 : i32
          %add3A_363 = arith.addi %while3A_307, %add3A_362 : i32
          %add3A_364 = arith.constant 2 : i32
          %add3A_365 = arith.addi %add3A_363, %add3A_364 : i32
          %add3A_366 = arith.addi %add3A, %add3A_365 : i32
          %mul3A_367 = arith.constant 2 : i32
          %mul3A_368 = arith.muli %mul3A_367, %add3A_366 : i32
          %rem3A_369 = arith.constant 7 : i32
          %rem3A_370 = arith.remsi %add3A_365, %rem3A_369 : i32
          %dma_start3A_371 = arith.constant 0 : i32
          %dma_start3A_372 = arith.constant 0 : i32
          %dma_start3A_373 = tpu.memref_slice %arg8[%rem3A_370, %dma_start3A_371, %dma_start3A_372] : memref<7x2x128xi32, #tpu.memory_space<vmem>> -> memref<1x2x128xi32, #tpu.memory_space<vmem>>
          %dma_start3A_374 = tpu.memref_squeeze %dma_start3A_373 : memref<1x2x128xi32, #tpu.memory_space<vmem>> -> memref<2x128xi32, #tpu.memory_space<vmem>>
          %dma_start3A_375 = arith.constant 0 : i32
          %dma_start3A_376 = tpu.memref_slice %arg4[%mul3A_368, %dma_start3A_375] : memref<12500x128xi32, #tpu.memory_space<hbm>> -> memref<2x128xi32, #tpu.memory_space<hbm>>
          %dma_start3A_377 = arith.constant 0 : i32
          %dma_start3A_378 = arith.constant 0 : i32
          %dma_start3A_379 = tpu.memref_slice %arg8[%rem3A_370, %dma_start3A_377, %dma_start3A_378] : memref<7x2x128xi32, #tpu.memory_space<vmem>> -> memref<1x2x128xi32, #tpu.memory_space<vmem>>
          %dma_start3A_380 = tpu.memref_squeeze %dma_start3A_379 : memref<1x2x128xi32, #tpu.memory_space<vmem>> -> memref<2x128xi32, #tpu.memory_space<vmem>>
          %dma_start3A_381 = arith.constant 0 : i32
          %dma_start3A_382 = tpu.memref_slice %arg4[%mul3A_368, %dma_start3A_381] : memref<12500x128xi32, #tpu.memory_space<hbm>> -> memref<2x128xi32, #tpu.memory_space<hbm>>
          tpu.enqueue_dma source(%dma_start3A_382 : memref<2x128xi32, #tpu.memory_space<hbm>>) target(%dma_start3A_380 : memref<2x128xi32, #tpu.memory_space<vmem>>) target_semaphore(%arg12 : memref<!tpu.dma_semaphore, #tpu.memory_space<semaphore_mem>>)
        } else {
        }
        %rem3A_326 = arith.constant 7 : i32
        %rem3A_327 = arith.remsi %while3A_307, %rem3A_326 : i32
        %rem3A_328 = arith.constant 5 : i32
        %rem3A_329 = arith.remsi %while3A_307, %rem3A_328 : i32
        %dma_wait3A_330 = arith.constant 0 : i32
        %dma_wait3A_331 = arith.constant 0 : i32
        %dma_wait3A_332 = arith.constant 0 : i32
        %dma_wait3A_333 = tpu.memref_slice %arg9[%rem3A_329, %dma_wait3A_331, %dma_wait3A_332] : memref<5x128x32xf32, #tpu.memory_space<vmem>> -> memref<1x128x32xf32, #tpu.memory_space<vmem>>
        %dma_wait3A_334 = tpu.memref_squeeze %dma_wait3A_333 : memref<1x128x32xf32, #tpu.memory_space<vmem>> -> memref<128x32xf32, #tpu.memory_space<vmem>>
        %dma_wait3A_335 = arith.constant 0 : i32
        %dma_wait3A_336 = tpu.memref_slice %arg8[%rem3A_327, %dma_wait3A_330, %dma_wait3A_335] : memref<7x2x128xi32, #tpu.memory_space<vmem>> -> memref<1x1x128xi32, #tpu.memory_space<vmem>>
        %dma_wait3A_337 = tpu.memref_squeeze %dma_wait3A_336 : memref<1x1x128xi32, #tpu.memory_space<vmem>> -> memref<128xi32, #tpu.memory_space<vmem>>
        %dma_wait3A_338 = arith.constant 0 : i32
        %dma_wait3A_339 = arith.constant 0 : i32
        %dma_wait3A_340 = tpu.memref_slice %arg2[%dma_wait3A_338, %dma_wait3A_339] : memref<51200x32xf32, #tpu.memory_space<hbm>> -> memref<51200x32xf32, #tpu.memory_space<hbm>>
        tpu.wait_indirect_dma semaphore(%arg13 : memref<!tpu.dma_semaphore, #tpu.memory_space<semaphore_mem>>) src(%dma_wait3A_340 : memref<51200x32xf32, #tpu.memory_space<hbm>>) dst(%dma_wait3A_334 : memref<128x32xf32, #tpu.memory_space<vmem>>)
        %add3A_341 = arith.constant 4 : i32
        %add3A_342 = arith.addi %while3A_307, %add3A_341 : i32
        %lt3A_343 = arith.cmpi slt, %add3A_342, %add3A_12 : i32
        %convert_element_type3A_344 = arith.extui %lt3A_343 : i1 to i32
        %cond3A_345 = arith.constant 0 : i32
        %cond3A_346 = arith.cmpi ne, %convert_element_type3A_344, %cond3A_345 : i32
        scf.if %cond3A_346 {
          %add3A_362 = arith.constant 4 : i32
          %add3A_363 = arith.addi %while3A_307, %add3A_362 : i32
          %rem3A_364 = arith.constant 7 : i32
          %rem3A_365 = arith.remsi %add3A_363, %rem3A_364 : i32
          %rem3A_366 = arith.constant 5 : i32
          %rem3A_367 = arith.remsi %add3A_363, %rem3A_366 : i32
          %dma_start3A_368 = arith.constant 0 : i32
          %dma_start3A_369 = arith.constant 0 : i32
          %dma_start3A_370 = arith.constant 0 : i32
          %dma_start3A_371 = tpu.memref_slice %arg9[%rem3A_367, %dma_start3A_369, %dma_start3A_370] : memref<5x128x32xf32, #tpu.memory_space<vmem>> -> memref<1x128x32xf32, #tpu.memory_space<vmem>>
          %dma_start3A_372 = tpu.memref_squeeze %dma_start3A_371 : memref<1x128x32xf32, #tpu.memory_space<vmem>> -> memref<128x32xf32, #tpu.memory_space<vmem>>
          %dma_start3A_373 = arith.constant 0 : i32
          %dma_start3A_374 = tpu.memref_slice %arg8[%rem3A_365, %dma_start3A_368, %dma_start3A_373] : memref<7x2x128xi32, #tpu.memory_space<vmem>> -> memref<1x1x128xi32, #tpu.memory_space<vmem>>
          %dma_start3A_375 = tpu.memref_squeeze %dma_start3A_374 : memref<1x1x128xi32, #tpu.memory_space<vmem>> -> memref<128xi32, #tpu.memory_space<vmem>>
          %dma_start3A_376 = arith.constant 0 : i32
          %dma_start3A_377 = arith.constant 0 : i32
          %dma_start3A_378 = tpu.memref_slice %arg2[%dma_start3A_376, %dma_start3A_377] : memref<51200x32xf32, #tpu.memory_space<hbm>> -> memref<51200x32xf32, #tpu.memory_space<hbm>>
          tpu.enqueue_indirect_dma source(%dma_start3A_378 : memref<51200x32xf32, #tpu.memory_space<hbm>>) target(%dma_start3A_372 : memref<128x32xf32, #tpu.memory_space<vmem>>) offsets(%dma_start3A_375 : memref<128xi32, #tpu.memory_space<vmem>>) semaphore(%arg13 : memref<!tpu.dma_semaphore, #tpu.memory_space<semaphore_mem>>)
        } else {
        }
        %rem3A_347 = arith.constant 5 : i32
        %rem3A_348 = arith.remsi %while3A_307, %rem3A_347 : i32
        %rem3A_349 = arith.constant 7 : i32
        %rem3A_350 = arith.remsi %while3A_307, %rem3A_349 : i32
        %dma_start3A_351 = arith.constant 1 : i32
        %dma_start3A_352 = arith.constant 0 : i32
        %dma_start3A_353 = arith.constant 0 : i32
        %dma_start3A_354 = tpu.memref_slice %arg9[%rem3A_348, %dma_start3A_352, %dma_start3A_353] : memref<5x128x32xf32, #tpu.memory_space<vmem>> -> memref<1x128x32xf32, #tpu.memory_space<vmem>>
        %dma_start3A_355 = tpu.memref_squeeze %dma_start3A_354 : memref<1x128x32xf32, #tpu.memory_space<vmem>> -> memref<128x32xf32, #tpu.memory_space<vmem>>
        %dma_start3A_356 = arith.constant 0 : i32
        %dma_start3A_357 = tpu.memref_slice %arg8[%rem3A_350, %dma_start3A_351, %dma_start3A_356] : memref<7x2x128xi32, #tpu.memory_space<vmem>> -> memref<1x1x128xi32, #tpu.memory_space<vmem>>
        %dma_start3A_358 = tpu.memref_squeeze %dma_start3A_357 : memref<1x1x128xi32, #tpu.memory_space<vmem>> -> memref<128xi32, #tpu.memory_space<vmem>>
        %dma_start3A_359 = arith.constant 0 : i32
        %dma_start3A_360 = arith.constant 0 : i32
        %dma_start3A_361 = tpu.memref_slice %arg11[%dma_start3A_359, %dma_start3A_360] : memref<51200x32xf32, #tpu.memory_space<vmem_shared>> -> memref<51200x32xf32, #tpu.memory_space<vmem_shared>>
        tpu.enqueue_indirect_dma source(%dma_start3A_355 : memref<128x32xf32, #tpu.memory_space<vmem>>) target(%dma_start3A_361 : memref<51200x32xf32, #tpu.memory_space<vmem_shared>>) offsets(%dma_start3A_358 : memref<128xi32, #tpu.memory_space<vmem>>) semaphore(%arg14 : memref<!tpu.dma_semaphore, #tpu.memory_space<semaphore_mem>>) {add = true}
      }
      %sub3A = arith.constant 1 : i32
      %sub3A_284 = arith.subi %add3A_12, %sub3A : i32
      %rem3A_285 = arith.constant 5 : i32
      %rem3A_286 = arith.remsi %sub3A_284, %rem3A_285 : i32
      %rem3A_287 = arith.constant 7 : i32
      %rem3A_288 = arith.remsi %sub3A_284, %rem3A_287 : i32
      %dma_wait3A_289 = arith.constant 1 : i32
      %dma_wait3A_290 = arith.constant 0 : i32
      %dma_wait3A_291 = arith.constant 0 : i32
      %dma_wait3A_292 = tpu.memref_slice %arg9[%rem3A_286, %dma_wait3A_290, %dma_wait3A_291] : memref<5x128x32xf32, #tpu.memory_space<vmem>> -> memref<1x128x32xf32, #tpu.memory_space<vmem>>
      %dma_wait3A_293 = tpu.memref_squeeze %dma_wait3A_292 : memref<1x128x32xf32, #tpu.memory_space<vmem>> -> memref<128x32xf32, #tpu.memory_space<vmem>>
      %dma_wait3A_294 = arith.constant 0 : i32
      %dma_wait3A_295 = tpu.memref_slice %arg8[%rem3A_288, %dma_wait3A_289, %dma_wait3A_294] : memref<7x2x128xi32, #tpu.memory_space<vmem>> -> memref<1x1x128xi32, #tpu.memory_space<vmem>>
      %dma_wait3A_296 = tpu.memref_squeeze %dma_wait3A_295 : memref<1x1x128xi32, #tpu.memory_space<vmem>> -> memref<128xi32, #tpu.memory_space<vmem>>
      %dma_wait3A_297 = arith.constant 0 : i32
      %dma_wait3A_298 = arith.constant 0 : i32
      %dma_wait3A_299 = tpu.memref_slice %arg11[%dma_wait3A_297, %dma_wait3A_298] : memref<51200x32xf32, #tpu.memory_space<vmem_shared>> -> memref<51200x32xf32, #tpu.memory_space<vmem_shared>>
      tpu.wait_indirect_dma semaphore(%arg14 : memref<!tpu.dma_semaphore, #tpu.memory_space<semaphore_mem>>) src(%dma_wait3A_293 : memref<128x32xf32, #tpu.memory_space<vmem>>) dst(%dma_wait3A_299 : memref<51200x32xf32, #tpu.memory_space<vmem_shared>>)
      %barrier3A_300 = arith.constant 0 : index
      tpu.barrier barrier_id(%barrier3A_300)
      %scan3A_301 = arith.constant 0 : i32
      %scan3A_302 = arith.constant 0 : i32
      %scan3A_303 = arith.constant 40 : i32
      %scan3A_304 = arith.addi %scan3A_302, %scan3A_303 : i32
      %scan3A_305 = arith.constant 1 : i32
      scf.for %scan3A_307 = %scan3A_302 to %scan3A_304 step %scan3A_305  : i32 {
        %mul3A_308 = arith.constant 80 : i32
        %mul3A_309 = arith.muli %scan3A_307, %mul3A_308 : i32
        %add3A_310 = arith.addi %mul3A_0, %mul3A_309 : i32
        "tpu.region"() ({
          %run_scoped3A = tpu.sem_alloc : memref<!tpu.dma_semaphore, #tpu.memory_space<semaphore_mem>>
          %dma_start3A_311 = arith.constant 0 : i32
          %dma_start3A_312 = tpu.memref_slice %arg11[%add3A_310, %dma_start3A_311] : memref<51200x32xf32, #tpu.memory_space<vmem_shared>> -> memref<80x32xf32, #tpu.memory_space<vmem_shared>>
          %dma_start3A_313 = arith.constant 0 : i32
          %dma_start3A_314 = tpu.memref_slice %arg11[%add3A_310, %dma_start3A_313] : memref<51200x32xf32, #tpu.memory_space<vmem_shared>> -> memref<80x32xf32, #tpu.memory_space<vmem_shared>>
          tpu.enqueue_dma source(%dma_start3A_314 : memref<80x32xf32, #tpu.memory_space<vmem_shared>>) target(%arg10 : memref<80x32xf32, #tpu.memory_space<vmem>>) target_semaphore(%run_scoped3A : memref<!tpu.dma_semaphore, #tpu.memory_space<semaphore_mem>>)
          %dma_wait3A_315 = arith.constant 0 : i32
          %dma_wait3A_316 = tpu.memref_slice %arg11[%add3A_310, %dma_wait3A_315] : memref<51200x32xf32, #tpu.memory_space<vmem_shared>> -> memref<80x32xf32, #tpu.memory_space<vmem_shared>>
          %dma_wait3A_317 = arith.constant 0 : i32
          %dma_wait3A_318 = tpu.memref_slice %arg11[%add3A_310, %dma_wait3A_317] : memref<51200x32xf32, #tpu.memory_space<vmem_shared>> -> memref<80x32xf32, #tpu.memory_space<vmem_shared>>
          tpu.wait_dma2 semaphore(%run_scoped3A : memref<!tpu.dma_semaphore, #tpu.memory_space<semaphore_mem>>) src(%dma_wait3A_318 : memref<80x32xf32, #tpu.memory_space<vmem_shared>>) dst(%arg10 : memref<80x32xf32, #tpu.memory_space<vmem>>)
          tpu.yield
        }) : () -> ()
        "tpu.region"() ({
          %run_scoped3A = tpu.sem_alloc : memref<!tpu.dma_semaphore, #tpu.memory_space<semaphore_mem>>
          %dma_start3A_311 = arith.constant 0 : i32
          %dma_start3A_312 = tpu.memref_slice %arg6[%add3A_310, %dma_start3A_311] : memref<51200x32xf32, #tpu.memory_space<hbm>> -> memref<80x32xf32, #tpu.memory_space<hbm>>
          %dma_start3A_313 = arith.constant 0 : i32
          %dma_start3A_314 = tpu.memref_slice %arg6[%add3A_310, %dma_start3A_313] : memref<51200x32xf32, #tpu.memory_space<hbm>> -> memref<80x32xf32, #tpu.memory_space<hbm>>
          tpu.enqueue_dma source(%arg10 : memref<80x32xf32, #tpu.memory_space<vmem>>) target(%dma_start3A_314 : memref<80x32xf32, #tpu.memory_space<hbm>>) target_semaphore(%run_scoped3A : memref<!tpu.dma_semaphore, #tpu.memory_space<semaphore_mem>>)
          %dma_wait3A_315 = arith.constant 0 : i32
          %dma_wait3A_316 = tpu.memref_slice %arg6[%add3A_310, %dma_wait3A_315] : memref<51200x32xf32, #tpu.memory_space<hbm>> -> memref<80x32xf32, #tpu.memory_space<hbm>>
          %dma_wait3A_317 = arith.constant 0 : i32
          %dma_wait3A_318 = tpu.memref_slice %arg6[%add3A_310, %dma_wait3A_317] : memref<51200x32xf32, #tpu.memory_space<hbm>> -> memref<80x32xf32, #tpu.memory_space<hbm>>
          tpu.wait_dma2 semaphore(%run_scoped3A : memref<!tpu.dma_semaphore, #tpu.memory_space<semaphore_mem>>) src(%arg10 : memref<80x32xf32, #tpu.memory_space<vmem>>) dst(%dma_wait3A_318 : memref<80x32xf32, #tpu.memory_space<hbm>>)
          tpu.yield
        }) : () -> ()
      }
      %scan3A_306 = arith.constant 40 : i32
    } else {
    }
    %eq3A_15 = arith.constant 1 : i32
    %eq3A_16 = arith.cmpi eq, %arg0, %eq3A_15 : i32
    %convert_element_type3A_17 = arith.extui %eq3A_16 : i1 to i32
    %cond3A_18 = arith.constant 0 : i32
    %cond3A_19 = arith.cmpi ne, %convert_element_type3A_17, %cond3A_18 : i32
    scf.if %cond3A_19 {
      %add3A_20 = arith.constant 0 : i32
      %add3A_21 = arith.addi %add3A, %add3A_20 : i32
      %mul3A_22 = arith.constant 2 : i32
      %mul3A_23 = arith.muli %mul3A_22, %add3A_21 : i32
      %rem3A = arith.constant 0 : i32
      %rem3A_24 = arith.constant 7 : i32
      %rem3A_25 = arith.remsi %rem3A, %rem3A_24 : i32
      %dma_start3A = arith.constant 0 : i32
      %dma_start3A_26 = arith.constant 0 : i32
      %dma_start3A_27 = tpu.memref_slice %arg8[%rem3A_25, %dma_start3A, %dma_start3A_26] : memref<7x2x128xi32, #tpu.memory_space<vmem>> -> memref<1x2x128xi32, #tpu.memory_space<vmem>>
      %dma_start3A_28 = tpu.memref_squeeze %dma_start3A_27 : memref<1x2x128xi32, #tpu.memory_space<vmem>> -> memref<2x128xi32, #tpu.memory_space<vmem>>
      %dma_start3A_29 = arith.constant 0 : i32
      %dma_start3A_30 = tpu.memref_slice %arg4[%mul3A_23, %dma_start3A_29] : memref<12500x128xi32, #tpu.memory_space<hbm>> -> memref<2x128xi32, #tpu.memory_space<hbm>>
      %dma_start3A_31 = arith.constant 0 : i32
      %dma_start3A_32 = arith.constant 0 : i32
      %dma_start3A_33 = tpu.memref_slice %arg8[%rem3A_25, %dma_start3A_31, %dma_start3A_32] : memref<7x2x128xi32, #tpu.memory_space<vmem>> -> memref<1x2x128xi32, #tpu.memory_space<vmem>>
      %dma_start3A_34 = tpu.memref_squeeze %dma_start3A_33 : memref<1x2x128xi32, #tpu.memory_space<vmem>> -> memref<2x128xi32, #tpu.memory_space<vmem>>
      %dma_start3A_35 = arith.constant 0 : i32
      %dma_start3A_36 = tpu.memref_slice %arg4[%mul3A_23, %dma_start3A_35] : memref<12500x128xi32, #tpu.memory_space<hbm>> -> memref<2x128xi32, #tpu.memory_space<hbm>>
      tpu.enqueue_dma source(%dma_start3A_36 : memref<2x128xi32, #tpu.memory_space<hbm>>) target(%dma_start3A_34 : memref<2x128xi32, #tpu.memory_space<vmem>>) target_semaphore(%arg12 : memref<!tpu.dma_semaphore, #tpu.memory_space<semaphore_mem>>)
      %add3A_37 = arith.constant 1 : i32
      %add3A_38 = arith.addi %add3A, %add3A_37 : i32
      %mul3A_39 = arith.constant 2 : i32
      %mul3A_40 = arith.muli %mul3A_39, %add3A_38 : i32
      %rem3A_41 = arith.constant 1 : i32
      %rem3A_42 = arith.constant 7 : i32
      %rem3A_43 = arith.remsi %rem3A_41, %rem3A_42 : i32
      %dma_start3A_44 = arith.constant 0 : i32
      %dma_start3A_45 = arith.constant 0 : i32
      %dma_start3A_46 = tpu.memref_slice %arg8[%rem3A_43, %dma_start3A_44, %dma_start3A_45] : memref<7x2x128xi32, #tpu.memory_space<vmem>> -> memref<1x2x128xi32, #tpu.memory_space<vmem>>
      %dma_start3A_47 = tpu.memref_squeeze %dma_start3A_46 : memref<1x2x128xi32, #tpu.memory_space<vmem>> -> memref<2x128xi32, #tpu.memory_space<vmem>>
      %dma_start3A_48 = arith.constant 0 : i32
      %dma_start3A_49 = tpu.memref_slice %arg4[%mul3A_40, %dma_start3A_48] : memref<12500x128xi32, #tpu.memory_space<hbm>> -> memref<2x128xi32, #tpu.memory_space<hbm>>
      %dma_start3A_50 = arith.constant 0 : i32
      %dma_start3A_51 = arith.constant 0 : i32
      %dma_start3A_52 = tpu.memref_slice %arg8[%rem3A_43, %dma_start3A_50, %dma_start3A_51] : memref<7x2x128xi32, #tpu.memory_space<vmem>> -> memref<1x2x128xi32, #tpu.memory_space<vmem>>
      %dma_start3A_53 = tpu.memref_squeeze %dma_start3A_52 : memref<1x2x128xi32, #tpu.memory_space<vmem>> -> memref<2x128xi32, #tpu.memory_space<vmem>>
      %dma_start3A_54 = arith.constant 0 : i32
      %dma_start3A_55 = tpu.memref_slice %arg4[%mul3A_40, %dma_start3A_54] : memref<12500x128xi32, #tpu.memory_space<hbm>> -> memref<2x128xi32, #tpu.memory_space<hbm>>
      tpu.enqueue_dma source(%dma_start3A_55 : memref<2x128xi32, #tpu.memory_space<hbm>>) target(%dma_start3A_53 : memref<2x128xi32, #tpu.memory_space<vmem>>) target_semaphore(%arg12 : memref<!tpu.dma_semaphore, #tpu.memory_space<semaphore_mem>>)
      %add3A_56 = arith.constant 2 : i32
      %add3A_57 = arith.addi %add3A, %add3A_56 : i32
      %mul3A_58 = arith.constant 2 : i32
      %mul3A_59 = arith.muli %mul3A_58, %add3A_57 : i32
      %rem3A_60 = arith.constant 2 : i32
      %rem3A_61 = arith.constant 7 : i32
      %rem3A_62 = arith.remsi %rem3A_60, %rem3A_61 : i32
      %dma_start3A_63 = arith.constant 0 : i32
      %dma_start3A_64 = arith.constant 0 : i32
      %dma_start3A_65 = tpu.memref_slice %arg8[%rem3A_62, %dma_start3A_63, %dma_start3A_64] : memref<7x2x128xi32, #tpu.memory_space<vmem>> -> memref<1x2x128xi32, #tpu.memory_space<vmem>>
      %dma_start3A_66 = tpu.memref_squeeze %dma_start3A_65 : memref<1x2x128xi32, #tpu.memory_space<vmem>> -> memref<2x128xi32, #tpu.memory_space<vmem>>
      %dma_start3A_67 = arith.constant 0 : i32
      %dma_start3A_68 = tpu.memref_slice %arg4[%mul3A_59, %dma_start3A_67] : memref<12500x128xi32, #tpu.memory_space<hbm>> -> memref<2x128xi32, #tpu.memory_space<hbm>>
      %dma_start3A_69 = arith.constant 0 : i32
      %dma_start3A_70 = arith.constant 0 : i32
      %dma_start3A_71 = tpu.memref_slice %arg8[%rem3A_62, %dma_start3A_69, %dma_start3A_70] : memref<7x2x128xi32, #tpu.memory_space<vmem>> -> memref<1x2x128xi32, #tpu.memory_space<vmem>>
      %dma_start3A_72 = tpu.memref_squeeze %dma_start3A_71 : memref<1x2x128xi32, #tpu.memory_space<vmem>> -> memref<2x128xi32, #tpu.memory_space<vmem>>
      %dma_start3A_73 = arith.constant 0 : i32
      %dma_start3A_74 = tpu.memref_slice %arg4[%mul3A_59, %dma_start3A_73] : memref<12500x128xi32, #tpu.memory_space<hbm>> -> memref<2x128xi32, #tpu.memory_space<hbm>>
      tpu.enqueue_dma source(%dma_start3A_74 : memref<2x128xi32, #tpu.memory_space<hbm>>) target(%dma_start3A_72 : memref<2x128xi32, #tpu.memory_space<vmem>>) target_semaphore(%arg12 : memref<!tpu.dma_semaphore, #tpu.memory_space<semaphore_mem>>)
      %add3A_75 = arith.constant 3 : i32
      %add3A_76 = arith.addi %add3A, %add3A_75 : i32
      %mul3A_77 = arith.constant 2 : i32
      %mul3A_78 = arith.muli %mul3A_77, %add3A_76 : i32
      %rem3A_79 = arith.constant 3 : i32
      %rem3A_80 = arith.constant 7 : i32
      %rem3A_81 = arith.remsi %rem3A_79, %rem3A_80 : i32
      %dma_start3A_82 = arith.constant 0 : i32
      %dma_start3A_83 = arith.constant 0 : i32
      %dma_start3A_84 = tpu.memref_slice %arg8[%rem3A_81, %dma_start3A_82, %dma_start3A_83] : memref<7x2x128xi32, #tpu.memory_space<vmem>> -> memref<1x2x128xi32, #tpu.memory_space<vmem>>
      %dma_start3A_85 = tpu.memref_squeeze %dma_start3A_84 : memref<1x2x128xi32, #tpu.memory_space<vmem>> -> memref<2x128xi32, #tpu.memory_space<vmem>>
      %dma_start3A_86 = arith.constant 0 : i32
      %dma_start3A_87 = tpu.memref_slice %arg4[%mul3A_78, %dma_start3A_86] : memref<12500x128xi32, #tpu.memory_space<hbm>> -> memref<2x128xi32, #tpu.memory_space<hbm>>
      %dma_start3A_88 = arith.constant 0 : i32
      %dma_start3A_89 = arith.constant 0 : i32
      %dma_start3A_90 = tpu.memref_slice %arg8[%rem3A_81, %dma_start3A_88, %dma_start3A_89] : memref<7x2x128xi32, #tpu.memory_space<vmem>> -> memref<1x2x128xi32, #tpu.memory_space<vmem>>
      %dma_start3A_91 = tpu.memref_squeeze %dma_start3A_90 : memref<1x2x128xi32, #tpu.memory_space<vmem>> -> memref<2x128xi32, #tpu.memory_space<vmem>>
      %dma_start3A_92 = arith.constant 0 : i32
      %dma_start3A_93 = tpu.memref_slice %arg4[%mul3A_78, %dma_start3A_92] : memref<12500x128xi32, #tpu.memory_space<hbm>> -> memref<2x128xi32, #tpu.memory_space<hbm>>
      tpu.enqueue_dma source(%dma_start3A_93 : memref<2x128xi32, #tpu.memory_space<hbm>>) target(%dma_start3A_91 : memref<2x128xi32, #tpu.memory_space<vmem>>) target_semaphore(%arg12 : memref<!tpu.dma_semaphore, #tpu.memory_space<semaphore_mem>>)
      %add3A_94 = arith.constant 4 : i32
      %add3A_95 = arith.addi %add3A, %add3A_94 : i32
      %mul3A_96 = arith.constant 2 : i32
      %mul3A_97 = arith.muli %mul3A_96, %add3A_95 : i32
      %rem3A_98 = arith.constant 4 : i32
      %rem3A_99 = arith.constant 7 : i32
      %rem3A_100 = arith.remsi %rem3A_98, %rem3A_99 : i32
      %dma_start3A_101 = arith.constant 0 : i32
      %dma_start3A_102 = arith.constant 0 : i32
      %dma_start3A_103 = tpu.memref_slice %arg8[%rem3A_100, %dma_start3A_101, %dma_start3A_102] : memref<7x2x128xi32, #tpu.memory_space<vmem>> -> memref<1x2x128xi32, #tpu.memory_space<vmem>>
      %dma_start3A_104 = tpu.memref_squeeze %dma_start3A_103 : memref<1x2x128xi32, #tpu.memory_space<vmem>> -> memref<2x128xi32, #tpu.memory_space<vmem>>
      %dma_start3A_105 = arith.constant 0 : i32
      %dma_start3A_106 = tpu.memref_slice %arg4[%mul3A_97, %dma_start3A_105] : memref<12500x128xi32, #tpu.memory_space<hbm>> -> memref<2x128xi32, #tpu.memory_space<hbm>>
      %dma_start3A_107 = arith.constant 0 : i32
      %dma_start3A_108 = arith.constant 0 : i32
      %dma_start3A_109 = tpu.memref_slice %arg8[%rem3A_100, %dma_start3A_107, %dma_start3A_108] : memref<7x2x128xi32, #tpu.memory_space<vmem>> -> memref<1x2x128xi32, #tpu.memory_space<vmem>>
      %dma_start3A_110 = tpu.memref_squeeze %dma_start3A_109 : memref<1x2x128xi32, #tpu.memory_space<vmem>> -> memref<2x128xi32, #tpu.memory_space<vmem>>
      %dma_start3A_111 = arith.constant 0 : i32
      %dma_start3A_112 = tpu.memref_slice %arg4[%mul3A_97, %dma_start3A_111] : memref<12500x128xi32, #tpu.memory_space<hbm>> -> memref<2x128xi32, #tpu.memory_space<hbm>>
      tpu.enqueue_dma source(%dma_start3A_112 : memref<2x128xi32, #tpu.memory_space<hbm>>) target(%dma_start3A_110 : memref<2x128xi32, #tpu.memory_space<vmem>>) target_semaphore(%arg12 : memref<!tpu.dma_semaphore, #tpu.memory_space<semaphore_mem>>)
      %add3A_113 = arith.constant 5 : i32
      %add3A_114 = arith.addi %add3A, %add3A_113 : i32
      %mul3A_115 = arith.constant 2 : i32
      %mul3A_116 = arith.muli %mul3A_115, %add3A_114 : i32
      %rem3A_117 = arith.constant 5 : i32
      %rem3A_118 = arith.constant 7 : i32
      %rem3A_119 = arith.remsi %rem3A_117, %rem3A_118 : i32
      %dma_start3A_120 = arith.constant 0 : i32
      %dma_start3A_121 = arith.constant 0 : i32
      %dma_start3A_122 = tpu.memref_slice %arg8[%rem3A_119, %dma_start3A_120, %dma_start3A_121] : memref<7x2x128xi32, #tpu.memory_space<vmem>> -> memref<1x2x128xi32, #tpu.memory_space<vmem>>
      %dma_start3A_123 = tpu.memref_squeeze %dma_start3A_122 : memref<1x2x128xi32, #tpu.memory_space<vmem>> -> memref<2x128xi32, #tpu.memory_space<vmem>>
      %dma_start3A_124 = arith.constant 0 : i32
      %dma_start3A_125 = tpu.memref_slice %arg4[%mul3A_116, %dma_start3A_124] : memref<12500x128xi32, #tpu.memory_space<hbm>> -> memref<2x128xi32, #tpu.memory_space<hbm>>
      %dma_start3A_126 = arith.constant 0 : i32
      %dma_start3A_127 = arith.constant 0 : i32
      %dma_start3A_128 = tpu.memref_slice %arg8[%rem3A_119, %dma_start3A_126, %dma_start3A_127] : memref<7x2x128xi32, #tpu.memory_space<vmem>> -> memref<1x2x128xi32, #tpu.memory_space<vmem>>
      %dma_start3A_129 = tpu.memref_squeeze %dma_start3A_128 : memref<1x2x128xi32, #tpu.memory_space<vmem>> -> memref<2x128xi32, #tpu.memory_space<vmem>>
      %dma_start3A_130 = arith.constant 0 : i32
      %dma_start3A_131 = tpu.memref_slice %arg4[%mul3A_116, %dma_start3A_130] : memref<12500x128xi32, #tpu.memory_space<hbm>> -> memref<2x128xi32, #tpu.memory_space<hbm>>
      tpu.enqueue_dma source(%dma_start3A_131 : memref<2x128xi32, #tpu.memory_space<hbm>>) target(%dma_start3A_129 : memref<2x128xi32, #tpu.memory_space<vmem>>) target_semaphore(%arg12 : memref<!tpu.dma_semaphore, #tpu.memory_space<semaphore_mem>>)
      %add3A_132 = arith.constant 0 : i32
      %add3A_133 = arith.addi %add3A, %add3A_132 : i32
      %mul3A_134 = arith.constant 2 : i32
      %mul3A_135 = arith.muli %mul3A_134, %add3A_133 : i32
      %rem3A_136 = arith.constant 0 : i32
      %rem3A_137 = arith.constant 7 : i32
      %rem3A_138 = arith.remsi %rem3A_136, %rem3A_137 : i32
      %dma_wait3A = arith.constant 0 : i32
      %dma_wait3A_139 = arith.constant 0 : i32
      %dma_wait3A_140 = tpu.memref_slice %arg8[%rem3A_138, %dma_wait3A, %dma_wait3A_139] : memref<7x2x128xi32, #tpu.memory_space<vmem>> -> memref<1x2x128xi32, #tpu.memory_space<vmem>>
      %dma_wait3A_141 = tpu.memref_squeeze %dma_wait3A_140 : memref<1x2x128xi32, #tpu.memory_space<vmem>> -> memref<2x128xi32, #tpu.memory_space<vmem>>
      %dma_wait3A_142 = arith.constant 0 : i32
      %dma_wait3A_143 = tpu.memref_slice %arg4[%mul3A_135, %dma_wait3A_142] : memref<12500x128xi32, #tpu.memory_space<hbm>> -> memref<2x128xi32, #tpu.memory_space<hbm>>
      %dma_wait3A_144 = arith.constant 0 : i32
      %dma_wait3A_145 = arith.constant 0 : i32
      %dma_wait3A_146 = tpu.memref_slice %arg8[%rem3A_138, %dma_wait3A_144, %dma_wait3A_145] : memref<7x2x128xi32, #tpu.memory_space<vmem>> -> memref<1x2x128xi32, #tpu.memory_space<vmem>>
      %dma_wait3A_147 = tpu.memref_squeeze %dma_wait3A_146 : memref<1x2x128xi32, #tpu.memory_space<vmem>> -> memref<2x128xi32, #tpu.memory_space<vmem>>
      %dma_wait3A_148 = arith.constant 0 : i32
      %dma_wait3A_149 = tpu.memref_slice %arg4[%mul3A_135, %dma_wait3A_148] : memref<12500x128xi32, #tpu.memory_space<hbm>> -> memref<2x128xi32, #tpu.memory_space<hbm>>
      tpu.wait_dma2 semaphore(%arg12 : memref<!tpu.dma_semaphore, #tpu.memory_space<semaphore_mem>>) src(%dma_wait3A_149 : memref<2x128xi32, #tpu.memory_space<hbm>>) dst(%dma_wait3A_147 : memref<2x128xi32, #tpu.memory_space<vmem>>)
      %rem3A_150 = arith.constant 0 : i32
      %rem3A_151 = arith.constant 7 : i32
      %rem3A_152 = arith.remsi %rem3A_150, %rem3A_151 : i32
      %rem3A_153 = arith.constant 0 : i32
      %rem3A_154 = arith.constant 5 : i32
      %rem3A_155 = arith.remsi %rem3A_153, %rem3A_154 : i32
      %dma_start3A_156 = arith.constant 0 : i32
      %dma_start3A_157 = arith.constant 0 : i32
      %dma_start3A_158 = arith.constant 0 : i32
      %dma_start3A_159 = tpu.memref_slice %arg9[%rem3A_155, %dma_start3A_157, %dma_start3A_158] : memref<5x128x32xf32, #tpu.memory_space<vmem>> -> memref<1x128x32xf32, #tpu.memory_space<vmem>>
      %dma_start3A_160 = tpu.memref_squeeze %dma_start3A_159 : memref<1x128x32xf32, #tpu.memory_space<vmem>> -> memref<128x32xf32, #tpu.memory_space<vmem>>
      %dma_start3A_161 = arith.constant 0 : i32
      %dma_start3A_162 = tpu.memref_slice %arg8[%rem3A_152, %dma_start3A_156, %dma_start3A_161] : memref<7x2x128xi32, #tpu.memory_space<vmem>> -> memref<1x1x128xi32, #tpu.memory_space<vmem>>
      %dma_start3A_163 = tpu.memref_squeeze %dma_start3A_162 : memref<1x1x128xi32, #tpu.memory_space<vmem>> -> memref<128xi32, #tpu.memory_space<vmem>>
      %dma_start3A_164 = arith.constant 0 : i32
      %dma_start3A_165 = arith.constant 0 : i32
      %dma_start3A_166 = tpu.memref_slice %arg3[%dma_start3A_164, %dma_start3A_165] : memref<51200x32xf32, #tpu.memory_space<hbm>> -> memref<51200x32xf32, #tpu.memory_space<hbm>>
      tpu.enqueue_indirect_dma source(%dma_start3A_166 : memref<51200x32xf32, #tpu.memory_space<hbm>>) target(%dma_start3A_160 : memref<128x32xf32, #tpu.memory_space<vmem>>) offsets(%dma_start3A_163 : memref<128xi32, #tpu.memory_space<vmem>>) semaphore(%arg13 : memref<!tpu.dma_semaphore, #tpu.memory_space<semaphore_mem>>)
      %add3A_167 = arith.constant 1 : i32
      %add3A_168 = arith.addi %add3A, %add3A_167 : i32
      %mul3A_169 = arith.constant 2 : i32
      %mul3A_170 = arith.muli %mul3A_169, %add3A_168 : i32
      %rem3A_171 = arith.constant 1 : i32
      %rem3A_172 = arith.constant 7 : i32
      %rem3A_173 = arith.remsi %rem3A_171, %rem3A_172 : i32
      %dma_wait3A_174 = arith.constant 0 : i32
      %dma_wait3A_175 = arith.constant 0 : i32
      %dma_wait3A_176 = tpu.memref_slice %arg8[%rem3A_173, %dma_wait3A_174, %dma_wait3A_175] : memref<7x2x128xi32, #tpu.memory_space<vmem>> -> memref<1x2x128xi32, #tpu.memory_space<vmem>>
      %dma_wait3A_177 = tpu.memref_squeeze %dma_wait3A_176 : memref<1x2x128xi32, #tpu.memory_space<vmem>> -> memref<2x128xi32, #tpu.memory_space<vmem>>
      %dma_wait3A_178 = arith.constant 0 : i32
      %dma_wait3A_179 = tpu.memref_slice %arg4[%mul3A_170, %dma_wait3A_178] : memref<12500x128xi32, #tpu.memory_space<hbm>> -> memref<2x128xi32, #tpu.memory_space<hbm>>
      %dma_wait3A_180 = arith.constant 0 : i32
      %dma_wait3A_181 = arith.constant 0 : i32
      %dma_wait3A_182 = tpu.memref_slice %arg8[%rem3A_173, %dma_wait3A_180, %dma_wait3A_181] : memref<7x2x128xi32, #tpu.memory_space<vmem>> -> memref<1x2x128xi32, #tpu.memory_space<vmem>>
      %dma_wait3A_183 = tpu.memref_squeeze %dma_wait3A_182 : memref<1x2x128xi32, #tpu.memory_space<vmem>> -> memref<2x128xi32, #tpu.memory_space<vmem>>
      %dma_wait3A_184 = arith.constant 0 : i32
      %dma_wait3A_185 = tpu.memref_slice %arg4[%mul3A_170, %dma_wait3A_184] : memref<12500x128xi32, #tpu.memory_space<hbm>> -> memref<2x128xi32, #tpu.memory_space<hbm>>
      tpu.wait_dma2 semaphore(%arg12 : memref<!tpu.dma_semaphore, #tpu.memory_space<semaphore_mem>>) src(%dma_wait3A_185 : memref<2x128xi32, #tpu.memory_space<hbm>>) dst(%dma_wait3A_183 : memref<2x128xi32, #tpu.memory_space<vmem>>)
      %rem3A_186 = arith.constant 1 : i32
      %rem3A_187 = arith.constant 7 : i32
      %rem3A_188 = arith.remsi %rem3A_186, %rem3A_187 : i32
      %rem3A_189 = arith.constant 1 : i32
      %rem3A_190 = arith.constant 5 : i32
      %rem3A_191 = arith.remsi %rem3A_189, %rem3A_190 : i32
      %dma_start3A_192 = arith.constant 0 : i32
      %dma_start3A_193 = arith.constant 0 : i32
      %dma_start3A_194 = arith.constant 0 : i32
      %dma_start3A_195 = tpu.memref_slice %arg9[%rem3A_191, %dma_start3A_193, %dma_start3A_194] : memref<5x128x32xf32, #tpu.memory_space<vmem>> -> memref<1x128x32xf32, #tpu.memory_space<vmem>>
      %dma_start3A_196 = tpu.memref_squeeze %dma_start3A_195 : memref<1x128x32xf32, #tpu.memory_space<vmem>> -> memref<128x32xf32, #tpu.memory_space<vmem>>
      %dma_start3A_197 = arith.constant 0 : i32
      %dma_start3A_198 = tpu.memref_slice %arg8[%rem3A_188, %dma_start3A_192, %dma_start3A_197] : memref<7x2x128xi32, #tpu.memory_space<vmem>> -> memref<1x1x128xi32, #tpu.memory_space<vmem>>
      %dma_start3A_199 = tpu.memref_squeeze %dma_start3A_198 : memref<1x1x128xi32, #tpu.memory_space<vmem>> -> memref<128xi32, #tpu.memory_space<vmem>>
      %dma_start3A_200 = arith.constant 0 : i32
      %dma_start3A_201 = arith.constant 0 : i32
      %dma_start3A_202 = tpu.memref_slice %arg3[%dma_start3A_200, %dma_start3A_201] : memref<51200x32xf32, #tpu.memory_space<hbm>> -> memref<51200x32xf32, #tpu.memory_space<hbm>>
      tpu.enqueue_indirect_dma source(%dma_start3A_202 : memref<51200x32xf32, #tpu.memory_space<hbm>>) target(%dma_start3A_196 : memref<128x32xf32, #tpu.memory_space<vmem>>) offsets(%dma_start3A_199 : memref<128xi32, #tpu.memory_space<vmem>>) semaphore(%arg13 : memref<!tpu.dma_semaphore, #tpu.memory_space<semaphore_mem>>)
      %add3A_203 = arith.constant 2 : i32
      %add3A_204 = arith.addi %add3A, %add3A_203 : i32
      %mul3A_205 = arith.constant 2 : i32
      %mul3A_206 = arith.muli %mul3A_205, %add3A_204 : i32
      %rem3A_207 = arith.constant 2 : i32
      %rem3A_208 = arith.constant 7 : i32
      %rem3A_209 = arith.remsi %rem3A_207, %rem3A_208 : i32
      %dma_wait3A_210 = arith.constant 0 : i32
      %dma_wait3A_211 = arith.constant 0 : i32
      %dma_wait3A_212 = tpu.memref_slice %arg8[%rem3A_209, %dma_wait3A_210, %dma_wait3A_211] : memref<7x2x128xi32, #tpu.memory_space<vmem>> -> memref<1x2x128xi32, #tpu.memory_space<vmem>>
      %dma_wait3A_213 = tpu.memref_squeeze %dma_wait3A_212 : memref<1x2x128xi32, #tpu.memory_space<vmem>> -> memref<2x128xi32, #tpu.memory_space<vmem>>
      %dma_wait3A_214 = arith.constant 0 : i32
      %dma_wait3A_215 = tpu.memref_slice %arg4[%mul3A_206, %dma_wait3A_214] : memref<12500x128xi32, #tpu.memory_space<hbm>> -> memref<2x128xi32, #tpu.memory_space<hbm>>
      %dma_wait3A_216 = arith.constant 0 : i32
      %dma_wait3A_217 = arith.constant 0 : i32
      %dma_wait3A_218 = tpu.memref_slice %arg8[%rem3A_209, %dma_wait3A_216, %dma_wait3A_217] : memref<7x2x128xi32, #tpu.memory_space<vmem>> -> memref<1x2x128xi32, #tpu.memory_space<vmem>>
      %dma_wait3A_219 = tpu.memref_squeeze %dma_wait3A_218 : memref<1x2x128xi32, #tpu.memory_space<vmem>> -> memref<2x128xi32, #tpu.memory_space<vmem>>
      %dma_wait3A_220 = arith.constant 0 : i32
      %dma_wait3A_221 = tpu.memref_slice %arg4[%mul3A_206, %dma_wait3A_220] : memref<12500x128xi32, #tpu.memory_space<hbm>> -> memref<2x128xi32, #tpu.memory_space<hbm>>
      tpu.wait_dma2 semaphore(%arg12 : memref<!tpu.dma_semaphore, #tpu.memory_space<semaphore_mem>>) src(%dma_wait3A_221 : memref<2x128xi32, #tpu.memory_space<hbm>>) dst(%dma_wait3A_219 : memref<2x128xi32, #tpu.memory_space<vmem>>)
      %rem3A_222 = arith.constant 2 : i32
      %rem3A_223 = arith.constant 7 : i32
      %rem3A_224 = arith.remsi %rem3A_222, %rem3A_223 : i32
      %rem3A_225 = arith.constant 2 : i32
      %rem3A_226 = arith.constant 5 : i32
      %rem3A_227 = arith.remsi %rem3A_225, %rem3A_226 : i32
      %dma_start3A_228 = arith.constant 0 : i32
      %dma_start3A_229 = arith.constant 0 : i32
      %dma_start3A_230 = arith.constant 0 : i32
      %dma_start3A_231 = tpu.memref_slice %arg9[%rem3A_227, %dma_start3A_229, %dma_start3A_230] : memref<5x128x32xf32, #tpu.memory_space<vmem>> -> memref<1x128x32xf32, #tpu.memory_space<vmem>>
      %dma_start3A_232 = tpu.memref_squeeze %dma_start3A_231 : memref<1x128x32xf32, #tpu.memory_space<vmem>> -> memref<128x32xf32, #tpu.memory_space<vmem>>
      %dma_start3A_233 = arith.constant 0 : i32
      %dma_start3A_234 = tpu.memref_slice %arg8[%rem3A_224, %dma_start3A_228, %dma_start3A_233] : memref<7x2x128xi32, #tpu.memory_space<vmem>> -> memref<1x1x128xi32, #tpu.memory_space<vmem>>
      %dma_start3A_235 = tpu.memref_squeeze %dma_start3A_234 : memref<1x1x128xi32, #tpu.memory_space<vmem>> -> memref<128xi32, #tpu.memory_space<vmem>>
      %dma_start3A_236 = arith.constant 0 : i32
      %dma_start3A_237 = arith.constant 0 : i32
      %dma_start3A_238 = tpu.memref_slice %arg3[%dma_start3A_236, %dma_start3A_237] : memref<51200x32xf32, #tpu.memory_space<hbm>> -> memref<51200x32xf32, #tpu.memory_space<hbm>>
      tpu.enqueue_indirect_dma source(%dma_start3A_238 : memref<51200x32xf32, #tpu.memory_space<hbm>>) target(%dma_start3A_232 : memref<128x32xf32, #tpu.memory_space<vmem>>) offsets(%dma_start3A_235 : memref<128xi32, #tpu.memory_space<vmem>>) semaphore(%arg13 : memref<!tpu.dma_semaphore, #tpu.memory_space<semaphore_mem>>)
      %add3A_239 = arith.constant 3 : i32
      %add3A_240 = arith.addi %add3A, %add3A_239 : i32
      %mul3A_241 = arith.constant 2 : i32
      %mul3A_242 = arith.muli %mul3A_241, %add3A_240 : i32
      %rem3A_243 = arith.constant 3 : i32
      %rem3A_244 = arith.constant 7 : i32
      %rem3A_245 = arith.remsi %rem3A_243, %rem3A_244 : i32
      %dma_wait3A_246 = arith.constant 0 : i32
      %dma_wait3A_247 = arith.constant 0 : i32
      %dma_wait3A_248 = tpu.memref_slice %arg8[%rem3A_245, %dma_wait3A_246, %dma_wait3A_247] : memref<7x2x128xi32, #tpu.memory_space<vmem>> -> memref<1x2x128xi32, #tpu.memory_space<vmem>>
      %dma_wait3A_249 = tpu.memref_squeeze %dma_wait3A_248 : memref<1x2x128xi32, #tpu.memory_space<vmem>> -> memref<2x128xi32, #tpu.memory_space<vmem>>
      %dma_wait3A_250 = arith.constant 0 : i32
      %dma_wait3A_251 = tpu.memref_slice %arg4[%mul3A_242, %dma_wait3A_250] : memref<12500x128xi32, #tpu.memory_space<hbm>> -> memref<2x128xi32, #tpu.memory_space<hbm>>
      %dma_wait3A_252 = arith.constant 0 : i32
      %dma_wait3A_253 = arith.constant 0 : i32
      %dma_wait3A_254 = tpu.memref_slice %arg8[%rem3A_245, %dma_wait3A_252, %dma_wait3A_253] : memref<7x2x128xi32, #tpu.memory_space<vmem>> -> memref<1x2x128xi32, #tpu.memory_space<vmem>>
      %dma_wait3A_255 = tpu.memref_squeeze %dma_wait3A_254 : memref<1x2x128xi32, #tpu.memory_space<vmem>> -> memref<2x128xi32, #tpu.memory_space<vmem>>
      %dma_wait3A_256 = arith.constant 0 : i32
      %dma_wait3A_257 = tpu.memref_slice %arg4[%mul3A_242, %dma_wait3A_256] : memref<12500x128xi32, #tpu.memory_space<hbm>> -> memref<2x128xi32, #tpu.memory_space<hbm>>
      tpu.wait_dma2 semaphore(%arg12 : memref<!tpu.dma_semaphore, #tpu.memory_space<semaphore_mem>>) src(%dma_wait3A_257 : memref<2x128xi32, #tpu.memory_space<hbm>>) dst(%dma_wait3A_255 : memref<2x128xi32, #tpu.memory_space<vmem>>)
      %rem3A_258 = arith.constant 3 : i32
      %rem3A_259 = arith.constant 7 : i32
      %rem3A_260 = arith.remsi %rem3A_258, %rem3A_259 : i32
      %rem3A_261 = arith.constant 3 : i32
      %rem3A_262 = arith.constant 5 : i32
      %rem3A_263 = arith.remsi %rem3A_261, %rem3A_262 : i32
      %dma_start3A_264 = arith.constant 0 : i32
      %dma_start3A_265 = arith.constant 0 : i32
      %dma_start3A_266 = arith.constant 0 : i32
      %dma_start3A_267 = tpu.memref_slice %arg9[%rem3A_263, %dma_start3A_265, %dma_start3A_266] : memref<5x128x32xf32, #tpu.memory_space<vmem>> -> memref<1x128x32xf32, #tpu.memory_space<vmem>>
      %dma_start3A_268 = tpu.memref_squeeze %dma_start3A_267 : memref<1x128x32xf32, #tpu.memory_space<vmem>> -> memref<128x32xf32, #tpu.memory_space<vmem>>
      %dma_start3A_269 = arith.constant 0 : i32
      %dma_start3A_270 = tpu.memref_slice %arg8[%rem3A_260, %dma_start3A_264, %dma_start3A_269] : memref<7x2x128xi32, #tpu.memory_space<vmem>> -> memref<1x1x128xi32, #tpu.memory_space<vmem>>
      %dma_start3A_271 = tpu.memref_squeeze %dma_start3A_270 : memref<1x1x128xi32, #tpu.memory_space<vmem>> -> memref<128xi32, #tpu.memory_space<vmem>>
      %dma_start3A_272 = arith.constant 0 : i32
      %dma_start3A_273 = arith.constant 0 : i32
      %dma_start3A_274 = tpu.memref_slice %arg3[%dma_start3A_272, %dma_start3A_273] : memref<51200x32xf32, #tpu.memory_space<hbm>> -> memref<51200x32xf32, #tpu.memory_space<hbm>>
      tpu.enqueue_indirect_dma source(%dma_start3A_274 : memref<51200x32xf32, #tpu.memory_space<hbm>>) target(%dma_start3A_268 : memref<128x32xf32, #tpu.memory_space<vmem>>) offsets(%dma_start3A_271 : memref<128xi32, #tpu.memory_space<vmem>>) semaphore(%arg13 : memref<!tpu.dma_semaphore, #tpu.memory_space<semaphore_mem>>)
      %while3A = arith.constant 0 : i32
      %while3A_275 = arith.constant 0 : i32
      %while3A_276 = arith.subi %add3A_12, %while3A_275 : i32
      %while3A_277 = arith.addi %while3A_275, %while3A_276 : i32
      %while3A_278 = arith.constant 1 : i32
      %while3A_279 = arith.divsi %while3A_276, %while3A_278 : i32
      %while3A_280 = arith.muli %while3A_279, %while3A_278 : i32
      %while3A_281 = arith.addi %while3A_275, %while3A_280 : i32
      %while3A_282 = arith.constant 1 : i32
      scf.for %while3A_307 = %while3A_275 to %while3A_281 step %while3A_282  : i32 {
        %add3A_308 = arith.constant 4 : i32
        %add3A_309 = arith.addi %while3A_307, %add3A_308 : i32
        %lt3A_310 = arith.cmpi slt, %add3A_309, %add3A_12 : i32
        %convert_element_type3A_311 = arith.extui %lt3A_310 : i1 to i32
        %cond3A_312 = arith.constant 0 : i32
        %cond3A_313 = arith.cmpi ne, %convert_element_type3A_311, %cond3A_312 : i32
        scf.if %cond3A_313 {
          %add3A_362 = arith.constant 4 : i32
          %add3A_363 = arith.addi %while3A_307, %add3A_362 : i32
          %add3A_364 = arith.addi %add3A, %add3A_363 : i32
          %mul3A_365 = arith.constant 2 : i32
          %mul3A_366 = arith.muli %mul3A_365, %add3A_364 : i32
          %rem3A_367 = arith.constant 7 : i32
          %rem3A_368 = arith.remsi %add3A_363, %rem3A_367 : i32
          %dma_wait3A_369 = arith.constant 0 : i32
          %dma_wait3A_370 = arith.constant 0 : i32
          %dma_wait3A_371 = tpu.memref_slice %arg8[%rem3A_368, %dma_wait3A_369, %dma_wait3A_370] : memref<7x2x128xi32, #tpu.memory_space<vmem>> -> memref<1x2x128xi32, #tpu.memory_space<vmem>>
          %dma_wait3A_372 = tpu.memref_squeeze %dma_wait3A_371 : memref<1x2x128xi32, #tpu.memory_space<vmem>> -> memref<2x128xi32, #tpu.memory_space<vmem>>
          %dma_wait3A_373 = arith.constant 0 : i32
          %dma_wait3A_374 = tpu.memref_slice %arg4[%mul3A_366, %dma_wait3A_373] : memref<12500x128xi32, #tpu.memory_space<hbm>> -> memref<2x128xi32, #tpu.memory_space<hbm>>
          %dma_wait3A_375 = arith.constant 0 : i32
          %dma_wait3A_376 = arith.constant 0 : i32
          %dma_wait3A_377 = tpu.memref_slice %arg8[%rem3A_368, %dma_wait3A_375, %dma_wait3A_376] : memref<7x2x128xi32, #tpu.memory_space<vmem>> -> memref<1x2x128xi32, #tpu.memory_space<vmem>>
          %dma_wait3A_378 = tpu.memref_squeeze %dma_wait3A_377 : memref<1x2x128xi32, #tpu.memory_space<vmem>> -> memref<2x128xi32, #tpu.memory_space<vmem>>
          %dma_wait3A_379 = arith.constant 0 : i32
          %dma_wait3A_380 = tpu.memref_slice %arg4[%mul3A_366, %dma_wait3A_379] : memref<12500x128xi32, #tpu.memory_space<hbm>> -> memref<2x128xi32, #tpu.memory_space<hbm>>
          tpu.wait_dma2 semaphore(%arg12 : memref<!tpu.dma_semaphore, #tpu.memory_space<semaphore_mem>>) src(%dma_wait3A_380 : memref<2x128xi32, #tpu.memory_space<hbm>>) dst(%dma_wait3A_378 : memref<2x128xi32, #tpu.memory_space<vmem>>)
        } else {
        }
        %gt3A = arith.constant 0 : i32
        %gt3A_314 = arith.cmpi sgt, %while3A_307, %gt3A : i32
        %convert_element_type3A_315 = arith.extui %gt3A_314 : i1 to i32
        %cond3A_316 = arith.constant 0 : i32
        %cond3A_317 = arith.cmpi ne, %convert_element_type3A_315, %cond3A_316 : i32
        scf.if %cond3A_317 {
          %sub3A_362 = arith.constant 1 : i32
          %sub3A_363 = arith.subi %while3A_307, %sub3A_362 : i32
          %rem3A_364 = arith.constant 5 : i32
          %rem3A_365 = arith.remsi %sub3A_363, %rem3A_364 : i32
          %rem3A_366 = arith.constant 7 : i32
          %rem3A_367 = arith.remsi %sub3A_363, %rem3A_366 : i32
          %dma_wait3A_368 = arith.constant 1 : i32
          %dma_wait3A_369 = arith.constant 0 : i32
          %dma_wait3A_370 = arith.constant 0 : i32
          %dma_wait3A_371 = tpu.memref_slice %arg9[%rem3A_365, %dma_wait3A_369, %dma_wait3A_370] : memref<5x128x32xf32, #tpu.memory_space<vmem>> -> memref<1x128x32xf32, #tpu.memory_space<vmem>>
          %dma_wait3A_372 = tpu.memref_squeeze %dma_wait3A_371 : memref<1x128x32xf32, #tpu.memory_space<vmem>> -> memref<128x32xf32, #tpu.memory_space<vmem>>
          %dma_wait3A_373 = arith.constant 0 : i32
          %dma_wait3A_374 = tpu.memref_slice %arg8[%rem3A_367, %dma_wait3A_368, %dma_wait3A_373] : memref<7x2x128xi32, #tpu.memory_space<vmem>> -> memref<1x1x128xi32, #tpu.memory_space<vmem>>
          %dma_wait3A_375 = tpu.memref_squeeze %dma_wait3A_374 : memref<1x1x128xi32, #tpu.memory_space<vmem>> -> memref<128xi32, #tpu.memory_space<vmem>>
          %dma_wait3A_376 = arith.constant 0 : i32
          %dma_wait3A_377 = arith.constant 0 : i32
          %dma_wait3A_378 = tpu.memref_slice %arg11[%dma_wait3A_376, %dma_wait3A_377] : memref<51200x32xf32, #tpu.memory_space<vmem_shared>> -> memref<51200x32xf32, #tpu.memory_space<vmem_shared>>
          tpu.wait_indirect_dma semaphore(%arg14 : memref<!tpu.dma_semaphore, #tpu.memory_space<semaphore_mem>>) src(%dma_wait3A_372 : memref<128x32xf32, #tpu.memory_space<vmem>>) dst(%dma_wait3A_378 : memref<51200x32xf32, #tpu.memory_space<vmem_shared>>)
        } else {
        }
        %add3A_318 = arith.constant 4 : i32
        %add3A_319 = arith.addi %while3A_307, %add3A_318 : i32
        %add3A_320 = arith.constant 2 : i32
        %add3A_321 = arith.addi %add3A_319, %add3A_320 : i32
        %lt3A_322 = arith.cmpi slt, %add3A_321, %add3A_12 : i32
        %convert_element_type3A_323 = arith.extui %lt3A_322 : i1 to i32
        %cond3A_324 = arith.constant 0 : i32
        %cond3A_325 = arith.cmpi ne, %convert_element_type3A_323, %cond3A_324 : i32
        scf.if %cond3A_325 {
          %add3A_362 = arith.constant 4 : i32
          %add3A_363 = arith.addi %while3A_307, %add3A_362 : i32
          %add3A_364 = arith.constant 2 : i32
          %add3A_365 = arith.addi %add3A_363, %add3A_364 : i32
          %add3A_366 = arith.addi %add3A, %add3A_365 : i32
          %mul3A_367 = arith.constant 2 : i32
          %mul3A_368 = arith.muli %mul3A_367, %add3A_366 : i32
          %rem3A_369 = arith.constant 7 : i32
          %rem3A_370 = arith.remsi %add3A_365, %rem3A_369 : i32
          %dma_start3A_371 = arith.constant 0 : i32
          %dma_start3A_372 = arith.constant 0 : i32
          %dma_start3A_373 = tpu.memref_slice %arg8[%rem3A_370, %dma_start3A_371, %dma_start3A_372] : memref<7x2x128xi32, #tpu.memory_space<vmem>> -> memref<1x2x128xi32, #tpu.memory_space<vmem>>
          %dma_start3A_374 = tpu.memref_squeeze %dma_start3A_373 : memref<1x2x128xi32, #tpu.memory_space<vmem>> -> memref<2x128xi32, #tpu.memory_space<vmem>>
          %dma_start3A_375 = arith.constant 0 : i32
          %dma_start3A_376 = tpu.memref_slice %arg4[%mul3A_368, %dma_start3A_375] : memref<12500x128xi32, #tpu.memory_space<hbm>> -> memref<2x128xi32, #tpu.memory_space<hbm>>
          %dma_start3A_377 = arith.constant 0 : i32
          %dma_start3A_378 = arith.constant 0 : i32
          %dma_start3A_379 = tpu.memref_slice %arg8[%rem3A_370, %dma_start3A_377, %dma_start3A_378] : memref<7x2x128xi32, #tpu.memory_space<vmem>> -> memref<1x2x128xi32, #tpu.memory_space<vmem>>
          %dma_start3A_380 = tpu.memref_squeeze %dma_start3A_379 : memref<1x2x128xi32, #tpu.memory_space<vmem>> -> memref<2x128xi32, #tpu.memory_space<vmem>>
          %dma_start3A_381 = arith.constant 0 : i32
          %dma_start3A_382 = tpu.memref_slice %arg4[%mul3A_368, %dma_start3A_381] : memref<12500x128xi32, #tpu.memory_space<hbm>> -> memref<2x128xi32, #tpu.memory_space<hbm>>
          tpu.enqueue_dma source(%dma_start3A_382 : memref<2x128xi32, #tpu.memory_space<hbm>>) target(%dma_start3A_380 : memref<2x128xi32, #tpu.memory_space<vmem>>) target_semaphore(%arg12 : memref<!tpu.dma_semaphore, #tpu.memory_space<semaphore_mem>>)
        } else {
        }
        %rem3A_326 = arith.constant 7 : i32
        %rem3A_327 = arith.remsi %while3A_307, %rem3A_326 : i32
        %rem3A_328 = arith.constant 5 : i32
        %rem3A_329 = arith.remsi %while3A_307, %rem3A_328 : i32
        %dma_wait3A_330 = arith.constant 0 : i32
        %dma_wait3A_331 = arith.constant 0 : i32
        %dma_wait3A_332 = arith.constant 0 : i32
        %dma_wait3A_333 = tpu.memref_slice %arg9[%rem3A_329, %dma_wait3A_331, %dma_wait3A_332] : memref<5x128x32xf32, #tpu.memory_space<vmem>> -> memref<1x128x32xf32, #tpu.memory_space<vmem>>
        %dma_wait3A_334 = tpu.memref_squeeze %dma_wait3A_333 : memref<1x128x32xf32, #tpu.memory_space<vmem>> -> memref<128x32xf32, #tpu.memory_space<vmem>>
        %dma_wait3A_335 = arith.constant 0 : i32
        %dma_wait3A_336 = tpu.memref_slice %arg8[%rem3A_327, %dma_wait3A_330, %dma_wait3A_335] : memref<7x2x128xi32, #tpu.memory_space<vmem>> -> memref<1x1x128xi32, #tpu.memory_space<vmem>>
        %dma_wait3A_337 = tpu.memref_squeeze %dma_wait3A_336 : memref<1x1x128xi32, #tpu.memory_space<vmem>> -> memref<128xi32, #tpu.memory_space<vmem>>
        %dma_wait3A_338 = arith.constant 0 : i32
        %dma_wait3A_339 = arith.constant 0 : i32
        %dma_wait3A_340 = tpu.memref_slice %arg3[%dma_wait3A_338, %dma_wait3A_339] : memref<51200x32xf32, #tpu.memory_space<hbm>> -> memref<51200x32xf32, #tpu.memory_space<hbm>>
        tpu.wait_indirect_dma semaphore(%arg13 : memref<!tpu.dma_semaphore, #tpu.memory_space<semaphore_mem>>) src(%dma_wait3A_340 : memref<51200x32xf32, #tpu.memory_space<hbm>>) dst(%dma_wait3A_334 : memref<128x32xf32, #tpu.memory_space<vmem>>)
        %add3A_341 = arith.constant 4 : i32
        %add3A_342 = arith.addi %while3A_307, %add3A_341 : i32
        %lt3A_343 = arith.cmpi slt, %add3A_342, %add3A_12 : i32
        %convert_element_type3A_344 = arith.extui %lt3A_343 : i1 to i32
        %cond3A_345 = arith.constant 0 : i32
        %cond3A_346 = arith.cmpi ne, %convert_element_type3A_344, %cond3A_345 : i32
        scf.if %cond3A_346 {
          %add3A_362 = arith.constant 4 : i32
          %add3A_363 = arith.addi %while3A_307, %add3A_362 : i32
          %rem3A_364 = arith.constant 7 : i32
          %rem3A_365 = arith.remsi %add3A_363, %rem3A_364 : i32
          %rem3A_366 = arith.constant 5 : i32
          %rem3A_367 = arith.remsi %add3A_363, %rem3A_366 : i32
          %dma_start3A_368 = arith.constant 0 : i32
          %dma_start3A_369 = arith.constant 0 : i32
          %dma_start3A_370 = arith.constant 0 : i32
          %dma_start3A_371 = tpu.memref_slice %arg9[%rem3A_367, %dma_start3A_369, %dma_start3A_370] : memref<5x128x32xf32, #tpu.memory_space<vmem>> -> memref<1x128x32xf32, #tpu.memory_space<vmem>>
          %dma_start3A_372 = tpu.memref_squeeze %dma_start3A_371 : memref<1x128x32xf32, #tpu.memory_space<vmem>> -> memref<128x32xf32, #tpu.memory_space<vmem>>
          %dma_start3A_373 = arith.constant 0 : i32
          %dma_start3A_374 = tpu.memref_slice %arg8[%rem3A_365, %dma_start3A_368, %dma_start3A_373] : memref<7x2x128xi32, #tpu.memory_space<vmem>> -> memref<1x1x128xi32, #tpu.memory_space<vmem>>
          %dma_start3A_375 = tpu.memref_squeeze %dma_start3A_374 : memref<1x1x128xi32, #tpu.memory_space<vmem>> -> memref<128xi32, #tpu.memory_space<vmem>>
          %dma_start3A_376 = arith.constant 0 : i32
          %dma_start3A_377 = arith.constant 0 : i32
          %dma_start3A_378 = tpu.memref_slice %arg3[%dma_start3A_376, %dma_start3A_377] : memref<51200x32xf32, #tpu.memory_space<hbm>> -> memref<51200x32xf32, #tpu.memory_space<hbm>>
          tpu.enqueue_indirect_dma source(%dma_start3A_378 : memref<51200x32xf32, #tpu.memory_space<hbm>>) target(%dma_start3A_372 : memref<128x32xf32, #tpu.memory_space<vmem>>) offsets(%dma_start3A_375 : memref<128xi32, #tpu.memory_space<vmem>>) semaphore(%arg13 : memref<!tpu.dma_semaphore, #tpu.memory_space<semaphore_mem>>)
        } else {
        }
        %rem3A_347 = arith.constant 5 : i32
        %rem3A_348 = arith.remsi %while3A_307, %rem3A_347 : i32
        %rem3A_349 = arith.constant 7 : i32
        %rem3A_350 = arith.remsi %while3A_307, %rem3A_349 : i32
        %dma_start3A_351 = arith.constant 1 : i32
        %dma_start3A_352 = arith.constant 0 : i32
        %dma_start3A_353 = arith.constant 0 : i32
        %dma_start3A_354 = tpu.memref_slice %arg9[%rem3A_348, %dma_start3A_352, %dma_start3A_353] : memref<5x128x32xf32, #tpu.memory_space<vmem>> -> memref<1x128x32xf32, #tpu.memory_space<vmem>>
        %dma_start3A_355 = tpu.memref_squeeze %dma_start3A_354 : memref<1x128x32xf32, #tpu.memory_space<vmem>> -> memref<128x32xf32, #tpu.memory_space<vmem>>
        %dma_start3A_356 = arith.constant 0 : i32
        %dma_start3A_357 = tpu.memref_slice %arg8[%rem3A_350, %dma_start3A_351, %dma_start3A_356] : memref<7x2x128xi32, #tpu.memory_space<vmem>> -> memref<1x1x128xi32, #tpu.memory_space<vmem>>
        %dma_start3A_358 = tpu.memref_squeeze %dma_start3A_357 : memref<1x1x128xi32, #tpu.memory_space<vmem>> -> memref<128xi32, #tpu.memory_space<vmem>>
        %dma_start3A_359 = arith.constant 0 : i32
        %dma_start3A_360 = arith.constant 0 : i32
        %dma_start3A_361 = tpu.memref_slice %arg11[%dma_start3A_359, %dma_start3A_360] : memref<51200x32xf32, #tpu.memory_space<vmem_shared>> -> memref<51200x32xf32, #tpu.memory_space<vmem_shared>>
        tpu.enqueue_indirect_dma source(%dma_start3A_355 : memref<128x32xf32, #tpu.memory_space<vmem>>) target(%dma_start3A_361 : memref<51200x32xf32, #tpu.memory_space<vmem_shared>>) offsets(%dma_start3A_358 : memref<128xi32, #tpu.memory_space<vmem>>) semaphore(%arg14 : memref<!tpu.dma_semaphore, #tpu.memory_space<semaphore_mem>>) {add = true}
      }
      %while3A_283 = arith.constant 1 : i32
      scf.for %while3A_307 = %while3A_281 to %while3A_277 step %while3A_283  : i32 {
        %add3A_308 = arith.constant 4 : i32
        %add3A_309 = arith.addi %while3A_307, %add3A_308 : i32
        %lt3A_310 = arith.cmpi slt, %add3A_309, %add3A_12 : i32
        %convert_element_type3A_311 = arith.extui %lt3A_310 : i1 to i32
        %cond3A_312 = arith.constant 0 : i32
        %cond3A_313 = arith.cmpi ne, %convert_element_type3A_311, %cond3A_312 : i32
        scf.if %cond3A_313 {
          %add3A_362 = arith.constant 4 : i32
          %add3A_363 = arith.addi %while3A_307, %add3A_362 : i32
          %add3A_364 = arith.addi %add3A, %add3A_363 : i32
          %mul3A_365 = arith.constant 2 : i32
          %mul3A_366 = arith.muli %mul3A_365, %add3A_364 : i32
          %rem3A_367 = arith.constant 7 : i32
          %rem3A_368 = arith.remsi %add3A_363, %rem3A_367 : i32
          %dma_wait3A_369 = arith.constant 0 : i32
          %dma_wait3A_370 = arith.constant 0 : i32
          %dma_wait3A_371 = tpu.memref_slice %arg8[%rem3A_368, %dma_wait3A_369, %dma_wait3A_370] : memref<7x2x128xi32, #tpu.memory_space<vmem>> -> memref<1x2x128xi32, #tpu.memory_space<vmem>>
          %dma_wait3A_372 = tpu.memref_squeeze %dma_wait3A_371 : memref<1x2x128xi32, #tpu.memory_space<vmem>> -> memref<2x128xi32, #tpu.memory_space<vmem>>
          %dma_wait3A_373 = arith.constant 0 : i32
          %dma_wait3A_374 = tpu.memref_slice %arg4[%mul3A_366, %dma_wait3A_373] : memref<12500x128xi32, #tpu.memory_space<hbm>> -> memref<2x128xi32, #tpu.memory_space<hbm>>
          %dma_wait3A_375 = arith.constant 0 : i32
          %dma_wait3A_376 = arith.constant 0 : i32
          %dma_wait3A_377 = tpu.memref_slice %arg8[%rem3A_368, %dma_wait3A_375, %dma_wait3A_376] : memref<7x2x128xi32, #tpu.memory_space<vmem>> -> memref<1x2x128xi32, #tpu.memory_space<vmem>>
          %dma_wait3A_378 = tpu.memref_squeeze %dma_wait3A_377 : memref<1x2x128xi32, #tpu.memory_space<vmem>> -> memref<2x128xi32, #tpu.memory_space<vmem>>
          %dma_wait3A_379 = arith.constant 0 : i32
          %dma_wait3A_380 = tpu.memref_slice %arg4[%mul3A_366, %dma_wait3A_379] : memref<12500x128xi32, #tpu.memory_space<hbm>> -> memref<2x128xi32, #tpu.memory_space<hbm>>
          tpu.wait_dma2 semaphore(%arg12 : memref<!tpu.dma_semaphore, #tpu.memory_space<semaphore_mem>>) src(%dma_wait3A_380 : memref<2x128xi32, #tpu.memory_space<hbm>>) dst(%dma_wait3A_378 : memref<2x128xi32, #tpu.memory_space<vmem>>)
        } else {
        }
        %gt3A = arith.constant 0 : i32
        %gt3A_314 = arith.cmpi sgt, %while3A_307, %gt3A : i32
        %convert_element_type3A_315 = arith.extui %gt3A_314 : i1 to i32
        %cond3A_316 = arith.constant 0 : i32
        %cond3A_317 = arith.cmpi ne, %convert_element_type3A_315, %cond3A_316 : i32
        scf.if %cond3A_317 {
          %sub3A_362 = arith.constant 1 : i32
          %sub3A_363 = arith.subi %while3A_307, %sub3A_362 : i32
          %rem3A_364 = arith.constant 5 : i32
          %rem3A_365 = arith.remsi %sub3A_363, %rem3A_364 : i32
          %rem3A_366 = arith.constant 7 : i32
          %rem3A_367 = arith.remsi %sub3A_363, %rem3A_366 : i32
          %dma_wait3A_368 = arith.constant 1 : i32
          %dma_wait3A_369 = arith.constant 0 : i32
          %dma_wait3A_370 = arith.constant 0 : i32
          %dma_wait3A_371 = tpu.memref_slice %arg9[%rem3A_365, %dma_wait3A_369, %dma_wait3A_370] : memref<5x128x32xf32, #tpu.memory_space<vmem>> -> memref<1x128x32xf32, #tpu.memory_space<vmem>>
          %dma_wait3A_372 = tpu.memref_squeeze %dma_wait3A_371 : memref<1x128x32xf32, #tpu.memory_space<vmem>> -> memref<128x32xf32, #tpu.memory_space<vmem>>
          %dma_wait3A_373 = arith.constant 0 : i32
          %dma_wait3A_374 = tpu.memref_slice %arg8[%rem3A_367, %dma_wait3A_368, %dma_wait3A_373] : memref<7x2x128xi32, #tpu.memory_space<vmem>> -> memref<1x1x128xi32, #tpu.memory_space<vmem>>
          %dma_wait3A_375 = tpu.memref_squeeze %dma_wait3A_374 : memref<1x1x128xi32, #tpu.memory_space<vmem>> -> memref<128xi32, #tpu.memory_space<vmem>>
          %dma_wait3A_376 = arith.constant 0 : i32
          %dma_wait3A_377 = arith.constant 0 : i32
          %dma_wait3A_378 = tpu.memref_slice %arg11[%dma_wait3A_376, %dma_wait3A_377] : memref<51200x32xf32, #tpu.memory_space<vmem_shared>> -> memref<51200x32xf32, #tpu.memory_space<vmem_shared>>
          tpu.wait_indirect_dma semaphore(%arg14 : memref<!tpu.dma_semaphore, #tpu.memory_space<semaphore_mem>>) src(%dma_wait3A_372 : memref<128x32xf32, #tpu.memory_space<vmem>>) dst(%dma_wait3A_378 : memref<51200x32xf32, #tpu.memory_space<vmem_shared>>)
        } else {
        }
        %add3A_318 = arith.constant 4 : i32
        %add3A_319 = arith.addi %while3A_307, %add3A_318 : i32
        %add3A_320 = arith.constant 2 : i32
        %add3A_321 = arith.addi %add3A_319, %add3A_320 : i32
        %lt3A_322 = arith.cmpi slt, %add3A_321, %add3A_12 : i32
        %convert_element_type3A_323 = arith.extui %lt3A_322 : i1 to i32
        %cond3A_324 = arith.constant 0 : i32
        %cond3A_325 = arith.cmpi ne, %convert_element_type3A_323, %cond3A_324 : i32
        scf.if %cond3A_325 {
          %add3A_362 = arith.constant 4 : i32
          %add3A_363 = arith.addi %while3A_307, %add3A_362 : i32
          %add3A_364 = arith.constant 2 : i32
          %add3A_365 = arith.addi %add3A_363, %add3A_364 : i32
          %add3A_366 = arith.addi %add3A, %add3A_365 : i32
          %mul3A_367 = arith.constant 2 : i32
          %mul3A_368 = arith.muli %mul3A_367, %add3A_366 : i32
          %rem3A_369 = arith.constant 7 : i32
          %rem3A_370 = arith.remsi %add3A_365, %rem3A_369 : i32
          %dma_start3A_371 = arith.constant 0 : i32
          %dma_start3A_372 = arith.constant 0 : i32
          %dma_start3A_373 = tpu.memref_slice %arg8[%rem3A_370, %dma_start3A_371, %dma_start3A_372] : memref<7x2x128xi32, #tpu.memory_space<vmem>> -> memref<1x2x128xi32, #tpu.memory_space<vmem>>
          %dma_start3A_374 = tpu.memref_squeeze %dma_start3A_373 : memref<1x2x128xi32, #tpu.memory_space<vmem>> -> memref<2x128xi32, #tpu.memory_space<vmem>>
          %dma_start3A_375 = arith.constant 0 : i32
          %dma_start3A_376 = tpu.memref_slice %arg4[%mul3A_368, %dma_start3A_375] : memref<12500x128xi32, #tpu.memory_space<hbm>> -> memref<2x128xi32, #tpu.memory_space<hbm>>
          %dma_start3A_377 = arith.constant 0 : i32
          %dma_start3A_378 = arith.constant 0 : i32
          %dma_start3A_379 = tpu.memref_slice %arg8[%rem3A_370, %dma_start3A_377, %dma_start3A_378] : memref<7x2x128xi32, #tpu.memory_space<vmem>> -> memref<1x2x128xi32, #tpu.memory_space<vmem>>
          %dma_start3A_380 = tpu.memref_squeeze %dma_start3A_379 : memref<1x2x128xi32, #tpu.memory_space<vmem>> -> memref<2x128xi32, #tpu.memory_space<vmem>>
          %dma_start3A_381 = arith.constant 0 : i32
          %dma_start3A_382 = tpu.memref_slice %arg4[%mul3A_368, %dma_start3A_381] : memref<12500x128xi32, #tpu.memory_space<hbm>> -> memref<2x128xi32, #tpu.memory_space<hbm>>
          tpu.enqueue_dma source(%dma_start3A_382 : memref<2x128xi32, #tpu.memory_space<hbm>>) target(%dma_start3A_380 : memref<2x128xi32, #tpu.memory_space<vmem>>) target_semaphore(%arg12 : memref<!tpu.dma_semaphore, #tpu.memory_space<semaphore_mem>>)
        } else {
        }
        %rem3A_326 = arith.constant 7 : i32
        %rem3A_327 = arith.remsi %while3A_307, %rem3A_326 : i32
        %rem3A_328 = arith.constant 5 : i32
        %rem3A_329 = arith.remsi %while3A_307, %rem3A_328 : i32
        %dma_wait3A_330 = arith.constant 0 : i32
        %dma_wait3A_331 = arith.constant 0 : i32
        %dma_wait3A_332 = arith.constant 0 : i32
        %dma_wait3A_333 = tpu.memref_slice %arg9[%rem3A_329, %dma_wait3A_331, %dma_wait3A_332] : memref<5x128x32xf32, #tpu.memory_space<vmem>> -> memref<1x128x32xf32, #tpu.memory_space<vmem>>
        %dma_wait3A_334 = tpu.memref_squeeze %dma_wait3A_333 : memref<1x128x32xf32, #tpu.memory_space<vmem>> -> memref<128x32xf32, #tpu.memory_space<vmem>>
        %dma_wait3A_335 = arith.constant 0 : i32
        %dma_wait3A_336 = tpu.memref_slice %arg8[%rem3A_327, %dma_wait3A_330, %dma_wait3A_335] : memref<7x2x128xi32, #tpu.memory_space<vmem>> -> memref<1x1x128xi32, #tpu.memory_space<vmem>>
        %dma_wait3A_337 = tpu.memref_squeeze %dma_wait3A_336 : memref<1x1x128xi32, #tpu.memory_space<vmem>> -> memref<128xi32, #tpu.memory_space<vmem>>
        %dma_wait3A_338 = arith.constant 0 : i32
        %dma_wait3A_339 = arith.constant 0 : i32
        %dma_wait3A_340 = tpu.memref_slice %arg3[%dma_wait3A_338, %dma_wait3A_339] : memref<51200x32xf32, #tpu.memory_space<hbm>> -> memref<51200x32xf32, #tpu.memory_space<hbm>>
        tpu.wait_indirect_dma semaphore(%arg13 : memref<!tpu.dma_semaphore, #tpu.memory_space<semaphore_mem>>) src(%dma_wait3A_340 : memref<51200x32xf32, #tpu.memory_space<hbm>>) dst(%dma_wait3A_334 : memref<128x32xf32, #tpu.memory_space<vmem>>)
        %add3A_341 = arith.constant 4 : i32
        %add3A_342 = arith.addi %while3A_307, %add3A_341 : i32
        %lt3A_343 = arith.cmpi slt, %add3A_342, %add3A_12 : i32
        %convert_element_type3A_344 = arith.extui %lt3A_343 : i1 to i32
        %cond3A_345 = arith.constant 0 : i32
        %cond3A_346 = arith.cmpi ne, %convert_element_type3A_344, %cond3A_345 : i32
        scf.if %cond3A_346 {
          %add3A_362 = arith.constant 4 : i32
          %add3A_363 = arith.addi %while3A_307, %add3A_362 : i32
          %rem3A_364 = arith.constant 7 : i32
          %rem3A_365 = arith.remsi %add3A_363, %rem3A_364 : i32
          %rem3A_366 = arith.constant 5 : i32
          %rem3A_367 = arith.remsi %add3A_363, %rem3A_366 : i32
          %dma_start3A_368 = arith.constant 0 : i32
          %dma_start3A_369 = arith.constant 0 : i32
          %dma_start3A_370 = arith.constant 0 : i32
          %dma_start3A_371 = tpu.memref_slice %arg9[%rem3A_367, %dma_start3A_369, %dma_start3A_370] : memref<5x128x32xf32, #tpu.memory_space<vmem>> -> memref<1x128x32xf32, #tpu.memory_space<vmem>>
          %dma_start3A_372 = tpu.memref_squeeze %dma_start3A_371 : memref<1x128x32xf32, #tpu.memory_space<vmem>> -> memref<128x32xf32, #tpu.memory_space<vmem>>
          %dma_start3A_373 = arith.constant 0 : i32
          %dma_start3A_374 = tpu.memref_slice %arg8[%rem3A_365, %dma_start3A_368, %dma_start3A_373] : memref<7x2x128xi32, #tpu.memory_space<vmem>> -> memref<1x1x128xi32, #tpu.memory_space<vmem>>
          %dma_start3A_375 = tpu.memref_squeeze %dma_start3A_374 : memref<1x1x128xi32, #tpu.memory_space<vmem>> -> memref<128xi32, #tpu.memory_space<vmem>>
          %dma_start3A_376 = arith.constant 0 : i32
          %dma_start3A_377 = arith.constant 0 : i32
          %dma_start3A_378 = tpu.memref_slice %arg3[%dma_start3A_376, %dma_start3A_377] : memref<51200x32xf32, #tpu.memory_space<hbm>> -> memref<51200x32xf32, #tpu.memory_space<hbm>>
          tpu.enqueue_indirect_dma source(%dma_start3A_378 : memref<51200x32xf32, #tpu.memory_space<hbm>>) target(%dma_start3A_372 : memref<128x32xf32, #tpu.memory_space<vmem>>) offsets(%dma_start3A_375 : memref<128xi32, #tpu.memory_space<vmem>>) semaphore(%arg13 : memref<!tpu.dma_semaphore, #tpu.memory_space<semaphore_mem>>)
        } else {
        }
        %rem3A_347 = arith.constant 5 : i32
        %rem3A_348 = arith.remsi %while3A_307, %rem3A_347 : i32
        %rem3A_349 = arith.constant 7 : i32
        %rem3A_350 = arith.remsi %while3A_307, %rem3A_349 : i32
        %dma_start3A_351 = arith.constant 1 : i32
        %dma_start3A_352 = arith.constant 0 : i32
        %dma_start3A_353 = arith.constant 0 : i32
        %dma_start3A_354 = tpu.memref_slice %arg9[%rem3A_348, %dma_start3A_352, %dma_start3A_353] : memref<5x128x32xf32, #tpu.memory_space<vmem>> -> memref<1x128x32xf32, #tpu.memory_space<vmem>>
        %dma_start3A_355 = tpu.memref_squeeze %dma_start3A_354 : memref<1x128x32xf32, #tpu.memory_space<vmem>> -> memref<128x32xf32, #tpu.memory_space<vmem>>
        %dma_start3A_356 = arith.constant 0 : i32
        %dma_start3A_357 = tpu.memref_slice %arg8[%rem3A_350, %dma_start3A_351, %dma_start3A_356] : memref<7x2x128xi32, #tpu.memory_space<vmem>> -> memref<1x1x128xi32, #tpu.memory_space<vmem>>
        %dma_start3A_358 = tpu.memref_squeeze %dma_start3A_357 : memref<1x1x128xi32, #tpu.memory_space<vmem>> -> memref<128xi32, #tpu.memory_space<vmem>>
        %dma_start3A_359 = arith.constant 0 : i32
        %dma_start3A_360 = arith.constant 0 : i32
        %dma_start3A_361 = tpu.memref_slice %arg11[%dma_start3A_359, %dma_start3A_360] : memref<51200x32xf32, #tpu.memory_space<vmem_shared>> -> memref<51200x32xf32, #tpu.memory_space<vmem_shared>>
        tpu.enqueue_indirect_dma source(%dma_start3A_355 : memref<128x32xf32, #tpu.memory_space<vmem>>) target(%dma_start3A_361 : memref<51200x32xf32, #tpu.memory_space<vmem_shared>>) offsets(%dma_start3A_358 : memref<128xi32, #tpu.memory_space<vmem>>) semaphore(%arg14 : memref<!tpu.dma_semaphore, #tpu.memory_space<semaphore_mem>>) {add = true}
      }
      %sub3A = arith.constant 1 : i32
      %sub3A_284 = arith.subi %add3A_12, %sub3A : i32
      %rem3A_285 = arith.constant 5 : i32
      %rem3A_286 = arith.remsi %sub3A_284, %rem3A_285 : i32
      %rem3A_287 = arith.constant 7 : i32
      %rem3A_288 = arith.remsi %sub3A_284, %rem3A_287 : i32
      %dma_wait3A_289 = arith.constant 1 : i32
      %dma_wait3A_290 = arith.constant 0 : i32
      %dma_wait3A_291 = arith.constant 0 : i32
      %dma_wait3A_292 = tpu.memref_slice %arg9[%rem3A_286, %dma_wait3A_290, %dma_wait3A_291] : memref<5x128x32xf32, #tpu.memory_space<vmem>> -> memref<1x128x32xf32, #tpu.memory_space<vmem>>
      %dma_wait3A_293 = tpu.memref_squeeze %dma_wait3A_292 : memref<1x128x32xf32, #tpu.memory_space<vmem>> -> memref<128x32xf32, #tpu.memory_space<vmem>>
      %dma_wait3A_294 = arith.constant 0 : i32
      %dma_wait3A_295 = tpu.memref_slice %arg8[%rem3A_288, %dma_wait3A_289, %dma_wait3A_294] : memref<7x2x128xi32, #tpu.memory_space<vmem>> -> memref<1x1x128xi32, #tpu.memory_space<vmem>>
      %dma_wait3A_296 = tpu.memref_squeeze %dma_wait3A_295 : memref<1x1x128xi32, #tpu.memory_space<vmem>> -> memref<128xi32, #tpu.memory_space<vmem>>
      %dma_wait3A_297 = arith.constant 0 : i32
      %dma_wait3A_298 = arith.constant 0 : i32
      %dma_wait3A_299 = tpu.memref_slice %arg11[%dma_wait3A_297, %dma_wait3A_298] : memref<51200x32xf32, #tpu.memory_space<vmem_shared>> -> memref<51200x32xf32, #tpu.memory_space<vmem_shared>>
      tpu.wait_indirect_dma semaphore(%arg14 : memref<!tpu.dma_semaphore, #tpu.memory_space<semaphore_mem>>) src(%dma_wait3A_293 : memref<128x32xf32, #tpu.memory_space<vmem>>) dst(%dma_wait3A_299 : memref<51200x32xf32, #tpu.memory_space<vmem_shared>>)
      %barrier3A_300 = arith.constant 0 : index
      tpu.barrier barrier_id(%barrier3A_300)
      %scan3A_301 = arith.constant 0 : i32
      %scan3A_302 = arith.constant 0 : i32
      %scan3A_303 = arith.constant 40 : i32
      %scan3A_304 = arith.addi %scan3A_302, %scan3A_303 : i32
      %scan3A_305 = arith.constant 1 : i32
      scf.for %scan3A_307 = %scan3A_302 to %scan3A_304 step %scan3A_305  : i32 {
        %mul3A_308 = arith.constant 80 : i32
        %mul3A_309 = arith.muli %scan3A_307, %mul3A_308 : i32
        %add3A_310 = arith.addi %mul3A_0, %mul3A_309 : i32
        "tpu.region"() ({
          %run_scoped3A = tpu.sem_alloc : memref<!tpu.dma_semaphore, #tpu.memory_space<semaphore_mem>>
          %dma_start3A_311 = arith.constant 0 : i32
          %dma_start3A_312 = tpu.memref_slice %arg11[%add3A_310, %dma_start3A_311] : memref<51200x32xf32, #tpu.memory_space<vmem_shared>> -> memref<80x32xf32, #tpu.memory_space<vmem_shared>>
          %dma_start3A_313 = arith.constant 0 : i32
          %dma_start3A_314 = tpu.memref_slice %arg11[%add3A_310, %dma_start3A_313] : memref<51200x32xf32, #tpu.memory_space<vmem_shared>> -> memref<80x32xf32, #tpu.memory_space<vmem_shared>>
          tpu.enqueue_dma source(%dma_start3A_314 : memref<80x32xf32, #tpu.memory_space<vmem_shared>>) target(%arg10 : memref<80x32xf32, #tpu.memory_space<vmem>>) target_semaphore(%run_scoped3A : memref<!tpu.dma_semaphore, #tpu.memory_space<semaphore_mem>>)
          %dma_wait3A_315 = arith.constant 0 : i32
          %dma_wait3A_316 = tpu.memref_slice %arg11[%add3A_310, %dma_wait3A_315] : memref<51200x32xf32, #tpu.memory_space<vmem_shared>> -> memref<80x32xf32, #tpu.memory_space<vmem_shared>>
          %dma_wait3A_317 = arith.constant 0 : i32
          %dma_wait3A_318 = tpu.memref_slice %arg11[%add3A_310, %dma_wait3A_317] : memref<51200x32xf32, #tpu.memory_space<vmem_shared>> -> memref<80x32xf32, #tpu.memory_space<vmem_shared>>
          tpu.wait_dma2 semaphore(%run_scoped3A : memref<!tpu.dma_semaphore, #tpu.memory_space<semaphore_mem>>) src(%dma_wait3A_318 : memref<80x32xf32, #tpu.memory_space<vmem_shared>>) dst(%arg10 : memref<80x32xf32, #tpu.memory_space<vmem>>)
          tpu.yield
        }) : () -> ()
        "tpu.region"() ({
          %run_scoped3A = tpu.sem_alloc : memref<!tpu.dma_semaphore, #tpu.memory_space<semaphore_mem>>
          %dma_start3A_311 = arith.constant 0 : i32
          %dma_start3A_312 = tpu.memref_slice %arg7[%add3A_310, %dma_start3A_311] : memref<51200x32xf32, #tpu.memory_space<hbm>> -> memref<80x32xf32, #tpu.memory_space<hbm>>
          %dma_start3A_313 = arith.constant 0 : i32
          %dma_start3A_314 = tpu.memref_slice %arg7[%add3A_310, %dma_start3A_313] : memref<51200x32xf32, #tpu.memory_space<hbm>> -> memref<80x32xf32, #tpu.memory_space<hbm>>
          tpu.enqueue_dma source(%arg10 : memref<80x32xf32, #tpu.memory_space<vmem>>) target(%dma_start3A_314 : memref<80x32xf32, #tpu.memory_space<hbm>>) target_semaphore(%run_scoped3A : memref<!tpu.dma_semaphore, #tpu.memory_space<semaphore_mem>>)
          %dma_wait3A_315 = arith.constant 0 : i32
          %dma_wait3A_316 = tpu.memref_slice %arg7[%add3A_310, %dma_wait3A_315] : memref<51200x32xf32, #tpu.memory_space<hbm>> -> memref<80x32xf32, #tpu.memory_space<hbm>>
          %dma_wait3A_317 = arith.constant 0 : i32
          %dma_wait3A_318 = tpu.memref_slice %arg7[%add3A_310, %dma_wait3A_317] : memref<51200x32xf32, #tpu.memory_space<hbm>> -> memref<80x32xf32, #tpu.memory_space<hbm>>
          tpu.wait_dma2 semaphore(%run_scoped3A : memref<!tpu.dma_semaphore, #tpu.memory_space<semaphore_mem>>) src(%arg10 : memref<80x32xf32, #tpu.memory_space<vmem>>) dst(%dma_wait3A_318 : memref<80x32xf32, #tpu.memory_space<hbm>>)
          tpu.yield
        }) : () -> ()
      }
      %scan3A_306 = arith.constant 40 : i32
    } else {
    }
    return
  }
}

module attributes {stable_mosaic.version = 14 : i64} {
  func.func @_prep1_body(%arg0: i32, %arg1: memref<2x1280x4xf32, #tpu.memory_space<vmem>>, %arg2: memref<1280x24xf32, #tpu.memory_space<vmem>>, %arg3: memref<6x64xf32, #tpu.memory_space<vmem>>, %arg4: memref<1280x128xf32, #tpu.memory_space<vmem>>, %arg5: memref<1280x128xf32, #tpu.memory_space<vmem>>, %arg6: memref<1280x128xf32, #tpu.memory_space<vmem>>) attributes {dimension_semantics = [#tpu.dimension_semantics<arbitrary>], iteration_bounds = array<i64: 10>, scalar_prefetch = 0 : i64, scratch_operands = 0 : i64, tpu.core_type = #tpu.core_type<tc>, window_params = [{transform_indices = @transform_0, window_bounds = array<i64: 2, 1280, 4>}, {transform_indices = @transform_1, window_bounds = array<i64: 1280, 24>}, {pipeline_mode = #tpu.pipeline_mode<synchronous>, transform_indices = @transform_2, window_bounds = array<i64: 6, 64>}, {transform_indices = @transform_3, window_bounds = array<i64: 1280, 128>}, {transform_indices = @transform_4, window_bounds = array<i64: 1280, 128>}, {transform_indices = @transform_5, window_bounds = array<i64: 1280, 128>}]} {
    %get3A = arith.constant 0 : index
    %get3A_0 = arith.constant 0 : index
    %get3A_1 = arith.constant 0 : index
    %get3A_2 = vector.load %arg1[%get3A, %get3A_0, %get3A_1] : memref<2x1280x4xf32, #tpu.memory_space<vmem>>, vector<1x1280x4xf32>
    %get3A_3 = vector.shape_cast %get3A_2 : vector<1x1280x4xf32> to vector<1280x4xf32>
    %get3A_4 = arith.constant 1 : index
    %get3A_5 = arith.constant 0 : index
    %get3A_6 = arith.constant 0 : index
    %get3A_7 = vector.load %arg1[%get3A_4, %get3A_5, %get3A_6] : memref<2x1280x4xf32, #tpu.memory_space<vmem>>, vector<1x1280x4xf32>
    %get3A_8 = vector.shape_cast %get3A_7 : vector<1x1280x4xf32> to vector<1280x4xf32>
    %add3A = arith.addf %get3A_3, %get3A_8 : vector<1280x4xf32>
    %add3A_9 = arith.constant 1.000000e+00 : f32
    %add3A_10 = vector.broadcast %add3A_9 : f32 to vector<1280x4xf32>
    %add3A_11 = arith.addf %add3A, %add3A_10 : vector<1280x4xf32>
    %rsqrt3A = math.rsqrt %add3A_11 : vector<1280x4xf32>
    %iota3A = tpu.iota {dimensions = array<i32: 1>} : vector<4x128xi32>
    %jit3A = arith.constant 32 : i32
    %div3A = vector.broadcast %jit3A : i32 to vector<4x128xi32>
    %div3A_12 = arith.divsi %iota3A, %div3A : vector<4x128xi32>
    %sign3A = arith.constant 0 : i32
    %sign3A_13 = vector.broadcast %sign3A : i32 to vector<4x128xi32>
    %sign3A_14 = arith.cmpi sgt, %iota3A, %sign3A_13 : vector<4x128xi32>
    %sign3A_15 = arith.extui %sign3A_14 : vector<4x128xi1> to vector<4x128xi32>
    %sign3A_16 = arith.constant 0 : i32
    %sign3A_17 = vector.broadcast %sign3A_16 : i32 to vector<4x128xi32>
    %sign3A_18 = arith.cmpi slt, %iota3A, %sign3A_17 : vector<4x128xi32>
    %sign3A_19 = arith.extui %sign3A_18 : vector<4x128xi1> to vector<4x128xi32>
    %sign3A_20 = arith.subi %sign3A_15, %sign3A_19 : vector<4x128xi32>
    %sign3A_21 = arith.constant 0 : i32
    %sign3A_22 = arith.cmpi sgt, %jit3A, %sign3A_21 : i32
    %sign3A_23 = arith.extui %sign3A_22 : i1 to i32
    %sign3A_24 = arith.constant 0 : i32
    %sign3A_25 = arith.cmpi slt, %jit3A, %sign3A_24 : i32
    %sign3A_26 = arith.extui %sign3A_25 : i1 to i32
    %sign3A_27 = arith.subi %sign3A_23, %sign3A_26 : i32
    %ne3A = vector.broadcast %sign3A_27 : i32 to vector<4x128xi32>
    %ne3A_28 = arith.cmpi ne, %sign3A_20, %ne3A : vector<4x128xi32>
    %rem3A = vector.broadcast %jit3A : i32 to vector<4x128xi32>
    %rem3A_29 = arith.remsi %iota3A, %rem3A : vector<4x128xi32>
    %ne3A_30 = arith.constant 0 : i32
    %ne3A_31 = vector.broadcast %ne3A_30 : i32 to vector<4x128xi32>
    %ne3A_32 = arith.cmpi ne, %rem3A_29, %ne3A_31 : vector<4x128xi32>
    %and3A = arith.andi %ne3A_28, %ne3A_32 : vector<4x128xi1>
    %sub3A = arith.constant 1 : i32
    %sub3A_33 = vector.broadcast %sub3A : i32 to vector<4x128xi32>
    %sub3A_34 = arith.subi %div3A_12, %sub3A_33 : vector<4x128xi32>
    %select_n3A = arith.select %and3A, %sub3A_34, %div3A_12 : vector<4x128xi1>, vector<4x128xi32>
    %iota3A_35 = tpu.iota {dimensions = array<i32: 0>} : vector<4x128xi32>
    %eq3A = arith.cmpi eq, %select_n3A, %iota3A_35 : vector<4x128xi32>
    %convert_element_type3A = arith.extui %eq3A : vector<4x128xi1> to vector<4x128xi32>
    %convert_element_type3A_36 = arith.sitofp %convert_element_type3A : vector<4x128xi32> to vector<4x128xf32>
    %dot_general3A = arith.constant dense<0.000000e+00> : vector<1280x128xf32>
    %dot_general3A_37 = tpu.matmul %rsqrt3A, %convert_element_type3A_36, %dot_general3A {dimension_numbers = #tpu.dot_dimension_numbers<[1], [0], [0], [1], [0, 0, 1, 1], [], []>, precision = #tpu.contract_precision<fp32>, transpose_lhs_hint = false} : vector<1280x4xf32>, vector<4x128xf32>, vector<1280x128xf32> -> vector<1280x128xf32>
    %get3A_38 = arith.constant 0 : index
    %get3A_39 = arith.constant 0 : index
    %get3A_40 = vector.load %arg3[%get3A_38, %get3A_39] : memref<6x64xf32, #tpu.memory_space<vmem>>, vector<6x64xf32>
    %get3A_41 = arith.constant 0 : index
    %get3A_42 = arith.constant 0 : index
    %get3A_43 = vector.load %arg2[%get3A_41, %get3A_42] : memref<1280x24xf32, #tpu.memory_space<vmem>>, vector<1280x24xf32>
    %slice3A = vector.extract_strided_slice %get3A_40 {offsets = [0, 0], sizes = [6, 32], strides = [1, 1]} : vector<6x64xf32> to vector<6x32xf32>
    %broadcast_in_dim3A = arith.constant 0.000000e+00 : f32
    %broadcast_in_dim3A_44 = vector.broadcast %broadcast_in_dim3A : f32 to vector<6x32xf32>
    %concatenate3A = tpu.concatenate %slice3A, %broadcast_in_dim3A_44, %broadcast_in_dim3A_44, %broadcast_in_dim3A_44 in 1 : vector<6x32xf32>, vector<6x32xf32>, vector<6x32xf32>, vector<6x32xf32> -> vector<6x128xf32>
    %concatenate3A_45 = tpu.concatenate %broadcast_in_dim3A_44, %slice3A, %broadcast_in_dim3A_44, %broadcast_in_dim3A_44 in 1 : vector<6x32xf32>, vector<6x32xf32>, vector<6x32xf32>, vector<6x32xf32> -> vector<6x128xf32>
    %concatenate3A_46 = tpu.concatenate %broadcast_in_dim3A_44, %broadcast_in_dim3A_44, %slice3A, %broadcast_in_dim3A_44 in 1 : vector<6x32xf32>, vector<6x32xf32>, vector<6x32xf32>, vector<6x32xf32> -> vector<6x128xf32>
    %concatenate3A_47 = tpu.concatenate %broadcast_in_dim3A_44, %broadcast_in_dim3A_44, %broadcast_in_dim3A_44, %slice3A in 1 : vector<6x32xf32>, vector<6x32xf32>, vector<6x32xf32>, vector<6x32xf32> -> vector<6x128xf32>
    %concatenate3A_48 = tpu.concatenate %concatenate3A, %concatenate3A_45, %concatenate3A_46, %concatenate3A_47 in 0 : vector<6x128xf32>, vector<6x128xf32>, vector<6x128xf32>, vector<6x128xf32> -> vector<24x128xf32>
    %dot_general3A_49 = arith.constant dense<0.000000e+00> : vector<1280x128xf32>
    %dot_general3A_50 = tpu.matmul %get3A_43, %concatenate3A_48, %dot_general3A_49 {dimension_numbers = #tpu.dot_dimension_numbers<[1], [0], [0], [1], [0, 0, 1, 1], [], []>, precision = #tpu.contract_precision<fp32>, transpose_lhs_hint = false} : vector<1280x24xf32>, vector<24x128xf32>, vector<1280x128xf32> -> vector<1280x128xf32>
    %get3A_51 = arith.constant 0 : index
    %get3A_52 = arith.constant 0 : index
    %get3A_53 = vector.load %arg2[%get3A_51, %get3A_52] : memref<1280x24xf32, #tpu.memory_space<vmem>>, vector<1280x24xf32>
    %slice3A_54 = vector.extract_strided_slice %get3A_40 {offsets = [0, 32], sizes = [6, 32], strides = [1, 1]} : vector<6x64xf32> to vector<6x32xf32>
    %broadcast_in_dim3A_55 = arith.constant 0.000000e+00 : f32
    %broadcast_in_dim3A_56 = vector.broadcast %broadcast_in_dim3A_55 : f32 to vector<6x32xf32>
    %concatenate3A_57 = tpu.concatenate %slice3A_54, %broadcast_in_dim3A_56, %broadcast_in_dim3A_56, %broadcast_in_dim3A_56 in 1 : vector<6x32xf32>, vector<6x32xf32>, vector<6x32xf32>, vector<6x32xf32> -> vector<6x128xf32>
    %concatenate3A_58 = tpu.concatenate %broadcast_in_dim3A_56, %slice3A_54, %broadcast_in_dim3A_56, %broadcast_in_dim3A_56 in 1 : vector<6x32xf32>, vector<6x32xf32>, vector<6x32xf32>, vector<6x32xf32> -> vector<6x128xf32>
    %concatenate3A_59 = tpu.concatenate %broadcast_in_dim3A_56, %broadcast_in_dim3A_56, %slice3A_54, %broadcast_in_dim3A_56 in 1 : vector<6x32xf32>, vector<6x32xf32>, vector<6x32xf32>, vector<6x32xf32> -> vector<6x128xf32>
    %concatenate3A_60 = tpu.concatenate %broadcast_in_dim3A_56, %broadcast_in_dim3A_56, %broadcast_in_dim3A_56, %slice3A_54 in 1 : vector<6x32xf32>, vector<6x32xf32>, vector<6x32xf32>, vector<6x32xf32> -> vector<6x128xf32>
    %concatenate3A_61 = tpu.concatenate %concatenate3A_57, %concatenate3A_58, %concatenate3A_59, %concatenate3A_60 in 0 : vector<6x128xf32>, vector<6x128xf32>, vector<6x128xf32>, vector<6x128xf32> -> vector<24x128xf32>
    %dot_general3A_62 = arith.constant dense<0.000000e+00> : vector<1280x128xf32>
    %dot_general3A_63 = tpu.matmul %get3A_53, %concatenate3A_61, %dot_general3A_62 {dimension_numbers = #tpu.dot_dimension_numbers<[1], [0], [0], [1], [0, 0, 1, 1], [], []>, precision = #tpu.contract_precision<fp32>, transpose_lhs_hint = false} : vector<1280x24xf32>, vector<24x128xf32>, vector<1280x128xf32> -> vector<1280x128xf32>
    %mul3A = arith.mulf %dot_general3A_50, %dot_general3A_37 : vector<1280x128xf32>
    %swap3A = arith.constant 0 : index
    %swap3A_64 = arith.constant 0 : index
    %swap3A_65 = vector.load %arg4[%swap3A, %swap3A_64] : memref<1280x128xf32, #tpu.memory_space<vmem>>, vector<1280x128xf32>
    tpu.vector_store %arg4[%swap3A, %swap3A_64], %mul3A {strides = array<i32>} : memref<1280x128xf32, #tpu.memory_space<vmem>>, vector<1280x128xf32>,
    %mul3A_66 = arith.mulf %dot_general3A_63, %dot_general3A_37 : vector<1280x128xf32>
    %swap3A_67 = arith.constant 0 : index
    %swap3A_68 = arith.constant 0 : index
    %swap3A_69 = vector.load %arg5[%swap3A_67, %swap3A_68] : memref<1280x128xf32, #tpu.memory_space<vmem>>, vector<1280x128xf32>
    tpu.vector_store %arg5[%swap3A_67, %swap3A_68], %mul3A_66 {strides = array<i32>} : memref<1280x128xf32, #tpu.memory_space<vmem>>, vector<1280x128xf32>,
    %swap3A_70 = arith.constant 0 : index
    %swap3A_71 = arith.constant 0 : index
    %swap3A_72 = vector.load %arg6[%swap3A_70, %swap3A_71] : memref<1280x128xf32, #tpu.memory_space<vmem>>, vector<1280x128xf32>
    tpu.vector_store %arg6[%swap3A_70, %swap3A_71], %dot_general3A_37 {strides = array<i32>} : memref<1280x128xf32, #tpu.memory_space<vmem>>, vector<1280x128xf32>,
    return
  }
  func.func @transform_0(%arg0: i32) -> (i32, i32, i32) {
    %c0_i32 = arith.constant 0 : i32
    %c0_i32_0 = arith.constant 0 : i32
    %c0_i32_1 = arith.constant 0 : i32
    return %c0_i32, %arg0, %c0_i32_0 : i32, i32, i32
  }
  func.func @transform_1(%arg0: i32) -> (i32, i32) {
    %c0_i32 = arith.constant 0 : i32
    %c0_i32_0 = arith.constant 0 : i32
    return %arg0, %c0_i32 : i32, i32
  }
  func.func @transform_2(%arg0: i32) -> (i32, i32) {
    %c0_i32 = arith.constant 0 : i32
    %c0_i32_0 = arith.constant 0 : i32
    %c0_i32_1 = arith.constant 0 : i32
    return %c0_i32, %c0_i32_0 : i32, i32
  }
  func.func @transform_3(%arg0: i32) -> (i32, i32) {
    %c0_i32 = arith.constant 0 : i32
    %c0_i32_0 = arith.constant 0 : i32
    return %arg0, %c0_i32 : i32, i32
  }
  func.func @transform_4(%arg0: i32) -> (i32, i32) {
    %c0_i32 = arith.constant 0 : i32
    %c0_i32_0 = arith.constant 0 : i32
    return %arg0, %c0_i32 : i32, i32
  }
  func.func @transform_5(%arg0: i32) -> (i32, i32) {
    %c0_i32 = arith.constant 0 : i32
    %c0_i32_0 = arith.constant 0 : i32
    return %arg0, %c0_i32 : i32, i32
  }
}

module attributes {stable_mosaic.version = 14 : i64} {
  func.func @_prep2_body(%arg0: i32, %arg1: memref<1280x128xf32, #tpu.memory_space<vmem>>, %arg2: memref<1280x128xf32, #tpu.memory_space<vmem>>, %arg3: memref<1280x128xf32, #tpu.memory_space<vmem>>, %arg4: memref<1280x128xf32, #tpu.memory_space<vmem>>, %arg5: memref<1280x128xf32, #tpu.memory_space<vmem>>, %arg6: memref<64x64xf32, #tpu.memory_space<vmem>>, %arg7: memref<1x64xf32, #tpu.memory_space<vmem>>, %arg8: memref<1280x128xf32, #tpu.memory_space<vmem>>, %arg9: memref<1280x128xf32, #tpu.memory_space<vmem>>) attributes {dimension_semantics = [#tpu.dimension_semantics<arbitrary>], iteration_bounds = array<i64: 10>, scalar_prefetch = 0 : i64, scratch_operands = 0 : i64, tpu.core_type = #tpu.core_type<tc>, window_params = [{transform_indices = @transform_0, window_bounds = array<i64: 1280, 128>}, {transform_indices = @transform_1, window_bounds = array<i64: 1280, 128>}, {transform_indices = @transform_2, window_bounds = array<i64: 1280, 128>}, {transform_indices = @transform_3, window_bounds = array<i64: 1280, 128>}, {transform_indices = @transform_4, window_bounds = array<i64: 1280, 128>}, {pipeline_mode = #tpu.pipeline_mode<synchronous>, transform_indices = @transform_5, window_bounds = array<i64: 64, 64>}, {pipeline_mode = #tpu.pipeline_mode<synchronous>, transform_indices = @transform_6, window_bounds = array<i64: 1, 64>}, {transform_indices = @transform_7, window_bounds = array<i64: 1280, 128>}, {transform_indices = @transform_8, window_bounds = array<i64: 1280, 128>}]} {
    %get3A = arith.constant 0 : index
    %get3A_0 = arith.constant 0 : index
    %get3A_1 = vector.load %arg5[%get3A, %get3A_0] : memref<1280x128xf32, #tpu.memory_space<vmem>>, vector<1280x128xf32>
    %get3A_2 = arith.constant 0 : index
    %get3A_3 = arith.constant 0 : index
    %get3A_4 = vector.load %arg1[%get3A_2, %get3A_3] : memref<1280x128xf32, #tpu.memory_space<vmem>>, vector<1280x128xf32>
    %get3A_5 = arith.constant 0 : index
    %get3A_6 = arith.constant 0 : index
    %get3A_7 = vector.load %arg3[%get3A_5, %get3A_6] : memref<1280x128xf32, #tpu.memory_space<vmem>>, vector<1280x128xf32>
    %add3A = arith.addf %get3A_4, %get3A_7 : vector<1280x128xf32>
    %mul3A = arith.mulf %add3A, %get3A_1 : vector<1280x128xf32>
    %get3A_8 = arith.constant 0 : index
    %get3A_9 = arith.constant 0 : index
    %get3A_10 = vector.load %arg7[%get3A_8, %get3A_9] : memref<1x64xf32, #tpu.memory_space<vmem>>, vector<1x64xf32>
    %slice3A = vector.extract_strided_slice %get3A_10 {offsets = [0, 0], sizes = [1, 32], strides = [1, 1]} : vector<1x64xf32> to vector<1x32xf32>
    %concatenate3A = tpu.concatenate %slice3A, %slice3A, %slice3A, %slice3A in 1 : vector<1x32xf32>, vector<1x32xf32>, vector<1x32xf32>, vector<1x32xf32> -> vector<1x128xf32>
    %add3A_11 = vector.broadcast %concatenate3A : vector<1x128xf32> to vector<1280x128xf32>
    %add3A_12 = arith.addf %mul3A, %add3A_11 : vector<1280x128xf32>
    %max3A = arith.constant 0.000000e+00 : f32
    %max3A_13 = vector.broadcast %max3A : f32 to vector<1280x128xf32>
    %max3A_14 = arith.maximumf %add3A_12, %max3A_13 : vector<1280x128xf32>
    %get3A_15 = arith.constant 0 : index
    %get3A_16 = arith.constant 0 : index
    %get3A_17 = vector.load %arg2[%get3A_15, %get3A_16] : memref<1280x128xf32, #tpu.memory_space<vmem>>, vector<1280x128xf32>
    %get3A_18 = arith.constant 0 : index
    %get3A_19 = arith.constant 0 : index
    %get3A_20 = vector.load %arg4[%get3A_18, %get3A_19] : memref<1280x128xf32, #tpu.memory_space<vmem>>, vector<1280x128xf32>
    %add3A_21 = arith.addf %get3A_17, %get3A_20 : vector<1280x128xf32>
    %mul3A_22 = arith.mulf %add3A_21, %get3A_1 : vector<1280x128xf32>
    %get3A_23 = arith.constant 0 : index
    %get3A_24 = arith.constant 0 : index
    %get3A_25 = vector.load %arg7[%get3A_23, %get3A_24] : memref<1x64xf32, #tpu.memory_space<vmem>>, vector<1x64xf32>
    %slice3A_26 = vector.extract_strided_slice %get3A_25 {offsets = [0, 32], sizes = [1, 32], strides = [1, 1]} : vector<1x64xf32> to vector<1x32xf32>
    %concatenate3A_27 = tpu.concatenate %slice3A_26, %slice3A_26, %slice3A_26, %slice3A_26 in 1 : vector<1x32xf32>, vector<1x32xf32>, vector<1x32xf32>, vector<1x32xf32> -> vector<1x128xf32>
    %add3A_28 = vector.broadcast %concatenate3A_27 : vector<1x128xf32> to vector<1280x128xf32>
    %add3A_29 = arith.addf %mul3A_22, %add3A_28 : vector<1280x128xf32>
    %max3A_30 = arith.constant 0.000000e+00 : f32
    %max3A_31 = vector.broadcast %max3A_30 : f32 to vector<1280x128xf32>
    %max3A_32 = arith.maximumf %add3A_29, %max3A_31 : vector<1280x128xf32>
    %get3A_33 = arith.constant 0 : index
    %get3A_34 = arith.constant 0 : index
    %get3A_35 = vector.load %arg6[%get3A_33, %get3A_34] : memref<64x64xf32, #tpu.memory_space<vmem>>, vector<64x64xf32>
    %slice3A_36 = vector.extract_strided_slice %get3A_35 {offsets = [0, 0], sizes = [32, 32], strides = [1, 1]} : vector<64x64xf32> to vector<32x32xf32>
    %broadcast_in_dim3A = arith.constant 0.000000e+00 : f32
    %broadcast_in_dim3A_37 = vector.broadcast %broadcast_in_dim3A : f32 to vector<32x32xf32>
    %concatenate3A_38 = tpu.concatenate %slice3A_36, %broadcast_in_dim3A_37, %broadcast_in_dim3A_37, %broadcast_in_dim3A_37 in 1 : vector<32x32xf32>, vector<32x32xf32>, vector<32x32xf32>, vector<32x32xf32> -> vector<32x128xf32>
    %concatenate3A_39 = tpu.concatenate %broadcast_in_dim3A_37, %slice3A_36, %broadcast_in_dim3A_37, %broadcast_in_dim3A_37 in 1 : vector<32x32xf32>, vector<32x32xf32>, vector<32x32xf32>, vector<32x32xf32> -> vector<32x128xf32>
    %concatenate3A_40 = tpu.concatenate %broadcast_in_dim3A_37, %broadcast_in_dim3A_37, %slice3A_36, %broadcast_in_dim3A_37 in 1 : vector<32x32xf32>, vector<32x32xf32>, vector<32x32xf32>, vector<32x32xf32> -> vector<32x128xf32>
    %concatenate3A_41 = tpu.concatenate %broadcast_in_dim3A_37, %broadcast_in_dim3A_37, %broadcast_in_dim3A_37, %slice3A_36 in 1 : vector<32x32xf32>, vector<32x32xf32>, vector<32x32xf32>, vector<32x32xf32> -> vector<32x128xf32>
    %concatenate3A_42 = tpu.concatenate %concatenate3A_38, %concatenate3A_39, %concatenate3A_40, %concatenate3A_41 in 0 : vector<32x128xf32>, vector<32x128xf32>, vector<32x128xf32>, vector<32x128xf32> -> vector<128x128xf32>
    %dot_general3A = arith.constant dense<0.000000e+00> : vector<1280x128xf32>
    %dot_general3A_43 = tpu.matmul %max3A_14, %concatenate3A_42, %dot_general3A {dimension_numbers = #tpu.dot_dimension_numbers<[1], [0], [0], [1], [0, 0, 1, 1], [], []>, precision = #tpu.contract_precision<fp32>, transpose_lhs_hint = false} : vector<1280x128xf32>, vector<128x128xf32>, vector<1280x128xf32> -> vector<1280x128xf32>
    %slice3A_44 = vector.extract_strided_slice %get3A_35 {offsets = [32, 0], sizes = [32, 32], strides = [1, 1]} : vector<64x64xf32> to vector<32x32xf32>
    %broadcast_in_dim3A_45 = arith.constant 0.000000e+00 : f32
    %broadcast_in_dim3A_46 = vector.broadcast %broadcast_in_dim3A_45 : f32 to vector<32x32xf32>
    %concatenate3A_47 = tpu.concatenate %slice3A_44, %broadcast_in_dim3A_46, %broadcast_in_dim3A_46, %broadcast_in_dim3A_46 in 1 : vector<32x32xf32>, vector<32x32xf32>, vector<32x32xf32>, vector<32x32xf32> -> vector<32x128xf32>
    %concatenate3A_48 = tpu.concatenate %broadcast_in_dim3A_46, %slice3A_44, %broadcast_in_dim3A_46, %broadcast_in_dim3A_46 in 1 : vector<32x32xf32>, vector<32x32xf32>, vector<32x32xf32>, vector<32x32xf32> -> vector<32x128xf32>
    %concatenate3A_49 = tpu.concatenate %broadcast_in_dim3A_46, %broadcast_in_dim3A_46, %slice3A_44, %broadcast_in_dim3A_46 in 1 : vector<32x32xf32>, vector<32x32xf32>, vector<32x32xf32>, vector<32x32xf32> -> vector<32x128xf32>
    %concatenate3A_50 = tpu.concatenate %broadcast_in_dim3A_46, %broadcast_in_dim3A_46, %broadcast_in_dim3A_46, %slice3A_44 in 1 : vector<32x32xf32>, vector<32x32xf32>, vector<32x32xf32>, vector<32x32xf32> -> vector<32x128xf32>
    %concatenate3A_51 = tpu.concatenate %concatenate3A_47, %concatenate3A_48, %concatenate3A_49, %concatenate3A_50 in 0 : vector<32x128xf32>, vector<32x128xf32>, vector<32x128xf32>, vector<32x128xf32> -> vector<128x128xf32>
    %dot_general3A_52 = arith.constant dense<0.000000e+00> : vector<1280x128xf32>
    %dot_general3A_53 = tpu.matmul %max3A_32, %concatenate3A_51, %dot_general3A_52 {dimension_numbers = #tpu.dot_dimension_numbers<[1], [0], [0], [1], [0, 0, 1, 1], [], []>, precision = #tpu.contract_precision<fp32>, transpose_lhs_hint = false} : vector<1280x128xf32>, vector<128x128xf32>, vector<1280x128xf32> -> vector<1280x128xf32>
    %add3A_54 = arith.addf %dot_general3A_43, %dot_general3A_53 : vector<1280x128xf32>
    %mul3A_55 = arith.mulf %add3A_54, %get3A_1 : vector<1280x128xf32>
    %swap3A = arith.constant 0 : index
    %swap3A_56 = arith.constant 0 : index
    %swap3A_57 = vector.load %arg8[%swap3A, %swap3A_56] : memref<1280x128xf32, #tpu.memory_space<vmem>>, vector<1280x128xf32>
    tpu.vector_store %arg8[%swap3A, %swap3A_56], %mul3A_55 {strides = array<i32>} : memref<1280x128xf32, #tpu.memory_space<vmem>>, vector<1280x128xf32>,
    %slice3A_58 = vector.extract_strided_slice %get3A_35 {offsets = [0, 32], sizes = [32, 32], strides = [1, 1]} : vector<64x64xf32> to vector<32x32xf32>
    %broadcast_in_dim3A_59 = arith.constant 0.000000e+00 : f32
    %broadcast_in_dim3A_60 = vector.broadcast %broadcast_in_dim3A_59 : f32 to vector<32x32xf32>
    %concatenate3A_61 = tpu.concatenate %slice3A_58, %broadcast_in_dim3A_60, %broadcast_in_dim3A_60, %broadcast_in_dim3A_60 in 1 : vector<32x32xf32>, vector<32x32xf32>, vector<32x32xf32>, vector<32x32xf32> -> vector<32x128xf32>
    %concatenate3A_62 = tpu.concatenate %broadcast_in_dim3A_60, %slice3A_58, %broadcast_in_dim3A_60, %broadcast_in_dim3A_60 in 1 : vector<32x32xf32>, vector<32x32xf32>, vector<32x32xf32>, vector<32x32xf32> -> vector<32x128xf32>
    %concatenate3A_63 = tpu.concatenate %broadcast_in_dim3A_60, %broadcast_in_dim3A_60, %slice3A_58, %broadcast_in_dim3A_60 in 1 : vector<32x32xf32>, vector<32x32xf32>, vector<32x32xf32>, vector<32x32xf32> -> vector<32x128xf32>
    %concatenate3A_64 = tpu.concatenate %broadcast_in_dim3A_60, %broadcast_in_dim3A_60, %broadcast_in_dim3A_60, %slice3A_58 in 1 : vector<32x32xf32>, vector<32x32xf32>, vector<32x32xf32>, vector<32x32xf32> -> vector<32x128xf32>
    %concatenate3A_65 = tpu.concatenate %concatenate3A_61, %concatenate3A_62, %concatenate3A_63, %concatenate3A_64 in 0 : vector<32x128xf32>, vector<32x128xf32>, vector<32x128xf32>, vector<32x128xf32> -> vector<128x128xf32>
    %dot_general3A_66 = arith.constant dense<0.000000e+00> : vector<1280x128xf32>
    %dot_general3A_67 = tpu.matmul %max3A_14, %concatenate3A_65, %dot_general3A_66 {dimension_numbers = #tpu.dot_dimension_numbers<[1], [0], [0], [1], [0, 0, 1, 1], [], []>, precision = #tpu.contract_precision<fp32>, transpose_lhs_hint = false} : vector<1280x128xf32>, vector<128x128xf32>, vector<1280x128xf32> -> vector<1280x128xf32>
    %slice3A_68 = vector.extract_strided_slice %get3A_35 {offsets = [32, 32], sizes = [32, 32], strides = [1, 1]} : vector<64x64xf32> to vector<32x32xf32>
    %broadcast_in_dim3A_69 = arith.constant 0.000000e+00 : f32
    %broadcast_in_dim3A_70 = vector.broadcast %broadcast_in_dim3A_69 : f32 to vector<32x32xf32>
    %concatenate3A_71 = tpu.concatenate %slice3A_68, %broadcast_in_dim3A_70, %broadcast_in_dim3A_70, %broadcast_in_dim3A_70 in 1 : vector<32x32xf32>, vector<32x32xf32>, vector<32x32xf32>, vector<32x32xf32> -> vector<32x128xf32>
    %concatenate3A_72 = tpu.concatenate %broadcast_in_dim3A_70, %slice3A_68, %broadcast_in_dim3A_70, %broadcast_in_dim3A_70 in 1 : vector<32x32xf32>, vector<32x32xf32>, vector<32x32xf32>, vector<32x32xf32> -> vector<32x128xf32>
    %concatenate3A_73 = tpu.concatenate %broadcast_in_dim3A_70, %broadcast_in_dim3A_70, %slice3A_68, %broadcast_in_dim3A_70 in 1 : vector<32x32xf32>, vector<32x32xf32>, vector<32x32xf32>, vector<32x32xf32> -> vector<32x128xf32>
    %concatenate3A_74 = tpu.concatenate %broadcast_in_dim3A_70, %broadcast_in_dim3A_70, %broadcast_in_dim3A_70, %slice3A_68 in 1 : vector<32x32xf32>, vector<32x32xf32>, vector<32x32xf32>, vector<32x32xf32> -> vector<32x128xf32>
    %concatenate3A_75 = tpu.concatenate %concatenate3A_71, %concatenate3A_72, %concatenate3A_73, %concatenate3A_74 in 0 : vector<32x128xf32>, vector<32x128xf32>, vector<32x128xf32>, vector<32x128xf32> -> vector<128x128xf32>
    %dot_general3A_76 = arith.constant dense<0.000000e+00> : vector<1280x128xf32>
    %dot_general3A_77 = tpu.matmul %max3A_32, %concatenate3A_75, %dot_general3A_76 {dimension_numbers = #tpu.dot_dimension_numbers<[1], [0], [0], [1], [0, 0, 1, 1], [], []>, precision = #tpu.contract_precision<fp32>, transpose_lhs_hint = false} : vector<1280x128xf32>, vector<128x128xf32>, vector<1280x128xf32> -> vector<1280x128xf32>
    %add3A_78 = arith.addf %dot_general3A_67, %dot_general3A_77 : vector<1280x128xf32>
    %mul3A_79 = arith.mulf %add3A_78, %get3A_1 : vector<1280x128xf32>
    %swap3A_80 = arith.constant 0 : index
    %swap3A_81 = arith.constant 0 : index
    %swap3A_82 = vector.load %arg9[%swap3A_80, %swap3A_81] : memref<1280x128xf32, #tpu.memory_space<vmem>>, vector<1280x128xf32>
    tpu.vector_store %arg9[%swap3A_80, %swap3A_81], %mul3A_79 {strides = array<i32>} : memref<1280x128xf32, #tpu.memory_space<vmem>>, vector<1280x128xf32>,
    return
  }
  func.func @transform_0(%arg0: i32) -> (i32, i32) {
    %c0_i32 = arith.constant 0 : i32
    %c0_i32_0 = arith.constant 0 : i32
    return %arg0, %c0_i32 : i32, i32
  }
  func.func @transform_1(%arg0: i32) -> (i32, i32) {
    %c0_i32 = arith.constant 0 : i32
    %c0_i32_0 = arith.constant 0 : i32
    return %arg0, %c0_i32 : i32, i32
  }
  func.func @transform_2(%arg0: i32) -> (i32, i32) {
    %c0_i32 = arith.constant 0 : i32
    %c0_i32_0 = arith.constant 0 : i32
    return %arg0, %c0_i32 : i32, i32
  }
  func.func @transform_3(%arg0: i32) -> (i32, i32) {
    %c0_i32 = arith.constant 0 : i32
    %c0_i32_0 = arith.constant 0 : i32
    return %arg0, %c0_i32 : i32, i32
  }
  func.func @transform_4(%arg0: i32) -> (i32, i32) {
    %c0_i32 = arith.constant 0 : i32
    %c0_i32_0 = arith.constant 0 : i32
    return %arg0, %c0_i32 : i32, i32
  }
  func.func @transform_5(%arg0: i32) -> (i32, i32) {
    %c0_i32 = arith.constant 0 : i32
    %c0_i32_0 = arith.constant 0 : i32
    %c0_i32_1 = arith.constant 0 : i32
    return %c0_i32, %c0_i32_0 : i32, i32
  }
  func.func @transform_6(%arg0: i32) -> (i32, i32) {
    %c0_i32 = arith.constant 0 : i32
    %c0_i32_0 = arith.constant 0 : i32
    %c0_i32_1 = arith.constant 0 : i32
    return %c0_i32, %c0_i32_0 : i32, i32
  }
  func.func @transform_7(%arg0: i32) -> (i32, i32) {
    %c0_i32 = arith.constant 0 : i32
    %c0_i32_0 = arith.constant 0 : i32
    return %arg0, %c0_i32 : i32, i32
  }
  func.func @transform_8(%arg0: i32) -> (i32, i32) {
    %c0_i32 = arith.constant 0 : i32
    %c0_i32_0 = arith.constant 0 : i32
    return %arg0, %c0_i32 : i32, i32
  }
}

module attributes {stable_mosaic.version = 14 : i64} {
  func.func @_pool_body(%arg0: i32, %arg1: memref<1280x128xf32, #tpu.memory_space<vmem>>, %arg2: memref<1280x128xf32, #tpu.memory_space<vmem>>, %arg3: memref<1280x128xf32, #tpu.memory_space<vmem>>, %arg4: memref<1280x128xf32, #tpu.memory_space<vmem>>, %arg5: memref<1280x128xf32, #tpu.memory_space<vmem>>, %arg6: memref<1x64xf32, #tpu.memory_space<vmem>>, %arg7: memref<1x4x1280xi32, #tpu.memory_space<vmem>>, %arg8: memref<64x64xf32, #tpu.memory_space<vmem>>, %arg9: memref<64x128xf32, #tpu.memory_space<vmem>>) attributes {dimension_semantics = [#tpu.dimension_semantics<arbitrary>], iteration_bounds = array<i64: 10>, scalar_prefetch = 0 : i64, scratch_operands = 1 : i64, tpu.core_type = #tpu.core_type<tc>, window_params = [{transform_indices = @transform_0, window_bounds = array<i64: 1280, 128>}, {transform_indices = @transform_1, window_bounds = array<i64: 1280, 128>}, {transform_indices = @transform_2, window_bounds = array<i64: 1280, 128>}, {transform_indices = @transform_3, window_bounds = array<i64: 1280, 128>}, {transform_indices = @transform_4, window_bounds = array<i64: 1280, 128>}, {pipeline_mode = #tpu.pipeline_mode<synchronous>, transform_indices = @transform_5, window_bounds = array<i64: 1, 64>}, {transform_indices = @transform_6, window_bounds = array<i64: 1, 4, 1280>}, {pipeline_mode = #tpu.pipeline_mode<synchronous>, transform_indices = @transform_7, window_bounds = array<i64: 64, 64>}]} {
    %get3A = arith.constant 0 : index
    %get3A_0 = arith.constant 0 : index
    %get3A_1 = vector.load %arg5[%get3A, %get3A_0] : memref<1280x128xf32, #tpu.memory_space<vmem>>, vector<1280x128xf32>
    %get3A_2 = arith.constant 0 : index
    %get3A_3 = arith.constant 0 : index
    %get3A_4 = vector.load %arg1[%get3A_2, %get3A_3] : memref<1280x128xf32, #tpu.memory_space<vmem>>, vector<1280x128xf32>
    %get3A_5 = arith.constant 0 : index
    %get3A_6 = arith.constant 0 : index
    %get3A_7 = vector.load %arg3[%get3A_5, %get3A_6] : memref<1280x128xf32, #tpu.memory_space<vmem>>, vector<1280x128xf32>
    %add3A = arith.addf %get3A_4, %get3A_7 : vector<1280x128xf32>
    %mul3A = arith.mulf %add3A, %get3A_1 : vector<1280x128xf32>
    %get3A_8 = arith.constant 0 : index
    %get3A_9 = arith.constant 0 : index
    %get3A_10 = vector.load %arg6[%get3A_8, %get3A_9] : memref<1x64xf32, #tpu.memory_space<vmem>>, vector<1x64xf32>
    %slice3A = vector.extract_strided_slice %get3A_10 {offsets = [0, 0], sizes = [1, 32], strides = [1, 1]} : vector<1x64xf32> to vector<1x32xf32>
    %concatenate3A = tpu.concatenate %slice3A, %slice3A, %slice3A, %slice3A in 1 : vector<1x32xf32>, vector<1x32xf32>, vector<1x32xf32>, vector<1x32xf32> -> vector<1x128xf32>
    %add3A_11 = vector.broadcast %concatenate3A : vector<1x128xf32> to vector<1280x128xf32>
    %add3A_12 = arith.addf %mul3A, %add3A_11 : vector<1280x128xf32>
    %get3A_13 = arith.constant 0 : index
    %get3A_14 = arith.constant 0 : index
    %get3A_15 = vector.load %arg2[%get3A_13, %get3A_14] : memref<1280x128xf32, #tpu.memory_space<vmem>>, vector<1280x128xf32>
    %get3A_16 = arith.constant 0 : index
    %get3A_17 = arith.constant 0 : index
    %get3A_18 = vector.load %arg4[%get3A_16, %get3A_17] : memref<1280x128xf32, #tpu.memory_space<vmem>>, vector<1280x128xf32>
    %add3A_19 = arith.addf %get3A_15, %get3A_18 : vector<1280x128xf32>
    %mul3A_20 = arith.mulf %add3A_19, %get3A_1 : vector<1280x128xf32>
    %get3A_21 = arith.constant 0 : index
    %get3A_22 = arith.constant 0 : index
    %get3A_23 = vector.load %arg6[%get3A_21, %get3A_22] : memref<1x64xf32, #tpu.memory_space<vmem>>, vector<1x64xf32>
    %slice3A_24 = vector.extract_strided_slice %get3A_23 {offsets = [0, 32], sizes = [1, 32], strides = [1, 1]} : vector<1x64xf32> to vector<1x32xf32>
    %concatenate3A_25 = tpu.concatenate %slice3A_24, %slice3A_24, %slice3A_24, %slice3A_24 in 1 : vector<1x32xf32>, vector<1x32xf32>, vector<1x32xf32>, vector<1x32xf32> -> vector<1x128xf32>
    %add3A_26 = vector.broadcast %concatenate3A_25 : vector<1x128xf32> to vector<1280x128xf32>
    %add3A_27 = arith.addf %mul3A_20, %add3A_26 : vector<1280x128xf32>
    %broadcast_in_dim3A = arith.constant 0.000000e+00 : f32
    %broadcast_in_dim3A_28 = vector.broadcast %broadcast_in_dim3A : f32 to vector<64x32xf32>
    %broadcast_in_dim3A_29 = arith.constant 0.000000e+00 : f32
    %broadcast_in_dim3A_30 = vector.broadcast %broadcast_in_dim3A_29 : f32 to vector<64x32xf32>
    %broadcast_in_dim3A_31 = arith.constant 0.000000e+00 : f32
    %broadcast_in_dim3A_32 = vector.broadcast %broadcast_in_dim3A_31 : f32 to vector<64x1xf32>
    %iota3A = tpu.iota {dimensions = array<i32: 0>} : vector<64x1280xi32>
    %get3A_33 = arith.constant 0 : index
    %get3A_34 = arith.constant 0 : index
    %get3A_35 = arith.constant 0 : index
    %get3A_36 = vector.load %arg7[%get3A_33, %get3A_34, %get3A_35] : memref<1x4x1280xi32, #tpu.memory_space<vmem>>, vector<1x4x1280xi32>
    %get3A_37 = vector.shape_cast %get3A_36 : vector<1x4x1280xi32> to vector<4x1280xi32>
    %slice3A_38 = vector.extract_strided_slice %get3A_37 {offsets = [0, 0], sizes = [1, 1280], strides = [1, 1]} : vector<4x1280xi32> to vector<1x1280xi32>
    %eq3A = vector.broadcast %slice3A_38 : vector<1x1280xi32> to vector<64x1280xi32>
    %eq3A_39 = arith.cmpi eq, %iota3A, %eq3A : vector<64x1280xi32>
    %convert_element_type3A = arith.extui %eq3A_39 : vector<64x1280xi1> to vector<64x1280xi32>
    %convert_element_type3A_40 = arith.sitofp %convert_element_type3A : vector<64x1280xi32> to vector<64x1280xf32>
    %slice3A_41 = vector.extract_strided_slice %add3A_12 {offsets = [0, 0], sizes = [1280, 32], strides = [1, 1]} : vector<1280x128xf32> to vector<1280x32xf32>
    %dot_general3A = arith.constant dense<0.000000e+00> : vector<64x32xf32>
    %dot_general3A_42 = tpu.matmul %convert_element_type3A_40, %slice3A_41, %dot_general3A {dimension_numbers = #tpu.dot_dimension_numbers<[1], [0], [0], [1], [0, 0, 1, 1], [], []>, precision = #tpu.contract_precision<fp32>, transpose_lhs_hint = false} : vector<64x1280xf32>, vector<1280x32xf32>, vector<64x32xf32> -> vector<64x32xf32>
    %add3A_43 = arith.addf %broadcast_in_dim3A_28, %dot_general3A_42 : vector<64x32xf32>
    %slice3A_44 = vector.extract_strided_slice %add3A_27 {offsets = [0, 0], sizes = [1280, 32], strides = [1, 1]} : vector<1280x128xf32> to vector<1280x32xf32>
    %dot_general3A_45 = arith.constant dense<0.000000e+00> : vector<64x32xf32>
    %dot_general3A_46 = tpu.matmul %convert_element_type3A_40, %slice3A_44, %dot_general3A_45 {dimension_numbers = #tpu.dot_dimension_numbers<[1], [0], [0], [1], [0, 0, 1, 1], [], []>, precision = #tpu.contract_precision<fp32>, transpose_lhs_hint = false} : vector<64x1280xf32>, vector<1280x32xf32>, vector<64x32xf32> -> vector<64x32xf32>
    %add3A_47 = arith.addf %broadcast_in_dim3A_30, %dot_general3A_46 : vector<64x32xf32>
    %broadcast_in_dim3A_48 = arith.constant 1.000000e+00 : f32
    %broadcast_in_dim3A_49 = vector.broadcast %broadcast_in_dim3A_48 : f32 to vector<1280x1xf32>
    %dot_general3A_50 = arith.constant dense<0.000000e+00> : vector<64x1xf32>
    %dot_general3A_51 = tpu.matmul %convert_element_type3A_40, %broadcast_in_dim3A_49, %dot_general3A_50 {dimension_numbers = #tpu.dot_dimension_numbers<[1], [0], [0], [1], [0, 0, 1, 1], [], []>, precision = #tpu.contract_precision<fp32>, transpose_lhs_hint = false} : vector<64x1280xf32>, vector<1280x1xf32>, vector<64x1xf32> -> vector<64x1xf32>
    %add3A_52 = arith.addf %broadcast_in_dim3A_32, %dot_general3A_51 : vector<64x1xf32>
    %slice3A_53 = vector.extract_strided_slice %get3A_37 {offsets = [1, 0], sizes = [1, 1280], strides = [1, 1]} : vector<4x1280xi32> to vector<1x1280xi32>
    %eq3A_54 = vector.broadcast %slice3A_53 : vector<1x1280xi32> to vector<64x1280xi32>
    %eq3A_55 = arith.cmpi eq, %iota3A, %eq3A_54 : vector<64x1280xi32>
    %convert_element_type3A_56 = arith.extui %eq3A_55 : vector<64x1280xi1> to vector<64x1280xi32>
    %convert_element_type3A_57 = arith.sitofp %convert_element_type3A_56 : vector<64x1280xi32> to vector<64x1280xf32>
    %slice3A_58 = vector.extract_strided_slice %add3A_12 {offsets = [0, 32], sizes = [1280, 32], strides = [1, 1]} : vector<1280x128xf32> to vector<1280x32xf32>
    %dot_general3A_59 = arith.constant dense<0.000000e+00> : vector<64x32xf32>
    %dot_general3A_60 = tpu.matmul %convert_element_type3A_57, %slice3A_58, %dot_general3A_59 {dimension_numbers = #tpu.dot_dimension_numbers<[1], [0], [0], [1], [0, 0, 1, 1], [], []>, precision = #tpu.contract_precision<fp32>, transpose_lhs_hint = false} : vector<64x1280xf32>, vector<1280x32xf32>, vector<64x32xf32> -> vector<64x32xf32>
    %add3A_61 = arith.addf %add3A_43, %dot_general3A_60 : vector<64x32xf32>
    %slice3A_62 = vector.extract_strided_slice %add3A_27 {offsets = [0, 32], sizes = [1280, 32], strides = [1, 1]} : vector<1280x128xf32> to vector<1280x32xf32>
    %dot_general3A_63 = arith.constant dense<0.000000e+00> : vector<64x32xf32>
    %dot_general3A_64 = tpu.matmul %convert_element_type3A_57, %slice3A_62, %dot_general3A_63 {dimension_numbers = #tpu.dot_dimension_numbers<[1], [0], [0], [1], [0, 0, 1, 1], [], []>, precision = #tpu.contract_precision<fp32>, transpose_lhs_hint = false} : vector<64x1280xf32>, vector<1280x32xf32>, vector<64x32xf32> -> vector<64x32xf32>
    %add3A_65 = arith.addf %add3A_47, %dot_general3A_64 : vector<64x32xf32>
    %broadcast_in_dim3A_66 = arith.constant 1.000000e+00 : f32
    %broadcast_in_dim3A_67 = vector.broadcast %broadcast_in_dim3A_66 : f32 to vector<1280x1xf32>
    %dot_general3A_68 = arith.constant dense<0.000000e+00> : vector<64x1xf32>
    %dot_general3A_69 = tpu.matmul %convert_element_type3A_57, %broadcast_in_dim3A_67, %dot_general3A_68 {dimension_numbers = #tpu.dot_dimension_numbers<[1], [0], [0], [1], [0, 0, 1, 1], [], []>, precision = #tpu.contract_precision<fp32>, transpose_lhs_hint = false} : vector<64x1280xf32>, vector<1280x1xf32>, vector<64x1xf32> -> vector<64x1xf32>
    %add3A_70 = arith.addf %add3A_52, %dot_general3A_69 : vector<64x1xf32>
    %slice3A_71 = vector.extract_strided_slice %get3A_37 {offsets = [2, 0], sizes = [1, 1280], strides = [1, 1]} : vector<4x1280xi32> to vector<1x1280xi32>
    %eq3A_72 = vector.broadcast %slice3A_71 : vector<1x1280xi32> to vector<64x1280xi32>
    %eq3A_73 = arith.cmpi eq, %iota3A, %eq3A_72 : vector<64x1280xi32>
    %convert_element_type3A_74 = arith.extui %eq3A_73 : vector<64x1280xi1> to vector<64x1280xi32>
    %convert_element_type3A_75 = arith.sitofp %convert_element_type3A_74 : vector<64x1280xi32> to vector<64x1280xf32>
    %slice3A_76 = vector.extract_strided_slice %add3A_12 {offsets = [0, 64], sizes = [1280, 32], strides = [1, 1]} : vector<1280x128xf32> to vector<1280x32xf32>
    %dot_general3A_77 = arith.constant dense<0.000000e+00> : vector<64x32xf32>
    %dot_general3A_78 = tpu.matmul %convert_element_type3A_75, %slice3A_76, %dot_general3A_77 {dimension_numbers = #tpu.dot_dimension_numbers<[1], [0], [0], [1], [0, 0, 1, 1], [], []>, precision = #tpu.contract_precision<fp32>, transpose_lhs_hint = false} : vector<64x1280xf32>, vector<1280x32xf32>, vector<64x32xf32> -> vector<64x32xf32>
    %add3A_79 = arith.addf %add3A_61, %dot_general3A_78 : vector<64x32xf32>
    %slice3A_80 = vector.extract_strided_slice %add3A_27 {offsets = [0, 64], sizes = [1280, 32], strides = [1, 1]} : vector<1280x128xf32> to vector<1280x32xf32>
    %dot_general3A_81 = arith.constant dense<0.000000e+00> : vector<64x32xf32>
    %dot_general3A_82 = tpu.matmul %convert_element_type3A_75, %slice3A_80, %dot_general3A_81 {dimension_numbers = #tpu.dot_dimension_numbers<[1], [0], [0], [1], [0, 0, 1, 1], [], []>, precision = #tpu.contract_precision<fp32>, transpose_lhs_hint = false} : vector<64x1280xf32>, vector<1280x32xf32>, vector<64x32xf32> -> vector<64x32xf32>
    %add3A_83 = arith.addf %add3A_65, %dot_general3A_82 : vector<64x32xf32>
    %broadcast_in_dim3A_84 = arith.constant 1.000000e+00 : f32
    %broadcast_in_dim3A_85 = vector.broadcast %broadcast_in_dim3A_84 : f32 to vector<1280x1xf32>
    %dot_general3A_86 = arith.constant dense<0.000000e+00> : vector<64x1xf32>
    %dot_general3A_87 = tpu.matmul %convert_element_type3A_75, %broadcast_in_dim3A_85, %dot_general3A_86 {dimension_numbers = #tpu.dot_dimension_numbers<[1], [0], [0], [1], [0, 0, 1, 1], [], []>, precision = #tpu.contract_precision<fp32>, transpose_lhs_hint = false} : vector<64x1280xf32>, vector<1280x1xf32>, vector<64x1xf32> -> vector<64x1xf32>
    %add3A_88 = arith.addf %add3A_70, %dot_general3A_87 : vector<64x1xf32>
    %slice3A_89 = vector.extract_strided_slice %get3A_37 {offsets = [3, 0], sizes = [1, 1280], strides = [1, 1]} : vector<4x1280xi32> to vector<1x1280xi32>
    %eq3A_90 = vector.broadcast %slice3A_89 : vector<1x1280xi32> to vector<64x1280xi32>
    %eq3A_91 = arith.cmpi eq, %iota3A, %eq3A_90 : vector<64x1280xi32>
    %convert_element_type3A_92 = arith.extui %eq3A_91 : vector<64x1280xi1> to vector<64x1280xi32>
    %convert_element_type3A_93 = arith.sitofp %convert_element_type3A_92 : vector<64x1280xi32> to vector<64x1280xf32>
    %slice3A_94 = vector.extract_strided_slice %add3A_12 {offsets = [0, 96], sizes = [1280, 32], strides = [1, 1]} : vector<1280x128xf32> to vector<1280x32xf32>
    %dot_general3A_95 = arith.constant dense<0.000000e+00> : vector<64x32xf32>
    %dot_general3A_96 = tpu.matmul %convert_element_type3A_93, %slice3A_94, %dot_general3A_95 {dimension_numbers = #tpu.dot_dimension_numbers<[1], [0], [0], [1], [0, 0, 1, 1], [], []>, precision = #tpu.contract_precision<fp32>, transpose_lhs_hint = false} : vector<64x1280xf32>, vector<1280x32xf32>, vector<64x32xf32> -> vector<64x32xf32>
    %add3A_97 = arith.addf %add3A_79, %dot_general3A_96 : vector<64x32xf32>
    %slice3A_98 = vector.extract_strided_slice %add3A_27 {offsets = [0, 96], sizes = [1280, 32], strides = [1, 1]} : vector<1280x128xf32> to vector<1280x32xf32>
    %dot_general3A_99 = arith.constant dense<0.000000e+00> : vector<64x32xf32>
    %dot_general3A_100 = tpu.matmul %convert_element_type3A_93, %slice3A_98, %dot_general3A_99 {dimension_numbers = #tpu.dot_dimension_numbers<[1], [0], [0], [1], [0, 0, 1, 1], [], []>, precision = #tpu.contract_precision<fp32>, transpose_lhs_hint = false} : vector<64x1280xf32>, vector<1280x32xf32>, vector<64x32xf32> -> vector<64x32xf32>
    %add3A_101 = arith.addf %add3A_83, %dot_general3A_100 : vector<64x32xf32>
    %broadcast_in_dim3A_102 = arith.constant 1.000000e+00 : f32
    %broadcast_in_dim3A_103 = vector.broadcast %broadcast_in_dim3A_102 : f32 to vector<1280x1xf32>
    %dot_general3A_104 = arith.constant dense<0.000000e+00> : vector<64x1xf32>
    %dot_general3A_105 = tpu.matmul %convert_element_type3A_93, %broadcast_in_dim3A_103, %dot_general3A_104 {dimension_numbers = #tpu.dot_dimension_numbers<[1], [0], [0], [1], [0, 0, 1, 1], [], []>, precision = #tpu.contract_precision<fp32>, transpose_lhs_hint = false} : vector<64x1280xf32>, vector<1280x1xf32>, vector<64x1xf32> -> vector<64x1xf32>
    %add3A_106 = arith.addf %add3A_88, %dot_general3A_105 : vector<64x1xf32>
    %broadcast_in_dim3A_107 = arith.constant 0.000000e+00 : f32
    %broadcast_in_dim3A_108 = vector.broadcast %broadcast_in_dim3A_107 : f32 to vector<64x63xf32>
    %concatenate3A_109 = tpu.concatenate %add3A_97, %add3A_101, %add3A_106, %broadcast_in_dim3A_108 in 1 : vector<64x32xf32>, vector<64x32xf32>, vector<64x1xf32>, vector<64x63xf32> -> vector<64x128xf32>
    %eq3A_110 = arith.constant 0 : i32
    %eq3A_111 = arith.cmpi eq, %arg0, %eq3A_110 : i32
    %convert_element_type3A_112 = arith.extui %eq3A_111 : i1 to i32
    %cond3A = arith.constant 0 : i32
    %cond3A_113 = arith.cmpi ne, %convert_element_type3A_112, %cond3A : i32
    scf.if %cond3A_113 {
      %swap3A = arith.constant 0 : index
      %swap3A_123 = arith.constant 0 : index
      %swap3A_124 = vector.load %arg9[%swap3A, %swap3A_123] : memref<64x128xf32, #tpu.memory_space<vmem>>, vector<64x128xf32>
      tpu.vector_store %arg9[%swap3A, %swap3A_123], %concatenate3A_109 {strides = array<i32>} : memref<64x128xf32, #tpu.memory_space<vmem>>, vector<64x128xf32>,
    } else {
    }
    %gt3A = arith.constant 0 : i32
    %gt3A_114 = arith.cmpi sgt, %arg0, %gt3A : i32
    %convert_element_type3A_115 = arith.extui %gt3A_114 : i1 to i32
    %cond3A_116 = arith.constant 0 : i32
    %cond3A_117 = arith.cmpi ne, %convert_element_type3A_115, %cond3A_116 : i32
    scf.if %cond3A_117 {
      %get3A_123 = arith.constant 0 : index
      %get3A_124 = arith.constant 0 : index
      %get3A_125 = vector.load %arg9[%get3A_123, %get3A_124] : memref<64x128xf32, #tpu.memory_space<vmem>>, vector<64x128xf32>
      %add3A_126 = arith.addf %get3A_125, %concatenate3A_109 : vector<64x128xf32>
      %swap3A = arith.constant 0 : index
      %swap3A_127 = arith.constant 0 : index
      %swap3A_128 = vector.load %arg9[%swap3A, %swap3A_127] : memref<64x128xf32, #tpu.memory_space<vmem>>, vector<64x128xf32>
      tpu.vector_store %arg9[%swap3A, %swap3A_127], %add3A_126 {strides = array<i32>} : memref<64x128xf32, #tpu.memory_space<vmem>>, vector<64x128xf32>,
    } else {
    }
    %eq3A_118 = arith.constant 9 : i32
    %eq3A_119 = arith.cmpi eq, %arg0, %eq3A_118 : i32
    %convert_element_type3A_120 = arith.extui %eq3A_119 : i1 to i32
    %cond3A_121 = arith.constant 0 : i32
    %cond3A_122 = arith.cmpi ne, %convert_element_type3A_120, %cond3A_121 : i32
    scf.if %cond3A_122 {
      %get3A_123 = arith.constant 0 : index
      %get3A_124 = arith.constant 0 : index
      %get3A_125 = vector.load %arg9[%get3A_123, %get3A_124] : memref<64x128xf32, #tpu.memory_space<vmem>>, vector<64x128xf32>
      %slice3A_126 = vector.extract_strided_slice %get3A_125 {offsets = [0, 64], sizes = [64, 1], strides = [1, 1]} : vector<64x128xf32> to vector<64x1xf32>
      %slice3A_127 = vector.extract_strided_slice %get3A_125 {offsets = [0, 0], sizes = [64, 64], strides = [1, 1]} : vector<64x128xf32> to vector<64x64xf32>
      %max3A = arith.constant 1.000000e+00 : f32
      %max3A_128 = vector.broadcast %max3A : f32 to vector<64x1xf32>
      %max3A_129 = arith.maximumf %slice3A_126, %max3A_128 : vector<64x1xf32>
      %div3A = vector.broadcast %max3A_129 : vector<64x1xf32> to vector<64x64xf32>
      %div3A_130 = arith.divf %slice3A_127, %div3A : vector<64x64xf32>
      %swap3A = arith.constant 0 : index
      %swap3A_131 = arith.constant 0 : index
      %swap3A_132 = vector.load %arg8[%swap3A, %swap3A_131] : memref<64x64xf32, #tpu.memory_space<vmem>>, vector<64x64xf32>
      tpu.vector_store %arg8[%swap3A, %swap3A_131], %div3A_130 {strides = array<i32>} : memref<64x64xf32, #tpu.memory_space<vmem>>, vector<64x64xf32>,
    } else {
    }
    return
  }
  func.func @transform_0(%arg0: i32) -> (i32, i32) {
    %c0_i32 = arith.constant 0 : i32
    %c0_i32_0 = arith.constant 0 : i32
    return %arg0, %c0_i32 : i32, i32
  }
  func.func @transform_1(%arg0: i32) -> (i32, i32) {
    %c0_i32 = arith.constant 0 : i32
    %c0_i32_0 = arith.constant 0 : i32
    return %arg0, %c0_i32 : i32, i32
  }
  func.func @transform_2(%arg0: i32) -> (i32, i32) {
    %c0_i32 = arith.constant 0 : i32
    %c0_i32_0 = arith.constant 0 : i32
    return %arg0, %c0_i32 : i32, i32
  }
  func.func @transform_3(%arg0: i32) -> (i32, i32) {
    %c0_i32 = arith.constant 0 : i32
    %c0_i32_0 = arith.constant 0 : i32
    return %arg0, %c0_i32 : i32, i32
  }
  func.func @transform_4(%arg0: i32) -> (i32, i32) {
    %c0_i32 = arith.constant 0 : i32
    %c0_i32_0 = arith.constant 0 : i32
    return %arg0, %c0_i32 : i32, i32
  }
  func.func @transform_5(%arg0: i32) -> (i32, i32) {
    %c0_i32 = arith.constant 0 : i32
    %c0_i32_0 = arith.constant 0 : i32
    %c0_i32_1 = arith.constant 0 : i32
    return %c0_i32, %c0_i32_0 : i32, i32
  }
  func.func @transform_6(%arg0: i32) -> (i32, i32, i32) {
    %c0_i32 = arith.constant 0 : i32
    %c0_i32_0 = arith.constant 0 : i32
    %c0_i32_1 = arith.constant 0 : i32
    return %arg0, %c0_i32, %c0_i32_0 : i32, i32, i32
  }
  func.func @transform_7(%arg0: i32) -> (i32, i32) {
    %c0_i32 = arith.constant 0 : i32
    %c0_i32_0 = arith.constant 0 : i32
    %c0_i32_1 = arith.constant 0 : i32
    return %c0_i32, %c0_i32_0 : i32, i32
  }
}

</mosaic_0001>

<sc_bundles>
// kernel: kernel.11.cloned.1.call-start
scs
__scs_entry_jumppad:
0x0: {  	(pc) =	sbr.rel $0x88, $3  }
0x1: {  	(tag) =	ssettag $0x0;
	lr =	simm.s32 $0x1  }
0x2: {  	[smem:$0x3F9A] =	sst lr;
	_ =	strace $0xD0000000  }
0x3: {  	_ = 	snop  }
0x4: {  	_ = 	snop  }
0x5: {  	_ = 	snop  }
0x6: {  	_ = 	snop  }
0x7: {  	_ = 	snop  }
__scs_overlays_trampoline_lowered:
0x8: {  	[smem:$0x3FA9] =	sst s0  }
0x9: {  	[smem:$0x3FAA] =	sst s1  }
0xa: {  	[smem:$0x3FAB] =	sst s2  }
0xb: {  	[smem:$0x3FAC] =	sst s3  }
0xc: {  	[smem:$0x3FAD] =	sst s4  }
0xd: {  	[smem:$0x3FAE] =	sst s5  }
0xe: {  	[smem:$0x3FAF] =	sst s6  }
0xf: {  	[smem:$0x3FB0] =	sst s7  }
0x10: {  	[smem:$0x3FB1] =	sst s8  }
0x11: {  	[smem:$0x3FB2] =	sst s9;
	s0 =	simm.s32 @!p0 $0x0  }
0x12: {  	s1 =	sld [smem:$0x3F98];
	s0 =	simm.s32 @p0 $0x1  }
0x13: {  	[smem:$0x3FB3] =	sst s0;
	s0 =	simm.s32 @!p1 $0x0  }
0x14: {  	s2 =	sld [smem:$0x3F97];
	s0 =	simm.s32 @p1 $0x1  }
0x15: {  	[smem:$0x3FB4] =	sst s0;
	s0 =	simm.s32 @!p2 $0x0  }
0x16: {  	s3 =	sld [smem:$0x3FDB];
	s0 =	simm.s32 @p2 $0x1  }
0x17: {  	s4 =	simm.s32 $0x1BF5;
	[smem:$0x3FB6] =	sst s0  }
0x18: {  	s0 =	sld [smem:$0x3F99];
	_ =	swait.ge [sflag:s4], $0x0  }
0x19: {  	s7 =	sld [smem:$0x3F9A]  }
0x1a: {  	s8 =	sadd.s32 $0xFFFFE003, lr  }
0x1b: {  	s9 =	sadd.s32 $0xFFFFFEF7, lr;
	s5 =	simm.s32 $0xFFFFFFFF;
	p2 =	slt.u32 s8, $0xFFFFF086  }
0x1c: {  	p1 =	slt.u32 s9, $0xF7A;
	s5 =	simm.s32 @!p2 $0x0  }
0x1d: {  	s5 =	simm.s32 @p1 $0x1;
	p0 =	seq.s32 s7, s2  }
0x1e: {  	s7 =	smul.u32 @!p0 $0xF7A, s2;
	p2 =	seq.s32 @!p0 s5, $0x0  }
0x1f: {  	s9 =	smul.u32 $0xF7A, s1;
	s8 =	simm.s32 @!p0 $0x1BF5;
	p2 =	por !p2, p0  }
0x20: {  	[sflag:s8] =	ssyncset.s32 @!p0 $0xFFFFF086;
	s6 =	sadd.s32 @!p0 s3, s7;
	s7 =	simm.s32 @!p0 $0x108  }
0x21: {  	s3 =	sadd.s32 s3, s9;
	s6 =	sadd.s32 @!p0 $0x88, s6;
	s7 =	simm.s32 @p2 $0x1082  }
0x22: {  	[simem:s7], [sflag:s8] =	dma.local @!p0 [hbm:s6], $0xF7A  }
0x23: {  	s9 =	sor.u32 $0xD0000000, s2;
	s6 =	simm.s32 $0x108;
	_ =	swait.ge @!p0 [sflag:s8], $0x0  }
0x24: {  	s3 =	sadd.s32 $0x88, s3;
	s6 =	simm.s32 @!p1 $0x1082;
	[sflag:s4] =	ssyncset.s32 $0xFFFFF086  }
0x25: {  	[simem:s6], [sflag:s4] =	dma.local [hbm:s3], $0xF7A  }
0x26: {  	[smem:$0x3F9A] =	sst s1;
	(tag) =	ssettag s2;
	_ =	strace s9  }
0x27: {  	s1 =	sld [smem:$0x3FAA]  }
0x28: {  	s2 =	sld [smem:$0x3FAB]  }
0x29: {  	s4 =	sld [smem:$0x3FAD]  }
0x2a: {  	p0 =	seq.s32 s5, $0x0;
	s5 =	sld [smem:$0x3FAE]  }
0x2b: {  	s6 =	sld [smem:$0x3FAF]  }
0x2c: {  	s7 =	sld [smem:$0x3FB0]  }
0x2d: {  	s3 =	simm.s32 $0x108;
	s8 =	sld [smem:$0x3FB1]  }
0x2e: {  	s3 =	simm.s32 @!p0 $0x1082;
	s9 =	sld [smem:$0x3FB2]  }
0x2f: {  	lr =	sadd.s32 s0, s3;
	s0 =	sld [smem:$0x3FA9]  }
0x30: {  	s3 =	sld [smem:$0x3FAC]  }
0x31: {  	[smem:$0x3FB5] =	sst s10  }
0x32: {  	s10 =	sld [smem:$0x3FB3];
	_ =	sdelay $0x3  }
0x33: {  	p0 =	seq.s32 s10, $0x1;
	s10 =	sld [smem:$0x3FB5];
	_ =	sdelay $0x3  }
0x34: {  	[smem:$0x3FB5] =	sst s10  }
0x35: {  	s10 =	sld [smem:$0x3FB4];
	_ =	sdelay $0x3  }
0x36: {  	p1 =	seq.s32 s10, $0x1;
	s10 =	sld [smem:$0x3FB5];
	_ =	sdelay $0x3  }
0x37: {  	[smem:$0x3FB5] =	sst s10  }
0x38: {  	s10 =	sld [smem:$0x3FB6]  }
0x39: {  	_ = 	snop;
	(pc) =	sbr.ind lr, $3  }
0x3a: {  	_ = 	snop  }
0x3b: {  	_ = 	snop  }
0x3c: {  	p2 =	seq.s32 s10, $0x1;
	s10 =	sld [smem:$0x3FB5]  }
0x3d: {  	_ =	shalt  }
0x3e: {  	_ =	shalt  }
0x3f: {  	_ =	shalt  }
0x40: {  	_ =	shalt  }
0x41: {  	_ =	shalt  }
0x42: {  	_ =	shalt  }
0x43: {  	_ =	shalt  }
0x44: {  	_ =	shalt  }
0x45: {  	_ =	shalt  }
0x46: {  	_ =	shalt  }
0x47: {  	_ =	shalt  }
0x48: {  	_ =	shalt  }
0x49: {  	_ =	shalt  }
0x4a: {  	_ =	shalt  }
0x4b: {  	_ =	shalt  }
0x4c: {  	_ =	shalt  }
0x4d: {  	_ =	shalt  }
0x4e: {  	_ =	shalt  }
0x4f: {  	_ =	shalt  }
0x50: {  	_ =	shalt  }
0x51: {  	_ =	shalt  }
0x52: {  	_ =	shalt  }
0x53: {  	_ =	shalt  }
0x54: {  	_ =	shalt  }
0x55: {  	_ =	shalt  }
0x56: {  	_ =	shalt  }
0x57: {  	_ =	shalt  }
0x58: {  	_ =	shalt  }
0x59: {  	_ =	shalt  }
0x5a: {  	_ =	shalt  }
0x5b: {  	_ =	shalt  }
0x5c: {  	_ =	shalt  }
0x5d: {  	_ =	shalt  }
0x5e: {  	_ =	shalt  }
0x5f: {  	_ =	shalt  }
0x60: {  	_ =	shalt  }
0x61: {  	_ =	shalt  }
0x62: {  	_ =	shalt  }
0x63: {  	_ =	shalt  }
0x64: {  	_ =	shalt  }
0x65: {  	_ =	shalt  }
0x66: {  	_ =	shalt  }
0x67: {  	_ =	shalt  }
0x68: {  	_ =	shalt  }
0x69: {  	_ =	shalt  }
0x6a: {  	_ =	shalt  }
0x6b: {  	_ =	shalt  }
0x6c: {  	_ =	shalt  }
0x6d: {  	_ =	shalt  }
0x6e: {  	_ =	shalt  }
0x6f: {  	_ =	shalt  }
0x70: {  	_ =	shalt  }
0x71: {  	_ =	shalt  }
0x72: {  	_ =	shalt  }
0x73: {  	_ =	shalt  }
0x74: {  	_ =	shalt  }
0x75: {  	_ =	shalt  }
0x76: {  	_ =	shalt  }
0x77: {  	_ =	shalt  }
0x78: {  	_ =	shalt  }
0x79: {  	_ =	shalt  }
0x7a: {  	_ =	shalt  }
0x7b: {  	_ =	shalt  }
0x7c: {  	_ =	shalt  }
0x7d: {  	_ =	shalt  }
0x7e: {  	_ =	shalt  }
0x7f: {  	_ =	shalt  }
0x80: {  	_ =	shalt  }
0x81: {  	_ =	shalt  }
0x82: {  	_ =	shalt  }
0x83: {  	_ =	shalt  }
0x84: {  	_ =	shalt  }
0x85: {  	_ =	shalt  }
0x86: {  	_ =	shalt  }
0x87: {  	_ =	shalt  }
.Lfunc_end0:
.L_simem_size_0:
called_computation.1_lowered:
.L_overlay_start_0:
0x88: {  	s2 =	sld [smem:$0x3FD9]  }
0x89: {  	s3 =	sld [smem:$0x3FFE];
	_ =	sdelay $0x1  }
0x8a: {  	s1 =	srdreg.scid  }
0x8b: {  	s0 =	sand.u32 $0x1, s1  }
0x8c: {  	s17 =	sshll.u32 s0, $0xA;
	s2 =	sadd.s32 s3, s2  }
0x8d: {  	s2 =	sadd.s32 s2, s17  }
0x8e: {  	[smem:$0x3FC1] =	sst s2  }
0x8f: {  	_ = 	snop  }
0x90: {  	s2 =	sld [smem:$0x3FD0];
	(tm) =	ssettm $0x1  }
0x91: {  	s18 =	sld [smem:$0x3FFB];
	_ =	sdelay $0x3  }
0x92: {  	_ =	strace s18  }
0x93: {  	s3 =	sld [smem:$0x3FFC];
	_ =	sdelay $0x3  }
0x94: {  	_ =	strace s3  }
0x95: {  	s3 =	sld [smem:$0x3FFD];
	_ =	sdelay $0x3  }
0x96: {  	_ =	strace s3  }
0x97: {  	_ =	strace $0x8FFFFFFF  }
0x98: {  	s19 =	sld [smem:$0x3FDB];
	_ =	sdelay $0x1  }
0x99: {  	s4 =	simm.s32 $_scs_section_size  }
0x9a: {  	s5 =	simm.s32 $_size__tile_overlayer_lowered;
	s6 =	simm.s32 $_tile_overlayer_lowered  }
0x9b: {  	s22 =	simm.s32 $0x1BFF;
	s21 =	sshll.u32 s6, $0x1;
	s3 =	sadd.s32 s4, s19  }
0x9c: {  	s7 =	simm.s32 $0x0;
	s20 =	sshll.u32 s5, $0x1;
	s5 =	sadd.s32 s21, s3  }
0x9d: {  	[timem:s7], [sflag:s22] =	dma.local [hbm:s5], s20  }
0x9e: {  	_ =	swait.ge [sflag:s22], s20  }
0x9f: {  	s4 =	ssub.s32 $0x0, s20;
	[sflag:s22] =	ssyncset.done $0x0  }
0xa0: {  	[sflag:s22] =	ssyncadd.s32 s4;
	_ =	sdelay $0x1  }
0xa1: {  	s23 =	simm.s32 $0x1B8B  }
0xa2: {  	_ =	swait.ge [sflag:s23], $0x1  }
0xa3: {  	[sflag:s23] =	ssyncset.done $0x0  }
0xa4: {  	s25 =	simm.s32 $0x1B8E;
	s24 =	sld [smem:$0x3FFE];
	[sflag:s23] =	ssyncadd.s32 $0xFFFFFFFF  }
0xa5: {  	s26 =	simm.s32 $execute0_lowered;
	[smem:$0x3FD2] =	sst s25  }
0xa6: {  	s5 =	sshll.u32 s26, $0x1;
	_ =	strace $0x80000049;
	[dreg:$0x1] =	wrdreg $0xFFFFFFFF  }
0xa7: {  	s28 =	simm.s32 $_size_execute0_lowered;
	s3 =	sadd.s32 s3, s5;
	[dreg:$0x0] =	wrdreg $0x0  }
0xa8: {  	s5 =	sshll.u32 s28, $0x1;
	[dreg:$0x2] =	wrdreg s3  }
0xa9: {  	[dreg:$0x3] =	wrdreg s5  }
0xaa: {  	[dreg:$0x4] =	wrdreg $0xC0  }
0xab: {  	_ =	task [dreg:s7], $0x5FFFF  }
0xac: {  	[dreg:$0x1] =	wrdreg $0xFFFFFFFF  }
0xad: {  	[dreg:$0x0] =	wrdreg $0x60  }
0xae: {  	[dreg:$0x2] =	wrdreg s24  }
0xaf: {  	[dreg:$0x3] =	wrdreg s2  }
0xb0: {  	[dreg:$0x4] =	wrdreg $0x61000  }
0xb1: {  	[dreg:$0x5] =	wrdreg $0x9  }
0xb2: {  	_ =	task.clear_ibuf [dreg:s7], $0x6FFFF;
	_ =	strace $0x90000049  }
0xb3: {  	s29 =	simm.s32 $0x9;
	_ =	strace $0x8000004B  }
0xb4: {  	_ =	swait.ge [sflag:s29], $0x1  }
0xb5: {  	[sflag:s29] =	ssyncadd.s32 $0xFFFFFFFF  }
0xb6: {  	_ =	strace $0x9000004B  }
0xb7: {  	_ =	sfence  }
0xb8: {  	s30 =	sld [smem:$0x0];
	_ =	sdelay $0x2  }
0xb9: {  	s31 =	sshll.u32 s1, $0xD;
	s1 =	sshrl.u32 s1, $0x2  }
0xba: {  	s3 =	sand.u32 $0x4000, s31;
	s1 =	sadd.s32 s1, s30  }
0xbb: {  	s0 =	sor.u32 s3, s0;
	s1 =	sshll.u32 s1, $0x11  }
0xbc: {  	s0 =	sor.u32 s1, s0  }
0xbd: {  	s0 =	sadd.s32 $0x8F2B, s0  }
0xbe: {  	[sflag:s0] =	ssyncadd.remote.s32 $0x1  }
0xbf: {  	_ =	sfence.sel $0xFFFF  }
0xc0: {  	[dreg:$0x0] =	wrdreg $0xFFFFFFFF;
	(pc) =	sbr.abs _section_cstart, $3  }
0xc1: {  	[dreg:$0x1] =	wrdreg $0xFFFFFFFF  }
0xc2: {  	_ =	task.clear_ibuf [dreg:s7], $0x2FFFF;
	_ =	strace $0x9FFFFFFF  }
0xc3: {  	(tm) =	ssettm $0x7FFFFFFF  }
tec
execute0_lowered:
.L_overlay_start_1:
0x0: {  	(tag) =	ssettag $0x1  }
0x1: {  	s0 =	rddreg [dreg:$0x0]  }
0x2: {  	s18 =	rddreg [dreg:$0x2];
	s4 =	simm.s32 $0x0  }
0x3: {  	s3 =	stileid.u32;
	s17 =	srdreg.scid;
	s7 =	simm.s32 $0x187  }
0x4: {  	s6 =	simm.s32 $0x200;
	[smem:$0x7FF] =	sst s4;
	s1 =	smul.u32 $0x186, s3  }
0x5: {  	s2 =	smin.u32 s3, $0xA;
	s5 =	sadd.s32 $0x3600, s0;
	s8 =	smul.u32 $0x3200, s3  }
0x6: {  	s19 =	sadd.s32 $0x81E00, s0;
	p0 =	slt.u32 s3, $0xA;
	s22 =	smul.u32 $0x64000, s3  }
0x7: {  	s3 =	simm.s32 $0x100;
	_ =	strace $0x8000004A;
	s7 =	simm.s32 @!p0 $0x186  }
0x8: {  	[dreg:$0x4] =	wrdreg s5;
	s29 =	smov.u32 s19;
	s1 =	sadd.s32 s2, s1  }
0x9: {  	s2 =	sand.u32 $0x1, s17;
	s16 =	sshll.u32 s7, $0xA;
	s1 =	sshll.u32 s1, $0x5  }
0xa: {  	s9 =	ssub.s32 $0x2, s2;
	p0 =	seq.s32 s2, $0x1;
	s1 =	sadd.s32 s1, s0  }
0xb: {  	s2 =	sshrl.u32 s22, $0x2;
	s10 =	sshrl.u32 s9, $0x1;
	s21 =	sadd.s32 $0x51000, s1  }
0xc: {  	s0 =	sadd.s32 s8, s0;
	s23 =	sadd.s32 $0x51020, s1;
	[dreg:$0x5] =	wrdreg s21  }
0xd: {  	s15 =	sadd.s32 s2, s18;
	s24 =	sadd.s32 $0x51040, s1;
	[dreg:$0x6] =	wrdreg s23  }
0xe: {  	s8 =	simm.s32 $0x300;
	s25 =	sadd.s32 $0x51060, s1;
	[dreg:$0x7] =	wrdreg s24  }
0xf: {  	s2 =	simm.s32 $0x0;
	s26 =	sadd.s32 $0x51080, s1;
	[dreg:$0x8] =	wrdreg s25  }
0x10: {  	s20 =	ssub.s32 s9, s10;
	s28 =	sadd.s32 $0x510A0, s1;
	[dreg:$0x9] =	wrdreg s26  }
.Ltmp0:
0x11: {  	s1 =	sadd.s32 $0x510C0, s1;
	[dreg:$0xa] =	wrdreg s28;
	(pc) =	sbr.rel .LBB2_1-.Ltmp0, $4  }
0x12: {  	s31 =	sadd.s32 $0xE5E00, s0;
	s0 =	sadd.s32 $0x117E00, s0;
	[dreg:$0xc] =	wrdreg s1  }
0x13: {  	s9 =	simm.s32 $0x1;
	s30 =	smax.u32 s20, $0x1;
	[dreg:$0xd] =	wrdreg s31  }
0x14: {  	[dreg:$0xe] =	wrdreg s0;
	s20 =	simm.s32 $0x5700;
	s21 =	simm.s32 $0x4  }
0x15: {  	s25 =	simm.s32 $0x80;
	s1 =	simm.s32 $0x2;
	[dreg:$0xb] =	wrdreg s30  }
.LBB2_8:
0x16: {  	[sflag:s21] =	ssyncadd.s32 $0xFFFFF600;
	s19 =	smov.u32 s29;
	s6 =	simm.s32 $0x200  }
0x17: {  	s8 =	simm.s32 $0x300;
	s9 =	simm.s32 $0x1;
	s2 =	rddreg [dreg:$0xf]  }
.LBB2_14:
0x18: {  	s2 =	sadd.s32 $0x1, s2;
	s0 =	rddreg [dreg:$0xb]  }
0x19: {  	p1 =	sne.s32 s2, s0  }
.Ltmp1:
0x1a: {  	_ = 	snop;
	(pc) =	sbr.rel @!p1 .LBB2_15-.Ltmp1, $2  }
0x1b: {  	_ =	sdelay $0x2  }
0x1c: {  	s3 =	simm.s32 $0x100  }
.LBB2_1:
0x1d: {  	[dreg:$0xf] =	wrdreg s2  }
0x1e: {  	s0 =	rddreg [dreg:$0x1]  }
0x1f: {  	[tilespmem:s20], [sflag:$0x4] =	stream.linear.gather [hbm4b:s0+s4], $0xA00, $0x38;
	[tilespmem:$0x1F100] =	vst v63  }
0x20: {  	_ =	swait.ge [sflag:s21], $0xA00  }
0x21: {  	[sflag:s21] =	ssyncset.done $0x0  }
0x22: {  	s31 =	sadd.s32 $0x0, s15;
	[sflag:s21] =	ssyncadd.s32 $0xFFFFF600  }
0x23: {  	[spmem:s31] =	stream.linear.scatter [tilespmem:s20], [sflag:$0x4], $0xA00, $0x38;
	[tilespmem:$0x1F100] =	vst v63  }
0x24: {  	s0 =	simm.s32 $0x2800;
	_ =	swait.ge [sflag:s21], $0xA00  }
.LBB2_2:
0x25: {  	s2 =	sshra.s32 s0, $0x2;
	[sflag:s21] =	ssyncset.done $0x0;
	p1 =	sne.s32 s0, $0x61800  }
.Ltmp2:
0x26: {  	s2 =	sadd.s32 s2, s15;
	[sflag:s21] =	ssyncadd.s32 $0xFFFFF600;
	(pc) =	sbr.rel @p1 .LBB2_2-.Ltmp2, $3  }
0x27: {  	[spmem:s2] =	stream.linear.scatter [tilespmem:s20], [sflag:$0x4], $0xA00, $0x38;
	[tilespmem:$0x1F100] =	vst v63  }
0x28: {  	s0 =	sadd.s32 $0x2800, s0;
	_ =	sdelay $0x1  }
0x29: {  	_ =	swait.ge [sflag:s21], $0xA00  }
0x2a: {  	[sflag:s21] =	ssyncset.done $0x0  }
0x2b: {  	[sflag:s21] =	ssyncadd.s32 $0xFFFFF600  }
0x2c: {  	[bflag:$0x0] =	sbarrier.arrive $0xFFFF  }
0x2d: {  	s0 =	rddreg [dreg:$0x5]  }
0x2e: {  	[tilespmem:s4], [sflag:$0x1] =	stream.linear.gather [hbm4b:s0+s4], $0x100, $0x38;
	[tilespmem:$0x1F100] =	vst v63  }
0x2f: {  	s23 =	rddreg [dreg:$0x6]  }
0x30: {  	[tilespmem:s3], [sflag:$0x1] =	stream.linear.gather [hbm4b:s23+s4], $0x100, $0x38;
	[tilespmem:$0x1F100] =	vst v63  }
0x31: {  	s24 =	rddreg [dreg:$0x7]  }
0x32: {  	[tilespmem:s6], [sflag:$0x1] =	stream.linear.gather [hbm4b:s24+s4], $0x100, $0x38;
	[tilespmem:$0x1F100] =	vst v63  }
0x33: {  	s26 =	rddreg [dreg:$0x8]  }
0x34: {  	[tilespmem:s8], [sflag:$0x1] =	stream.linear.gather [hbm4b:s26+s4], $0x100, $0x38;
	[tilespmem:$0x1F100] =	vst v63  }
0x35: {  	s2 =	simm.s32 $0x400;
	s28 =	rddreg [dreg:$0x9]  }
0x36: {  	[tilespmem:s2], [sflag:$0x1] =	stream.linear.gather [hbm4b:s28+s4], $0x100, $0x38;
	[tilespmem:$0x1F100] =	vst v63  }
.Ltmp3:
0x37: {  	s31 =	simm.s32 $0x500;
	s30 =	rddreg [dreg:$0xa];
	(pc) =	sbr.rel @!p0 .LBB2_4-.Ltmp3, $4  }
0x38: {  	[tilespmem:s31], [sflag:$0x1] =	stream.linear.gather [hbm4b:s30+s4], $0x100, $0x38;
	[tilespmem:$0x1F100] =	vst v63  }
0x39: {  	_ =	swait.ge [sflag:s9], $0x100  }
0x3a: {  	[sflag:s9] =	ssyncset.done $0x0  }
0x3b: {  	s26 =	simm.s32 $0x700;
	s2 =	simm.s32 $0x0;
	[sflag:s9] =	ssyncadd.s32 $0xFFFFFF00  }
0x3c: {  	[tilespmem:s26], [sflag:$0x2] =	stream.indirect.gather [hbm4b:s19+s25], $0x20, s2, s25, $0xb8;
	[tilespmem:$0x1F100] =	vst v63  }
0x3d: {  	s0 =	simm.s32 $0x1700;
	s13 =	simm.s32 $0x2700  }
0x3e: {  	s14 =	simm.s32 $0x3700;
	s17 =	simm.s32 $0x6;
	s22 =	simm.s32 $0x4  }
0x3f: {  	s30 =	simm.s32 $0x400;
	p2 =	sne.s32 s16, $0x400;
	s31 =	simm.s32 $0x0  }
0x40: {  	s5 =	smulhi.u32 $0xCCCCCCCD, s2;
	s10 =	simm.s32 $0x5;
	p1 =	sle.u32 s7, $0x4  }
0x41: {  	p3 =	por $0x1, $0x1;
	s24 =	smulhi.u32 $0x24924925, s2;
	_ =	swait.ge [sflag:s9], $0x100  }
0x42: {  	p4 =	sle.u32 s7, $0x6;
	s4 =	smulhi.u32 $0x24924925, s17;
	[sflag:s9] =	ssyncset.done $0x0  }
0x43: {  	s23 =	smulhi.u32 $0xCCCCCCCD, s22;
	s12 =	simm.s32 @!p3 $0x3;
	[sflag:s9] =	ssyncadd.s32 $0xFFFFFF00  }
0x44: {  	[tilespmem:s0], [sflag:$0x2] =	stream.indirect.gather [hbm4b:s19+s25], $0x20, s3, s25, $0xb8;
	[tilespmem:$0x1F100] =	vst v63  }
0x45: {  	s5 =	sshrl.u32 s5, $0x2;
	s11 =	ssub.s32 $0x6, s4;
	s0 =	simm.s32 $0x5700  }
0x46: {  	s11 =	sshrl.u32 s11, $0x1;
	s3 =	smulhi.u32 $0x24924925, s22;
	_ =	swait.ge [sflag:s9], $0x100  }
0x47: {  	s22 =	ssub.s32 $0x0, s24;
	s4 =	sadd.s32 s4, s11;
	[sflag:s9] =	ssyncset.done $0x0  }
0x48: {  	s4 =	sshrl.u32 s4, $0x2;
	s28 =	ssub.s32 $0x4, s3;
	[sflag:s9] =	ssyncadd.s32 $0xFFFFFF00  }
0x49: {  	[tilespmem:s13], [sflag:$0x2] =	stream.indirect.gather [hbm4b:s19+s25], $0x20, s6, s25, $0xb8;
	[tilespmem:$0x1F100] =	vst v63  }
0x4a: {  	s4 =	smul.u32 $0xFFFFE400, s4;
	s17 =	sshrl.u32 s28, $0x1;
	_ =	swait.ge [sflag:s9], $0x100  }
0x4b: {  	s11 =	simm.s32 @!p1 $0x1;
	s3 =	sadd.s32 s3, s17;
	[sflag:s9] =	ssyncset.done $0x0  }
0x4c: {  	s4 =	sshra.s32 s4, $0x2;
	s3 =	sshrl.u32 s3, $0x2;
	[sflag:s9] =	ssyncadd.s32 $0xFFFFFF00  }
0x4d: {  	[tilespmem:s14], [sflag:$0x2] =	stream.indirect.gather [hbm4b:s19+s25], $0x20, s8, s25, $0xb8;
	[tilespmem:$0x1F100] =	vst v63  }
0x4e: {  	s13 =	rddreg [dreg:$0xc];
	s4 =	sadd.s32 $0x600, s4;
	_ =	swait.ge @!p1 [sflag:s11], $0x100  }
0x4f: {  	s3 =	smul.u32 $0xFFFFE400, s3;
	s9 =	sadd.s32 $0x20, s13;
	[sflag:s11] =	ssyncset.done @!p1 $0x0  }
0x50: {  	s4 =	sadd.s32 @!p4 $0x0, s4;
	s8 =	simm.s32 $0x1700;
	[sflag:s11] =	ssyncadd.s32 @!p1 $0xFFFFFF00  }
0x51: {  	s14 =	smul.u32 $0xFFFEC000, s5;
	s5 =	sshrl.u32 s22, $0x1;
	_ =	swait.ge @!p3 [sflag:s12], $0x1000  }
0x52: {  	s3 =	sshra.s32 s3, $0x2;
	s2 =	sadd.s32 s24, s5;
	[sflag:s12] =	ssyncset.done @!p3 $0x0  }
0x53: {  	s24 =	simm.s32 @!p1 $0x80;
	s11 =	simm.s32 @!p4 $0x0;
	[sflag:s12] =	ssyncadd.s32 @!p3 $0xFFFFF000  }
0x54: {  	[tilespmem:s4], [sflag:$0x1] =	stream.linear.gather @!p4 [hbm4b:s13+s11], $0x100, $0x38;
	[tilespmem:$0x1F100] =	vst v63  }
.Ltmp4:
0x55: {  	s3 =	sadd.s32 $0x400, s3;
	s13 =	sshrl.u32 s23, $0x2;
	(pc) =	sbr.rel @!p2 .LBB2_11-.Ltmp4, $4  }
0x56: {  	s2 =	sshrl.u32 s2, $0x2;
	s17 =	sadd.s32 @!p1 $0x0, s3;
	s4 =	smul.u32 $0xFFFEC000, s13  }
0x57: {  	s12 =	simm.s32 $0x1;
	s23 =	smul.u32 $0xFFFFE400, s2;
	_ =	swait.ge [sflag:s1], $0x1000  }
0x58: {  	s11 =	simm.s32 $0x7;
	[sflag:s1] =	ssyncset.done $0x0;
	s28 =	sshra.s32 s4, $0x2  }
0x59: {  	s13 =	sshra.s32 s23, $0x2;
	[sflag:s1] =	ssyncadd.s32 $0xFFFFF000;
	s2 =	sadd.s32 $0x4700, s28  }
.LBB2_10:
0x5a: {  	s3 =	sshra.s32 s14, $0x2  }
0x5b: {  	s4 =	sor.u32 $0x80, s13;
	s13 =	smov.u32 s30;
	s30 =	sadd.s32 $0x400, s30  }
0x5c: {  	[tilespmem:s2], [sflag:$0x2] =	stream.indirect.gather @!p1 [hbm4b:s19+s24], $0x20, s17, s24, $0xb8;
	[tilespmem:$0x1F100] =	vst v63  }
0x5d: {  	s22 =	smov.u32 s0;
	s23 =	smov.u32 s9;
	s2 =	smov.u32 s10  }
0x5e: {  	s24 =	smov.u32 s11;
	s5 =	smov.u32 s12;
	s6 =	smulhi.u32 $0xCCCCCCCD, s12  }
0x5f: {  	s0 =	sadd.s32 $0x1000, s0;
	s9 =	sadd.s32 $0x20, s9;
	s10 =	sadd.s32 $0x1, s10  }
0x60: {  	s12 =	sadd.s32 $0x1, s12;
	p2 =	sne.s32 s16, s30;
	s3 =	sadd.s32 s3, s26  }
0x61: {  	s4 =	sadd.s32 s31, s4;
	s31 =	sshra.s32 s13, $0x2;
	s17 =	smulhi.u32 $0x24924925, s2  }
0x62: {  	[spmem:s18] =	stream.indirect.scatter.add.f32 [tilespmem:s3], [sflag:$0x3], $0x20, s4, s25, $0xb8;
	[tilespmem:$0x1F100] =	vst v63  }
0x63: {  	s26 =	smov.u32 s8;
	s8 =	sadd.s32 $0x1000, s8;
	s3 =	smulhi.u32 $0x24924925, s11  }
0x64: {  	p4 =	seq.s32 s13, $0x0;
	s25 =	smulhi.u32 $0xCCCCCCCD, s2;
	s6 =	sshrl.u32 s6, $0x2  }
0x65: {  	p3 =	sge.u32 s24, s7;
	s4 =	sadd.s32 $0xFFFFFFFE, s24;
	s14 =	smul.u32 $0xFFFEC000, s6  }
0x66: {  	s11 =	sadd.s32 $0x1, s11;
	s6 =	smulhi.u32 $0x24924925, s5;
	p1 =	sge.u32 s4, s7  }
0x67: {  	s4 =	sshra.s32 @!p3 s13, $0x2;
	s2 =	ssub.s32 s2, s17;
	s18 =	sshrl.u32 s25, $0x2  }
0x68: {  	s28 =	ssub.s32 s24, s3;
	s25 =	simm.s32 @!p3 $0x0;
	s2 =	sshrl.u32 s2, $0x1  }
0x69: {  	s24 =	simm.s32 @!p1 $0x80;
	s19 =	sshrl.u32 s28, $0x1;
	s28 =	simm.s32 @!p4 $0x3  }
0x6a: {  	s5 =	ssub.s32 s5, s6;
	s3 =	sadd.s32 s3, s19;
	s19 =	simm.s32 @!p1 $0x1  }
0x6b: {  	s2 =	sadd.s32 s17, s2;
	s3 =	sshrl.u32 s3, $0x2;
	_ =	swait.ge @!p1 [sflag:s19], $0x100  }
0x6c: {  	s2 =	sshrl.u32 s2, $0x2;
	s3 =	smul.u32 $0xFFFFE400, s3;
	[sflag:s19] =	ssyncset.done @!p1 $0x0  }
0x6d: {  	s5 =	sshrl.u32 s5, $0x1;
	s2 =	smul.u32 $0xFFFFE400, s2;
	[sflag:s19] =	ssyncadd.s32 @!p1 $0xFFFFFF00  }
0x6e: {  	s17 =	sadd.s32 s6, s5;
	s3 =	sshra.s32 s3, $0x2;
	_ =	swait.ge @!p4 [sflag:s28], $0x1000  }
0x6f: {  	s19 =	smov.u32 s29;
	s3 =	sadd.s32 $0x600, s3;
	[sflag:s28] =	ssyncset.done @!p4 $0x0  }
0x70: {  	s2 =	sshra.s32 s2, $0x2;
	[sflag:s28] =	ssyncadd.s32 @!p4 $0xFFFFF000;
	s3 =	sadd.s32 @!p3 s4, s3  }
0x71: {  	[tilespmem:s3], [sflag:$0x1] =	stream.linear.gather @!p3 [hbm4b:s23+s25], $0x100, $0x38;
	[tilespmem:$0x1F100] =	vst v63  }
.Ltmp5:
0x72: {  	s5 =	sadd.s32 $0x400, s2;
	s4 =	sshra.s32 @!p1 s13, $0x2;
	(pc) =	sbr.rel @p2 .LBB2_10-.Ltmp5, $4  }
0x73: {  	s25 =	simm.s32 $0x80;
	s23 =	smul.u32 $0xFFFEC000, s18;
	s3 =	sshrl.u32 s17, $0x2  }
0x74: {  	s17 =	sadd.s32 @!p1 s4, s5;
	_ =	swait.ge [sflag:s1], $0x1000;
	s3 =	smul.u32 $0xFFFFE400, s3  }
0x75: {  	s18 =	rddreg [dreg:$0x2];
	[sflag:s1] =	ssyncset.done $0x0;
	s28 =	sshra.s32 s23, $0x2  }
0x76: {  	[sflag:s1] =	ssyncadd.s32 $0xFFFFF000;
	s2 =	sadd.s32 s28, s22;
	s13 =	sshra.s32 s3, $0x2  }
.LBB2_11:
0x77: {  	s0 =	sshra.s32 s14, $0x2;
	s3 =	sor.u32 $0x80, s13  }
0x78: {  	[tilespmem:s2], [sflag:$0x2] =	stream.indirect.gather @!p1 [hbm4b:s19+s24], $0x20, s17, s24, $0xb8;
	[tilespmem:$0x1F100] =	vst v63  }
0x79: {  	s30 =	simm.s32 $0x3;
	s0 =	sadd.s32 s0, s26;
	s28 =	sadd.s32 s31, s3  }
0x7a: {  	[spmem:s18] =	stream.indirect.scatter.add.f32 [tilespmem:s0], [sflag:$0x3], $0x20, s28, s25, $0xb8;
	[tilespmem:$0x1F100] =	vst v63  }
0x7b: {  	_ =	swait.ge [sflag:s30], $0x1000  }
0x7c: {  	[sflag:s30] =	ssyncset.done $0x0  }
0x7d: {  	[sflag:s30] =	ssyncadd.s32 $0xFFFFF000  }
0x7e: {  	[bflag:$0x0] =	sbarrier.arrive $0xFFFF  }
0x7f: {  	[tilespmem:s20], [sflag:$0x4] =	stream.linear.gather [spmem:s15], $0xA00, $0x38;
	[tilespmem:$0x1F100] =	vst v63  }
0x80: {  	_ =	swait.ge [sflag:s21], $0xA00  }
0x81: {  	[sflag:s21] =	ssyncset.done $0x0;
	s5 =	rddreg [dreg:$0xe]  }
0x82: {  	s4 =	simm.s32 $0x0;
	[sflag:s21] =	ssyncadd.s32 $0xFFFFF600;
	s31 =	sadd.s32 $0x0, s5  }
0x83: {  	[hbm4b:s31+s4] =	stream.linear.scatter [tilespmem:s20], [sflag:$0x4], $0xA00, $0x38;
	[tilespmem:$0x1F100] =	vst v63  }
0x84: {  	_ =	swait.ge [sflag:s21], $0xA00  }
0x85: {  	s2 =	smov.u32 s15;
	s0 =	simm.s32 $0x140;
	[sflag:s21] =	ssyncset.done $0x0  }
.LBB2_12:
0x86: {  	p1 =	sne.s32 s0, $0x30C0;
	[sflag:s21] =	ssyncadd.s32 $0xFFFFF600;
	s2 =	sadd.s32 $0xA00, s2  }
0x87: {  	[tilespmem:s20], [sflag:$0x4] =	stream.linear.gather [spmem:s2], $0xA00, $0x38;
	[tilespmem:$0x1F100] =	vst v63  }
0x88: {  	s3 =	smov.u32 s0;
	s0 =	sadd.s32 $0x140, s0;
	_ =	swait.ge [sflag:s21], $0xA00  }
.Ltmp6:
0x89: {  	[sflag:s21] =	ssyncset.done $0x0;
	(pc) =	sbr.rel @p1 .LBB2_12-.Ltmp6, $4  }
0x8a: {  	s3 =	sadd.s32 s3, s5;
	[sflag:s21] =	ssyncadd.s32 $0xFFFFF600  }
0x8b: {  	[hbm4b:s3+s4] =	stream.linear.scatter [tilespmem:s20], [sflag:$0x4], $0xA00, $0x38;
	[tilespmem:$0x1F100] =	vst v63  }
0x8c: {  	_ =	swait.ge [sflag:s21], $0xA00  }
0x8d: {  	[sflag:s21] =	ssyncset.done $0x0  }
.Ltmp7:
0x8e: {  	(pc) =	sbr.rel .LBB2_14-.Ltmp7, $3  }
0x8f: {  	_ =	sdelay $0x1  }
0x90: {  	[sflag:s21] =	ssyncadd.s32 $0xFFFFF600;
	s5 =	rddreg [dreg:$0x4];
	s6 =	simm.s32 $0x200  }
0x91: {  	s8 =	simm.s32 $0x300;
	s9 =	simm.s32 $0x1;
	s2 =	rddreg [dreg:$0xf]  }
.LBB2_4:
0x92: {  	[tilespmem:s26], [sflag:$0x2] =	stream.indirect.gather [hbm4b:s5+s25], $0x20, s2, s25, $0xb8;
	[tilespmem:$0x1F100] =	vst v63  }
0x93: {  	s0 =	simm.s32 $0x1700;
	s12 =	simm.s32 $0x2700  }
0x94: {  	s13 =	simm.s32 $0x3700;
	s14 =	simm.s32 $0x6;
	_ =	swait.ge [sflag:s9], $0x100  }
0x95: {  	s11 =	simm.s32 $0x4;
	s30 =	simm.s32 $0x400;
	[sflag:s9] =	ssyncset.done $0x0  }
0x96: {  	p2 =	sne.s32 s16, $0x400;
	s31 =	simm.s32 $0x0;
	[sflag:s9] =	ssyncadd.s32 $0xFFFFFF00  }
0x97: {  	[tilespmem:s0], [sflag:$0x2] =	stream.indirect.gather [hbm4b:s5+s25], $0x20, s3, s25, $0xb8;
	[tilespmem:$0x1F100] =	vst v63  }
0x98: {  	s10 =	simm.s32 $0x5;
	p1 =	sle.u32 s7, $0x4;
	_ =	swait.ge [sflag:s9], $0x100  }
0x99: {  	p3 =	por $0x1, $0x1;
	s19 =	smulhi.u32 $0x24924925, s2;
	[sflag:s9] =	ssyncset.done $0x0  }
0x9a: {  	p4 =	sle.u32 s7, $0x6;
	s22 =	smulhi.u32 $0x24924925, s11;
	[sflag:s9] =	ssyncadd.s32 $0xFFFFFF00  }
0x9b: {  	[tilespmem:s12], [sflag:$0x2] =	stream.indirect.gather [hbm4b:s5+s25], $0x20, s6, s25, $0xb8;
	[tilespmem:$0x1F100] =	vst v63  }
0x9c: {  	s24 =	ssub.s32 $0x4, s22;
	s0 =	simm.s32 $0x5700;
	s12 =	smulhi.u32 $0x24924925, s14  }
0x9d: {  	s28 =	sshrl.u32 s24, $0x1;
	s24 =	simm.s32 @!p1 $0x80;
	_ =	swait.ge [sflag:s9], $0x100  }
0x9e: {  	s14 =	smulhi.u32 $0xCCCCCCCD, s11;
	[sflag:s9] =	ssyncset.done $0x0;
	s17 =	ssub.s32 $0x6, s12  }
0x9f: {  	s3 =	rddreg [dreg:$0xc];
	[sflag:s9] =	ssyncadd.s32 $0xFFFFFF00;
	s17 =	sshrl.u32 s17, $0x1  }
0xa0: {  	[tilespmem:s13], [sflag:$0x2] =	stream.indirect.gather [hbm4b:s5+s25], $0x20, s8, s25, $0xb8;
	[tilespmem:$0x1F100] =	vst v63  }
0xa1: {  	s23 =	sshrl.u32 s14, $0x2;
	s17 =	sadd.s32 s12, s17;
	s12 =	simm.s32 @!p1 $0x1  }
0xa2: {  	s13 =	smulhi.u32 $0xCCCCCCCD, s2;
	s11 =	sshrl.u32 s17, $0x2;
	_ =	swait.ge @!p1 [sflag:s12], $0x100  }
0xa3: {  	s9 =	sadd.s32 $0x20, s3;
	s11 =	smul.u32 $0xFFFFE400, s11;
	[sflag:s12] =	ssyncset.done @!p1 $0x0  }
0xa4: {  	s6 =	smul.u32 $0xFFFEC000, s23;
	s17 =	simm.s32 @!p3 $0x3;
	[sflag:s12] =	ssyncadd.s32 @!p1 $0xFFFFFF00  }
0xa5: {  	s13 =	sshrl.u32 s13, $0x2;
	s11 =	sshra.s32 s11, $0x2;
	_ =	swait.ge @!p3 [sflag:s17], $0x1000  }
0xa6: {  	s12 =	simm.s32 @!p4 $0x0;
	s11 =	sadd.s32 $0x600, s11;
	[sflag:s17] =	ssyncset.done @!p3 $0x0  }
0xa7: {  	[sflag:s17] =	ssyncadd.s32 @!p3 $0xFFFFF000;
	s11 =	sadd.s32 @!p4 $0x0, s11;
	s17 =	sadd.s32 s22, s28  }
0xa8: {  	[tilespmem:s11], [sflag:$0x1] =	stream.linear.gather @!p4 [hbm4b:s3+s12], $0x100, $0x38;
	[tilespmem:$0x1F100] =	vst v63  }
0xa9: {  	s14 =	smul.u32 $0xFFFEC000, s13;
	s3 =	ssub.s32 $0x0, s19;
	s17 =	sshrl.u32 s17, $0x2  }
0xaa: {  	s8 =	simm.s32 $0x1700;
	s13 =	sshrl.u32 s3, $0x1;
	s4 =	smul.u32 $0xFFFFE400, s17  }
.Ltmp8:
0xab: {  	s28 =	sshra.s32 s6, $0x2;
	s2 =	sadd.s32 s19, s13;
	(pc) =	sbr.rel @!p2 .LBB2_6-.Ltmp8, $4  }
0xac: {  	s11 =	simm.s32 $0x7;
	_ =	swait.ge [sflag:s1], $0x1000;
	s2 =	sshrl.u32 s2, $0x2  }
0xad: {  	[sflag:s1] =	ssyncset.done $0x0;
	s13 =	sshra.s32 s4, $0x2;
	s19 =	smul.u32 $0xFFFFE400, s2  }
0xae: {  	s12 =	simm.s32 $0x1;
	[sflag:s1] =	ssyncadd.s32 $0xFFFFF000;
	s23 =	sadd.s32 $0x400, s13  }
0xaf: {  	s2 =	sadd.s32 $0x4700, s28;
	s17 =	sadd.s32 @!p1 $0x0, s23;
	s13 =	sshra.s32 s19, $0x2  }
.LBB2_5:
0xb0: {  	s28 =	sor.u32 $0x80, s13  }
0xb1: {  	s13 =	smov.u32 s30;
	s30 =	sadd.s32 $0x400, s30;
	s22 =	smov.u32 s0  }
0xb2: {  	[tilespmem:s2], [sflag:$0x2] =	stream.indirect.gather @!p1 [hbm4b:s5+s24], $0x20, s17, s24, $0xb8;
	[tilespmem:$0x1F100] =	vst v63  }
0xb3: {  	s23 =	smov.u32 s9;
	s2 =	smov.u32 s10;
	s17 =	smulhi.u32 $0x24924925, s11  }
0xb4: {  	s5 =	smov.u32 s11;
	s6 =	smulhi.u32 $0xCCCCCCCD, s12;
	s0 =	sadd.s32 $0x1000, s0  }
0xb5: {  	s9 =	sadd.s32 $0x20, s9;
	s10 =	sadd.s32 $0x1, s10;
	s11 =	sadd.s32 $0x1, s11  }
0xb6: {  	s14 =	sshra.s32 s14, $0x2;
	p2 =	sne.s32 s16, s30;
	s28 =	sadd.s32 s31, s28  }
0xb7: {  	s31 =	sshra.s32 s13, $0x2;
	s3 =	smulhi.u32 $0x24924925, s2;
	p4 =	seq.s32 s13, $0x0  }
0xb8: {  	p3 =	sge.u32 s5, s7;
	s24 =	sadd.s32 $0xFFFFFFFE, s5;
	s14 =	sadd.s32 s14, s26  }
0xb9: {  	s26 =	smov.u32 s8;
	s8 =	sadd.s32 $0x1000, s8;
	s19 =	ssub.s32 s5, s17  }
0xba: {  	[spmem:s18] =	stream.indirect.scatter.add.f32 [tilespmem:s14], [sflag:$0x3], $0x20, s28, s25, $0xb8;
	[tilespmem:$0x1F100] =	vst v63  }
0xbb: {  	p1 =	sge.u32 s24, s7;
	s28 =	smov.u32 s12;
	s18 =	smulhi.u32 $0xCCCCCCCD, s2  }
0xbc: {  	s14 =	sshrl.u32 s6, $0x2;
	s12 =	sadd.s32 $0x1, s12;
	s6 =	simm.s32 @!p3 $0x0  }
0xbd: {  	s5 =	sshrl.u32 s19, $0x1;
	s19 =	simm.s32 @!p4 $0x3;
	s14 =	smul.u32 $0xFFFEC000, s14  }
0xbe: {  	s2 =	ssub.s32 s2, s3;
	s24 =	simm.s32 @!p1 $0x80;
	s4 =	smulhi.u32 $0x24924925, s28  }
0xbf: {  	s5 =	sadd.s32 s17, s5;
	s17 =	simm.s32 @!p1 $0x1;
	s2 =	sshrl.u32 s2, $0x1  }
0xc0: {  	s25 =	sshrl.u32 s18, $0x2;
	s18 =	sshra.s32 @!p3 s13, $0x2;
	_ =	swait.ge @!p1 [sflag:s17], $0x100  }
0xc1: {  	s5 =	sshrl.u32 s5, $0x2;
	s2 =	sadd.s32 s3, s2;
	[sflag:s17] =	ssyncset.done @!p1 $0x0  }
0xc2: {  	s5 =	smul.u32 $0xFFFFE400, s5;
	s2 =	sshrl.u32 s2, $0x2;
	[sflag:s17] =	ssyncadd.s32 @!p1 $0xFFFFFF00  }
0xc3: {  	s28 =	ssub.s32 s28, s4;
	s2 =	smul.u32 $0xFFFFE400, s2;
	_ =	swait.ge @!p4 [sflag:s19], $0x1000  }
0xc4: {  	s17 =	sshrl.u32 s28, $0x1;
	s5 =	sshra.s32 s5, $0x2;
	[sflag:s19] =	ssyncset.done @!p4 $0x0  }
0xc5: {  	s3 =	sadd.s32 $0x600, s5;
	s2 =	sshra.s32 s2, $0x2;
	[sflag:s19] =	ssyncadd.s32 @!p4 $0xFFFFF000  }
0xc6: {  	s3 =	sadd.s32 @!p3 s18, s3;
	s19 =	sadd.s32 s4, s17;
	s5 =	sadd.s32 $0x400, s2  }
0xc7: {  	[tilespmem:s3], [sflag:$0x1] =	stream.linear.gather @!p3 [hbm4b:s23+s6], $0x100, $0x38;
	[tilespmem:$0x1F100] =	vst v63  }
.Ltmp9:
0xc8: {  	s4 =	sshra.s32 @!p1 s13, $0x2;
	s18 =	rddreg [dreg:$0x2];
	(pc) =	sbr.rel @p2 .LBB2_5-.Ltmp9, $4  }
0xc9: {  	s23 =	smul.u32 $0xFFFEC000, s25;
	s25 =	simm.s32 $0x80;
	s3 =	sshrl.u32 s19, $0x2  }
0xca: {  	s17 =	sadd.s32 @!p1 s4, s5;
	_ =	swait.ge [sflag:s1], $0x1000;
	s3 =	smul.u32 $0xFFFFE400, s3  }
0xcb: {  	[sflag:s1] =	ssyncset.done $0x0;
	s28 =	sshra.s32 s23, $0x2;
	s5 =	rddreg [dreg:$0x4]  }
0xcc: {  	[sflag:s1] =	ssyncadd.s32 $0xFFFFF000;
	s2 =	sadd.s32 s28, s22;
	s13 =	sshra.s32 s3, $0x2  }
.LBB2_6:
0xcd: {  	s0 =	sshra.s32 s14, $0x2;
	s3 =	sor.u32 $0x80, s13  }
0xce: {  	[tilespmem:s2], [sflag:$0x2] =	stream.indirect.gather @!p1 [hbm4b:s5+s24], $0x20, s17, s24, $0xb8;
	[tilespmem:$0x1F100] =	vst v63  }
0xcf: {  	s30 =	simm.s32 $0x3;
	s0 =	sadd.s32 s0, s26;
	s28 =	sadd.s32 s31, s3  }
0xd0: {  	[spmem:s18] =	stream.indirect.scatter.add.f32 [tilespmem:s0], [sflag:$0x3], $0x20, s28, s25, $0xb8;
	[tilespmem:$0x1F100] =	vst v63  }
0xd1: {  	_ =	swait.ge [sflag:s30], $0x1000  }
0xd2: {  	[sflag:s30] =	ssyncset.done $0x0  }
0xd3: {  	[sflag:s30] =	ssyncadd.s32 $0xFFFFF000  }
0xd4: {  	[bflag:$0x0] =	sbarrier.arrive $0xFFFF  }
0xd5: {  	[tilespmem:s20], [sflag:$0x4] =	stream.linear.gather [spmem:s15], $0xA00, $0x38;
	[tilespmem:$0x1F100] =	vst v63  }
0xd6: {  	_ =	swait.ge [sflag:s21], $0xA00  }
0xd7: {  	[sflag:s21] =	ssyncset.done $0x0;
	s6 =	rddreg [dreg:$0xd]  }
0xd8: {  	s4 =	simm.s32 $0x0;
	[sflag:s21] =	ssyncadd.s32 $0xFFFFF600;
	s31 =	sadd.s32 $0x0, s6  }
0xd9: {  	[hbm4b:s31+s4] =	stream.linear.scatter [tilespmem:s20], [sflag:$0x4], $0xA00, $0x38;
	[tilespmem:$0x1F100] =	vst v63  }
0xda: {  	_ =	swait.ge [sflag:s21], $0xA00  }
0xdb: {  	s2 =	smov.u32 s15;
	s0 =	simm.s32 $0x140;
	[sflag:s21] =	ssyncset.done $0x0  }
.LBB2_7:
0xdc: {  	p1 =	seq.s32 s0, $0x30C0;
	[sflag:s21] =	ssyncadd.s32 $0xFFFFF600;
	s2 =	sadd.s32 $0xA00, s2  }
0xdd: {  	[tilespmem:s20], [sflag:$0x4] =	stream.linear.gather [spmem:s2], $0xA00, $0x38;
	[tilespmem:$0x1F100] =	vst v63  }
0xde: {  	s3 =	smov.u32 s0;
	s0 =	sadd.s32 $0x140, s0;
	_ =	swait.ge [sflag:s21], $0xA00  }
.Ltmp10:
0xdf: {  	[sflag:s21] =	ssyncset.done $0x0;
	(pc) =	sbr.rel @!p1 .LBB2_7-.Ltmp10, $4  }
0xe0: {  	s3 =	sadd.s32 s3, s6;
	[sflag:s21] =	ssyncadd.s32 $0xFFFFF600  }
0xe1: {  	[hbm4b:s3+s4] =	stream.linear.scatter [tilespmem:s20], [sflag:$0x4], $0xA00, $0x38;
	[tilespmem:$0x1F100] =	vst v63  }
0xe2: {  	_ =	swait.ge [sflag:s21], $0xA00  }
0xe3: {  	[sflag:s21] =	ssyncset.done $0x0  }
.Ltmp11:
0xe4: {  	_ = 	snop;
	(pc) =	sbr.rel .LBB2_8-.Ltmp11, $1  }
0xe5: {  	_ =	sdelay $0x3  }
.LBB2_15:
0xe6: {  	_ =	sfence.sel $0x180000  }
0xe7: {  	[bflag:$0x0] =	sbarrier.arrive $0xFFFF  }
0xe8: {  	_ =	strace $0x9000004A  }
0xe9: {  	s0 =	stileid.u32;
	[bflag:$0x2] =	sbarrier.arrive $0xFFFF  }
0xea: {  	p0 =	sne.s32 s0, $0x0;
	s0 =	rddreg [dreg:$0x3]  }
0xeb: {  	s0 =	sadd.s32 @!p0 $0x100000, s0  }
0xec: {  	[sflag:s0] =	ssyncadd.tile.s32 @!p0 $0x1;
	_ =	shalt  }
.Lfunc_end2:
_tile_overlayer_lowered:
.L_overlay_start_2:
0xed: {  	(tag) =	ssettag $0x2  }
0xee: {  	s0 =	rddreg [dreg:$0x0];
	s2 =	stileid.u32  }
0xef: {  	s1 =	rddreg [dreg:$0x1];
	p0 =	sne.s32 s2, $0x0  }
0xf0: {  	s3 =	rddreg [dreg:$0x2];
	[bflag:$0x3] =	sbarrier.arrive $0xFFFF;
	s2 =	simm.s32 @!p0 $0x1C04  }
0xf1: {  	[timem:s3], [sflag:s2] =	dma.local @!p0 [hbm:s0], s1  }
0xf2: {  	s0 =	simm.s32 @!p0 $0x4  }
0xf3: {  	_ =	swait.ge @!p0 [sflag:s0], s1  }
0xf4: {  	s1 =	ssub.s32 @!p0 $0x0, s1;
	[sflag:s0] =	ssyncset.done @!p0 $0x0  }
0xf5: {  	[sflag:s0] =	ssyncadd.s32 @!p0 s1  }
0xf6: {  	[bflag:$0x3] =	sbarrier.arrive $0xFFFF  }
0xf7: {  	_ =	shalt  }

// kernel: kernel.14.cloned.1.call-start
scs
__scs_entry_jumppad:
0x0: {  	(pc) =	sbr.rel $0x88, $3  }
0x1: {  	(tag) =	ssettag $0x0;
	lr =	simm.s32 $0x1  }
0x2: {  	[smem:$0x3F9A] =	sst lr;
	_ =	strace $0xD0000000  }
0x3: {  	_ = 	snop  }
0x4: {  	_ = 	snop  }
0x5: {  	_ = 	snop  }
0x6: {  	_ = 	snop  }
0x7: {  	_ = 	snop  }
__scs_overlays_trampoline_lowered:
0x8: {  	[smem:$0x3FA9] =	sst s0  }
0x9: {  	[smem:$0x3FAA] =	sst s1  }
0xa: {  	[smem:$0x3FAB] =	sst s2  }
0xb: {  	[smem:$0x3FAC] =	sst s3  }
0xc: {  	[smem:$0x3FAD] =	sst s4  }
0xd: {  	[smem:$0x3FAE] =	sst s5  }
0xe: {  	[smem:$0x3FAF] =	sst s6  }
0xf: {  	[smem:$0x3FB0] =	sst s7  }
0x10: {  	[smem:$0x3FB1] =	sst s8  }
0x11: {  	[smem:$0x3FB2] =	sst s9;
	s0 =	simm.s32 @!p0 $0x0  }
0x12: {  	s1 =	sld [smem:$0x3F98];
	s0 =	simm.s32 @p0 $0x1  }
0x13: {  	[smem:$0x3FB3] =	sst s0;
	s0 =	simm.s32 @!p1 $0x0  }
0x14: {  	s2 =	sld [smem:$0x3F97];
	s0 =	simm.s32 @p1 $0x1  }
0x15: {  	[smem:$0x3FB4] =	sst s0;
	s0 =	simm.s32 @!p2 $0x0  }
0x16: {  	s3 =	sld [smem:$0x3FDB];
	s0 =	simm.s32 @p2 $0x1  }
0x17: {  	s4 =	simm.s32 $0x1BF5;
	[smem:$0x3FB6] =	sst s0  }
0x18: {  	s0 =	sld [smem:$0x3F99];
	_ =	swait.ge [sflag:s4], $0x0  }
0x19: {  	s7 =	sld [smem:$0x3F9A]  }
0x1a: {  	s8 =	sadd.s32 $0xFFFFE003, lr  }
0x1b: {  	s9 =	sadd.s32 $0xFFFFFEF7, lr;
	s5 =	simm.s32 $0xFFFFFFFF;
	p2 =	slt.u32 s8, $0xFFFFF086  }
0x1c: {  	p1 =	slt.u32 s9, $0xF7A;
	s5 =	simm.s32 @!p2 $0x0  }
0x1d: {  	s5 =	simm.s32 @p1 $0x1;
	p0 =	seq.s32 s7, s2  }
0x1e: {  	s7 =	smul.u32 @!p0 $0xF7A, s2;
	p2 =	seq.s32 @!p0 s5, $0x0  }
0x1f: {  	s9 =	smul.u32 $0xF7A, s1;
	s8 =	simm.s32 @!p0 $0x1BF5;
	p2 =	por !p2, p0  }
0x20: {  	[sflag:s8] =	ssyncset.s32 @!p0 $0xFFFFF086;
	s6 =	sadd.s32 @!p0 s3, s7;
	s7 =	simm.s32 @!p0 $0x108  }
0x21: {  	s3 =	sadd.s32 s3, s9;
	s6 =	sadd.s32 @!p0 $0x88, s6;
	s7 =	simm.s32 @p2 $0x1082  }
0x22: {  	[simem:s7], [sflag:s8] =	dma.local @!p0 [hbm:s6], $0xF7A  }
0x23: {  	s9 =	sor.u32 $0xD0000000, s2;
	s6 =	simm.s32 $0x108;
	_ =	swait.ge @!p0 [sflag:s8], $0x0  }
0x24: {  	s3 =	sadd.s32 $0x88, s3;
	s6 =	simm.s32 @!p1 $0x1082;
	[sflag:s4] =	ssyncset.s32 $0xFFFFF086  }
0x25: {  	[simem:s6], [sflag:s4] =	dma.local [hbm:s3], $0xF7A  }
0x26: {  	[smem:$0x3F9A] =	sst s1;
	(tag) =	ssettag s2;
	_ =	strace s9  }
0x27: {  	s1 =	sld [smem:$0x3FAA]  }
0x28: {  	s2 =	sld [smem:$0x3FAB]  }
0x29: {  	s4 =	sld [smem:$0x3FAD]  }
0x2a: {  	p0 =	seq.s32 s5, $0x0;
	s5 =	sld [smem:$0x3FAE]  }
0x2b: {  	s6 =	sld [smem:$0x3FAF]  }
0x2c: {  	s7 =	sld [smem:$0x3FB0]  }
0x2d: {  	s3 =	simm.s32 $0x108;
	s8 =	sld [smem:$0x3FB1]  }
0x2e: {  	s3 =	simm.s32 @!p0 $0x1082;
	s9 =	sld [smem:$0x3FB2]  }
0x2f: {  	lr =	sadd.s32 s0, s3;
	s0 =	sld [smem:$0x3FA9]  }
0x30: {  	s3 =	sld [smem:$0x3FAC]  }
0x31: {  	[smem:$0x3FB5] =	sst s10  }
0x32: {  	s10 =	sld [smem:$0x3FB3];
	_ =	sdelay $0x3  }
0x33: {  	p0 =	seq.s32 s10, $0x1;
	s10 =	sld [smem:$0x3FB5];
	_ =	sdelay $0x3  }
0x34: {  	[smem:$0x3FB5] =	sst s10  }
0x35: {  	s10 =	sld [smem:$0x3FB4];
	_ =	sdelay $0x3  }
0x36: {  	p1 =	seq.s32 s10, $0x1;
	s10 =	sld [smem:$0x3FB5];
	_ =	sdelay $0x3  }
0x37: {  	[smem:$0x3FB5] =	sst s10  }
0x38: {  	s10 =	sld [smem:$0x3FB6]  }
0x39: {  	_ = 	snop;
	(pc) =	sbr.ind lr, $3  }
0x3a: {  	_ = 	snop  }
0x3b: {  	_ = 	snop  }
0x3c: {  	p2 =	seq.s32 s10, $0x1;
	s10 =	sld [smem:$0x3FB5]  }
0x3d: {  	_ =	shalt  }
0x3e: {  	_ =	shalt  }
0x3f: {  	_ =	shalt  }
0x40: {  	_ =	shalt  }
0x41: {  	_ =	shalt  }
0x42: {  	_ =	shalt  }
0x43: {  	_ =	shalt  }
0x44: {  	_ =	shalt  }
0x45: {  	_ =	shalt  }
0x46: {  	_ =	shalt  }
0x47: {  	_ =	shalt  }
0x48: {  	_ =	shalt  }
0x49: {  	_ =	shalt  }
0x4a: {  	_ =	shalt  }
0x4b: {  	_ =	shalt  }
0x4c: {  	_ =	shalt  }
0x4d: {  	_ =	shalt  }
0x4e: {  	_ =	shalt  }
0x4f: {  	_ =	shalt  }
0x50: {  	_ =	shalt  }
0x51: {  	_ =	shalt  }
0x52: {  	_ =	shalt  }
0x53: {  	_ =	shalt  }
0x54: {  	_ =	shalt  }
0x55: {  	_ =	shalt  }
0x56: {  	_ =	shalt  }
0x57: {  	_ =	shalt  }
0x58: {  	_ =	shalt  }
0x59: {  	_ =	shalt  }
0x5a: {  	_ =	shalt  }
0x5b: {  	_ =	shalt  }
0x5c: {  	_ =	shalt  }
0x5d: {  	_ =	shalt  }
0x5e: {  	_ =	shalt  }
0x5f: {  	_ =	shalt  }
0x60: {  	_ =	shalt  }
0x61: {  	_ =	shalt  }
0x62: {  	_ =	shalt  }
0x63: {  	_ =	shalt  }
0x64: {  	_ =	shalt  }
0x65: {  	_ =	shalt  }
0x66: {  	_ =	shalt  }
0x67: {  	_ =	shalt  }
0x68: {  	_ =	shalt  }
0x69: {  	_ =	shalt  }
0x6a: {  	_ =	shalt  }
0x6b: {  	_ =	shalt  }
0x6c: {  	_ =	shalt  }
0x6d: {  	_ =	shalt  }
0x6e: {  	_ =	shalt  }
0x6f: {  	_ =	shalt  }
0x70: {  	_ =	shalt  }
0x71: {  	_ =	shalt  }
0x72: {  	_ =	shalt  }
0x73: {  	_ =	shalt  }
0x74: {  	_ =	shalt  }
0x75: {  	_ =	shalt  }
0x76: {  	_ =	shalt  }
0x77: {  	_ =	shalt  }
0x78: {  	_ =	shalt  }
0x79: {  	_ =	shalt  }
0x7a: {  	_ =	shalt  }
0x7b: {  	_ =	shalt  }
0x7c: {  	_ =	shalt  }
0x7d: {  	_ =	shalt  }
0x7e: {  	_ =	shalt  }
0x7f: {  	_ =	shalt  }
0x80: {  	_ =	shalt  }
0x81: {  	_ =	shalt  }
0x82: {  	_ =	shalt  }
0x83: {  	_ =	shalt  }
0x84: {  	_ =	shalt  }
0x85: {  	_ =	shalt  }
0x86: {  	_ =	shalt  }
0x87: {  	_ =	shalt  }
.Lfunc_end0:
.L_simem_size_0:
called_computation.2_lowered:
.L_overlay_start_0:
0x88: {  	s2 =	sld [smem:$0x3FD9]  }
0x89: {  	s3 =	sld [smem:$0x3FFE];
	_ =	sdelay $0x1  }
0x8a: {  	s1 =	srdreg.scid  }
0x8b: {  	s0 =	sand.u32 $0x1, s1  }
0x8c: {  	s17 =	sshll.u32 s0, $0xA;
	s2 =	sadd.s32 s3, s2  }
0x8d: {  	s2 =	sadd.s32 s2, s17  }
0x8e: {  	[smem:$0x3FC1] =	sst s2  }
0x8f: {  	_ = 	snop  }
0x90: {  	s2 =	sld [smem:$0x3FD0];
	(tm) =	ssettm $0x1  }
0x91: {  	s18 =	sld [smem:$0x3FFB];
	_ =	sdelay $0x3  }
0x92: {  	_ =	strace s18  }
0x93: {  	s3 =	sld [smem:$0x3FFC];
	_ =	sdelay $0x3  }
0x94: {  	_ =	strace s3  }
0x95: {  	s3 =	sld [smem:$0x3FFD];
	_ =	sdelay $0x3  }
0x96: {  	_ =	strace s3  }
0x97: {  	_ =	strace $0x8FFFFFFF  }
0x98: {  	s19 =	sld [smem:$0x3FDB];
	_ =	sdelay $0x1  }
0x99: {  	s4 =	simm.s32 $_scs_section_size  }
0x9a: {  	s5 =	simm.s32 $_size__tile_overlayer_lowered;
	s6 =	simm.s32 $_tile_overlayer_lowered  }
0x9b: {  	s22 =	simm.s32 $0x1BFF;
	s21 =	sshll.u32 s6, $0x1;
	s3 =	sadd.s32 s4, s19  }
0x9c: {  	s7 =	simm.s32 $0x0;
	s20 =	sshll.u32 s5, $0x1;
	s5 =	sadd.s32 s21, s3  }
0x9d: {  	[timem:s7], [sflag:s22] =	dma.local [hbm:s5], s20  }
0x9e: {  	_ =	swait.ge [sflag:s22], s20  }
0x9f: {  	s4 =	ssub.s32 $0x0, s20;
	[sflag:s22] =	ssyncset.done $0x0  }
0xa0: {  	[sflag:s22] =	ssyncadd.s32 s4;
	_ =	sdelay $0x1  }
0xa1: {  	s23 =	simm.s32 $0x1B8B  }
0xa2: {  	_ =	swait.ge [sflag:s23], $0x1  }
0xa3: {  	[sflag:s23] =	ssyncset.done $0x0  }
0xa4: {  	s25 =	simm.s32 $0x1B8E;
	s24 =	sld [smem:$0x3FFE];
	[sflag:s23] =	ssyncadd.s32 $0xFFFFFFFF  }
0xa5: {  	s26 =	simm.s32 $execute0_lowered;
	[smem:$0x3FD2] =	sst s25  }
0xa6: {  	s5 =	sshll.u32 s26, $0x1;
	_ =	strace $0x8000004C;
	[dreg:$0x1] =	wrdreg $0xFFFFFFFF  }
0xa7: {  	s28 =	simm.s32 $_size_execute0_lowered;
	s3 =	sadd.s32 s3, s5;
	[dreg:$0x0] =	wrdreg $0x0  }
0xa8: {  	s5 =	sshll.u32 s28, $0x1;
	[dreg:$0x2] =	wrdreg s3  }
0xa9: {  	[dreg:$0x3] =	wrdreg s5  }
0xaa: {  	[dreg:$0x4] =	wrdreg $0xC0  }
0xab: {  	_ =	task [dreg:s7], $0x5FFFF  }
0xac: {  	[dreg:$0x1] =	wrdreg $0xFFFFFFFF  }
0xad: {  	[dreg:$0x0] =	wrdreg $0x60  }
0xae: {  	[dreg:$0x2] =	wrdreg s24  }
0xaf: {  	[dreg:$0x3] =	wrdreg s2  }
0xb0: {  	[dreg:$0x4] =	wrdreg $0x61000  }
0xb1: {  	[dreg:$0x5] =	wrdreg $0x9  }
0xb2: {  	_ =	task.clear_ibuf [dreg:s7], $0x6FFFF;
	_ =	strace $0x9000004C  }
0xb3: {  	s29 =	simm.s32 $0x9;
	_ =	strace $0x8000004E  }
0xb4: {  	_ =	swait.ge [sflag:s29], $0x1  }
0xb5: {  	[sflag:s29] =	ssyncadd.s32 $0xFFFFFFFF  }
0xb6: {  	_ =	strace $0x9000004E  }
0xb7: {  	_ =	sfence  }
0xb8: {  	s30 =	sld [smem:$0x0];
	_ =	sdelay $0x2  }
0xb9: {  	s31 =	sshll.u32 s1, $0xD;
	s1 =	sshrl.u32 s1, $0x2  }
0xba: {  	s3 =	sand.u32 $0x4000, s31;
	s1 =	sadd.s32 s1, s30  }
0xbb: {  	s0 =	sor.u32 s3, s0;
	s1 =	sshll.u32 s1, $0x11  }
0xbc: {  	s0 =	sor.u32 s1, s0  }
0xbd: {  	s0 =	sadd.s32 $0x8F2B, s0  }
0xbe: {  	[sflag:s0] =	ssyncadd.remote.s32 $0x1  }
0xbf: {  	_ =	sfence.sel $0xFFFF  }
0xc0: {  	[dreg:$0x0] =	wrdreg $0xFFFFFFFF;
	(pc) =	sbr.abs _section_cstart, $3  }
0xc1: {  	[dreg:$0x1] =	wrdreg $0xFFFFFFFF  }
0xc2: {  	_ =	task.clear_ibuf [dreg:s7], $0x2FFFF;
	_ =	strace $0x9FFFFFFF  }
0xc3: {  	(tm) =	ssettm $0x7FFFFFFF  }
tec
execute0_lowered:
.L_overlay_start_1:
0x0: {  	(tag) =	ssettag $0x1  }
0x1: {  	s0 =	rddreg [dreg:$0x0]  }
0x2: {  	s18 =	rddreg [dreg:$0x2];
	s4 =	simm.s32 $0x0  }
0x3: {  	s3 =	stileid.u32;
	s17 =	srdreg.scid;
	s7 =	simm.s32 $0x187  }
0x4: {  	s6 =	simm.s32 $0x200;
	[smem:$0x7FF] =	sst s4;
	s1 =	smul.u32 $0x186, s3  }
0x5: {  	s2 =	smin.u32 s3, $0xA;
	s5 =	sadd.s32 $0x81E00, s0;
	s8 =	smul.u32 $0x3200, s3  }
0x6: {  	s19 =	sadd.s32 $0x3600, s0;
	p0 =	slt.u32 s3, $0xA;
	s22 =	smul.u32 $0x64000, s3  }
0x7: {  	s3 =	simm.s32 $0x100;
	_ =	strace $0x8000004D;
	s7 =	simm.s32 @!p0 $0x186  }
0x8: {  	[dreg:$0x4] =	wrdreg s5;
	s29 =	smov.u32 s19;
	s1 =	sadd.s32 s2, s1  }
0x9: {  	s2 =	sand.u32 $0x1, s17;
	s16 =	sshll.u32 s7, $0xA;
	s1 =	sshll.u32 s1, $0x5  }
0xa: {  	s9 =	ssub.s32 $0x2, s2;
	p0 =	seq.s32 s2, $0x1;
	s1 =	sadd.s32 s1, s0  }
0xb: {  	s2 =	sshrl.u32 s22, $0x2;
	s10 =	sshrl.u32 s9, $0x1;
	s21 =	sadd.s32 $0x51000, s1  }
0xc: {  	s0 =	sadd.s32 s8, s0;
	s23 =	sadd.s32 $0x51020, s1;
	[dreg:$0x5] =	wrdreg s21  }
0xd: {  	s15 =	sadd.s32 s2, s18;
	s24 =	sadd.s32 $0x51040, s1;
	[dreg:$0x6] =	wrdreg s23  }
0xe: {  	s8 =	simm.s32 $0x300;
	s25 =	sadd.s32 $0x51060, s1;
	[dreg:$0x7] =	wrdreg s24  }
0xf: {  	s2 =	simm.s32 $0x0;
	s26 =	sadd.s32 $0x51080, s1;
	[dreg:$0x8] =	wrdreg s25  }
0x10: {  	s20 =	ssub.s32 s9, s10;
	s28 =	sadd.s32 $0x510A0, s1;
	[dreg:$0x9] =	wrdreg s26  }
.Ltmp0:
0x11: {  	s1 =	sadd.s32 $0x510C0, s1;
	[dreg:$0xa] =	wrdreg s28;
	(pc) =	sbr.rel .LBB2_1-.Ltmp0, $4  }
0x12: {  	s31 =	sadd.s32 $0xE5E00, s0;
	s0 =	sadd.s32 $0x117E00, s0;
	[dreg:$0xc] =	wrdreg s1  }
0x13: {  	s9 =	simm.s32 $0x1;
	s30 =	smax.u32 s20, $0x1;
	[dreg:$0xd] =	wrdreg s31  }
0x14: {  	[dreg:$0xe] =	wrdreg s0;
	s20 =	simm.s32 $0x5700;
	s21 =	simm.s32 $0x4  }
0x15: {  	s25 =	simm.s32 $0x80;
	s1 =	simm.s32 $0x2;
	[dreg:$0xb] =	wrdreg s30  }
.LBB2_8:
0x16: {  	[sflag:s21] =	ssyncadd.s32 $0xFFFFF600;
	s19 =	smov.u32 s29;
	s6 =	simm.s32 $0x200  }
0x17: {  	s8 =	simm.s32 $0x300;
	s9 =	simm.s32 $0x1;
	s2 =	rddreg [dreg:$0xf]  }
.LBB2_14:
0x18: {  	s2 =	sadd.s32 $0x1, s2;
	s0 =	rddreg [dreg:$0xb]  }
0x19: {  	p1 =	sne.s32 s2, s0  }
.Ltmp1:
0x1a: {  	_ = 	snop;
	(pc) =	sbr.rel @!p1 .LBB2_15-.Ltmp1, $2  }
0x1b: {  	_ =	sdelay $0x2  }
0x1c: {  	s3 =	simm.s32 $0x100  }
.LBB2_1:
0x1d: {  	[dreg:$0xf] =	wrdreg s2  }
0x1e: {  	s0 =	rddreg [dreg:$0x1]  }
0x1f: {  	[tilespmem:s20], [sflag:$0x4] =	stream.linear.gather [hbm4b:s0+s4], $0xA00, $0x38;
	[tilespmem:$0x1F100] =	vst v63  }
0x20: {  	_ =	swait.ge [sflag:s21], $0xA00  }
0x21: {  	[sflag:s21] =	ssyncset.done $0x0  }
0x22: {  	s31 =	sadd.s32 $0x0, s15;
	[sflag:s21] =	ssyncadd.s32 $0xFFFFF600  }
0x23: {  	[spmem:s31] =	stream.linear.scatter [tilespmem:s20], [sflag:$0x4], $0xA00, $0x38;
	[tilespmem:$0x1F100] =	vst v63  }
0x24: {  	s0 =	simm.s32 $0x2800;
	_ =	swait.ge [sflag:s21], $0xA00  }
.LBB2_2:
0x25: {  	s2 =	sshra.s32 s0, $0x2;
	[sflag:s21] =	ssyncset.done $0x0;
	p1 =	sne.s32 s0, $0x61800  }
.Ltmp2:
0x26: {  	s2 =	sadd.s32 s2, s15;
	[sflag:s21] =	ssyncadd.s32 $0xFFFFF600;
	(pc) =	sbr.rel @p1 .LBB2_2-.Ltmp2, $3  }
0x27: {  	[spmem:s2] =	stream.linear.scatter [tilespmem:s20], [sflag:$0x4], $0xA00, $0x38;
	[tilespmem:$0x1F100] =	vst v63  }
0x28: {  	s0 =	sadd.s32 $0x2800, s0;
	_ =	sdelay $0x1  }
0x29: {  	_ =	swait.ge [sflag:s21], $0xA00  }
0x2a: {  	[sflag:s21] =	ssyncset.done $0x0  }
0x2b: {  	[sflag:s21] =	ssyncadd.s32 $0xFFFFF600  }
0x2c: {  	[bflag:$0x0] =	sbarrier.arrive $0xFFFF  }
0x2d: {  	s0 =	rddreg [dreg:$0x5]  }
0x2e: {  	[tilespmem:s4], [sflag:$0x1] =	stream.linear.gather [hbm4b:s0+s4], $0x100, $0x38;
	[tilespmem:$0x1F100] =	vst v63  }
0x2f: {  	s23 =	rddreg [dreg:$0x6]  }
0x30: {  	[tilespmem:s3], [sflag:$0x1] =	stream.linear.gather [hbm4b:s23+s4], $0x100, $0x38;
	[tilespmem:$0x1F100] =	vst v63  }
0x31: {  	s24 =	rddreg [dreg:$0x7]  }
0x32: {  	[tilespmem:s6], [sflag:$0x1] =	stream.linear.gather [hbm4b:s24+s4], $0x100, $0x38;
	[tilespmem:$0x1F100] =	vst v63  }
0x33: {  	s26 =	rddreg [dreg:$0x8]  }
0x34: {  	[tilespmem:s8], [sflag:$0x1] =	stream.linear.gather [hbm4b:s26+s4], $0x100, $0x38;
	[tilespmem:$0x1F100] =	vst v63  }
0x35: {  	s2 =	simm.s32 $0x400;
	s28 =	rddreg [dreg:$0x9]  }
0x36: {  	[tilespmem:s2], [sflag:$0x1] =	stream.linear.gather [hbm4b:s28+s4], $0x100, $0x38;
	[tilespmem:$0x1F100] =	vst v63  }
.Ltmp3:
0x37: {  	s31 =	simm.s32 $0x500;
	s30 =	rddreg [dreg:$0xa];
	(pc) =	sbr.rel @!p0 .LBB2_4-.Ltmp3, $4  }
0x38: {  	[tilespmem:s31], [sflag:$0x1] =	stream.linear.gather [hbm4b:s30+s4], $0x100, $0x38;
	[tilespmem:$0x1F100] =	vst v63  }
0x39: {  	_ =	swait.ge [sflag:s9], $0x100  }
0x3a: {  	[sflag:s9] =	ssyncset.done $0x0  }
0x3b: {  	s26 =	simm.s32 $0x700;
	s2 =	simm.s32 $0x0;
	[sflag:s9] =	ssyncadd.s32 $0xFFFFFF00  }
0x3c: {  	[tilespmem:s26], [sflag:$0x2] =	stream.indirect.gather [hbm4b:s19+s25], $0x20, s2, s25, $0xb8;
	[tilespmem:$0x1F100] =	vst v63  }
0x3d: {  	s0 =	simm.s32 $0x1700;
	s13 =	simm.s32 $0x2700  }
0x3e: {  	s14 =	simm.s32 $0x3700;
	s17 =	simm.s32 $0x6;
	s22 =	simm.s32 $0x4  }
0x3f: {  	s30 =	simm.s32 $0x400;
	p2 =	sne.s32 s16, $0x400;
	s31 =	simm.s32 $0x0  }
0x40: {  	s5 =	smulhi.u32 $0xCCCCCCCD, s2;
	s10 =	simm.s32 $0x5;
	p1 =	sle.u32 s7, $0x4  }
0x41: {  	p3 =	por $0x1, $0x1;
	s24 =	smulhi.u32 $0x24924925, s2;
	_ =	swait.ge [sflag:s9], $0x100  }
0x42: {  	p4 =	sle.u32 s7, $0x6;
	s4 =	smulhi.u32 $0x24924925, s17;
	[sflag:s9] =	ssyncset.done $0x0  }
0x43: {  	s23 =	smulhi.u32 $0xCCCCCCCD, s22;
	s12 =	simm.s32 @!p3 $0x3;
	[sflag:s9] =	ssyncadd.s32 $0xFFFFFF00  }
0x44: {  	[tilespmem:s0], [sflag:$0x2] =	stream.indirect.gather [hbm4b:s19+s25], $0x20, s3, s25, $0xb8;
	[tilespmem:$0x1F100] =	vst v63  }
0x45: {  	s5 =	sshrl.u32 s5, $0x2;
	s11 =	ssub.s32 $0x6, s4;
	s0 =	simm.s32 $0x5700  }
0x46: {  	s11 =	sshrl.u32 s11, $0x1;
	s3 =	smulhi.u32 $0x24924925, s22;
	_ =	swait.ge [sflag:s9], $0x100  }
0x47: {  	s22 =	ssub.s32 $0x0, s24;
	s4 =	sadd.s32 s4, s11;
	[sflag:s9] =	ssyncset.done $0x0  }
0x48: {  	s4 =	sshrl.u32 s4, $0x2;
	s28 =	ssub.s32 $0x4, s3;
	[sflag:s9] =	ssyncadd.s32 $0xFFFFFF00  }
0x49: {  	[tilespmem:s13], [sflag:$0x2] =	stream.indirect.gather [hbm4b:s19+s25], $0x20, s6, s25, $0xb8;
	[tilespmem:$0x1F100] =	vst v63  }
0x4a: {  	s4 =	smul.u32 $0xFFFFE400, s4;
	s17 =	sshrl.u32 s28, $0x1;
	_ =	swait.ge [sflag:s9], $0x100  }
0x4b: {  	s11 =	simm.s32 @!p1 $0x1;
	s3 =	sadd.s32 s3, s17;
	[sflag:s9] =	ssyncset.done $0x0  }
0x4c: {  	s4 =	sshra.s32 s4, $0x2;
	s3 =	sshrl.u32 s3, $0x2;
	[sflag:s9] =	ssyncadd.s32 $0xFFFFFF00  }
0x4d: {  	[tilespmem:s14], [sflag:$0x2] =	stream.indirect.gather [hbm4b:s19+s25], $0x20, s8, s25, $0xb8;
	[tilespmem:$0x1F100] =	vst v63  }
0x4e: {  	s13 =	rddreg [dreg:$0xc];
	s4 =	sadd.s32 $0x600, s4;
	_ =	swait.ge @!p1 [sflag:s11], $0x100  }
0x4f: {  	s3 =	smul.u32 $0xFFFFE400, s3;
	s9 =	sadd.s32 $0x20, s13;
	[sflag:s11] =	ssyncset.done @!p1 $0x0  }
0x50: {  	s4 =	sadd.s32 @!p4 $0x0, s4;
	s8 =	simm.s32 $0x1700;
	[sflag:s11] =	ssyncadd.s32 @!p1 $0xFFFFFF00  }
0x51: {  	s14 =	smul.u32 $0xFFFEC000, s5;
	s5 =	sshrl.u32 s22, $0x1;
	_ =	swait.ge @!p3 [sflag:s12], $0x1000  }
0x52: {  	s3 =	sshra.s32 s3, $0x2;
	s2 =	sadd.s32 s24, s5;
	[sflag:s12] =	ssyncset.done @!p3 $0x0  }
0x53: {  	s24 =	simm.s32 @!p1 $0x80;
	s11 =	simm.s32 @!p4 $0x0;
	[sflag:s12] =	ssyncadd.s32 @!p3 $0xFFFFF000  }
0x54: {  	[tilespmem:s4], [sflag:$0x1] =	stream.linear.gather @!p4 [hbm4b:s13+s11], $0x100, $0x38;
	[tilespmem:$0x1F100] =	vst v63  }
.Ltmp4:
0x55: {  	s3 =	sadd.s32 $0x400, s3;
	s13 =	sshrl.u32 s23, $0x2;
	(pc) =	sbr.rel @!p2 .LBB2_11-.Ltmp4, $4  }
0x56: {  	s2 =	sshrl.u32 s2, $0x2;
	s17 =	sadd.s32 @!p1 $0x0, s3;
	s4 =	smul.u32 $0xFFFEC000, s13  }
0x57: {  	s12 =	simm.s32 $0x1;
	s23 =	smul.u32 $0xFFFFE400, s2;
	_ =	swait.ge [sflag:s1], $0x1000  }
0x58: {  	s11 =	simm.s32 $0x7;
	[sflag:s1] =	ssyncset.done $0x0;
	s28 =	sshra.s32 s4, $0x2  }
0x59: {  	s13 =	sshra.s32 s23, $0x2;
	[sflag:s1] =	ssyncadd.s32 $0xFFFFF000;
	s2 =	sadd.s32 $0x4700, s28  }
.LBB2_10:
0x5a: {  	s3 =	sshra.s32 s14, $0x2  }
0x5b: {  	s4 =	sor.u32 $0x80, s13;
	s13 =	smov.u32 s30;
	s30 =	sadd.s32 $0x400, s30  }
0x5c: {  	[tilespmem:s2], [sflag:$0x2] =	stream.indirect.gather @!p1 [hbm4b:s19+s24], $0x20, s17, s24, $0xb8;
	[tilespmem:$0x1F100] =	vst v63  }
0x5d: {  	s22 =	smov.u32 s0;
	s23 =	smov.u32 s9;
	s2 =	smov.u32 s10  }
0x5e: {  	s24 =	smov.u32 s11;
	s5 =	smov.u32 s12;
	s6 =	smulhi.u32 $0xCCCCCCCD, s12  }
0x5f: {  	s0 =	sadd.s32 $0x1000, s0;
	s9 =	sadd.s32 $0x20, s9;
	s10 =	sadd.s32 $0x1, s10  }
0x60: {  	s12 =	sadd.s32 $0x1, s12;
	p2 =	sne.s32 s16, s30;
	s3 =	sadd.s32 s3, s26  }
0x61: {  	s4 =	sadd.s32 s31, s4;
	s31 =	sshra.s32 s13, $0x2;
	s17 =	smulhi.u32 $0x24924925, s2  }
0x62: {  	[spmem:s18] =	stream.indirect.scatter.add.f32 [tilespmem:s3], [sflag:$0x3], $0x20, s4, s25, $0xb8;
	[tilespmem:$0x1F100] =	vst v63  }
0x63: {  	s26 =	smov.u32 s8;
	s8 =	sadd.s32 $0x1000, s8;
	s3 =	smulhi.u32 $0x24924925, s11  }
0x64: {  	p4 =	seq.s32 s13, $0x0;
	s25 =	smulhi.u32 $0xCCCCCCCD, s2;
	s6 =	sshrl.u32 s6, $0x2  }
0x65: {  	p3 =	sge.u32 s24, s7;
	s4 =	sadd.s32 $0xFFFFFFFE, s24;
	s14 =	smul.u32 $0xFFFEC000, s6  }
0x66: {  	s11 =	sadd.s32 $0x1, s11;
	s6 =	smulhi.u32 $0x24924925, s5;
	p1 =	sge.u32 s4, s7  }
0x67: {  	s4 =	sshra.s32 @!p3 s13, $0x2;
	s2 =	ssub.s32 s2, s17;
	s18 =	sshrl.u32 s25, $0x2  }
0x68: {  	s28 =	ssub.s32 s24, s3;
	s25 =	simm.s32 @!p3 $0x0;
	s2 =	sshrl.u32 s2, $0x1  }
0x69: {  	s24 =	simm.s32 @!p1 $0x80;
	s19 =	sshrl.u32 s28, $0x1;
	s28 =	simm.s32 @!p4 $0x3  }
0x6a: {  	s5 =	ssub.s32 s5, s6;
	s3 =	sadd.s32 s3, s19;
	s19 =	simm.s32 @!p1 $0x1  }
0x6b: {  	s2 =	sadd.s32 s17, s2;
	s3 =	sshrl.u32 s3, $0x2;
	_ =	swait.ge @!p1 [sflag:s19], $0x100  }
0x6c: {  	s2 =	sshrl.u32 s2, $0x2;
	s3 =	smul.u32 $0xFFFFE400, s3;
	[sflag:s19] =	ssyncset.done @!p1 $0x0  }
0x6d: {  	s5 =	sshrl.u32 s5, $0x1;
	s2 =	smul.u32 $0xFFFFE400, s2;
	[sflag:s19] =	ssyncadd.s32 @!p1 $0xFFFFFF00  }
0x6e: {  	s17 =	sadd.s32 s6, s5;
	s3 =	sshra.s32 s3, $0x2;
	_ =	swait.ge @!p4 [sflag:s28], $0x1000  }
0x6f: {  	s19 =	smov.u32 s29;
	s3 =	sadd.s32 $0x600, s3;
	[sflag:s28] =	ssyncset.done @!p4 $0x0  }
0x70: {  	s2 =	sshra.s32 s2, $0x2;
	[sflag:s28] =	ssyncadd.s32 @!p4 $0xFFFFF000;
	s3 =	sadd.s32 @!p3 s4, s3  }
0x71: {  	[tilespmem:s3], [sflag:$0x1] =	stream.linear.gather @!p3 [hbm4b:s23+s25], $0x100, $0x38;
	[tilespmem:$0x1F100] =	vst v63  }
.Ltmp5:
0x72: {  	s5 =	sadd.s32 $0x400, s2;
	s4 =	sshra.s32 @!p1 s13, $0x2;
	(pc) =	sbr.rel @p2 .LBB2_10-.Ltmp5, $4  }
0x73: {  	s25 =	simm.s32 $0x80;
	s23 =	smul.u32 $0xFFFEC000, s18;
	s3 =	sshrl.u32 s17, $0x2  }
0x74: {  	s17 =	sadd.s32 @!p1 s4, s5;
	_ =	swait.ge [sflag:s1], $0x1000;
	s3 =	smul.u32 $0xFFFFE400, s3  }
0x75: {  	s18 =	rddreg [dreg:$0x2];
	[sflag:s1] =	ssyncset.done $0x0;
	s28 =	sshra.s32 s23, $0x2  }
0x76: {  	[sflag:s1] =	ssyncadd.s32 $0xFFFFF000;
	s2 =	sadd.s32 s28, s22;
	s13 =	sshra.s32 s3, $0x2  }
.LBB2_11:
0x77: {  	s0 =	sshra.s32 s14, $0x2;
	s3 =	sor.u32 $0x80, s13  }
0x78: {  	[tilespmem:s2], [sflag:$0x2] =	stream.indirect.gather @!p1 [hbm4b:s19+s24], $0x20, s17, s24, $0xb8;
	[tilespmem:$0x1F100] =	vst v63  }
0x79: {  	s30 =	simm.s32 $0x3;
	s0 =	sadd.s32 s0, s26;
	s28 =	sadd.s32 s31, s3  }
0x7a: {  	[spmem:s18] =	stream.indirect.scatter.add.f32 [tilespmem:s0], [sflag:$0x3], $0x20, s28, s25, $0xb8;
	[tilespmem:$0x1F100] =	vst v63  }
0x7b: {  	_ =	swait.ge [sflag:s30], $0x1000  }
0x7c: {  	[sflag:s30] =	ssyncset.done $0x0  }
0x7d: {  	[sflag:s30] =	ssyncadd.s32 $0xFFFFF000  }
0x7e: {  	[bflag:$0x0] =	sbarrier.arrive $0xFFFF  }
0x7f: {  	[tilespmem:s20], [sflag:$0x4] =	stream.linear.gather [spmem:s15], $0xA00, $0x38;
	[tilespmem:$0x1F100] =	vst v63  }
0x80: {  	_ =	swait.ge [sflag:s21], $0xA00  }
0x81: {  	[sflag:s21] =	ssyncset.done $0x0;
	s5 =	rddreg [dreg:$0xe]  }
0x82: {  	s4 =	simm.s32 $0x0;
	[sflag:s21] =	ssyncadd.s32 $0xFFFFF600;
	s31 =	sadd.s32 $0x0, s5  }
0x83: {  	[hbm4b:s31+s4] =	stream.linear.scatter [tilespmem:s20], [sflag:$0x4], $0xA00, $0x38;
	[tilespmem:$0x1F100] =	vst v63  }
0x84: {  	_ =	swait.ge [sflag:s21], $0xA00  }
0x85: {  	s2 =	smov.u32 s15;
	s0 =	simm.s32 $0x140;
	[sflag:s21] =	ssyncset.done $0x0  }
.LBB2_12:
0x86: {  	p1 =	sne.s32 s0, $0x30C0;
	[sflag:s21] =	ssyncadd.s32 $0xFFFFF600;
	s2 =	sadd.s32 $0xA00, s2  }
0x87: {  	[tilespmem:s20], [sflag:$0x4] =	stream.linear.gather [spmem:s2], $0xA00, $0x38;
	[tilespmem:$0x1F100] =	vst v63  }
0x88: {  	s3 =	smov.u32 s0;
	s0 =	sadd.s32 $0x140, s0;
	_ =	swait.ge [sflag:s21], $0xA00  }
.Ltmp6:
0x89: {  	[sflag:s21] =	ssyncset.done $0x0;
	(pc) =	sbr.rel @p1 .LBB2_12-.Ltmp6, $4  }
0x8a: {  	s3 =	sadd.s32 s3, s5;
	[sflag:s21] =	ssyncadd.s32 $0xFFFFF600  }
0x8b: {  	[hbm4b:s3+s4] =	stream.linear.scatter [tilespmem:s20], [sflag:$0x4], $0xA00, $0x38;
	[tilespmem:$0x1F100] =	vst v63  }
0x8c: {  	_ =	swait.ge [sflag:s21], $0xA00  }
0x8d: {  	[sflag:s21] =	ssyncset.done $0x0  }
.Ltmp7:
0x8e: {  	(pc) =	sbr.rel .LBB2_14-.Ltmp7, $3  }
0x8f: {  	_ =	sdelay $0x1  }
0x90: {  	[sflag:s21] =	ssyncadd.s32 $0xFFFFF600;
	s5 =	rddreg [dreg:$0x4];
	s6 =	simm.s32 $0x200  }
0x91: {  	s8 =	simm.s32 $0x300;
	s9 =	simm.s32 $0x1;
	s2 =	rddreg [dreg:$0xf]  }
.LBB2_4:
0x92: {  	[tilespmem:s26], [sflag:$0x2] =	stream.indirect.gather [hbm4b:s5+s25], $0x20, s2, s25, $0xb8;
	[tilespmem:$0x1F100] =	vst v63  }
0x93: {  	s0 =	simm.s32 $0x1700;
	s12 =	simm.s32 $0x2700  }
0x94: {  	s13 =	simm.s32 $0x3700;
	s14 =	simm.s32 $0x6;
	_ =	swait.ge [sflag:s9], $0x100  }
0x95: {  	s11 =	simm.s32 $0x4;
	s30 =	simm.s32 $0x400;
	[sflag:s9] =	ssyncset.done $0x0  }
0x96: {  	p2 =	sne.s32 s16, $0x400;
	s31 =	simm.s32 $0x0;
	[sflag:s9] =	ssyncadd.s32 $0xFFFFFF00  }
0x97: {  	[tilespmem:s0], [sflag:$0x2] =	stream.indirect.gather [hbm4b:s5+s25], $0x20, s3, s25, $0xb8;
	[tilespmem:$0x1F100] =	vst v63  }
0x98: {  	s10 =	simm.s32 $0x5;
	p1 =	sle.u32 s7, $0x4;
	_ =	swait.ge [sflag:s9], $0x100  }
0x99: {  	p3 =	por $0x1, $0x1;
	s19 =	smulhi.u32 $0x24924925, s2;
	[sflag:s9] =	ssyncset.done $0x0  }
0x9a: {  	p4 =	sle.u32 s7, $0x6;
	s22 =	smulhi.u32 $0x24924925, s11;
	[sflag:s9] =	ssyncadd.s32 $0xFFFFFF00  }
0x9b: {  	[tilespmem:s12], [sflag:$0x2] =	stream.indirect.gather [hbm4b:s5+s25], $0x20, s6, s25, $0xb8;
	[tilespmem:$0x1F100] =	vst v63  }
0x9c: {  	s24 =	ssub.s32 $0x4, s22;
	s0 =	simm.s32 $0x5700;
	s12 =	smulhi.u32 $0x24924925, s14  }
0x9d: {  	s28 =	sshrl.u32 s24, $0x1;
	s24 =	simm.s32 @!p1 $0x80;
	_ =	swait.ge [sflag:s9], $0x100  }
0x9e: {  	s14 =	smulhi.u32 $0xCCCCCCCD, s11;
	[sflag:s9] =	ssyncset.done $0x0;
	s17 =	ssub.s32 $0x6, s12  }
0x9f: {  	s3 =	rddreg [dreg:$0xc];
	[sflag:s9] =	ssyncadd.s32 $0xFFFFFF00;
	s17 =	sshrl.u32 s17, $0x1  }
0xa0: {  	[tilespmem:s13], [sflag:$0x2] =	stream.indirect.gather [hbm4b:s5+s25], $0x20, s8, s25, $0xb8;
	[tilespmem:$0x1F100] =	vst v63  }
0xa1: {  	s23 =	sshrl.u32 s14, $0x2;
	s17 =	sadd.s32 s12, s17;
	s12 =	simm.s32 @!p1 $0x1  }
0xa2: {  	s13 =	smulhi.u32 $0xCCCCCCCD, s2;
	s11 =	sshrl.u32 s17, $0x2;
	_ =	swait.ge @!p1 [sflag:s12], $0x100  }
0xa3: {  	s9 =	sadd.s32 $0x20, s3;
	s11 =	smul.u32 $0xFFFFE400, s11;
	[sflag:s12] =	ssyncset.done @!p1 $0x0  }
0xa4: {  	s6 =	smul.u32 $0xFFFEC000, s23;
	s17 =	simm.s32 @!p3 $0x3;
	[sflag:s12] =	ssyncadd.s32 @!p1 $0xFFFFFF00  }
0xa5: {  	s13 =	sshrl.u32 s13, $0x2;
	s11 =	sshra.s32 s11, $0x2;
	_ =	swait.ge @!p3 [sflag:s17], $0x1000  }
0xa6: {  	s12 =	simm.s32 @!p4 $0x0;
	s11 =	sadd.s32 $0x600, s11;
	[sflag:s17] =	ssyncset.done @!p3 $0x0  }
0xa7: {  	[sflag:s17] =	ssyncadd.s32 @!p3 $0xFFFFF000;
	s11 =	sadd.s32 @!p4 $0x0, s11;
	s17 =	sadd.s32 s22, s28  }
0xa8: {  	[tilespmem:s11], [sflag:$0x1] =	stream.linear.gather @!p4 [hbm4b:s3+s12], $0x100, $0x38;
	[tilespmem:$0x1F100] =	vst v63  }
0xa9: {  	s14 =	smul.u32 $0xFFFEC000, s13;
	s3 =	ssub.s32 $0x0, s19;
	s17 =	sshrl.u32 s17, $0x2  }
0xaa: {  	s8 =	simm.s32 $0x1700;
	s13 =	sshrl.u32 s3, $0x1;
	s4 =	smul.u32 $0xFFFFE400, s17  }
.Ltmp8:
0xab: {  	s28 =	sshra.s32 s6, $0x2;
	s2 =	sadd.s32 s19, s13;
	(pc) =	sbr.rel @!p2 .LBB2_6-.Ltmp8, $4  }
0xac: {  	s11 =	simm.s32 $0x7;
	_ =	swait.ge [sflag:s1], $0x1000;
	s2 =	sshrl.u32 s2, $0x2  }
0xad: {  	[sflag:s1] =	ssyncset.done $0x0;
	s13 =	sshra.s32 s4, $0x2;
	s19 =	smul.u32 $0xFFFFE400, s2  }
0xae: {  	s12 =	simm.s32 $0x1;
	[sflag:s1] =	ssyncadd.s32 $0xFFFFF000;
	s23 =	sadd.s32 $0x400, s13  }
0xaf: {  	s2 =	sadd.s32 $0x4700, s28;
	s17 =	sadd.s32 @!p1 $0x0, s23;
	s13 =	sshra.s32 s19, $0x2  }
.LBB2_5:
0xb0: {  	s28 =	sor.u32 $0x80, s13  }
0xb1: {  	s13 =	smov.u32 s30;
	s30 =	sadd.s32 $0x400, s30;
	s22 =	smov.u32 s0  }
0xb2: {  	[tilespmem:s2], [sflag:$0x2] =	stream.indirect.gather @!p1 [hbm4b:s5+s24], $0x20, s17, s24, $0xb8;
	[tilespmem:$0x1F100] =	vst v63  }
0xb3: {  	s23 =	smov.u32 s9;
	s2 =	smov.u32 s10;
	s17 =	smulhi.u32 $0x24924925, s11  }
0xb4: {  	s5 =	smov.u32 s11;
	s6 =	smulhi.u32 $0xCCCCCCCD, s12;
	s0 =	sadd.s32 $0x1000, s0  }
0xb5: {  	s9 =	sadd.s32 $0x20, s9;
	s10 =	sadd.s32 $0x1, s10;
	s11 =	sadd.s32 $0x1, s11  }
0xb6: {  	s14 =	sshra.s32 s14, $0x2;
	p2 =	sne.s32 s16, s30;
	s28 =	sadd.s32 s31, s28  }
0xb7: {  	s31 =	sshra.s32 s13, $0x2;
	s3 =	smulhi.u32 $0x24924925, s2;
	p4 =	seq.s32 s13, $0x0  }
0xb8: {  	p3 =	sge.u32 s5, s7;
	s24 =	sadd.s32 $0xFFFFFFFE, s5;
	s14 =	sadd.s32 s14, s26  }
0xb9: {  	s26 =	smov.u32 s8;
	s8 =	sadd.s32 $0x1000, s8;
	s19 =	ssub.s32 s5, s17  }
0xba: {  	[spmem:s18] =	stream.indirect.scatter.add.f32 [tilespmem:s14], [sflag:$0x3], $0x20, s28, s25, $0xb8;
	[tilespmem:$0x1F100] =	vst v63  }
0xbb: {  	p1 =	sge.u32 s24, s7;
	s28 =	smov.u32 s12;
	s18 =	smulhi.u32 $0xCCCCCCCD, s2  }
0xbc: {  	s14 =	sshrl.u32 s6, $0x2;
	s12 =	sadd.s32 $0x1, s12;
	s6 =	simm.s32 @!p3 $0x0  }
0xbd: {  	s5 =	sshrl.u32 s19, $0x1;
	s19 =	simm.s32 @!p4 $0x3;
	s14 =	smul.u32 $0xFFFEC000, s14  }
0xbe: {  	s2 =	ssub.s32 s2, s3;
	s24 =	simm.s32 @!p1 $0x80;
	s4 =	smulhi.u32 $0x24924925, s28  }
0xbf: {  	s5 =	sadd.s32 s17, s5;
	s17 =	simm.s32 @!p1 $0x1;
	s2 =	sshrl.u32 s2, $0x1  }
0xc0: {  	s25 =	sshrl.u32 s18, $0x2;
	s18 =	sshra.s32 @!p3 s13, $0x2;
	_ =	swait.ge @!p1 [sflag:s17], $0x100  }
0xc1: {  	s5 =	sshrl.u32 s5, $0x2;
	s2 =	sadd.s32 s3, s2;
	[sflag:s17] =	ssyncset.done @!p1 $0x0  }
0xc2: {  	s5 =	smul.u32 $0xFFFFE400, s5;
	s2 =	sshrl.u32 s2, $0x2;
	[sflag:s17] =	ssyncadd.s32 @!p1 $0xFFFFFF00  }
0xc3: {  	s28 =	ssub.s32 s28, s4;
	s2 =	smul.u32 $0xFFFFE400, s2;
	_ =	swait.ge @!p4 [sflag:s19], $0x1000  }
0xc4: {  	s17 =	sshrl.u32 s28, $0x1;
	s5 =	sshra.s32 s5, $0x2;
	[sflag:s19] =	ssyncset.done @!p4 $0x0  }
0xc5: {  	s3 =	sadd.s32 $0x600, s5;
	s2 =	sshra.s32 s2, $0x2;
	[sflag:s19] =	ssyncadd.s32 @!p4 $0xFFFFF000  }
0xc6: {  	s3 =	sadd.s32 @!p3 s18, s3;
	s19 =	sadd.s32 s4, s17;
	s5 =	sadd.s32 $0x400, s2  }
0xc7: {  	[tilespmem:s3], [sflag:$0x1] =	stream.linear.gather @!p3 [hbm4b:s23+s6], $0x100, $0x38;
	[tilespmem:$0x1F100] =	vst v63  }
.Ltmp9:
0xc8: {  	s4 =	sshra.s32 @!p1 s13, $0x2;
	s18 =	rddreg [dreg:$0x2];
	(pc) =	sbr.rel @p2 .LBB2_5-.Ltmp9, $4  }
0xc9: {  	s23 =	smul.u32 $0xFFFEC000, s25;
	s25 =	simm.s32 $0x80;
	s3 =	sshrl.u32 s19, $0x2  }
0xca: {  	s17 =	sadd.s32 @!p1 s4, s5;
	_ =	swait.ge [sflag:s1], $0x1000;
	s3 =	smul.u32 $0xFFFFE400, s3  }
0xcb: {  	[sflag:s1] =	ssyncset.done $0x0;
	s28 =	sshra.s32 s23, $0x2;
	s5 =	rddreg [dreg:$0x4]  }
0xcc: {  	[sflag:s1] =	ssyncadd.s32 $0xFFFFF000;
	s2 =	sadd.s32 s28, s22;
	s13 =	sshra.s32 s3, $0x2  }
.LBB2_6:
0xcd: {  	s0 =	sshra.s32 s14, $0x2;
	s3 =	sor.u32 $0x80, s13  }
0xce: {  	[tilespmem:s2], [sflag:$0x2] =	stream.indirect.gather @!p1 [hbm4b:s5+s24], $0x20, s17, s24, $0xb8;
	[tilespmem:$0x1F100] =	vst v63  }
0xcf: {  	s30 =	simm.s32 $0x3;
	s0 =	sadd.s32 s0, s26;
	s28 =	sadd.s32 s31, s3  }
0xd0: {  	[spmem:s18] =	stream.indirect.scatter.add.f32 [tilespmem:s0], [sflag:$0x3], $0x20, s28, s25, $0xb8;
	[tilespmem:$0x1F100] =	vst v63  }
0xd1: {  	_ =	swait.ge [sflag:s30], $0x1000  }
0xd2: {  	[sflag:s30] =	ssyncset.done $0x0  }
0xd3: {  	[sflag:s30] =	ssyncadd.s32 $0xFFFFF000  }
0xd4: {  	[bflag:$0x0] =	sbarrier.arrive $0xFFFF  }
0xd5: {  	[tilespmem:s20], [sflag:$0x4] =	stream.linear.gather [spmem:s15], $0xA00, $0x38;
	[tilespmem:$0x1F100] =	vst v63  }
0xd6: {  	_ =	swait.ge [sflag:s21], $0xA00  }
0xd7: {  	[sflag:s21] =	ssyncset.done $0x0;
	s6 =	rddreg [dreg:$0xd]  }
0xd8: {  	s4 =	simm.s32 $0x0;
	[sflag:s21] =	ssyncadd.s32 $0xFFFFF600;
	s31 =	sadd.s32 $0x0, s6  }
0xd9: {  	[hbm4b:s31+s4] =	stream.linear.scatter [tilespmem:s20], [sflag:$0x4], $0xA00, $0x38;
	[tilespmem:$0x1F100] =	vst v63  }
0xda: {  	_ =	swait.ge [sflag:s21], $0xA00  }
0xdb: {  	s2 =	smov.u32 s15;
	s0 =	simm.s32 $0x140;
	[sflag:s21] =	ssyncset.done $0x0  }
.LBB2_7:
0xdc: {  	p1 =	seq.s32 s0, $0x30C0;
	[sflag:s21] =	ssyncadd.s32 $0xFFFFF600;
	s2 =	sadd.s32 $0xA00, s2  }
0xdd: {  	[tilespmem:s20], [sflag:$0x4] =	stream.linear.gather [spmem:s2], $0xA00, $0x38;
	[tilespmem:$0x1F100] =	vst v63  }
0xde: {  	s3 =	smov.u32 s0;
	s0 =	sadd.s32 $0x140, s0;
	_ =	swait.ge [sflag:s21], $0xA00  }
.Ltmp10:
0xdf: {  	[sflag:s21] =	ssyncset.done $0x0;
	(pc) =	sbr.rel @!p1 .LBB2_7-.Ltmp10, $4  }
0xe0: {  	s3 =	sadd.s32 s3, s6;
	[sflag:s21] =	ssyncadd.s32 $0xFFFFF600  }
0xe1: {  	[hbm4b:s3+s4] =	stream.linear.scatter [tilespmem:s20], [sflag:$0x4], $0xA00, $0x38;
	[tilespmem:$0x1F100] =	vst v63  }
0xe2: {  	_ =	swait.ge [sflag:s21], $0xA00  }
0xe3: {  	[sflag:s21] =	ssyncset.done $0x0  }
.Ltmp11:
0xe4: {  	_ = 	snop;
	(pc) =	sbr.rel .LBB2_8-.Ltmp11, $1  }
0xe5: {  	_ =	sdelay $0x3  }
.LBB2_15:
0xe6: {  	_ =	sfence.sel $0x180000  }
0xe7: {  	[bflag:$0x0] =	sbarrier.arrive $0xFFFF  }
0xe8: {  	_ =	strace $0x9000004D  }
0xe9: {  	s0 =	stileid.u32;
	[bflag:$0x2] =	sbarrier.arrive $0xFFFF  }
0xea: {  	p0 =	sne.s32 s0, $0x0;
	s0 =	rddreg [dreg:$0x3]  }
0xeb: {  	s0 =	sadd.s32 @!p0 $0x100000, s0  }
0xec: {  	[sflag:s0] =	ssyncadd.tile.s32 @!p0 $0x1;
	_ =	shalt  }
.Lfunc_end2:
_tile_overlayer_lowered:
.L_overlay_start_2:
0xed: {  	(tag) =	ssettag $0x2  }
0xee: {  	s0 =	rddreg [dreg:$0x0];
	s2 =	stileid.u32  }
0xef: {  	s1 =	rddreg [dreg:$0x1];
	p0 =	sne.s32 s2, $0x0  }
0xf0: {  	s3 =	rddreg [dreg:$0x2];
	[bflag:$0x3] =	sbarrier.arrive $0xFFFF;
	s2 =	simm.s32 @!p0 $0x1C04  }
0xf1: {  	[timem:s3], [sflag:s2] =	dma.local @!p0 [hbm:s0], s1  }
0xf2: {  	s0 =	simm.s32 @!p0 $0x4  }
0xf3: {  	_ =	swait.ge @!p0 [sflag:s0], s1  }
0xf4: {  	s1 =	ssub.s32 @!p0 $0x0, s1;
	[sflag:s0] =	ssyncset.done @!p0 $0x0  }
0xf5: {  	[sflag:s0] =	ssyncadd.s32 @!p0 s1  }
0xf6: {  	[bflag:$0x3] =	sbarrier.arrive $0xFFFF  }
0xf7: {  	_ =	shalt  }

// kernel: kernel.8.cloned.1.call-start
scs
__scs_entry_jumppad:
0x0: {  	(pc) =	sbr.rel $0x88, $3  }
0x1: {  	(tag) =	ssettag $0x0;
	lr =	simm.s32 $0x1  }
0x2: {  	[smem:$0x3F9A] =	sst lr;
	_ =	strace $0xD0000000  }
0x3: {  	_ = 	snop  }
0x4: {  	_ = 	snop  }
0x5: {  	_ = 	snop  }
0x6: {  	_ = 	snop  }
0x7: {  	_ = 	snop  }
__scs_overlays_trampoline_lowered:
0x8: {  	[smem:$0x3FA9] =	sst s0  }
0x9: {  	[smem:$0x3FAA] =	sst s1  }
0xa: {  	[smem:$0x3FAB] =	sst s2  }
0xb: {  	[smem:$0x3FAC] =	sst s3  }
0xc: {  	[smem:$0x3FAD] =	sst s4  }
0xd: {  	[smem:$0x3FAE] =	sst s5  }
0xe: {  	[smem:$0x3FAF] =	sst s6  }
0xf: {  	[smem:$0x3FB0] =	sst s7  }
0x10: {  	[smem:$0x3FB1] =	sst s8  }
0x11: {  	[smem:$0x3FB2] =	sst s9;
	s0 =	simm.s32 @!p0 $0x0  }
0x12: {  	s1 =	sld [smem:$0x3F98];
	s0 =	simm.s32 @p0 $0x1  }
0x13: {  	[smem:$0x3FB3] =	sst s0;
	s0 =	simm.s32 @!p1 $0x0  }
0x14: {  	s2 =	sld [smem:$0x3F97];
	s0 =	simm.s32 @p1 $0x1  }
0x15: {  	[smem:$0x3FB4] =	sst s0;
	s0 =	simm.s32 @!p2 $0x0  }
0x16: {  	s3 =	sld [smem:$0x3FDB];
	s0 =	simm.s32 @p2 $0x1  }
0x17: {  	s4 =	simm.s32 $0x1BF5;
	[smem:$0x3FB6] =	sst s0  }
0x18: {  	s0 =	sld [smem:$0x3F99];
	_ =	swait.ge [sflag:s4], $0x0  }
0x19: {  	s7 =	sld [smem:$0x3F9A]  }
0x1a: {  	s8 =	sadd.s32 $0xFFFFE003, lr  }
0x1b: {  	s9 =	sadd.s32 $0xFFFFFEF7, lr;
	s5 =	simm.s32 $0xFFFFFFFF;
	p2 =	slt.u32 s8, $0xFFFFF086  }
0x1c: {  	p1 =	slt.u32 s9, $0xF7A;
	s5 =	simm.s32 @!p2 $0x0  }
0x1d: {  	s5 =	simm.s32 @p1 $0x1;
	p0 =	seq.s32 s7, s2  }
0x1e: {  	s7 =	smul.u32 @!p0 $0xF7A, s2;
	p2 =	seq.s32 @!p0 s5, $0x0  }
0x1f: {  	s9 =	smul.u32 $0xF7A, s1;
	s8 =	simm.s32 @!p0 $0x1BF5;
	p2 =	por !p2, p0  }
0x20: {  	[sflag:s8] =	ssyncset.s32 @!p0 $0xFFFFF086;
	s6 =	sadd.s32 @!p0 s3, s7;
	s7 =	simm.s32 @!p0 $0x108  }
0x21: {  	s3 =	sadd.s32 s3, s9;
	s6 =	sadd.s32 @!p0 $0x88, s6;
	s7 =	simm.s32 @p2 $0x1082  }
0x22: {  	[simem:s7], [sflag:s8] =	dma.local @!p0 [hbm:s6], $0xF7A  }
0x23: {  	s9 =	sor.u32 $0xD0000000, s2;
	s6 =	simm.s32 $0x108;
	_ =	swait.ge @!p0 [sflag:s8], $0x0  }
0x24: {  	s3 =	sadd.s32 $0x88, s3;
	s6 =	simm.s32 @!p1 $0x1082;
	[sflag:s4] =	ssyncset.s32 $0xFFFFF086  }
0x25: {  	[simem:s6], [sflag:s4] =	dma.local [hbm:s3], $0xF7A  }
0x26: {  	[smem:$0x3F9A] =	sst s1;
	(tag) =	ssettag s2;
	_ =	strace s9  }
0x27: {  	s1 =	sld [smem:$0x3FAA]  }
0x28: {  	s2 =	sld [smem:$0x3FAB]  }
0x29: {  	s4 =	sld [smem:$0x3FAD]  }
0x2a: {  	p0 =	seq.s32 s5, $0x0;
	s5 =	sld [smem:$0x3FAE]  }
0x2b: {  	s6 =	sld [smem:$0x3FAF]  }
0x2c: {  	s7 =	sld [smem:$0x3FB0]  }
0x2d: {  	s3 =	simm.s32 $0x108;
	s8 =	sld [smem:$0x3FB1]  }
0x2e: {  	s3 =	simm.s32 @!p0 $0x1082;
	s9 =	sld [smem:$0x3FB2]  }
0x2f: {  	lr =	sadd.s32 s0, s3;
	s0 =	sld [smem:$0x3FA9]  }
0x30: {  	s3 =	sld [smem:$0x3FAC]  }
0x31: {  	[smem:$0x3FB5] =	sst s10  }
0x32: {  	s10 =	sld [smem:$0x3FB3];
	_ =	sdelay $0x3  }
0x33: {  	p0 =	seq.s32 s10, $0x1;
	s10 =	sld [smem:$0x3FB5];
	_ =	sdelay $0x3  }
0x34: {  	[smem:$0x3FB5] =	sst s10  }
0x35: {  	s10 =	sld [smem:$0x3FB4];
	_ =	sdelay $0x3  }
0x36: {  	p1 =	seq.s32 s10, $0x1;
	s10 =	sld [smem:$0x3FB5];
	_ =	sdelay $0x3  }
0x37: {  	[smem:$0x3FB5] =	sst s10  }
0x38: {  	s10 =	sld [smem:$0x3FB6]  }
0x39: {  	_ = 	snop;
	(pc) =	sbr.ind lr, $3  }
0x3a: {  	_ = 	snop  }
0x3b: {  	_ = 	snop  }
0x3c: {  	p2 =	seq.s32 s10, $0x1;
	s10 =	sld [smem:$0x3FB5]  }
0x3d: {  	_ =	shalt  }
0x3e: {  	_ =	shalt  }
0x3f: {  	_ =	shalt  }
0x40: {  	_ =	shalt  }
0x41: {  	_ =	shalt  }
0x42: {  	_ =	shalt  }
0x43: {  	_ =	shalt  }
0x44: {  	_ =	shalt  }
0x45: {  	_ =	shalt  }
0x46: {  	_ =	shalt  }
0x47: {  	_ =	shalt  }
0x48: {  	_ =	shalt  }
0x49: {  	_ =	shalt  }
0x4a: {  	_ =	shalt  }
0x4b: {  	_ =	shalt  }
0x4c: {  	_ =	shalt  }
0x4d: {  	_ =	shalt  }
0x4e: {  	_ =	shalt  }
0x4f: {  	_ =	shalt  }
0x50: {  	_ =	shalt  }
0x51: {  	_ =	shalt  }
0x52: {  	_ =	shalt  }
0x53: {  	_ =	shalt  }
0x54: {  	_ =	shalt  }
0x55: {  	_ =	shalt  }
0x56: {  	_ =	shalt  }
0x57: {  	_ =	shalt  }
0x58: {  	_ =	shalt  }
0x59: {  	_ =	shalt  }
0x5a: {  	_ =	shalt  }
0x5b: {  	_ =	shalt  }
0x5c: {  	_ =	shalt  }
0x5d: {  	_ =	shalt  }
0x5e: {  	_ =	shalt  }
0x5f: {  	_ =	shalt  }
0x60: {  	_ =	shalt  }
0x61: {  	_ =	shalt  }
0x62: {  	_ =	shalt  }
0x63: {  	_ =	shalt  }
0x64: {  	_ =	shalt  }
0x65: {  	_ =	shalt  }
0x66: {  	_ =	shalt  }
0x67: {  	_ =	shalt  }
0x68: {  	_ =	shalt  }
0x69: {  	_ =	shalt  }
0x6a: {  	_ =	shalt  }
0x6b: {  	_ =	shalt  }
0x6c: {  	_ =	shalt  }
0x6d: {  	_ =	shalt  }
0x6e: {  	_ =	shalt  }
0x6f: {  	_ =	shalt  }
0x70: {  	_ =	shalt  }
0x71: {  	_ =	shalt  }
0x72: {  	_ =	shalt  }
0x73: {  	_ =	shalt  }
0x74: {  	_ =	shalt  }
0x75: {  	_ =	shalt  }
0x76: {  	_ =	shalt  }
0x77: {  	_ =	shalt  }
0x78: {  	_ =	shalt  }
0x79: {  	_ =	shalt  }
0x7a: {  	_ =	shalt  }
0x7b: {  	_ =	shalt  }
0x7c: {  	_ =	shalt  }
0x7d: {  	_ =	shalt  }
0x7e: {  	_ =	shalt  }
0x7f: {  	_ =	shalt  }
0x80: {  	_ =	shalt  }
0x81: {  	_ =	shalt  }
0x82: {  	_ =	shalt  }
0x83: {  	_ =	shalt  }
0x84: {  	_ =	shalt  }
0x85: {  	_ =	shalt  }
0x86: {  	_ =	shalt  }
0x87: {  	_ =	shalt  }
.Lfunc_end0:
.L_simem_size_0:
called_computation_lowered:
.L_overlay_start_0:
0x88: {  	s2 =	sld [smem:$0x3FD9]  }
0x89: {  	s3 =	sld [smem:$0x3FFE];
	_ =	sdelay $0x1  }
0x8a: {  	s1 =	srdreg.scid  }
0x8b: {  	s0 =	sand.u32 $0x1, s1  }
0x8c: {  	s17 =	sshll.u32 s0, $0xA;
	s2 =	sadd.s32 s3, s2  }
0x8d: {  	s2 =	sadd.s32 s2, s17  }
0x8e: {  	[smem:$0x3FC1] =	sst s2  }
0x8f: {  	_ = 	snop  }
0x90: {  	s2 =	sld [smem:$0x3FD0];
	(tm) =	ssettm $0x1  }
0x91: {  	s18 =	sld [smem:$0x3FFB];
	_ =	sdelay $0x3  }
0x92: {  	_ =	strace s18  }
0x93: {  	s3 =	sld [smem:$0x3FFC];
	_ =	sdelay $0x3  }
0x94: {  	_ =	strace s3  }
0x95: {  	s3 =	sld [smem:$0x3FFD];
	_ =	sdelay $0x3  }
0x96: {  	_ =	strace s3  }
0x97: {  	_ =	strace $0x8FFFFFFF  }
0x98: {  	s19 =	sld [smem:$0x3FDB];
	_ =	sdelay $0x1  }
0x99: {  	s4 =	simm.s32 $_scs_section_size  }
0x9a: {  	s5 =	simm.s32 $_size__tile_overlayer_lowered;
	s6 =	simm.s32 $_tile_overlayer_lowered  }
0x9b: {  	s22 =	simm.s32 $0x1BFF;
	s21 =	sshll.u32 s6, $0x1;
	s3 =	sadd.s32 s4, s19  }
0x9c: {  	s7 =	simm.s32 $0x0;
	s20 =	sshll.u32 s5, $0x1;
	s5 =	sadd.s32 s21, s3  }
0x9d: {  	[timem:s7], [sflag:s22] =	dma.local [hbm:s5], s20  }
0x9e: {  	_ =	swait.ge [sflag:s22], s20  }
0x9f: {  	s4 =	ssub.s32 $0x0, s20;
	[sflag:s22] =	ssyncset.done $0x0  }
0xa0: {  	[sflag:s22] =	ssyncadd.s32 s4;
	_ =	sdelay $0x1  }
0xa1: {  	s23 =	simm.s32 $0x1B8B  }
0xa2: {  	_ =	swait.ge [sflag:s23], $0x1  }
0xa3: {  	[sflag:s23] =	ssyncset.done $0x0  }
0xa4: {  	s25 =	simm.s32 $0x1B8E;
	s24 =	sld [smem:$0x3FFE];
	[sflag:s23] =	ssyncadd.s32 $0xFFFFFFFF  }
0xa5: {  	s26 =	simm.s32 $execute0_lowered;
	[smem:$0x3FD2] =	sst s25  }
0xa6: {  	s5 =	sshll.u32 s26, $0x1;
	_ =	strace $0x80000046;
	[dreg:$0x1] =	wrdreg $0xFFFFFFFF  }
0xa7: {  	s28 =	simm.s32 $_size_execute0_lowered;
	s3 =	sadd.s32 s3, s5;
	[dreg:$0x0] =	wrdreg $0x0  }
0xa8: {  	s5 =	sshll.u32 s28, $0x1;
	[dreg:$0x2] =	wrdreg s3  }
0xa9: {  	[dreg:$0x3] =	wrdreg s5  }
0xaa: {  	[dreg:$0x4] =	wrdreg $0xC0  }
0xab: {  	_ =	task [dreg:s7], $0x5FFFF  }
0xac: {  	[dreg:$0x1] =	wrdreg $0xFFFFFFFF  }
0xad: {  	[dreg:$0x0] =	wrdreg $0x60  }
0xae: {  	[dreg:$0x2] =	wrdreg s24  }
0xaf: {  	[dreg:$0x3] =	wrdreg s2  }
0xb0: {  	[dreg:$0x4] =	wrdreg $0xE800  }
0xb1: {  	[dreg:$0x5] =	wrdreg $0x9  }
0xb2: {  	_ =	task.clear_ibuf [dreg:s7], $0x6FFFF;
	_ =	strace $0x90000046  }
0xb3: {  	s29 =	simm.s32 $0x9;
	_ =	strace $0x80000048  }
0xb4: {  	_ =	swait.ge [sflag:s29], $0x1  }
0xb5: {  	[sflag:s29] =	ssyncadd.s32 $0xFFFFFFFF  }
0xb6: {  	_ =	strace $0x90000048  }
0xb7: {  	_ =	sfence  }
0xb8: {  	s30 =	sld [smem:$0x0];
	_ =	sdelay $0x2  }
0xb9: {  	s31 =	sshll.u32 s1, $0xD;
	s1 =	sshrl.u32 s1, $0x2  }
0xba: {  	s3 =	sand.u32 $0x4000, s31;
	s1 =	sadd.s32 s1, s30  }
0xbb: {  	s0 =	sor.u32 s3, s0;
	s1 =	sshll.u32 s1, $0x11  }
0xbc: {  	s0 =	sor.u32 s1, s0  }
0xbd: {  	s0 =	sadd.s32 $0x8F2B, s0  }
0xbe: {  	[sflag:s0] =	ssyncadd.remote.s32 $0x1  }
0xbf: {  	_ =	sfence.sel $0xFFFF  }
0xc0: {  	[dreg:$0x0] =	wrdreg $0xFFFFFFFF;
	(pc) =	sbr.abs _section_cstart, $3  }
0xc1: {  	[dreg:$0x1] =	wrdreg $0xFFFFFFFF  }
0xc2: {  	_ =	task.clear_ibuf [dreg:s7], $0x2FFFF;
	_ =	strace $0x9FFFFFFF  }
0xc3: {  	(tm) =	ssettm $0x7FFFFFFF  }
tec
execute0_lowered:
.L_overlay_start_1:
0x0: {  	(tag) =	ssettag $0x1  }
0x1: {  	s5 =	rddreg [dreg:$0x0]  }
0x2: {  	s2 =	rddreg [dreg:$0x1]  }
0x3: {  	s3 =	rddreg [dreg:$0x2]  }
0x4: {  	s0 =	rddreg [dreg:$0x3];
	s6 =	srdreg.scid  }
0x5: {  	s1 =	stileid.u32;
	s4 =	simm.s32 $0x0;
	s14 =	simm.s32 $0x80  }
0x6: {  	s15 =	simm.s32 $0x1;
	s16 =	simm.s32 $0x180;
	s17 =	simm.s32 $0x2  }
0x7: {  	s18 =	simm.s32 $0x0;
	s6 =	sand.u32 $0x1, s6;
	s7 =	smul.u32 $0xC80, s1  }
0x8: {  	[smem:$0x7FF] =	sst s4;
	s10 =	sadd.s32 $0x3600, s5;
	s28 =	smul.u32 $0xC3, s1  }
0x9: {  	s8 =	smul.u32 $0xC800, s6;
	s9 =	sshll.u32 s6, $0x4;
	_ =	strace $0x80000047  }
0xa: {  	s12 =	ssub.s32 $0x2, s6;
	s6 =	smul.u32 $0xC30, s6;
	s9 =	sor.u32 s1, s9  }
0xb: {  	s26 =	sshrl.u32 s12, $0x1;
	s8 =	sadd.s32 s7, s8;
	s11 =	smul.u32 $0xC3, s9  }
0xc: {  	s12 =	ssub.s32 s12, s26;
	s29 =	smin.u32 s9, $0xA;
	s8 =	sshrl.u32 s8, $0x3  }
0xd: {  	p0 =	slt.u32 s9, $0xA;
	s13 =	sadd.s32 s8, s5;
	s5 =	sadd.s32 s7, s3  }
0xe: {  	s11 =	sadd.s32 s29, s11;
	s8 =	sadd.s32 s28, s6;
	s6 =	simm.s32 $0xC4  }
0xf: {  	s30 =	sshll.u32 s11, $0x4;
	s8 =	sadd.s32 s29, s8;
	s6 =	simm.s32 @!p0 $0xC3  }
0x10: {  	s9 =	sadd.s32 $0x1BE00, s13;
	s7 =	sadd.s32 s10, s30;
	s31 =	sshll.u32 s8, $0x4  }
0x11: {  	s13 =	simm.s32 $0x3;
	s8 =	sadd.s32 $0x10, s7;
	s11 =	sadd.s32 s10, s31  }
0x12: {  	v0 =	vimm.f32 $1.000000000e+00;
	s10 =	smax.u32 s12, $0x1;
	s12 =	simm.s32 $0x200;
	s11 =	sadd.s32 $0x20, s11  }
.LBB2_1:
0x13: {  	[tilespmem:$0x180] =	vst v0  }
0x14: {  	[tilespmem:$0x190] =	vst v0  }
0x15: {  	[tilespmem:$0x1A0] =	vst v0  }
0x16: {  	[tilespmem:$0x1B0] =	vst v0  }
0x17: {  	[tilespmem:$0x1C0] =	vst v0  }
0x18: {  	[tilespmem:$0x1D0] =	vst v0  }
0x19: {  	[tilespmem:$0x1E0] =	vst v0  }
0x1a: {  	[tilespmem:$0x1F0] =	vst v0  }
0x1b: {  	[tilespmem:s12], [sflag:$0x3] =	stream.linear.gather [hbm4b:s2+s4], $0xC80, $0x38;
	[tilespmem:$0x1B00] =	vst v63  }
0x1c: {  	_ =	swait.ge [sflag:s13], $0xC80  }
0x1d: {  	[sflag:s13] =	ssyncset.done $0x0  }
0x1e: {  	[sflag:s13] =	ssyncadd.s32 $0xFFFFF380  }
0x1f: {  	[spmem:s5] =	stream.linear.scatter [tilespmem:s12], [sflag:$0x3], $0xC80, $0x38;
	[tilespmem:$0x1B00] =	vst v63  }
0x20: {  	_ =	swait.ge [sflag:s13], $0xC80  }
0x21: {  	[sflag:s13] =	ssyncset.done $0x0  }
0x22: {  	[sflag:s13] =	ssyncadd.s32 $0xFFFFF380  }
0x23: {  	[bflag:$0x0] =	sbarrier.arrive $0xFFFF  }
0x24: {  	[tilespmem:s4], [sflag:$0x1] =	stream.linear.gather [hbm4b:s7+s4], $0x80, $0x38;
	[tilespmem:$0x1B00] =	vst v63  }
0x25: {  	_ = 	snop  }
0x26: {  	[tilespmem:s14], [sflag:$0x1] =	stream.linear.gather [hbm4b:s8+s4], $0x80, $0x38;
	[tilespmem:$0x1B00] =	vst v63  }
0x27: {  	_ =	swait.ge [sflag:s15], $0x80  }
0x28: {  	s21 =	smulhi.u32 $0xAAAAAAAB, s17;
	p0 =	por $0x1, $0x1;
	[sflag:s15] =	ssyncset.done $0x0  }
0x29: {  	s22 =	smulhi.u32 $0xAAAAAAAB, s4;
	s23 =	simm.s32 @!p0 $0x2;
	[sflag:s15] =	ssyncadd.s32 $0xFFFFFF80  }
0x2a: {  	s19 =	simm.s32 $0x100;
	s21 =	sshrl.u32 s21, $0x1;
	_ =	swait.ge @!p0 [sflag:s23], $0x80  }
0x2b: {  	s22 =	sshrl.u32 s22, $0x1;
	s21 =	smul.u32 $0xFFFFFA00, s21;
	[sflag:s23] =	ssyncset.done @!p0 $0x0  }
0x2c: {  	s24 =	smul.u32 $0xFFFFFA00, s22;
	[sflag:s23] =	ssyncadd.s32 @!p0 $0xFFFFFF80;
	p0 =	sne.s32 s6, $0x1  }
.Ltmp0:
0x2d: {  	s20 =	simm.s32 $0x1;
	p1 =	sle.u32 s6, $0x2;
	(pc) =	sbr.rel @!p0 .LBB2_3-.Ltmp0, $4  }
0x2e: {  	s22 =	simm.s32 @!p1 $0x0;
	s21 =	sshra.s32 s21, $0x2;
	s25 =	sshra.s32 s24, $0x2  }
0x2f: {  	s24 =	simm.s32 $0x0;
	s21 =	sadd.s32 $0x100, s21;
	s23 =	sadd.s32 @!p1 $0x0, s11  }
0x30: {  	[tilespmem:s21], [sflag:$0x1] =	stream.linear.gather @!p1 [hbm4b:s23+s22], $0x80, $0x38;
	[tilespmem:$0x1B00] =	vst v63  }
0x31: {  	s21 =	simm.s32 $0x80;
	s22 =	simm.s32 $0x3;
	s23 =	simm.s32 $0x10  }
.LBB2_2:
0x32: {  	s25 =	sadd.s32 s25, s24;
	s19 =	sadd.s32 $0x80, s19;
	s26 =	smov.u32 s20  }
0x33: {  	s20 =	sadd.s32 $0x1, s20;
	s24 =	smov.u32 s21;
	s28 =	smov.u32 s23  }
0x34: {  	[spmem:s3] =	stream.indirect.scatter.add.f32 [tilespmem:s16], [sflag:$0x2], $0x1, s25, s14, $0xb8;
	[tilespmem:$0x1B00] =	vst v63  }
0x35: {  	s21 =	sadd.s32 $0x80, s21;
	p0 =	sne.s32 s20, s6  }
0x36: {  	s23 =	sadd.s32 $0x10, s23;
	s25 =	smulhi.u32 $0xAAAAAAAB, s22;
	s22 =	sadd.s32 $0x1, s22  }
0x37: {  	p1 =	seq.s32 s28, $0x0;
	s29 =	sadd.s32 $0x2, s26;
	_ =	swait.ge [sflag:s15], $0x80  }
0x38: {  	s26 =	smulhi.u32 $0xAAAAAAAB, s26;
	s30 =	simm.s32 @!p1 $0x2;
	s25 =	sshrl.u32 s25, $0x1  }
0x39: {  	p2 =	sge.u32 s29, s6;
	s25 =	smul.u32 $0xFFFFFA00, s25;
	[sflag:s15] =	ssyncset.done $0x0  }
.Ltmp1:
0x3a: {  	s26 =	sshrl.u32 s26, $0x1;
	[sflag:s15] =	ssyncadd.s32 $0xFFFFFF80;
	(pc) =	sbr.rel @p0 .LBB2_2-.Ltmp1, $4  }
0x3b: {  	s26 =	smul.u32 $0xFFFFFA00, s26;
	s25 =	sshra.s32 s25, $0x2;
	_ =	swait.ge @!p1 [sflag:s30], $0x80  }
0x3c: {  	s31 =	simm.s32 @!p2 $0x0;
	s29 =	sadd.s32 s25, s19;
	[sflag:s30] =	ssyncset.done @!p1 $0x0  }
0x3d: {  	s25 =	sshra.s32 s26, $0x2;
	s26 =	sadd.s32 @!p2 s28, s11;
	[sflag:s30] =	ssyncadd.s32 @!p1 $0xFFFFFF80  }
0x3e: {  	[tilespmem:s29], [sflag:$0x1] =	stream.linear.gather @!p2 [hbm4b:s26+s31], $0x80, $0x38;
	[tilespmem:$0x1B00] =	vst v63  }
.LBB2_3:
0x3f: {  	s19 =	sadd.s32 s25, s24  }
0x40: {  	[spmem:s3] =	stream.indirect.scatter.add.f32 [tilespmem:s16], [sflag:$0x2], $0x1, s19, s14, $0xb8;
	[tilespmem:$0x1B00] =	vst v63  }
0x41: {  	_ =	swait.ge [sflag:s17], $0x80  }
0x42: {  	[sflag:s17] =	ssyncset.done $0x0  }
0x43: {  	[sflag:s17] =	ssyncadd.s32 $0xFFFFFF80  }
0x44: {  	[bflag:$0x0] =	sbarrier.arrive $0xFFFF  }
0x45: {  	[tilespmem:s12], [sflag:$0x3] =	stream.linear.gather [spmem:s5], $0xC80, $0x38;
	[tilespmem:$0x1B00] =	vst v63  }
0x46: {  	s18 =	sadd.s32 $0x1, s18;
	_ =	swait.ge [sflag:s13], $0xC80  }
0x47: {  	p0 =	sne.s32 s18, s10;
	[sflag:s13] =	ssyncset.done $0x0  }
.Ltmp2:
0x48: {  	[sflag:s13] =	ssyncadd.s32 $0xFFFFF380;
	(pc) =	sbr.rel @p0 .LBB2_1-.Ltmp2, $4  }
0x49: {  	[hbm4b:s9+s4] =	stream.linear.scatter [tilespmem:s12], [sflag:$0x3], $0xC80, $0x38;
	[tilespmem:$0x1B00] =	vst v63  }
0x4a: {  	_ =	swait.ge [sflag:s13], $0xC80  }
0x4b: {  	[sflag:s13] =	ssyncset.done $0x0  }
0x4c: {  	[sflag:s13] =	ssyncadd.s32 $0xFFFFF380  }
0x4d: {  	_ =	sfence.sel $0x180000  }
0x4e: {  	[bflag:$0x0] =	sbarrier.arrive $0xFFFF  }
0x4f: {  	p0 =	sne.s32 s1, $0x0;
	_ =	strace $0x90000047  }
0x50: {  	s0 =	sadd.s32 @!p0 $0x100000, s0;
	[bflag:$0x2] =	sbarrier.arrive $0xFFFF  }
0x51: {  	[sflag:s0] =	ssyncadd.tile.s32 @!p0 $0x1;
	_ =	shalt  }
.Lfunc_end2:
_tile_overlayer_lowered:
.L_overlay_start_2:
0x52: {  	(tag) =	ssettag $0x2  }
0x53: {  	s0 =	rddreg [dreg:$0x0];
	s2 =	stileid.u32  }
0x54: {  	s1 =	rddreg [dreg:$0x1];
	p0 =	sne.s32 s2, $0x0  }
0x55: {  	s3 =	rddreg [dreg:$0x2];
	[bflag:$0x3] =	sbarrier.arrive $0xFFFF;
	s2 =	simm.s32 @!p0 $0x1C03  }
0x56: {  	[timem:s3], [sflag:s2] =	dma.local @!p0 [hbm:s0], s1  }
0x57: {  	s0 =	simm.s32 @!p0 $0x3  }
0x58: {  	_ =	swait.ge @!p0 [sflag:s0], s1  }
0x59: {  	s1 =	ssub.s32 @!p0 $0x0, s1;
	[sflag:s0] =	ssyncset.done @!p0 $0x0  }
0x5a: {  	[sflag:s0] =	ssyncadd.s32 @!p0 s1  }
0x5b: {  	[bflag:$0x3] =	sbarrier.arrive $0xFFFF  }
0x5c: {  	_ =	shalt  }

</sc_bundles>
